<compile_context>
chip_gen: v7x
topology: tpu7x:2x2x1
jax: 0.10.2.dev20260603
libtpu: 0.0.44.dev20260713+nightly
codegen_flags: <defaults>
</compile_context>

<pallas_src>
import jax
import jax.numpy as jnp
from jax import lax
from jax.experimental import pallas as pl
from jax.experimental.pallas import tpu as pltpu
from jax.experimental.pallas import tpu_sc as plsc

N_PAD = 10016
D_IN = 128
HC = 128
HHC = HC // 2
H = 4
K = 48
NCHUNK = 432
NT = 16
ROWS_PT = N_PAD // NT
EP = NT * NCHUNK * K


def _proj_body(x_ref, w_ref, wa_ref, hl_ref, hr_ref, a_ref):
    xv = x_ref[...]
    xe = jnp.where(xv > 0, xv, jnp.exp(xv) - 1.0)
    xe = jnp.concatenate(
        [xe, jnp.zeros((N_PAD - xe.shape[0], D_IN), jnp.float32)], axis=0)
    w = w_ref[...]
    hl_ref[...] = jnp.dot(xe, w[:, :HHC], preferred_element_type=jnp.float32)
    hr_ref[...] = jnp.dot(xe, w[:, HHC:], preferred_element_type=jnp.float32)
    a_ref[...] = jax.lax.dot_general(
        wa_ref[...], xe, (((0,), (1,)), ((), ())),
        preferred_element_type=jnp.float32)


def _project(x, W, Wa):
    n = x.shape[0]
    blk = N_PAD
    return pl.pallas_call(
        _proj_body,
        grid=(1,),
        in_specs=[
            pl.BlockSpec((n, D_IN), lambda i: (0, 0)),
            pl.BlockSpec((D_IN, HC), lambda i: (0, 0)),
            pl.BlockSpec((D_IN, 8), lambda i: (0, 0)),
        ],
        out_specs=[
            pl.BlockSpec((blk, HHC), lambda i: (i, 0)),
            pl.BlockSpec((blk, HHC), lambda i: (i, 0)),
            pl.BlockSpec((8, blk), lambda i: (0, i)),
        ],
        out_shape=[
            jax.ShapeDtypeStruct((N_PAD, HHC), jnp.float32),
            jax.ShapeDtypeStruct((N_PAD, HHC), jnp.float32),
            jax.ShapeDtypeStruct((8, N_PAD), jnp.float32),
        ],
    )(x, W, Wa)


def _agg_body(hl_hbm, hr_hbm, a_hbm, src_hbm, dst_hbm, num_hbm, den_hbm,
              a_vmem, src_vmem, dst_vmem, rows_buf, w_pl, w_rows, acc, den_acc, sem):
    cid = lax.axis_index("c")
    sid = lax.axis_index("s")
    zeros16 = jnp.zeros((16,), jnp.float32)
    iota16 = lax.iota(jnp.int32, 16)

    pltpu.sync_copy(a_hbm.at[cid], a_vmem)
    pltpu.sync_copy(src_hbm.at[sid], src_vmem)
    pltpu.sync_copy(dst_hbm.at[sid], dst_vmem)

    def _zero_row(r, _):
        for q in range(HHC // 16):
            rows_buf[r, pl.ds(q * 16, 16)] = zeros16
        return 0
    lax.fori_loop(0, K, _zero_row, 0)
    for g in range(K // 16):
        for cc in range(8):
            plsc.store_scatter(w_rows,
                               [g * 16 + iota16, jnp.full((16,), cc, jnp.int32)],
                               zeros16)
    for j in range(ROWS_PT // K):
        pltpu.sync_copy(rows_buf, acc.at[pl.ds(sid * ROWS_PT + j * K, K)])
        pltpu.sync_copy(w_rows, den_acc.at[pl.ds(sid * ROWS_PT + j * K, K)])
    _rem = ROWS_PT % K
    if _rem:
        pltpu.sync_copy(rows_buf.at[pl.ds(0, _rem)],
                        acc.at[pl.ds(sid * ROWS_PT + (ROWS_PT // K) * K, _rem)])
        pltpu.sync_copy(w_rows.at[pl.ds(0, _rem)],
                        den_acc.at[pl.ds(sid * ROWS_PT + (ROWS_PT // K) * K, _rem)])
    plsc.subcore_barrier()

    def _chunk(c, _):
        @pl.when(cid == 0)
        def _():
            pltpu.async_copy(hl_hbm.at[src_vmem.at[c]], rows_buf, sem)

        @pl.when(cid == 1)
        def _():
            pltpu.async_copy(hr_hbm.at[src_vmem.at[c]], rows_buf, sem)
        for g in range(K // 16):
            sv = src_vmem[c, pl.ds(g * 16, 16)]
            dv = dst_vmem[c, pl.ds(g * 16, 16)]
            for hh in range(2):
                asv = plsc.load_gather(a_vmem, [sv + hh * N_PAD])
                adv = plsc.load_gather(a_vmem, [dv + (2 + hh) * N_PAD])
                al = asv + adv
                al = jnp.maximum(al, al * 0.2)
                w = jnp.exp(al)
                w_pl[hh, pl.ds(g * 16, 16)] = w
                plsc.store_scatter(
                    w_rows,
                    [g * 16 + iota16, jnp.full((16,), hh, jnp.int32)],
                    w)
        pltpu.make_async_copy(hl_hbm.at[src_vmem.at[c]], rows_buf, sem).wait()
        for g in range(K // 16):
            w0 = w_pl[0, pl.ds(g * 16, 16)]
            w1 = w_pl[1, pl.ds(g * 16, 16)]
            for j in range(16):
                e = g * 16 + j
                for q in range(4):
                    ws = w0[j] if q < 2 else w1[j]
                    rows_buf[e, pl.ds(q * 16, 16)] = rows_buf[e, pl.ds(q * 16, 16)] * ws
        pltpu.sync_copy(rows_buf, acc.at[dst_vmem.at[c]], add=True)
        pltpu.sync_copy(w_rows, den_acc.at[dst_vmem.at[c]], add=True)
        return 0
    lax.fori_loop(0, NCHUNK, _chunk, 0)
    plsc.subcore_barrier()

    base = sid * ROWS_PT
    pltpu.sync_copy(acc.at[pl.ds(base, ROWS_PT)], num_hbm.at[cid, pl.ds(base, ROWS_PT)])
    pltpu.sync_copy(den_acc.at[pl.ds(base, ROWS_PT)], den_hbm.at[cid, pl.ds(base, ROWS_PT)])


def _aggregate(hl, hr, a_planes, src_p, dst_p):
    mesh = plsc.VectorSubcoreMesh(core_axis_name="c", subcore_axis_name="s",
                                  num_cores=2, num_subcores=NT)
    return pl.kernel(
        _agg_body,
        out_type=[
            jax.ShapeDtypeStruct((2, N_PAD, HHC), jnp.float32),
            jax.ShapeDtypeStruct((2, N_PAD, 8), jnp.float32),
        ],
        mesh=mesh,
        compiler_params=pltpu.CompilerParams(needs_layout_passes=False, use_tc_tiling_on_sc=False),
        scratch_types=[
            pltpu.VMEM((4 * N_PAD,), jnp.float32),
            pltpu.VMEM((NCHUNK, K), jnp.int32),
            pltpu.VMEM((NCHUNK, K), jnp.int32),
            pltpu.VMEM((K, HHC), jnp.float32),
            pltpu.VMEM((2, K), jnp.float32),
            pltpu.VMEM((K, 8), jnp.float32),
            pltpu.VMEM_SHARED((N_PAD, HHC), jnp.float32),
            pltpu.VMEM_SHARED((N_PAD, 8), jnp.float32),
            pltpu.SemaphoreType.DMA,
        ],
    )(hl, hr, a_planes, src_p, dst_p)


def _fin_body(n_ref, d_ref, rep_ref, b_ref, o_ref):
    nr = o_ref.shape[0]
    num = jnp.concatenate([n_ref[0, :nr], n_ref[1, :nr]], axis=1)
    den = jnp.concatenate([d_ref[0, :nr], d_ref[1, :nr]], axis=1)
    denf = jnp.dot(den, rep_ref[...], preferred_element_type=jnp.float32)
    o_ref[...] = num / denf + b_ref[...]


def _finalize(num, den, Rep, bias2d, n):
    return pl.pallas_call(
        _fin_body,
        grid=(1,),
        in_specs=[
            pl.BlockSpec((2, N_PAD, HHC), lambda i: (0, 0, 0)),
            pl.BlockSpec((2, N_PAD, 8), lambda i: (0, 0, 0)),
            pl.BlockSpec((16, HC), lambda i: (0, 0)),
            pl.BlockSpec((1, HC), lambda i: (0, 0)),
        ],
        out_specs=pl.BlockSpec((n, HC), lambda i: (0, 0)),
        out_shape=jax.ShapeDtypeStruct((n, HC), jnp.float32),
    )(num, den, Rep, bias2d)


@jax.jit
def kernel(x, edge_index, W, att_src, att_dst, bias):
    n = x.shape[0]
    W3 = W.reshape(D_IN, H, HC // H)
    Ws = jnp.einsum("dhc,hc->dh", W3, att_src)
    Wd = jnp.einsum("dhc,hc->dh", W3, att_dst)
    Wa = jnp.stack([Ws[:, 0], Ws[:, 1], Wd[:, 0], Wd[:, 1],
                    Ws[:, 2], Ws[:, 3], Wd[:, 2], Wd[:, 3]], axis=1)

    hl, hr, a = _project(x, W, Wa)
    a_planes = a.reshape(2, 4 * N_PAD)

    loops = jnp.arange(n, dtype=jnp.int32)
    src = jnp.concatenate([edge_index[0].astype(jnp.int32), loops])
    dst = jnp.concatenate([edge_index[1].astype(jnp.int32), loops])
    e_tot = src.shape[0]
    fill = jnp.full((EP - e_tot,), N_PAD - 1, jnp.int32)
    src_p = jnp.concatenate([src, fill]).reshape(NT, NCHUNK, K)
    dst_p = jnp.concatenate([dst, fill]).reshape(NT, NCHUNK, K)

    num, den = _aggregate(hl, hr, a_planes, src_p, dst_p)

    rep = jnp.zeros((16, HC), jnp.float32)
    for c in range(2):
        for hh in range(2):
            head = 2 * c + hh
            rep = rep.at[8 * c + hh, 32 * head:32 * (head + 1)].set(1.0)
    return _finalize(num, den, rep, bias.reshape(1, HC), n)

# --- scband reference (transcript-rebuilt; emitter-appended) ---
"""Pipeline reference for scband-intra-graph-attention-57123065037188 (READ-ONLY COPY).

The authoritative reference and input builder live on the scoring server;
editing this copy changes nothing except your own understanding.
"""

import jax, jax.numpy as jnp
import numpy as np

N = 10000
E = 320000
D_IN = 128
HEADS = 4
C = 32  # out_dim // heads


def setup_inputs(seed: int = 0) -> dict:
    key = jax.random.key(seed)
    k1, k2, k3, k4, k5 = jax.random.split(key, 5)
    x = jax.random.normal(k1, (N, D_IN), dtype=jnp.float32)
    edge_index = jax.random.randint(k2, (2, E), 0, N)
    W = jax.random.normal(k3, (D_IN, HEADS * C), dtype=jnp.float32) * (1.0 / np.sqrt(D_IN))
    att_src = jax.random.normal(k4, (HEADS, C), dtype=jnp.float32) * 0.1
    att_dst = jax.random.normal(k5, (HEADS, C), dtype=jnp.float32) * 0.1
    bias = jnp.zeros((HEADS * C,), dtype=jnp.float32)
    return {"x": x, "edge_index": edge_index, "W": W, "att_src": att_src, "att_dst": att_dst, "bias": bias}


def reference(x, edge_index, W, att_src, att_dst, bias):
    n = x.shape[0]
    # IntraGraphAttention: ELU applied to node features first
    x = jax.nn.elu(x)
    # GATConv linear projection -> [N, H, C]
    h = (x @ W).reshape(n, HEADS, C)
    # per-node attention logits
    a_src = jnp.sum(h * att_src[None, :, :], axis=-1)  # [N, H]
    a_dst = jnp.sum(h * att_dst[None, :, :], axis=-1)  # [N, H]
    # PyG GATConv default add_self_loops=True
    loops = jnp.arange(n, dtype=edge_index.dtype)
    src = jnp.concatenate([edge_index[0], loops])
    dst = jnp.concatenate([edge_index[1], loops])
    alpha = a_src[src] + a_dst[dst]  # [E+N, H]
    alpha = jax.nn.leaky_relu(alpha, negative_slope=0.2)
    # softmax over incoming edges of each destination node
    amax = jax.ops.segment_max(alpha, dst, num_segments=n)
    alpha = jnp.exp(alpha - amax[dst])
    denom = jax.ops.segment_sum(alpha, dst, num_segments=n)
    alpha = alpha / (denom[dst] + 1e-16)
    # weighted message aggregation (scatter-add over dst)
    msg = h[src] * alpha[:, :, None]  # [E+N, H, C]
    out = jax.ops.segment_sum(msg, dst, num_segments=n)  # [N, H, C]
    # concat heads + bias
    return out.reshape(n, HEADS * C) + bias

if __name__ == "__main__":
    import jax
    _d = setup_inputs()
    print(jax.jit(kernel)(*tuple(_d.values())))

</pallas_src>

<mosaic_0001>
#map = affine_map<(d0, d1) -> (0, 0)>
#map1 = affine_map<(d0, d1) -> (0, 0, 0)>
module attributes {stable_mosaic.version = 14 : i64} {
  func.func @_agg_body(%arg0: i32, %arg1: i32, %arg2: memref<10016x64xf32, #tpu.memory_space<hbm>>, %arg3: memref<10016x64xf32, #tpu.memory_space<hbm>>, %arg4: memref<2x40064xf32, #tpu.memory_space<hbm>>, %arg5: memref<16x432x48xi32, #tpu.memory_space<hbm>>, %arg6: memref<16x432x48xi32, #tpu.memory_space<hbm>>, %arg7: memref<2x10016x64xf32, #tpu.memory_space<hbm>>, %arg8: memref<2x10016x8xf32, #tpu.memory_space<hbm>>, %arg9: memref<40064xf32, #tpu.memory_space<vmem>>, %arg10: memref<432x48xi32, #tpu.memory_space<vmem>>, %arg11: memref<432x48xi32, #tpu.memory_space<vmem>>, %arg12: memref<48x64xf32, #tpu.memory_space<vmem>>, %arg13: memref<2x48xf32, #tpu.memory_space<vmem>>, %arg14: memref<48x8xf32, #tpu.memory_space<vmem>>, %arg15: memref<10016x64xf32, #tpu.memory_space<vmem_shared>>, %arg16: memref<10016x8xf32, #tpu.memory_space<vmem_shared>>, %arg17: memref<!tpu.dma_semaphore, #tpu.memory_space<semaphore_mem>>) attributes {dimension_semantics = [#tpu.dimension_semantics<core_parallel>, #tpu.dimension_semantics<subcore_parallel>], iteration_bounds = array<i64: 2, 16>, scalar_prefetch = 0 : i64, scratch_operands = 9 : i64, tpu.core_type = #tpu.core_type<sc_vector_subcore>, window_params = [{transform_indices = #map}, {transform_indices = #map}, {transform_indices = #map}, {transform_indices = #map1}, {transform_indices = #map1}, {transform_indices = #map1}, {transform_indices = #map1}]} {
    %broadcast_in_dim3A = arith.constant 0.000000e+00 : f32
    %broadcast_in_dim3A_0 = vector.broadcast %broadcast_in_dim3A : f32 to vector<16xf32>
    %iota3A = tpu.iota {dimensions = array<i32: 0>} : vector<16xi32>
    "tpu.region"() ({
      %run_scoped3A = tpu.sem_alloc : memref<!tpu.dma_semaphore, #tpu.memory_space<semaphore_mem>>
      %dma_start3A = arith.constant 0 : i32
      %dma_start3A_247 = tpu.memref_slice %arg4[%arg0, %dma_start3A] : memref<2x40064xf32, #tpu.memory_space<hbm>> -> memref<1x40064xf32, #tpu.memory_space<hbm>>
      %dma_start3A_248 = tpu.memref_squeeze %dma_start3A_247 : memref<1x40064xf32, #tpu.memory_space<hbm>> -> memref<40064xf32, #tpu.memory_space<hbm>>
      %dma_start3A_249 = arith.constant 0 : i32
      %dma_start3A_250 = tpu.memref_slice %arg4[%arg0, %dma_start3A_249] : memref<2x40064xf32, #tpu.memory_space<hbm>> -> memref<1x40064xf32, #tpu.memory_space<hbm>>
      %dma_start3A_251 = tpu.memref_squeeze %dma_start3A_250 : memref<1x40064xf32, #tpu.memory_space<hbm>> -> memref<40064xf32, #tpu.memory_space<hbm>>
      tpu.enqueue_dma source(%dma_start3A_251 : memref<40064xf32, #tpu.memory_space<hbm>>) target(%arg9 : memref<40064xf32, #tpu.memory_space<vmem>>) target_semaphore(%run_scoped3A : memref<!tpu.dma_semaphore, #tpu.memory_space<semaphore_mem>>)
      %dma_wait3A = arith.constant 0 : i32
      %dma_wait3A_252 = tpu.memref_slice %arg4[%arg0, %dma_wait3A] : memref<2x40064xf32, #tpu.memory_space<hbm>> -> memref<1x40064xf32, #tpu.memory_space<hbm>>
      %dma_wait3A_253 = tpu.memref_squeeze %dma_wait3A_252 : memref<1x40064xf32, #tpu.memory_space<hbm>> -> memref<40064xf32, #tpu.memory_space<hbm>>
      %dma_wait3A_254 = arith.constant 0 : i32
      %dma_wait3A_255 = tpu.memref_slice %arg4[%arg0, %dma_wait3A_254] : memref<2x40064xf32, #tpu.memory_space<hbm>> -> memref<1x40064xf32, #tpu.memory_space<hbm>>
      %dma_wait3A_256 = tpu.memref_squeeze %dma_wait3A_255 : memref<1x40064xf32, #tpu.memory_space<hbm>> -> memref<40064xf32, #tpu.memory_space<hbm>>
      tpu.wait_dma2 semaphore(%run_scoped3A : memref<!tpu.dma_semaphore, #tpu.memory_space<semaphore_mem>>) src(%dma_wait3A_256 : memref<40064xf32, #tpu.memory_space<hbm>>) dst(%arg9 : memref<40064xf32, #tpu.memory_space<vmem>>)
      tpu.yield
    }) : () -> ()
    "tpu.region"() ({
      %run_scoped3A = tpu.sem_alloc : memref<!tpu.dma_semaphore, #tpu.memory_space<semaphore_mem>>
      %dma_start3A = arith.constant 0 : i32
      %dma_start3A_247 = arith.constant 0 : i32
      %dma_start3A_248 = tpu.memref_slice %arg5[%arg1, %dma_start3A, %dma_start3A_247] : memref<16x432x48xi32, #tpu.memory_space<hbm>> -> memref<1x432x48xi32, #tpu.memory_space<hbm>>
      %dma_start3A_249 = tpu.memref_squeeze %dma_start3A_248 : memref<1x432x48xi32, #tpu.memory_space<hbm>> -> memref<432x48xi32, #tpu.memory_space<hbm>>
      %dma_start3A_250 = arith.constant 0 : i32
      %dma_start3A_251 = arith.constant 0 : i32
      %dma_start3A_252 = tpu.memref_slice %arg5[%arg1, %dma_start3A_250, %dma_start3A_251] : memref<16x432x48xi32, #tpu.memory_space<hbm>> -> memref<1x432x48xi32, #tpu.memory_space<hbm>>
      %dma_start3A_253 = tpu.memref_squeeze %dma_start3A_252 : memref<1x432x48xi32, #tpu.memory_space<hbm>> -> memref<432x48xi32, #tpu.memory_space<hbm>>
      tpu.enqueue_dma source(%dma_start3A_253 : memref<432x48xi32, #tpu.memory_space<hbm>>) target(%arg10 : memref<432x48xi32, #tpu.memory_space<vmem>>) target_semaphore(%run_scoped3A : memref<!tpu.dma_semaphore, #tpu.memory_space<semaphore_mem>>)
      %dma_wait3A = arith.constant 0 : i32
      %dma_wait3A_254 = arith.constant 0 : i32
      %dma_wait3A_255 = tpu.memref_slice %arg5[%arg1, %dma_wait3A, %dma_wait3A_254] : memref<16x432x48xi32, #tpu.memory_space<hbm>> -> memref<1x432x48xi32, #tpu.memory_space<hbm>>
      %dma_wait3A_256 = tpu.memref_squeeze %dma_wait3A_255 : memref<1x432x48xi32, #tpu.memory_space<hbm>> -> memref<432x48xi32, #tpu.memory_space<hbm>>
      %dma_wait3A_257 = arith.constant 0 : i32
      %dma_wait3A_258 = arith.constant 0 : i32
      %dma_wait3A_259 = tpu.memref_slice %arg5[%arg1, %dma_wait3A_257, %dma_wait3A_258] : memref<16x432x48xi32, #tpu.memory_space<hbm>> -> memref<1x432x48xi32, #tpu.memory_space<hbm>>
      %dma_wait3A_260 = tpu.memref_squeeze %dma_wait3A_259 : memref<1x432x48xi32, #tpu.memory_space<hbm>> -> memref<432x48xi32, #tpu.memory_space<hbm>>
      tpu.wait_dma2 semaphore(%run_scoped3A : memref<!tpu.dma_semaphore, #tpu.memory_space<semaphore_mem>>) src(%dma_wait3A_260 : memref<432x48xi32, #tpu.memory_space<hbm>>) dst(%arg10 : memref<432x48xi32, #tpu.memory_space<vmem>>)
      tpu.yield
    }) : () -> ()
    "tpu.region"() ({
      %run_scoped3A = tpu.sem_alloc : memref<!tpu.dma_semaphore, #tpu.memory_space<semaphore_mem>>
      %dma_start3A = arith.constant 0 : i32
      %dma_start3A_247 = arith.constant 0 : i32
      %dma_start3A_248 = tpu.memref_slice %arg6[%arg1, %dma_start3A, %dma_start3A_247] : memref<16x432x48xi32, #tpu.memory_space<hbm>> -> memref<1x432x48xi32, #tpu.memory_space<hbm>>
      %dma_start3A_249 = tpu.memref_squeeze %dma_start3A_248 : memref<1x432x48xi32, #tpu.memory_space<hbm>> -> memref<432x48xi32, #tpu.memory_space<hbm>>
      %dma_start3A_250 = arith.constant 0 : i32
      %dma_start3A_251 = arith.constant 0 : i32
      %dma_start3A_252 = tpu.memref_slice %arg6[%arg1, %dma_start3A_250, %dma_start3A_251] : memref<16x432x48xi32, #tpu.memory_space<hbm>> -> memref<1x432x48xi32, #tpu.memory_space<hbm>>
      %dma_start3A_253 = tpu.memref_squeeze %dma_start3A_252 : memref<1x432x48xi32, #tpu.memory_space<hbm>> -> memref<432x48xi32, #tpu.memory_space<hbm>>
      tpu.enqueue_dma source(%dma_start3A_253 : memref<432x48xi32, #tpu.memory_space<hbm>>) target(%arg11 : memref<432x48xi32, #tpu.memory_space<vmem>>) target_semaphore(%run_scoped3A : memref<!tpu.dma_semaphore, #tpu.memory_space<semaphore_mem>>)
      %dma_wait3A = arith.constant 0 : i32
      %dma_wait3A_254 = arith.constant 0 : i32
      %dma_wait3A_255 = tpu.memref_slice %arg6[%arg1, %dma_wait3A, %dma_wait3A_254] : memref<16x432x48xi32, #tpu.memory_space<hbm>> -> memref<1x432x48xi32, #tpu.memory_space<hbm>>
      %dma_wait3A_256 = tpu.memref_squeeze %dma_wait3A_255 : memref<1x432x48xi32, #tpu.memory_space<hbm>> -> memref<432x48xi32, #tpu.memory_space<hbm>>
      %dma_wait3A_257 = arith.constant 0 : i32
      %dma_wait3A_258 = arith.constant 0 : i32
      %dma_wait3A_259 = tpu.memref_slice %arg6[%arg1, %dma_wait3A_257, %dma_wait3A_258] : memref<16x432x48xi32, #tpu.memory_space<hbm>> -> memref<1x432x48xi32, #tpu.memory_space<hbm>>
      %dma_wait3A_260 = tpu.memref_squeeze %dma_wait3A_259 : memref<1x432x48xi32, #tpu.memory_space<hbm>> -> memref<432x48xi32, #tpu.memory_space<hbm>>
      tpu.wait_dma2 semaphore(%run_scoped3A : memref<!tpu.dma_semaphore, #tpu.memory_space<semaphore_mem>>) src(%dma_wait3A_260 : memref<432x48xi32, #tpu.memory_space<hbm>>) dst(%arg11 : memref<432x48xi32, #tpu.memory_space<vmem>>)
      tpu.yield
    }) : () -> ()
    %scan3A = arith.constant 0 : i32
    %scan3A_1 = arith.constant 0 : i32
    %scan3A_2 = arith.constant 48 : i32
    %scan3A_3 = arith.addi %scan3A_1, %scan3A_2 : i32
    %scan3A_4 = arith.constant 1 : i32
    %scan3A_5 = scf.for %scan3A_247 = %scan3A_1 to %scan3A_3 step %scan3A_4 iter_args(%scan3A_248 = %scan3A) -> (i32)  : i32 {
      %swap3A = arith.index_cast %scan3A_247 : i32 to index
      %swap3A_249 = arith.constant 0 : index
      %swap3A_250 = tpu.vector_load %arg12[%swap3A, %swap3A_249] {strides = array<i32>} : memref<48x64xf32, #tpu.memory_space<vmem>>, vector<16xf32>,
      tpu.vector_store %arg12[%swap3A, %swap3A_249], %broadcast_in_dim3A_0 {strides = array<i32>} : memref<48x64xf32, #tpu.memory_space<vmem>>, vector<16xf32>,
      %swap3A_251 = arith.index_cast %scan3A_247 : i32 to index
      %swap3A_252 = arith.constant 16 : index
      %swap3A_253 = tpu.vector_load %arg12[%swap3A_251, %swap3A_252] {strides = array<i32>} : memref<48x64xf32, #tpu.memory_space<vmem>>, vector<16xf32>,
      tpu.vector_store %arg12[%swap3A_251, %swap3A_252], %broadcast_in_dim3A_0 {strides = array<i32>} : memref<48x64xf32, #tpu.memory_space<vmem>>, vector<16xf32>,
      %swap3A_254 = arith.index_cast %scan3A_247 : i32 to index
      %swap3A_255 = arith.constant 32 : index
      %swap3A_256 = tpu.vector_load %arg12[%swap3A_254, %swap3A_255] {strides = array<i32>} : memref<48x64xf32, #tpu.memory_space<vmem>>, vector<16xf32>,
      tpu.vector_store %arg12[%swap3A_254, %swap3A_255], %broadcast_in_dim3A_0 {strides = array<i32>} : memref<48x64xf32, #tpu.memory_space<vmem>>, vector<16xf32>,
      %swap3A_257 = arith.index_cast %scan3A_247 : i32 to index
      %swap3A_258 = arith.constant 48 : index
      %swap3A_259 = tpu.vector_load %arg12[%swap3A_257, %swap3A_258] {strides = array<i32>} : memref<48x64xf32, #tpu.memory_space<vmem>>, vector<16xf32>,
      tpu.vector_store %arg12[%swap3A_257, %swap3A_258], %broadcast_in_dim3A_0 {strides = array<i32>} : memref<48x64xf32, #tpu.memory_space<vmem>>, vector<16xf32>,
      %scan3A_260 = arith.constant 0 : i32
      scf.yield %scan3A_260 : i32
    }
    %scan3A_6 = arith.constant 48 : i32
    %add3A = arith.constant 0 : i32
    %add3A_7 = vector.broadcast %add3A : i32 to vector<16xi32>
    %add3A_8 = arith.addi %add3A_7, %iota3A : vector<16xi32>
    %broadcast_in_dim3A_9 = arith.constant 0 : i32
    %broadcast_in_dim3A_10 = vector.broadcast %broadcast_in_dim3A_9 : i32 to vector<16xi32>
    tpu.vector_store_idx %arg14[%add3A_8, %broadcast_in_dim3A_10], %broadcast_in_dim3A_0 : memref<48x8xf32, #tpu.memory_space<vmem>>[vector<16xi32>, vector<16xi32>], vector<16xf32>,
    %add3A_11 = arith.constant 0 : i32
    %add3A_12 = vector.broadcast %add3A_11 : i32 to vector<16xi32>
    %add3A_13 = arith.addi %add3A_12, %iota3A : vector<16xi32>
    %broadcast_in_dim3A_14 = arith.constant 1 : i32
    %broadcast_in_dim3A_15 = vector.broadcast %broadcast_in_dim3A_14 : i32 to vector<16xi32>
    tpu.vector_store_idx %arg14[%add3A_13, %broadcast_in_dim3A_15], %broadcast_in_dim3A_0 : memref<48x8xf32, #tpu.memory_space<vmem>>[vector<16xi32>, vector<16xi32>], vector<16xf32>,
    %add3A_16 = arith.constant 0 : i32
    %add3A_17 = vector.broadcast %add3A_16 : i32 to vector<16xi32>
    %add3A_18 = arith.addi %add3A_17, %iota3A : vector<16xi32>
    %broadcast_in_dim3A_19 = arith.constant 2 : i32
    %broadcast_in_dim3A_20 = vector.broadcast %broadcast_in_dim3A_19 : i32 to vector<16xi32>
    tpu.vector_store_idx %arg14[%add3A_18, %broadcast_in_dim3A_20], %broadcast_in_dim3A_0 : memref<48x8xf32, #tpu.memory_space<vmem>>[vector<16xi32>, vector<16xi32>], vector<16xf32>,
    %add3A_21 = arith.constant 0 : i32
    %add3A_22 = vector.broadcast %add3A_21 : i32 to vector<16xi32>
    %add3A_23 = arith.addi %add3A_22, %iota3A : vector<16xi32>
    %broadcast_in_dim3A_24 = arith.constant 3 : i32
    %broadcast_in_dim3A_25 = vector.broadcast %broadcast_in_dim3A_24 : i32 to vector<16xi32>
    tpu.vector_store_idx %arg14[%add3A_23, %broadcast_in_dim3A_25], %broadcast_in_dim3A_0 : memref<48x8xf32, #tpu.memory_space<vmem>>[vector<16xi32>, vector<16xi32>], vector<16xf32>,
    %add3A_26 = arith.constant 0 : i32
    %add3A_27 = vector.broadcast %add3A_26 : i32 to vector<16xi32>
    %add3A_28 = arith.addi %add3A_27, %iota3A : vector<16xi32>
    %broadcast_in_dim3A_29 = arith.constant 4 : i32
    %broadcast_in_dim3A_30 = vector.broadcast %broadcast_in_dim3A_29 : i32 to vector<16xi32>
    tpu.vector_store_idx %arg14[%add3A_28, %broadcast_in_dim3A_30], %broadcast_in_dim3A_0 : memref<48x8xf32, #tpu.memory_space<vmem>>[vector<16xi32>, vector<16xi32>], vector<16xf32>,
    %add3A_31 = arith.constant 0 : i32
    %add3A_32 = vector.broadcast %add3A_31 : i32 to vector<16xi32>
    %add3A_33 = arith.addi %add3A_32, %iota3A : vector<16xi32>
    %broadcast_in_dim3A_34 = arith.constant 5 : i32
    %broadcast_in_dim3A_35 = vector.broadcast %broadcast_in_dim3A_34 : i32 to vector<16xi32>
    tpu.vector_store_idx %arg14[%add3A_33, %broadcast_in_dim3A_35], %broadcast_in_dim3A_0 : memref<48x8xf32, #tpu.memory_space<vmem>>[vector<16xi32>, vector<16xi32>], vector<16xf32>,
    %add3A_36 = arith.constant 0 : i32
    %add3A_37 = vector.broadcast %add3A_36 : i32 to vector<16xi32>
    %add3A_38 = arith.addi %add3A_37, %iota3A : vector<16xi32>
    %broadcast_in_dim3A_39 = arith.constant 6 : i32
    %broadcast_in_dim3A_40 = vector.broadcast %broadcast_in_dim3A_39 : i32 to vector<16xi32>
    tpu.vector_store_idx %arg14[%add3A_38, %broadcast_in_dim3A_40], %broadcast_in_dim3A_0 : memref<48x8xf32, #tpu.memory_space<vmem>>[vector<16xi32>, vector<16xi32>], vector<16xf32>,
    %add3A_41 = arith.constant 0 : i32
    %add3A_42 = vector.broadcast %add3A_41 : i32 to vector<16xi32>
    %add3A_43 = arith.addi %add3A_42, %iota3A : vector<16xi32>
    %broadcast_in_dim3A_44 = arith.constant 7 : i32
    %broadcast_in_dim3A_45 = vector.broadcast %broadcast_in_dim3A_44 : i32 to vector<16xi32>
    tpu.vector_store_idx %arg14[%add3A_43, %broadcast_in_dim3A_45], %broadcast_in_dim3A_0 : memref<48x8xf32, #tpu.memory_space<vmem>>[vector<16xi32>, vector<16xi32>], vector<16xf32>,
    %add3A_46 = arith.constant 16 : i32
    %add3A_47 = vector.broadcast %add3A_46 : i32 to vector<16xi32>
    %add3A_48 = arith.addi %add3A_47, %iota3A : vector<16xi32>
    %broadcast_in_dim3A_49 = arith.constant 0 : i32
    %broadcast_in_dim3A_50 = vector.broadcast %broadcast_in_dim3A_49 : i32 to vector<16xi32>
    tpu.vector_store_idx %arg14[%add3A_48, %broadcast_in_dim3A_50], %broadcast_in_dim3A_0 : memref<48x8xf32, #tpu.memory_space<vmem>>[vector<16xi32>, vector<16xi32>], vector<16xf32>,
    %add3A_51 = arith.constant 16 : i32
    %add3A_52 = vector.broadcast %add3A_51 : i32 to vector<16xi32>
    %add3A_53 = arith.addi %add3A_52, %iota3A : vector<16xi32>
    %broadcast_in_dim3A_54 = arith.constant 1 : i32
    %broadcast_in_dim3A_55 = vector.broadcast %broadcast_in_dim3A_54 : i32 to vector<16xi32>
    tpu.vector_store_idx %arg14[%add3A_53, %broadcast_in_dim3A_55], %broadcast_in_dim3A_0 : memref<48x8xf32, #tpu.memory_space<vmem>>[vector<16xi32>, vector<16xi32>], vector<16xf32>,
    %add3A_56 = arith.constant 16 : i32
    %add3A_57 = vector.broadcast %add3A_56 : i32 to vector<16xi32>
    %add3A_58 = arith.addi %add3A_57, %iota3A : vector<16xi32>
    %broadcast_in_dim3A_59 = arith.constant 2 : i32
    %broadcast_in_dim3A_60 = vector.broadcast %broadcast_in_dim3A_59 : i32 to vector<16xi32>
    tpu.vector_store_idx %arg14[%add3A_58, %broadcast_in_dim3A_60], %broadcast_in_dim3A_0 : memref<48x8xf32, #tpu.memory_space<vmem>>[vector<16xi32>, vector<16xi32>], vector<16xf32>,
    %add3A_61 = arith.constant 16 : i32
    %add3A_62 = vector.broadcast %add3A_61 : i32 to vector<16xi32>
    %add3A_63 = arith.addi %add3A_62, %iota3A : vector<16xi32>
    %broadcast_in_dim3A_64 = arith.constant 3 : i32
    %broadcast_in_dim3A_65 = vector.broadcast %broadcast_in_dim3A_64 : i32 to vector<16xi32>
    tpu.vector_store_idx %arg14[%add3A_63, %broadcast_in_dim3A_65], %broadcast_in_dim3A_0 : memref<48x8xf32, #tpu.memory_space<vmem>>[vector<16xi32>, vector<16xi32>], vector<16xf32>,
    %add3A_66 = arith.constant 16 : i32
    %add3A_67 = vector.broadcast %add3A_66 : i32 to vector<16xi32>
    %add3A_68 = arith.addi %add3A_67, %iota3A : vector<16xi32>
    %broadcast_in_dim3A_69 = arith.constant 4 : i32
    %broadcast_in_dim3A_70 = vector.broadcast %broadcast_in_dim3A_69 : i32 to vector<16xi32>
    tpu.vector_store_idx %arg14[%add3A_68, %broadcast_in_dim3A_70], %broadcast_in_dim3A_0 : memref<48x8xf32, #tpu.memory_space<vmem>>[vector<16xi32>, vector<16xi32>], vector<16xf32>,
    %add3A_71 = arith.constant 16 : i32
    %add3A_72 = vector.broadcast %add3A_71 : i32 to vector<16xi32>
    %add3A_73 = arith.addi %add3A_72, %iota3A : vector<16xi32>
    %broadcast_in_dim3A_74 = arith.constant 5 : i32
    %broadcast_in_dim3A_75 = vector.broadcast %broadcast_in_dim3A_74 : i32 to vector<16xi32>
    tpu.vector_store_idx %arg14[%add3A_73, %broadcast_in_dim3A_75], %broadcast_in_dim3A_0 : memref<48x8xf32, #tpu.memory_space<vmem>>[vector<16xi32>, vector<16xi32>], vector<16xf32>,
    %add3A_76 = arith.constant 16 : i32
    %add3A_77 = vector.broadcast %add3A_76 : i32 to vector<16xi32>
    %add3A_78 = arith.addi %add3A_77, %iota3A : vector<16xi32>
    %broadcast_in_dim3A_79 = arith.constant 6 : i32
    %broadcast_in_dim3A_80 = vector.broadcast %broadcast_in_dim3A_79 : i32 to vector<16xi32>
    tpu.vector_store_idx %arg14[%add3A_78, %broadcast_in_dim3A_80], %broadcast_in_dim3A_0 : memref<48x8xf32, #tpu.memory_space<vmem>>[vector<16xi32>, vector<16xi32>], vector<16xf32>,
    %add3A_81 = arith.constant 16 : i32
    %add3A_82 = vector.broadcast %add3A_81 : i32 to vector<16xi32>
    %add3A_83 = arith.addi %add3A_82, %iota3A : vector<16xi32>
    %broadcast_in_dim3A_84 = arith.constant 7 : i32
    %broadcast_in_dim3A_85 = vector.broadcast %broadcast_in_dim3A_84 : i32 to vector<16xi32>
    tpu.vector_store_idx %arg14[%add3A_83, %broadcast_in_dim3A_85], %broadcast_in_dim3A_0 : memref<48x8xf32, #tpu.memory_space<vmem>>[vector<16xi32>, vector<16xi32>], vector<16xf32>,
    %add3A_86 = arith.constant 32 : i32
    %add3A_87 = vector.broadcast %add3A_86 : i32 to vector<16xi32>
    %add3A_88 = arith.addi %add3A_87, %iota3A : vector<16xi32>
    %broadcast_in_dim3A_89 = arith.constant 0 : i32
    %broadcast_in_dim3A_90 = vector.broadcast %broadcast_in_dim3A_89 : i32 to vector<16xi32>
    tpu.vector_store_idx %arg14[%add3A_88, %broadcast_in_dim3A_90], %broadcast_in_dim3A_0 : memref<48x8xf32, #tpu.memory_space<vmem>>[vector<16xi32>, vector<16xi32>], vector<16xf32>,
    %add3A_91 = arith.constant 32 : i32
    %add3A_92 = vector.broadcast %add3A_91 : i32 to vector<16xi32>
    %add3A_93 = arith.addi %add3A_92, %iota3A : vector<16xi32>
    %broadcast_in_dim3A_94 = arith.constant 1 : i32
    %broadcast_in_dim3A_95 = vector.broadcast %broadcast_in_dim3A_94 : i32 to vector<16xi32>
    tpu.vector_store_idx %arg14[%add3A_93, %broadcast_in_dim3A_95], %broadcast_in_dim3A_0 : memref<48x8xf32, #tpu.memory_space<vmem>>[vector<16xi32>, vector<16xi32>], vector<16xf32>,
    %add3A_96 = arith.constant 32 : i32
    %add3A_97 = vector.broadcast %add3A_96 : i32 to vector<16xi32>
    %add3A_98 = arith.addi %add3A_97, %iota3A : vector<16xi32>
    %broadcast_in_dim3A_99 = arith.constant 2 : i32
    %broadcast_in_dim3A_100 = vector.broadcast %broadcast_in_dim3A_99 : i32 to vector<16xi32>
    tpu.vector_store_idx %arg14[%add3A_98, %broadcast_in_dim3A_100], %broadcast_in_dim3A_0 : memref<48x8xf32, #tpu.memory_space<vmem>>[vector<16xi32>, vector<16xi32>], vector<16xf32>,
    %add3A_101 = arith.constant 32 : i32
    %add3A_102 = vector.broadcast %add3A_101 : i32 to vector<16xi32>
    %add3A_103 = arith.addi %add3A_102, %iota3A : vector<16xi32>
    %broadcast_in_dim3A_104 = arith.constant 3 : i32
    %broadcast_in_dim3A_105 = vector.broadcast %broadcast_in_dim3A_104 : i32 to vector<16xi32>
    tpu.vector_store_idx %arg14[%add3A_103, %broadcast_in_dim3A_105], %broadcast_in_dim3A_0 : memref<48x8xf32, #tpu.memory_space<vmem>>[vector<16xi32>, vector<16xi32>], vector<16xf32>,
    %add3A_106 = arith.constant 32 : i32
    %add3A_107 = vector.broadcast %add3A_106 : i32 to vector<16xi32>
    %add3A_108 = arith.addi %add3A_107, %iota3A : vector<16xi32>
    %broadcast_in_dim3A_109 = arith.constant 4 : i32
    %broadcast_in_dim3A_110 = vector.broadcast %broadcast_in_dim3A_109 : i32 to vector<16xi32>
    tpu.vector_store_idx %arg14[%add3A_108, %broadcast_in_dim3A_110], %broadcast_in_dim3A_0 : memref<48x8xf32, #tpu.memory_space<vmem>>[vector<16xi32>, vector<16xi32>], vector<16xf32>,
    %add3A_111 = arith.constant 32 : i32
    %add3A_112 = vector.broadcast %add3A_111 : i32 to vector<16xi32>
    %add3A_113 = arith.addi %add3A_112, %iota3A : vector<16xi32>
    %broadcast_in_dim3A_114 = arith.constant 5 : i32
    %broadcast_in_dim3A_115 = vector.broadcast %broadcast_in_dim3A_114 : i32 to vector<16xi32>
    tpu.vector_store_idx %arg14[%add3A_113, %broadcast_in_dim3A_115], %broadcast_in_dim3A_0 : memref<48x8xf32, #tpu.memory_space<vmem>>[vector<16xi32>, vector<16xi32>], vector<16xf32>,
    %add3A_116 = arith.constant 32 : i32
    %add3A_117 = vector.broadcast %add3A_116 : i32 to vector<16xi32>
    %add3A_118 = arith.addi %add3A_117, %iota3A : vector<16xi32>
    %broadcast_in_dim3A_119 = arith.constant 6 : i32
    %broadcast_in_dim3A_120 = vector.broadcast %broadcast_in_dim3A_119 : i32 to vector<16xi32>
    tpu.vector_store_idx %arg14[%add3A_118, %broadcast_in_dim3A_120], %broadcast_in_dim3A_0 : memref<48x8xf32, #tpu.memory_space<vmem>>[vector<16xi32>, vector<16xi32>], vector<16xf32>,
    %add3A_121 = arith.constant 32 : i32
    %add3A_122 = vector.broadcast %add3A_121 : i32 to vector<16xi32>
    %add3A_123 = arith.addi %add3A_122, %iota3A : vector<16xi32>
    %broadcast_in_dim3A_124 = arith.constant 7 : i32
    %broadcast_in_dim3A_125 = vector.broadcast %broadcast_in_dim3A_124 : i32 to vector<16xi32>
    tpu.vector_store_idx %arg14[%add3A_123, %broadcast_in_dim3A_125], %broadcast_in_dim3A_0 : memref<48x8xf32, #tpu.memory_space<vmem>>[vector<16xi32>, vector<16xi32>], vector<16xf32>,
    %mul3A = arith.constant 626 : i32
    %mul3A_126 = arith.muli %arg1, %mul3A : i32
    %add3A_127 = arith.constant 0 : i32
    %add3A_128 = arith.addi %mul3A_126, %add3A_127 : i32
    "tpu.region"() ({
      %run_scoped3A = tpu.sem_alloc : memref<!tpu.dma_semaphore, #tpu.memory_space<semaphore_mem>>
      %dma_start3A = arith.constant 0 : i32
      %dma_start3A_247 = tpu.memref_slice %arg15[%add3A_128, %dma_start3A] : memref<10016x64xf32, #tpu.memory_space<vmem_shared>> -> memref<48x64xf32, #tpu.memory_space<vmem_shared>>
      %dma_start3A_248 = arith.constant 0 : i32
      %dma_start3A_249 = tpu.memref_slice %arg15[%add3A_128, %dma_start3A_248] : memref<10016x64xf32, #tpu.memory_space<vmem_shared>> -> memref<48x64xf32, #tpu.memory_space<vmem_shared>>
      tpu.enqueue_dma source(%arg12 : memref<48x64xf32, #tpu.memory_space<vmem>>) target(%dma_start3A_249 : memref<48x64xf32, #tpu.memory_space<vmem_shared>>) target_semaphore(%run_scoped3A : memref<!tpu.dma_semaphore, #tpu.memory_space<semaphore_mem>>)
      %dma_wait3A = arith.constant 0 : i32
      %dma_wait3A_250 = tpu.memref_slice %arg15[%add3A_128, %dma_wait3A] : memref<10016x64xf32, #tpu.memory_space<vmem_shared>> -> memref<48x64xf32, #tpu.memory_space<vmem_shared>>
      %dma_wait3A_251 = arith.constant 0 : i32
      %dma_wait3A_252 = tpu.memref_slice %arg15[%add3A_128, %dma_wait3A_251] : memref<10016x64xf32, #tpu.memory_space<vmem_shared>> -> memref<48x64xf32, #tpu.memory_space<vmem_shared>>
      tpu.wait_dma2 semaphore(%run_scoped3A : memref<!tpu.dma_semaphore, #tpu.memory_space<semaphore_mem>>) src(%arg12 : memref<48x64xf32, #tpu.memory_space<vmem>>) dst(%dma_wait3A_252 : memref<48x64xf32, #tpu.memory_space<vmem_shared>>)
      tpu.yield
    }) : () -> ()
    %mul3A_129 = arith.constant 626 : i32
    %mul3A_130 = arith.muli %arg1, %mul3A_129 : i32
    %add3A_131 = arith.constant 0 : i32
    %add3A_132 = arith.addi %mul3A_130, %add3A_131 : i32
    "tpu.region"() ({
      %run_scoped3A = tpu.sem_alloc : memref<!tpu.dma_semaphore, #tpu.memory_space<semaphore_mem>>
      %dma_start3A = arith.constant 0 : i32
      %dma_start3A_247 = tpu.memref_slice %arg16[%add3A_132, %dma_start3A] : memref<10016x8xf32, #tpu.memory_space<vmem_shared>> -> memref<48x8xf32, #tpu.memory_space<vmem_shared>>
      %dma_start3A_248 = arith.constant 0 : i32
      %dma_start3A_249 = tpu.memref_slice %arg16[%add3A_132, %dma_start3A_248] : memref<10016x8xf32, #tpu.memory_space<vmem_shared>> -> memref<48x8xf32, #tpu.memory_space<vmem_shared>>
      tpu.enqueue_dma source(%arg14 : memref<48x8xf32, #tpu.memory_space<vmem>>) target(%dma_start3A_249 : memref<48x8xf32, #tpu.memory_space<vmem_shared>>) target_semaphore(%run_scoped3A : memref<!tpu.dma_semaphore, #tpu.memory_space<semaphore_mem>>)
      %dma_wait3A = arith.constant 0 : i32
      %dma_wait3A_250 = tpu.memref_slice %arg16[%add3A_132, %dma_wait3A] : memref<10016x8xf32, #tpu.memory_space<vmem_shared>> -> memref<48x8xf32, #tpu.memory_space<vmem_shared>>
      %dma_wait3A_251 = arith.constant 0 : i32
      %dma_wait3A_252 = tpu.memref_slice %arg16[%add3A_132, %dma_wait3A_251] : memref<10016x8xf32, #tpu.memory_space<vmem_shared>> -> memref<48x8xf32, #tpu.memory_space<vmem_shared>>
      tpu.wait_dma2 semaphore(%run_scoped3A : memref<!tpu.dma_semaphore, #tpu.memory_space<semaphore_mem>>) src(%arg14 : memref<48x8xf32, #tpu.memory_space<vmem>>) dst(%dma_wait3A_252 : memref<48x8xf32, #tpu.memory_space<vmem_shared>>)
      tpu.yield
    }) : () -> ()
    %mul3A_133 = arith.constant 626 : i32
    %mul3A_134 = arith.muli %arg1, %mul3A_133 : i32
    %add3A_135 = arith.constant 48 : i32
    %add3A_136 = arith.addi %mul3A_134, %add3A_135 : i32
    "tpu.region"() ({
      %run_scoped3A = tpu.sem_alloc : memref<!tpu.dma_semaphore, #tpu.memory_space<semaphore_mem>>
      %dma_start3A = arith.constant 0 : i32
      %dma_start3A_247 = tpu.memref_slice %arg15[%add3A_136, %dma_start3A] : memref<10016x64xf32, #tpu.memory_space<vmem_shared>> -> memref<48x64xf32, #tpu.memory_space<vmem_shared>>
      %dma_start3A_248 = arith.constant 0 : i32
      %dma_start3A_249 = tpu.memref_slice %arg15[%add3A_136, %dma_start3A_248] : memref<10016x64xf32, #tpu.memory_space<vmem_shared>> -> memref<48x64xf32, #tpu.memory_space<vmem_shared>>
      tpu.enqueue_dma source(%arg12 : memref<48x64xf32, #tpu.memory_space<vmem>>) target(%dma_start3A_249 : memref<48x64xf32, #tpu.memory_space<vmem_shared>>) target_semaphore(%run_scoped3A : memref<!tpu.dma_semaphore, #tpu.memory_space<semaphore_mem>>)
      %dma_wait3A = arith.constant 0 : i32
      %dma_wait3A_250 = tpu.memref_slice %arg15[%add3A_136, %dma_wait3A] : memref<10016x64xf32, #tpu.memory_space<vmem_shared>> -> memref<48x64xf32, #tpu.memory_space<vmem_shared>>
      %dma_wait3A_251 = arith.constant 0 : i32
      %dma_wait3A_252 = tpu.memref_slice %arg15[%add3A_136, %dma_wait3A_251] : memref<10016x64xf32, #tpu.memory_space<vmem_shared>> -> memref<48x64xf32, #tpu.memory_space<vmem_shared>>
      tpu.wait_dma2 semaphore(%run_scoped3A : memref<!tpu.dma_semaphore, #tpu.memory_space<semaphore_mem>>) src(%arg12 : memref<48x64xf32, #tpu.memory_space<vmem>>) dst(%dma_wait3A_252 : memref<48x64xf32, #tpu.memory_space<vmem_shared>>)
      tpu.yield
    }) : () -> ()
    %mul3A_137 = arith.constant 626 : i32
    %mul3A_138 = arith.muli %arg1, %mul3A_137 : i32
    %add3A_139 = arith.constant 48 : i32
    %add3A_140 = arith.addi %mul3A_138, %add3A_139 : i32
    "tpu.region"() ({
      %run_scoped3A = tpu.sem_alloc : memref<!tpu.dma_semaphore, #tpu.memory_space<semaphore_mem>>
      %dma_start3A = arith.constant 0 : i32
      %dma_start3A_247 = tpu.memref_slice %arg16[%add3A_140, %dma_start3A] : memref<10016x8xf32, #tpu.memory_space<vmem_shared>> -> memref<48x8xf32, #tpu.memory_space<vmem_shared>>
      %dma_start3A_248 = arith.constant 0 : i32
      %dma_start3A_249 = tpu.memref_slice %arg16[%add3A_140, %dma_start3A_248] : memref<10016x8xf32, #tpu.memory_space<vmem_shared>> -> memref<48x8xf32, #tpu.memory_space<vmem_shared>>
      tpu.enqueue_dma source(%arg14 : memref<48x8xf32, #tpu.memory_space<vmem>>) target(%dma_start3A_249 : memref<48x8xf32, #tpu.memory_space<vmem_shared>>) target_semaphore(%run_scoped3A : memref<!tpu.dma_semaphore, #tpu.memory_space<semaphore_mem>>)
      %dma_wait3A = arith.constant 0 : i32
      %dma_wait3A_250 = tpu.memref_slice %arg16[%add3A_140, %dma_wait3A] : memref<10016x8xf32, #tpu.memory_space<vmem_shared>> -> memref<48x8xf32, #tpu.memory_space<vmem_shared>>
      %dma_wait3A_251 = arith.constant 0 : i32
      %dma_wait3A_252 = tpu.memref_slice %arg16[%add3A_140, %dma_wait3A_251] : memref<10016x8xf32, #tpu.memory_space<vmem_shared>> -> memref<48x8xf32, #tpu.memory_space<vmem_shared>>
      tpu.wait_dma2 semaphore(%run_scoped3A : memref<!tpu.dma_semaphore, #tpu.memory_space<semaphore_mem>>) src(%arg14 : memref<48x8xf32, #tpu.memory_space<vmem>>) dst(%dma_wait3A_252 : memref<48x8xf32, #tpu.memory_space<vmem_shared>>)
      tpu.yield
    }) : () -> ()
    %mul3A_141 = arith.constant 626 : i32
    %mul3A_142 = arith.muli %arg1, %mul3A_141 : i32
    %add3A_143 = arith.constant 96 : i32
    %add3A_144 = arith.addi %mul3A_142, %add3A_143 : i32
    "tpu.region"() ({
      %run_scoped3A = tpu.sem_alloc : memref<!tpu.dma_semaphore, #tpu.memory_space<semaphore_mem>>
      %dma_start3A = arith.constant 0 : i32
      %dma_start3A_247 = tpu.memref_slice %arg15[%add3A_144, %dma_start3A] : memref<10016x64xf32, #tpu.memory_space<vmem_shared>> -> memref<48x64xf32, #tpu.memory_space<vmem_shared>>
      %dma_start3A_248 = arith.constant 0 : i32
      %dma_start3A_249 = tpu.memref_slice %arg15[%add3A_144, %dma_start3A_248] : memref<10016x64xf32, #tpu.memory_space<vmem_shared>> -> memref<48x64xf32, #tpu.memory_space<vmem_shared>>
      tpu.enqueue_dma source(%arg12 : memref<48x64xf32, #tpu.memory_space<vmem>>) target(%dma_start3A_249 : memref<48x64xf32, #tpu.memory_space<vmem_shared>>) target_semaphore(%run_scoped3A : memref<!tpu.dma_semaphore, #tpu.memory_space<semaphore_mem>>)
      %dma_wait3A = arith.constant 0 : i32
      %dma_wait3A_250 = tpu.memref_slice %arg15[%add3A_144, %dma_wait3A] : memref<10016x64xf32, #tpu.memory_space<vmem_shared>> -> memref<48x64xf32, #tpu.memory_space<vmem_shared>>
      %dma_wait3A_251 = arith.constant 0 : i32
      %dma_wait3A_252 = tpu.memref_slice %arg15[%add3A_144, %dma_wait3A_251] : memref<10016x64xf32, #tpu.memory_space<vmem_shared>> -> memref<48x64xf32, #tpu.memory_space<vmem_shared>>
      tpu.wait_dma2 semaphore(%run_scoped3A : memref<!tpu.dma_semaphore, #tpu.memory_space<semaphore_mem>>) src(%arg12 : memref<48x64xf32, #tpu.memory_space<vmem>>) dst(%dma_wait3A_252 : memref<48x64xf32, #tpu.memory_space<vmem_shared>>)
      tpu.yield
    }) : () -> ()
    %mul3A_145 = arith.constant 626 : i32
    %mul3A_146 = arith.muli %arg1, %mul3A_145 : i32
    %add3A_147 = arith.constant 96 : i32
    %add3A_148 = arith.addi %mul3A_146, %add3A_147 : i32
    "tpu.region"() ({
      %run_scoped3A = tpu.sem_alloc : memref<!tpu.dma_semaphore, #tpu.memory_space<semaphore_mem>>
      %dma_start3A = arith.constant 0 : i32
      %dma_start3A_247 = tpu.memref_slice %arg16[%add3A_148, %dma_start3A] : memref<10016x8xf32, #tpu.memory_space<vmem_shared>> -> memref<48x8xf32, #tpu.memory_space<vmem_shared>>
      %dma_start3A_248 = arith.constant 0 : i32
      %dma_start3A_249 = tpu.memref_slice %arg16[%add3A_148, %dma_start3A_248] : memref<10016x8xf32, #tpu.memory_space<vmem_shared>> -> memref<48x8xf32, #tpu.memory_space<vmem_shared>>
      tpu.enqueue_dma source(%arg14 : memref<48x8xf32, #tpu.memory_space<vmem>>) target(%dma_start3A_249 : memref<48x8xf32, #tpu.memory_space<vmem_shared>>) target_semaphore(%run_scoped3A : memref<!tpu.dma_semaphore, #tpu.memory_space<semaphore_mem>>)
      %dma_wait3A = arith.constant 0 : i32
      %dma_wait3A_250 = tpu.memref_slice %arg16[%add3A_148, %dma_wait3A] : memref<10016x8xf32, #tpu.memory_space<vmem_shared>> -> memref<48x8xf32, #tpu.memory_space<vmem_shared>>
      %dma_wait3A_251 = arith.constant 0 : i32
      %dma_wait3A_252 = tpu.memref_slice %arg16[%add3A_148, %dma_wait3A_251] : memref<10016x8xf32, #tpu.memory_space<vmem_shared>> -> memref<48x8xf32, #tpu.memory_space<vmem_shared>>
      tpu.wait_dma2 semaphore(%run_scoped3A : memref<!tpu.dma_semaphore, #tpu.memory_space<semaphore_mem>>) src(%arg14 : memref<48x8xf32, #tpu.memory_space<vmem>>) dst(%dma_wait3A_252 : memref<48x8xf32, #tpu.memory_space<vmem_shared>>)
      tpu.yield
    }) : () -> ()
    %mul3A_149 = arith.constant 626 : i32
    %mul3A_150 = arith.muli %arg1, %mul3A_149 : i32
    %add3A_151 = arith.constant 144 : i32
    %add3A_152 = arith.addi %mul3A_150, %add3A_151 : i32
    "tpu.region"() ({
      %run_scoped3A = tpu.sem_alloc : memref<!tpu.dma_semaphore, #tpu.memory_space<semaphore_mem>>
      %dma_start3A = arith.constant 0 : i32
      %dma_start3A_247 = tpu.memref_slice %arg15[%add3A_152, %dma_start3A] : memref<10016x64xf32, #tpu.memory_space<vmem_shared>> -> memref<48x64xf32, #tpu.memory_space<vmem_shared>>
      %dma_start3A_248 = arith.constant 0 : i32
      %dma_start3A_249 = tpu.memref_slice %arg15[%add3A_152, %dma_start3A_248] : memref<10016x64xf32, #tpu.memory_space<vmem_shared>> -> memref<48x64xf32, #tpu.memory_space<vmem_shared>>
      tpu.enqueue_dma source(%arg12 : memref<48x64xf32, #tpu.memory_space<vmem>>) target(%dma_start3A_249 : memref<48x64xf32, #tpu.memory_space<vmem_shared>>) target_semaphore(%run_scoped3A : memref<!tpu.dma_semaphore, #tpu.memory_space<semaphore_mem>>)
      %dma_wait3A = arith.constant 0 : i32
      %dma_wait3A_250 = tpu.memref_slice %arg15[%add3A_152, %dma_wait3A] : memref<10016x64xf32, #tpu.memory_space<vmem_shared>> -> memref<48x64xf32, #tpu.memory_space<vmem_shared>>
      %dma_wait3A_251 = arith.constant 0 : i32
      %dma_wait3A_252 = tpu.memref_slice %arg15[%add3A_152, %dma_wait3A_251] : memref<10016x64xf32, #tpu.memory_space<vmem_shared>> -> memref<48x64xf32, #tpu.memory_space<vmem_shared>>
      tpu.wait_dma2 semaphore(%run_scoped3A : memref<!tpu.dma_semaphore, #tpu.memory_space<semaphore_mem>>) src(%arg12 : memref<48x64xf32, #tpu.memory_space<vmem>>) dst(%dma_wait3A_252 : memref<48x64xf32, #tpu.memory_space<vmem_shared>>)
      tpu.yield
    }) : () -> ()
    %mul3A_153 = arith.constant 626 : i32
    %mul3A_154 = arith.muli %arg1, %mul3A_153 : i32
    %add3A_155 = arith.constant 144 : i32
    %add3A_156 = arith.addi %mul3A_154, %add3A_155 : i32
    "tpu.region"() ({
      %run_scoped3A = tpu.sem_alloc : memref<!tpu.dma_semaphore, #tpu.memory_space<semaphore_mem>>
      %dma_start3A = arith.constant 0 : i32
      %dma_start3A_247 = tpu.memref_slice %arg16[%add3A_156, %dma_start3A] : memref<10016x8xf32, #tpu.memory_space<vmem_shared>> -> memref<48x8xf32, #tpu.memory_space<vmem_shared>>
      %dma_start3A_248 = arith.constant 0 : i32
      %dma_start3A_249 = tpu.memref_slice %arg16[%add3A_156, %dma_start3A_248] : memref<10016x8xf32, #tpu.memory_space<vmem_shared>> -> memref<48x8xf32, #tpu.memory_space<vmem_shared>>
      tpu.enqueue_dma source(%arg14 : memref<48x8xf32, #tpu.memory_space<vmem>>) target(%dma_start3A_249 : memref<48x8xf32, #tpu.memory_space<vmem_shared>>) target_semaphore(%run_scoped3A : memref<!tpu.dma_semaphore, #tpu.memory_space<semaphore_mem>>)
      %dma_wait3A = arith.constant 0 : i32
      %dma_wait3A_250 = tpu.memref_slice %arg16[%add3A_156, %dma_wait3A] : memref<10016x8xf32, #tpu.memory_space<vmem_shared>> -> memref<48x8xf32, #tpu.memory_space<vmem_shared>>
      %dma_wait3A_251 = arith.constant 0 : i32
      %dma_wait3A_252 = tpu.memref_slice %arg16[%add3A_156, %dma_wait3A_251] : memref<10016x8xf32, #tpu.memory_space<vmem_shared>> -> memref<48x8xf32, #tpu.memory_space<vmem_shared>>
      tpu.wait_dma2 semaphore(%run_scoped3A : memref<!tpu.dma_semaphore, #tpu.memory_space<semaphore_mem>>) src(%arg14 : memref<48x8xf32, #tpu.memory_space<vmem>>) dst(%dma_wait3A_252 : memref<48x8xf32, #tpu.memory_space<vmem_shared>>)
      tpu.yield
    }) : () -> ()
    %mul3A_157 = arith.constant 626 : i32
    %mul3A_158 = arith.muli %arg1, %mul3A_157 : i32
    %add3A_159 = arith.constant 192 : i32
    %add3A_160 = arith.addi %mul3A_158, %add3A_159 : i32
    "tpu.region"() ({
      %run_scoped3A = tpu.sem_alloc : memref<!tpu.dma_semaphore, #tpu.memory_space<semaphore_mem>>
      %dma_start3A = arith.constant 0 : i32
      %dma_start3A_247 = tpu.memref_slice %arg15[%add3A_160, %dma_start3A] : memref<10016x64xf32, #tpu.memory_space<vmem_shared>> -> memref<48x64xf32, #tpu.memory_space<vmem_shared>>
      %dma_start3A_248 = arith.constant 0 : i32
      %dma_start3A_249 = tpu.memref_slice %arg15[%add3A_160, %dma_start3A_248] : memref<10016x64xf32, #tpu.memory_space<vmem_shared>> -> memref<48x64xf32, #tpu.memory_space<vmem_shared>>
      tpu.enqueue_dma source(%arg12 : memref<48x64xf32, #tpu.memory_space<vmem>>) target(%dma_start3A_249 : memref<48x64xf32, #tpu.memory_space<vmem_shared>>) target_semaphore(%run_scoped3A : memref<!tpu.dma_semaphore, #tpu.memory_space<semaphore_mem>>)
      %dma_wait3A = arith.constant 0 : i32
      %dma_wait3A_250 = tpu.memref_slice %arg15[%add3A_160, %dma_wait3A] : memref<10016x64xf32, #tpu.memory_space<vmem_shared>> -> memref<48x64xf32, #tpu.memory_space<vmem_shared>>
      %dma_wait3A_251 = arith.constant 0 : i32
      %dma_wait3A_252 = tpu.memref_slice %arg15[%add3A_160, %dma_wait3A_251] : memref<10016x64xf32, #tpu.memory_space<vmem_shared>> -> memref<48x64xf32, #tpu.memory_space<vmem_shared>>
      tpu.wait_dma2 semaphore(%run_scoped3A : memref<!tpu.dma_semaphore, #tpu.memory_space<semaphore_mem>>) src(%arg12 : memref<48x64xf32, #tpu.memory_space<vmem>>) dst(%dma_wait3A_252 : memref<48x64xf32, #tpu.memory_space<vmem_shared>>)
      tpu.yield
    }) : () -> ()
    %mul3A_161 = arith.constant 626 : i32
    %mul3A_162 = arith.muli %arg1, %mul3A_161 : i32
    %add3A_163 = arith.constant 192 : i32
    %add3A_164 = arith.addi %mul3A_162, %add3A_163 : i32
    "tpu.region"() ({
      %run_scoped3A = tpu.sem_alloc : memref<!tpu.dma_semaphore, #tpu.memory_space<semaphore_mem>>
      %dma_start3A = arith.constant 0 : i32
      %dma_start3A_247 = tpu.memref_slice %arg16[%add3A_164, %dma_start3A] : memref<10016x8xf32, #tpu.memory_space<vmem_shared>> -> memref<48x8xf32, #tpu.memory_space<vmem_shared>>
      %dma_start3A_248 = arith.constant 0 : i32
      %dma_start3A_249 = tpu.memref_slice %arg16[%add3A_164, %dma_start3A_248] : memref<10016x8xf32, #tpu.memory_space<vmem_shared>> -> memref<48x8xf32, #tpu.memory_space<vmem_shared>>
      tpu.enqueue_dma source(%arg14 : memref<48x8xf32, #tpu.memory_space<vmem>>) target(%dma_start3A_249 : memref<48x8xf32, #tpu.memory_space<vmem_shared>>) target_semaphore(%run_scoped3A : memref<!tpu.dma_semaphore, #tpu.memory_space<semaphore_mem>>)
      %dma_wait3A = arith.constant 0 : i32
      %dma_wait3A_250 = tpu.memref_slice %arg16[%add3A_164, %dma_wait3A] : memref<10016x8xf32, #tpu.memory_space<vmem_shared>> -> memref<48x8xf32, #tpu.memory_space<vmem_shared>>
      %dma_wait3A_251 = arith.constant 0 : i32
      %dma_wait3A_252 = tpu.memref_slice %arg16[%add3A_164, %dma_wait3A_251] : memref<10016x8xf32, #tpu.memory_space<vmem_shared>> -> memref<48x8xf32, #tpu.memory_space<vmem_shared>>
      tpu.wait_dma2 semaphore(%run_scoped3A : memref<!tpu.dma_semaphore, #tpu.memory_space<semaphore_mem>>) src(%arg14 : memref<48x8xf32, #tpu.memory_space<vmem>>) dst(%dma_wait3A_252 : memref<48x8xf32, #tpu.memory_space<vmem_shared>>)
      tpu.yield
    }) : () -> ()
    %mul3A_165 = arith.constant 626 : i32
    %mul3A_166 = arith.muli %arg1, %mul3A_165 : i32
    %add3A_167 = arith.constant 240 : i32
    %add3A_168 = arith.addi %mul3A_166, %add3A_167 : i32
    "tpu.region"() ({
      %run_scoped3A = tpu.sem_alloc : memref<!tpu.dma_semaphore, #tpu.memory_space<semaphore_mem>>
      %dma_start3A = arith.constant 0 : i32
      %dma_start3A_247 = tpu.memref_slice %arg15[%add3A_168, %dma_start3A] : memref<10016x64xf32, #tpu.memory_space<vmem_shared>> -> memref<48x64xf32, #tpu.memory_space<vmem_shared>>
      %dma_start3A_248 = arith.constant 0 : i32
      %dma_start3A_249 = tpu.memref_slice %arg15[%add3A_168, %dma_start3A_248] : memref<10016x64xf32, #tpu.memory_space<vmem_shared>> -> memref<48x64xf32, #tpu.memory_space<vmem_shared>>
      tpu.enqueue_dma source(%arg12 : memref<48x64xf32, #tpu.memory_space<vmem>>) target(%dma_start3A_249 : memref<48x64xf32, #tpu.memory_space<vmem_shared>>) target_semaphore(%run_scoped3A : memref<!tpu.dma_semaphore, #tpu.memory_space<semaphore_mem>>)
      %dma_wait3A = arith.constant 0 : i32
      %dma_wait3A_250 = tpu.memref_slice %arg15[%add3A_168, %dma_wait3A] : memref<10016x64xf32, #tpu.memory_space<vmem_shared>> -> memref<48x64xf32, #tpu.memory_space<vmem_shared>>
      %dma_wait3A_251 = arith.constant 0 : i32
      %dma_wait3A_252 = tpu.memref_slice %arg15[%add3A_168, %dma_wait3A_251] : memref<10016x64xf32, #tpu.memory_space<vmem_shared>> -> memref<48x64xf32, #tpu.memory_space<vmem_shared>>
      tpu.wait_dma2 semaphore(%run_scoped3A : memref<!tpu.dma_semaphore, #tpu.memory_space<semaphore_mem>>) src(%arg12 : memref<48x64xf32, #tpu.memory_space<vmem>>) dst(%dma_wait3A_252 : memref<48x64xf32, #tpu.memory_space<vmem_shared>>)
      tpu.yield
    }) : () -> ()
    %mul3A_169 = arith.constant 626 : i32
    %mul3A_170 = arith.muli %arg1, %mul3A_169 : i32
    %add3A_171 = arith.constant 240 : i32
    %add3A_172 = arith.addi %mul3A_170, %add3A_171 : i32
    "tpu.region"() ({
      %run_scoped3A = tpu.sem_alloc : memref<!tpu.dma_semaphore, #tpu.memory_space<semaphore_mem>>
      %dma_start3A = arith.constant 0 : i32
      %dma_start3A_247 = tpu.memref_slice %arg16[%add3A_172, %dma_start3A] : memref<10016x8xf32, #tpu.memory_space<vmem_shared>> -> memref<48x8xf32, #tpu.memory_space<vmem_shared>>
      %dma_start3A_248 = arith.constant 0 : i32
      %dma_start3A_249 = tpu.memref_slice %arg16[%add3A_172, %dma_start3A_248] : memref<10016x8xf32, #tpu.memory_space<vmem_shared>> -> memref<48x8xf32, #tpu.memory_space<vmem_shared>>
      tpu.enqueue_dma source(%arg14 : memref<48x8xf32, #tpu.memory_space<vmem>>) target(%dma_start3A_249 : memref<48x8xf32, #tpu.memory_space<vmem_shared>>) target_semaphore(%run_scoped3A : memref<!tpu.dma_semaphore, #tpu.memory_space<semaphore_mem>>)
      %dma_wait3A = arith.constant 0 : i32
      %dma_wait3A_250 = tpu.memref_slice %arg16[%add3A_172, %dma_wait3A] : memref<10016x8xf32, #tpu.memory_space<vmem_shared>> -> memref<48x8xf32, #tpu.memory_space<vmem_shared>>
      %dma_wait3A_251 = arith.constant 0 : i32
      %dma_wait3A_252 = tpu.memref_slice %arg16[%add3A_172, %dma_wait3A_251] : memref<10016x8xf32, #tpu.memory_space<vmem_shared>> -> memref<48x8xf32, #tpu.memory_space<vmem_shared>>
      tpu.wait_dma2 semaphore(%run_scoped3A : memref<!tpu.dma_semaphore, #tpu.memory_space<semaphore_mem>>) src(%arg14 : memref<48x8xf32, #tpu.memory_space<vmem>>) dst(%dma_wait3A_252 : memref<48x8xf32, #tpu.memory_space<vmem_shared>>)
      tpu.yield
    }) : () -> ()
    %mul3A_173 = arith.constant 626 : i32
    %mul3A_174 = arith.muli %arg1, %mul3A_173 : i32
    %add3A_175 = arith.constant 288 : i32
    %add3A_176 = arith.addi %mul3A_174, %add3A_175 : i32
    "tpu.region"() ({
      %run_scoped3A = tpu.sem_alloc : memref<!tpu.dma_semaphore, #tpu.memory_space<semaphore_mem>>
      %dma_start3A = arith.constant 0 : i32
      %dma_start3A_247 = tpu.memref_slice %arg15[%add3A_176, %dma_start3A] : memref<10016x64xf32, #tpu.memory_space<vmem_shared>> -> memref<48x64xf32, #tpu.memory_space<vmem_shared>>
      %dma_start3A_248 = arith.constant 0 : i32
      %dma_start3A_249 = tpu.memref_slice %arg15[%add3A_176, %dma_start3A_248] : memref<10016x64xf32, #tpu.memory_space<vmem_shared>> -> memref<48x64xf32, #tpu.memory_space<vmem_shared>>
      tpu.enqueue_dma source(%arg12 : memref<48x64xf32, #tpu.memory_space<vmem>>) target(%dma_start3A_249 : memref<48x64xf32, #tpu.memory_space<vmem_shared>>) target_semaphore(%run_scoped3A : memref<!tpu.dma_semaphore, #tpu.memory_space<semaphore_mem>>)
      %dma_wait3A = arith.constant 0 : i32
      %dma_wait3A_250 = tpu.memref_slice %arg15[%add3A_176, %dma_wait3A] : memref<10016x64xf32, #tpu.memory_space<vmem_shared>> -> memref<48x64xf32, #tpu.memory_space<vmem_shared>>
      %dma_wait3A_251 = arith.constant 0 : i32
      %dma_wait3A_252 = tpu.memref_slice %arg15[%add3A_176, %dma_wait3A_251] : memref<10016x64xf32, #tpu.memory_space<vmem_shared>> -> memref<48x64xf32, #tpu.memory_space<vmem_shared>>
      tpu.wait_dma2 semaphore(%run_scoped3A : memref<!tpu.dma_semaphore, #tpu.memory_space<semaphore_mem>>) src(%arg12 : memref<48x64xf32, #tpu.memory_space<vmem>>) dst(%dma_wait3A_252 : memref<48x64xf32, #tpu.memory_space<vmem_shared>>)
      tpu.yield
    }) : () -> ()
    %mul3A_177 = arith.constant 626 : i32
    %mul3A_178 = arith.muli %arg1, %mul3A_177 : i32
    %add3A_179 = arith.constant 288 : i32
    %add3A_180 = arith.addi %mul3A_178, %add3A_179 : i32
    "tpu.region"() ({
      %run_scoped3A = tpu.sem_alloc : memref<!tpu.dma_semaphore, #tpu.memory_space<semaphore_mem>>
      %dma_start3A = arith.constant 0 : i32
      %dma_start3A_247 = tpu.memref_slice %arg16[%add3A_180, %dma_start3A] : memref<10016x8xf32, #tpu.memory_space<vmem_shared>> -> memref<48x8xf32, #tpu.memory_space<vmem_shared>>
      %dma_start3A_248 = arith.constant 0 : i32
      %dma_start3A_249 = tpu.memref_slice %arg16[%add3A_180, %dma_start3A_248] : memref<10016x8xf32, #tpu.memory_space<vmem_shared>> -> memref<48x8xf32, #tpu.memory_space<vmem_shared>>
      tpu.enqueue_dma source(%arg14 : memref<48x8xf32, #tpu.memory_space<vmem>>) target(%dma_start3A_249 : memref<48x8xf32, #tpu.memory_space<vmem_shared>>) target_semaphore(%run_scoped3A : memref<!tpu.dma_semaphore, #tpu.memory_space<semaphore_mem>>)
      %dma_wait3A = arith.constant 0 : i32
      %dma_wait3A_250 = tpu.memref_slice %arg16[%add3A_180, %dma_wait3A] : memref<10016x8xf32, #tpu.memory_space<vmem_shared>> -> memref<48x8xf32, #tpu.memory_space<vmem_shared>>
      %dma_wait3A_251 = arith.constant 0 : i32
      %dma_wait3A_252 = tpu.memref_slice %arg16[%add3A_180, %dma_wait3A_251] : memref<10016x8xf32, #tpu.memory_space<vmem_shared>> -> memref<48x8xf32, #tpu.memory_space<vmem_shared>>
      tpu.wait_dma2 semaphore(%run_scoped3A : memref<!tpu.dma_semaphore, #tpu.memory_space<semaphore_mem>>) src(%arg14 : memref<48x8xf32, #tpu.memory_space<vmem>>) dst(%dma_wait3A_252 : memref<48x8xf32, #tpu.memory_space<vmem_shared>>)
      tpu.yield
    }) : () -> ()
    %mul3A_181 = arith.constant 626 : i32
    %mul3A_182 = arith.muli %arg1, %mul3A_181 : i32
    %add3A_183 = arith.constant 336 : i32
    %add3A_184 = arith.addi %mul3A_182, %add3A_183 : i32
    "tpu.region"() ({
      %run_scoped3A = tpu.sem_alloc : memref<!tpu.dma_semaphore, #tpu.memory_space<semaphore_mem>>
      %dma_start3A = arith.constant 0 : i32
      %dma_start3A_247 = tpu.memref_slice %arg15[%add3A_184, %dma_start3A] : memref<10016x64xf32, #tpu.memory_space<vmem_shared>> -> memref<48x64xf32, #tpu.memory_space<vmem_shared>>
      %dma_start3A_248 = arith.constant 0 : i32
      %dma_start3A_249 = tpu.memref_slice %arg15[%add3A_184, %dma_start3A_248] : memref<10016x64xf32, #tpu.memory_space<vmem_shared>> -> memref<48x64xf32, #tpu.memory_space<vmem_shared>>
      tpu.enqueue_dma source(%arg12 : memref<48x64xf32, #tpu.memory_space<vmem>>) target(%dma_start3A_249 : memref<48x64xf32, #tpu.memory_space<vmem_shared>>) target_semaphore(%run_scoped3A : memref<!tpu.dma_semaphore, #tpu.memory_space<semaphore_mem>>)
      %dma_wait3A = arith.constant 0 : i32
      %dma_wait3A_250 = tpu.memref_slice %arg15[%add3A_184, %dma_wait3A] : memref<10016x64xf32, #tpu.memory_space<vmem_shared>> -> memref<48x64xf32, #tpu.memory_space<vmem_shared>>
      %dma_wait3A_251 = arith.constant 0 : i32
      %dma_wait3A_252 = tpu.memref_slice %arg15[%add3A_184, %dma_wait3A_251] : memref<10016x64xf32, #tpu.memory_space<vmem_shared>> -> memref<48x64xf32, #tpu.memory_space<vmem_shared>>
      tpu.wait_dma2 semaphore(%run_scoped3A : memref<!tpu.dma_semaphore, #tpu.memory_space<semaphore_mem>>) src(%arg12 : memref<48x64xf32, #tpu.memory_space<vmem>>) dst(%dma_wait3A_252 : memref<48x64xf32, #tpu.memory_space<vmem_shared>>)
      tpu.yield
    }) : () -> ()
    %mul3A_185 = arith.constant 626 : i32
    %mul3A_186 = arith.muli %arg1, %mul3A_185 : i32
    %add3A_187 = arith.constant 336 : i32
    %add3A_188 = arith.addi %mul3A_186, %add3A_187 : i32
    "tpu.region"() ({
      %run_scoped3A = tpu.sem_alloc : memref<!tpu.dma_semaphore, #tpu.memory_space<semaphore_mem>>
      %dma_start3A = arith.constant 0 : i32
      %dma_start3A_247 = tpu.memref_slice %arg16[%add3A_188, %dma_start3A] : memref<10016x8xf32, #tpu.memory_space<vmem_shared>> -> memref<48x8xf32, #tpu.memory_space<vmem_shared>>
      %dma_start3A_248 = arith.constant 0 : i32
      %dma_start3A_249 = tpu.memref_slice %arg16[%add3A_188, %dma_start3A_248] : memref<10016x8xf32, #tpu.memory_space<vmem_shared>> -> memref<48x8xf32, #tpu.memory_space<vmem_shared>>
      tpu.enqueue_dma source(%arg14 : memref<48x8xf32, #tpu.memory_space<vmem>>) target(%dma_start3A_249 : memref<48x8xf32, #tpu.memory_space<vmem_shared>>) target_semaphore(%run_scoped3A : memref<!tpu.dma_semaphore, #tpu.memory_space<semaphore_mem>>)
      %dma_wait3A = arith.constant 0 : i32
      %dma_wait3A_250 = tpu.memref_slice %arg16[%add3A_188, %dma_wait3A] : memref<10016x8xf32, #tpu.memory_space<vmem_shared>> -> memref<48x8xf32, #tpu.memory_space<vmem_shared>>
      %dma_wait3A_251 = arith.constant 0 : i32
      %dma_wait3A_252 = tpu.memref_slice %arg16[%add3A_188, %dma_wait3A_251] : memref<10016x8xf32, #tpu.memory_space<vmem_shared>> -> memref<48x8xf32, #tpu.memory_space<vmem_shared>>
      tpu.wait_dma2 semaphore(%run_scoped3A : memref<!tpu.dma_semaphore, #tpu.memory_space<semaphore_mem>>) src(%arg14 : memref<48x8xf32, #tpu.memory_space<vmem>>) dst(%dma_wait3A_252 : memref<48x8xf32, #tpu.memory_space<vmem_shared>>)
      tpu.yield
    }) : () -> ()
    %mul3A_189 = arith.constant 626 : i32
    %mul3A_190 = arith.muli %arg1, %mul3A_189 : i32
    %add3A_191 = arith.constant 384 : i32
    %add3A_192 = arith.addi %mul3A_190, %add3A_191 : i32
    "tpu.region"() ({
      %run_scoped3A = tpu.sem_alloc : memref<!tpu.dma_semaphore, #tpu.memory_space<semaphore_mem>>
      %dma_start3A = arith.constant 0 : i32
      %dma_start3A_247 = tpu.memref_slice %arg15[%add3A_192, %dma_start3A] : memref<10016x64xf32, #tpu.memory_space<vmem_shared>> -> memref<48x64xf32, #tpu.memory_space<vmem_shared>>
      %dma_start3A_248 = arith.constant 0 : i32
      %dma_start3A_249 = tpu.memref_slice %arg15[%add3A_192, %dma_start3A_248] : memref<10016x64xf32, #tpu.memory_space<vmem_shared>> -> memref<48x64xf32, #tpu.memory_space<vmem_shared>>
      tpu.enqueue_dma source(%arg12 : memref<48x64xf32, #tpu.memory_space<vmem>>) target(%dma_start3A_249 : memref<48x64xf32, #tpu.memory_space<vmem_shared>>) target_semaphore(%run_scoped3A : memref<!tpu.dma_semaphore, #tpu.memory_space<semaphore_mem>>)
      %dma_wait3A = arith.constant 0 : i32
      %dma_wait3A_250 = tpu.memref_slice %arg15[%add3A_192, %dma_wait3A] : memref<10016x64xf32, #tpu.memory_space<vmem_shared>> -> memref<48x64xf32, #tpu.memory_space<vmem_shared>>
      %dma_wait3A_251 = arith.constant 0 : i32
      %dma_wait3A_252 = tpu.memref_slice %arg15[%add3A_192, %dma_wait3A_251] : memref<10016x64xf32, #tpu.memory_space<vmem_shared>> -> memref<48x64xf32, #tpu.memory_space<vmem_shared>>
      tpu.wait_dma2 semaphore(%run_scoped3A : memref<!tpu.dma_semaphore, #tpu.memory_space<semaphore_mem>>) src(%arg12 : memref<48x64xf32, #tpu.memory_space<vmem>>) dst(%dma_wait3A_252 : memref<48x64xf32, #tpu.memory_space<vmem_shared>>)
      tpu.yield
    }) : () -> ()
    %mul3A_193 = arith.constant 626 : i32
    %mul3A_194 = arith.muli %arg1, %mul3A_193 : i32
    %add3A_195 = arith.constant 384 : i32
    %add3A_196 = arith.addi %mul3A_194, %add3A_195 : i32
    "tpu.region"() ({
      %run_scoped3A = tpu.sem_alloc : memref<!tpu.dma_semaphore, #tpu.memory_space<semaphore_mem>>
      %dma_start3A = arith.constant 0 : i32
      %dma_start3A_247 = tpu.memref_slice %arg16[%add3A_196, %dma_start3A] : memref<10016x8xf32, #tpu.memory_space<vmem_shared>> -> memref<48x8xf32, #tpu.memory_space<vmem_shared>>
      %dma_start3A_248 = arith.constant 0 : i32
      %dma_start3A_249 = tpu.memref_slice %arg16[%add3A_196, %dma_start3A_248] : memref<10016x8xf32, #tpu.memory_space<vmem_shared>> -> memref<48x8xf32, #tpu.memory_space<vmem_shared>>
      tpu.enqueue_dma source(%arg14 : memref<48x8xf32, #tpu.memory_space<vmem>>) target(%dma_start3A_249 : memref<48x8xf32, #tpu.memory_space<vmem_shared>>) target_semaphore(%run_scoped3A : memref<!tpu.dma_semaphore, #tpu.memory_space<semaphore_mem>>)
      %dma_wait3A = arith.constant 0 : i32
      %dma_wait3A_250 = tpu.memref_slice %arg16[%add3A_196, %dma_wait3A] : memref<10016x8xf32, #tpu.memory_space<vmem_shared>> -> memref<48x8xf32, #tpu.memory_space<vmem_shared>>
      %dma_wait3A_251 = arith.constant 0 : i32
      %dma_wait3A_252 = tpu.memref_slice %arg16[%add3A_196, %dma_wait3A_251] : memref<10016x8xf32, #tpu.memory_space<vmem_shared>> -> memref<48x8xf32, #tpu.memory_space<vmem_shared>>
      tpu.wait_dma2 semaphore(%run_scoped3A : memref<!tpu.dma_semaphore, #tpu.memory_space<semaphore_mem>>) src(%arg14 : memref<48x8xf32, #tpu.memory_space<vmem>>) dst(%dma_wait3A_252 : memref<48x8xf32, #tpu.memory_space<vmem_shared>>)
      tpu.yield
    }) : () -> ()
    %mul3A_197 = arith.constant 626 : i32
    %mul3A_198 = arith.muli %arg1, %mul3A_197 : i32
    %add3A_199 = arith.constant 432 : i32
    %add3A_200 = arith.addi %mul3A_198, %add3A_199 : i32
    "tpu.region"() ({
      %run_scoped3A = tpu.sem_alloc : memref<!tpu.dma_semaphore, #tpu.memory_space<semaphore_mem>>
      %dma_start3A = arith.constant 0 : i32
      %dma_start3A_247 = tpu.memref_slice %arg15[%add3A_200, %dma_start3A] : memref<10016x64xf32, #tpu.memory_space<vmem_shared>> -> memref<48x64xf32, #tpu.memory_space<vmem_shared>>
      %dma_start3A_248 = arith.constant 0 : i32
      %dma_start3A_249 = tpu.memref_slice %arg15[%add3A_200, %dma_start3A_248] : memref<10016x64xf32, #tpu.memory_space<vmem_shared>> -> memref<48x64xf32, #tpu.memory_space<vmem_shared>>
      tpu.enqueue_dma source(%arg12 : memref<48x64xf32, #tpu.memory_space<vmem>>) target(%dma_start3A_249 : memref<48x64xf32, #tpu.memory_space<vmem_shared>>) target_semaphore(%run_scoped3A : memref<!tpu.dma_semaphore, #tpu.memory_space<semaphore_mem>>)
      %dma_wait3A = arith.constant 0 : i32
      %dma_wait3A_250 = tpu.memref_slice %arg15[%add3A_200, %dma_wait3A] : memref<10016x64xf32, #tpu.memory_space<vmem_shared>> -> memref<48x64xf32, #tpu.memory_space<vmem_shared>>
      %dma_wait3A_251 = arith.constant 0 : i32
      %dma_wait3A_252 = tpu.memref_slice %arg15[%add3A_200, %dma_wait3A_251] : memref<10016x64xf32, #tpu.memory_space<vmem_shared>> -> memref<48x64xf32, #tpu.memory_space<vmem_shared>>
      tpu.wait_dma2 semaphore(%run_scoped3A : memref<!tpu.dma_semaphore, #tpu.memory_space<semaphore_mem>>) src(%arg12 : memref<48x64xf32, #tpu.memory_space<vmem>>) dst(%dma_wait3A_252 : memref<48x64xf32, #tpu.memory_space<vmem_shared>>)
      tpu.yield
    }) : () -> ()
    %mul3A_201 = arith.constant 626 : i32
    %mul3A_202 = arith.muli %arg1, %mul3A_201 : i32
    %add3A_203 = arith.constant 432 : i32
    %add3A_204 = arith.addi %mul3A_202, %add3A_203 : i32
    "tpu.region"() ({
      %run_scoped3A = tpu.sem_alloc : memref<!tpu.dma_semaphore, #tpu.memory_space<semaphore_mem>>
      %dma_start3A = arith.constant 0 : i32
      %dma_start3A_247 = tpu.memref_slice %arg16[%add3A_204, %dma_start3A] : memref<10016x8xf32, #tpu.memory_space<vmem_shared>> -> memref<48x8xf32, #tpu.memory_space<vmem_shared>>
      %dma_start3A_248 = arith.constant 0 : i32
      %dma_start3A_249 = tpu.memref_slice %arg16[%add3A_204, %dma_start3A_248] : memref<10016x8xf32, #tpu.memory_space<vmem_shared>> -> memref<48x8xf32, #tpu.memory_space<vmem_shared>>
      tpu.enqueue_dma source(%arg14 : memref<48x8xf32, #tpu.memory_space<vmem>>) target(%dma_start3A_249 : memref<48x8xf32, #tpu.memory_space<vmem_shared>>) target_semaphore(%run_scoped3A : memref<!tpu.dma_semaphore, #tpu.memory_space<semaphore_mem>>)
      %dma_wait3A = arith.constant 0 : i32
      %dma_wait3A_250 = tpu.memref_slice %arg16[%add3A_204, %dma_wait3A] : memref<10016x8xf32, #tpu.memory_space<vmem_shared>> -> memref<48x8xf32, #tpu.memory_space<vmem_shared>>
      %dma_wait3A_251 = arith.constant 0 : i32
      %dma_wait3A_252 = tpu.memref_slice %arg16[%add3A_204, %dma_wait3A_251] : memref<10016x8xf32, #tpu.memory_space<vmem_shared>> -> memref<48x8xf32, #tpu.memory_space<vmem_shared>>
      tpu.wait_dma2 semaphore(%run_scoped3A : memref<!tpu.dma_semaphore, #tpu.memory_space<semaphore_mem>>) src(%arg14 : memref<48x8xf32, #tpu.memory_space<vmem>>) dst(%dma_wait3A_252 : memref<48x8xf32, #tpu.memory_space<vmem_shared>>)
      tpu.yield
    }) : () -> ()
    %mul3A_205 = arith.constant 626 : i32
    %mul3A_206 = arith.muli %arg1, %mul3A_205 : i32
    %add3A_207 = arith.constant 480 : i32
    %add3A_208 = arith.addi %mul3A_206, %add3A_207 : i32
    "tpu.region"() ({
      %run_scoped3A = tpu.sem_alloc : memref<!tpu.dma_semaphore, #tpu.memory_space<semaphore_mem>>
      %dma_start3A = arith.constant 0 : i32
      %dma_start3A_247 = tpu.memref_slice %arg15[%add3A_208, %dma_start3A] : memref<10016x64xf32, #tpu.memory_space<vmem_shared>> -> memref<48x64xf32, #tpu.memory_space<vmem_shared>>
      %dma_start3A_248 = arith.constant 0 : i32
      %dma_start3A_249 = tpu.memref_slice %arg15[%add3A_208, %dma_start3A_248] : memref<10016x64xf32, #tpu.memory_space<vmem_shared>> -> memref<48x64xf32, #tpu.memory_space<vmem_shared>>
      tpu.enqueue_dma source(%arg12 : memref<48x64xf32, #tpu.memory_space<vmem>>) target(%dma_start3A_249 : memref<48x64xf32, #tpu.memory_space<vmem_shared>>) target_semaphore(%run_scoped3A : memref<!tpu.dma_semaphore, #tpu.memory_space<semaphore_mem>>)
      %dma_wait3A = arith.constant 0 : i32
      %dma_wait3A_250 = tpu.memref_slice %arg15[%add3A_208, %dma_wait3A] : memref<10016x64xf32, #tpu.memory_space<vmem_shared>> -> memref<48x64xf32, #tpu.memory_space<vmem_shared>>
      %dma_wait3A_251 = arith.constant 0 : i32
      %dma_wait3A_252 = tpu.memref_slice %arg15[%add3A_208, %dma_wait3A_251] : memref<10016x64xf32, #tpu.memory_space<vmem_shared>> -> memref<48x64xf32, #tpu.memory_space<vmem_shared>>
      tpu.wait_dma2 semaphore(%run_scoped3A : memref<!tpu.dma_semaphore, #tpu.memory_space<semaphore_mem>>) src(%arg12 : memref<48x64xf32, #tpu.memory_space<vmem>>) dst(%dma_wait3A_252 : memref<48x64xf32, #tpu.memory_space<vmem_shared>>)
      tpu.yield
    }) : () -> ()
    %mul3A_209 = arith.constant 626 : i32
    %mul3A_210 = arith.muli %arg1, %mul3A_209 : i32
    %add3A_211 = arith.constant 480 : i32
    %add3A_212 = arith.addi %mul3A_210, %add3A_211 : i32
    "tpu.region"() ({
      %run_scoped3A = tpu.sem_alloc : memref<!tpu.dma_semaphore, #tpu.memory_space<semaphore_mem>>
      %dma_start3A = arith.constant 0 : i32
      %dma_start3A_247 = tpu.memref_slice %arg16[%add3A_212, %dma_start3A] : memref<10016x8xf32, #tpu.memory_space<vmem_shared>> -> memref<48x8xf32, #tpu.memory_space<vmem_shared>>
      %dma_start3A_248 = arith.constant 0 : i32
      %dma_start3A_249 = tpu.memref_slice %arg16[%add3A_212, %dma_start3A_248] : memref<10016x8xf32, #tpu.memory_space<vmem_shared>> -> memref<48x8xf32, #tpu.memory_space<vmem_shared>>
      tpu.enqueue_dma source(%arg14 : memref<48x8xf32, #tpu.memory_space<vmem>>) target(%dma_start3A_249 : memref<48x8xf32, #tpu.memory_space<vmem_shared>>) target_semaphore(%run_scoped3A : memref<!tpu.dma_semaphore, #tpu.memory_space<semaphore_mem>>)
      %dma_wait3A = arith.constant 0 : i32
      %dma_wait3A_250 = tpu.memref_slice %arg16[%add3A_212, %dma_wait3A] : memref<10016x8xf32, #tpu.memory_space<vmem_shared>> -> memref<48x8xf32, #tpu.memory_space<vmem_shared>>
      %dma_wait3A_251 = arith.constant 0 : i32
      %dma_wait3A_252 = tpu.memref_slice %arg16[%add3A_212, %dma_wait3A_251] : memref<10016x8xf32, #tpu.memory_space<vmem_shared>> -> memref<48x8xf32, #tpu.memory_space<vmem_shared>>
      tpu.wait_dma2 semaphore(%run_scoped3A : memref<!tpu.dma_semaphore, #tpu.memory_space<semaphore_mem>>) src(%arg14 : memref<48x8xf32, #tpu.memory_space<vmem>>) dst(%dma_wait3A_252 : memref<48x8xf32, #tpu.memory_space<vmem_shared>>)
      tpu.yield
    }) : () -> ()
    %mul3A_213 = arith.constant 626 : i32
    %mul3A_214 = arith.muli %arg1, %mul3A_213 : i32
    %add3A_215 = arith.constant 528 : i32
    %add3A_216 = arith.addi %mul3A_214, %add3A_215 : i32
    "tpu.region"() ({
      %run_scoped3A = tpu.sem_alloc : memref<!tpu.dma_semaphore, #tpu.memory_space<semaphore_mem>>
      %dma_start3A = arith.constant 0 : i32
      %dma_start3A_247 = tpu.memref_slice %arg15[%add3A_216, %dma_start3A] : memref<10016x64xf32, #tpu.memory_space<vmem_shared>> -> memref<48x64xf32, #tpu.memory_space<vmem_shared>>
      %dma_start3A_248 = arith.constant 0 : i32
      %dma_start3A_249 = tpu.memref_slice %arg15[%add3A_216, %dma_start3A_248] : memref<10016x64xf32, #tpu.memory_space<vmem_shared>> -> memref<48x64xf32, #tpu.memory_space<vmem_shared>>
      tpu.enqueue_dma source(%arg12 : memref<48x64xf32, #tpu.memory_space<vmem>>) target(%dma_start3A_249 : memref<48x64xf32, #tpu.memory_space<vmem_shared>>) target_semaphore(%run_scoped3A : memref<!tpu.dma_semaphore, #tpu.memory_space<semaphore_mem>>)
      %dma_wait3A = arith.constant 0 : i32
      %dma_wait3A_250 = tpu.memref_slice %arg15[%add3A_216, %dma_wait3A] : memref<10016x64xf32, #tpu.memory_space<vmem_shared>> -> memref<48x64xf32, #tpu.memory_space<vmem_shared>>
      %dma_wait3A_251 = arith.constant 0 : i32
      %dma_wait3A_252 = tpu.memref_slice %arg15[%add3A_216, %dma_wait3A_251] : memref<10016x64xf32, #tpu.memory_space<vmem_shared>> -> memref<48x64xf32, #tpu.memory_space<vmem_shared>>
      tpu.wait_dma2 semaphore(%run_scoped3A : memref<!tpu.dma_semaphore, #tpu.memory_space<semaphore_mem>>) src(%arg12 : memref<48x64xf32, #tpu.memory_space<vmem>>) dst(%dma_wait3A_252 : memref<48x64xf32, #tpu.memory_space<vmem_shared>>)
      tpu.yield
    }) : () -> ()
    %mul3A_217 = arith.constant 626 : i32
    %mul3A_218 = arith.muli %arg1, %mul3A_217 : i32
    %add3A_219 = arith.constant 528 : i32
    %add3A_220 = arith.addi %mul3A_218, %add3A_219 : i32
    "tpu.region"() ({
      %run_scoped3A = tpu.sem_alloc : memref<!tpu.dma_semaphore, #tpu.memory_space<semaphore_mem>>
      %dma_start3A = arith.constant 0 : i32
      %dma_start3A_247 = tpu.memref_slice %arg16[%add3A_220, %dma_start3A] : memref<10016x8xf32, #tpu.memory_space<vmem_shared>> -> memref<48x8xf32, #tpu.memory_space<vmem_shared>>
      %dma_start3A_248 = arith.constant 0 : i32
      %dma_start3A_249 = tpu.memref_slice %arg16[%add3A_220, %dma_start3A_248] : memref<10016x8xf32, #tpu.memory_space<vmem_shared>> -> memref<48x8xf32, #tpu.memory_space<vmem_shared>>
      tpu.enqueue_dma source(%arg14 : memref<48x8xf32, #tpu.memory_space<vmem>>) target(%dma_start3A_249 : memref<48x8xf32, #tpu.memory_space<vmem_shared>>) target_semaphore(%run_scoped3A : memref<!tpu.dma_semaphore, #tpu.memory_space<semaphore_mem>>)
      %dma_wait3A = arith.constant 0 : i32
      %dma_wait3A_250 = tpu.memref_slice %arg16[%add3A_220, %dma_wait3A] : memref<10016x8xf32, #tpu.memory_space<vmem_shared>> -> memref<48x8xf32, #tpu.memory_space<vmem_shared>>
      %dma_wait3A_251 = arith.constant 0 : i32
      %dma_wait3A_252 = tpu.memref_slice %arg16[%add3A_220, %dma_wait3A_251] : memref<10016x8xf32, #tpu.memory_space<vmem_shared>> -> memref<48x8xf32, #tpu.memory_space<vmem_shared>>
      tpu.wait_dma2 semaphore(%run_scoped3A : memref<!tpu.dma_semaphore, #tpu.memory_space<semaphore_mem>>) src(%arg14 : memref<48x8xf32, #tpu.memory_space<vmem>>) dst(%dma_wait3A_252 : memref<48x8xf32, #tpu.memory_space<vmem_shared>>)
      tpu.yield
    }) : () -> ()
    %mul3A_221 = arith.constant 626 : i32
    %mul3A_222 = arith.muli %arg1, %mul3A_221 : i32
    %add3A_223 = arith.constant 576 : i32
    %add3A_224 = arith.addi %mul3A_222, %add3A_223 : i32
    "tpu.region"() ({
      %run_scoped3A = tpu.sem_alloc : memref<!tpu.dma_semaphore, #tpu.memory_space<semaphore_mem>>
      %dma_start3A = arith.constant 0 : i32
      %dma_start3A_247 = tpu.memref_slice %arg15[%add3A_224, %dma_start3A] : memref<10016x64xf32, #tpu.memory_space<vmem_shared>> -> memref<48x64xf32, #tpu.memory_space<vmem_shared>>
      %dma_start3A_248 = arith.constant 0 : i32
      %dma_start3A_249 = tpu.memref_slice %arg15[%add3A_224, %dma_start3A_248] : memref<10016x64xf32, #tpu.memory_space<vmem_shared>> -> memref<48x64xf32, #tpu.memory_space<vmem_shared>>
      tpu.enqueue_dma source(%arg12 : memref<48x64xf32, #tpu.memory_space<vmem>>) target(%dma_start3A_249 : memref<48x64xf32, #tpu.memory_space<vmem_shared>>) target_semaphore(%run_scoped3A : memref<!tpu.dma_semaphore, #tpu.memory_space<semaphore_mem>>)
      %dma_wait3A = arith.constant 0 : i32
      %dma_wait3A_250 = tpu.memref_slice %arg15[%add3A_224, %dma_wait3A] : memref<10016x64xf32, #tpu.memory_space<vmem_shared>> -> memref<48x64xf32, #tpu.memory_space<vmem_shared>>
      %dma_wait3A_251 = arith.constant 0 : i32
      %dma_wait3A_252 = tpu.memref_slice %arg15[%add3A_224, %dma_wait3A_251] : memref<10016x64xf32, #tpu.memory_space<vmem_shared>> -> memref<48x64xf32, #tpu.memory_space<vmem_shared>>
      tpu.wait_dma2 semaphore(%run_scoped3A : memref<!tpu.dma_semaphore, #tpu.memory_space<semaphore_mem>>) src(%arg12 : memref<48x64xf32, #tpu.memory_space<vmem>>) dst(%dma_wait3A_252 : memref<48x64xf32, #tpu.memory_space<vmem_shared>>)
      tpu.yield
    }) : () -> ()
    %mul3A_225 = arith.constant 626 : i32
    %mul3A_226 = arith.muli %arg1, %mul3A_225 : i32
    %add3A_227 = arith.constant 576 : i32
    %add3A_228 = arith.addi %mul3A_226, %add3A_227 : i32
    "tpu.region"() ({
      %run_scoped3A = tpu.sem_alloc : memref<!tpu.dma_semaphore, #tpu.memory_space<semaphore_mem>>
      %dma_start3A = arith.constant 0 : i32
      %dma_start3A_247 = tpu.memref_slice %arg16[%add3A_228, %dma_start3A] : memref<10016x8xf32, #tpu.memory_space<vmem_shared>> -> memref<48x8xf32, #tpu.memory_space<vmem_shared>>
      %dma_start3A_248 = arith.constant 0 : i32
      %dma_start3A_249 = tpu.memref_slice %arg16[%add3A_228, %dma_start3A_248] : memref<10016x8xf32, #tpu.memory_space<vmem_shared>> -> memref<48x8xf32, #tpu.memory_space<vmem_shared>>
      tpu.enqueue_dma source(%arg14 : memref<48x8xf32, #tpu.memory_space<vmem>>) target(%dma_start3A_249 : memref<48x8xf32, #tpu.memory_space<vmem_shared>>) target_semaphore(%run_scoped3A : memref<!tpu.dma_semaphore, #tpu.memory_space<semaphore_mem>>)
      %dma_wait3A = arith.constant 0 : i32
      %dma_wait3A_250 = tpu.memref_slice %arg16[%add3A_228, %dma_wait3A] : memref<10016x8xf32, #tpu.memory_space<vmem_shared>> -> memref<48x8xf32, #tpu.memory_space<vmem_shared>>
      %dma_wait3A_251 = arith.constant 0 : i32
      %dma_wait3A_252 = tpu.memref_slice %arg16[%add3A_228, %dma_wait3A_251] : memref<10016x8xf32, #tpu.memory_space<vmem_shared>> -> memref<48x8xf32, #tpu.memory_space<vmem_shared>>
      tpu.wait_dma2 semaphore(%run_scoped3A : memref<!tpu.dma_semaphore, #tpu.memory_space<semaphore_mem>>) src(%arg14 : memref<48x8xf32, #tpu.memory_space<vmem>>) dst(%dma_wait3A_252 : memref<48x8xf32, #tpu.memory_space<vmem_shared>>)
      tpu.yield
    }) : () -> ()
    %mul3A_229 = arith.constant 626 : i32
    %mul3A_230 = arith.muli %arg1, %mul3A_229 : i32
    %add3A_231 = arith.constant 624 : i32
    %add3A_232 = arith.addi %mul3A_230, %add3A_231 : i32
    "tpu.region"() ({
      %run_scoped3A = tpu.sem_alloc : memref<!tpu.dma_semaphore, #tpu.memory_space<semaphore_mem>>
      %dma_start3A = arith.constant 0 : i32
      %dma_start3A_247 = arith.constant 0 : i32
      %dma_start3A_248 = tpu.memref_slice %arg12[%dma_start3A, %dma_start3A_247] : memref<48x64xf32, #tpu.memory_space<vmem>> -> memref<2x64xf32, #tpu.memory_space<vmem>>
      %dma_start3A_249 = arith.constant 0 : i32
      %dma_start3A_250 = tpu.memref_slice %arg15[%add3A_232, %dma_start3A_249] : memref<10016x64xf32, #tpu.memory_space<vmem_shared>> -> memref<2x64xf32, #tpu.memory_space<vmem_shared>>
      %dma_start3A_251 = arith.constant 0 : i32
      %dma_start3A_252 = tpu.memref_slice %arg15[%add3A_232, %dma_start3A_251] : memref<10016x64xf32, #tpu.memory_space<vmem_shared>> -> memref<2x64xf32, #tpu.memory_space<vmem_shared>>
      %dma_start3A_253 = arith.constant 0 : i32
      %dma_start3A_254 = arith.constant 0 : i32
      %dma_start3A_255 = tpu.memref_slice %arg12[%dma_start3A_253, %dma_start3A_254] : memref<48x64xf32, #tpu.memory_space<vmem>> -> memref<2x64xf32, #tpu.memory_space<vmem>>
      tpu.enqueue_dma source(%dma_start3A_255 : memref<2x64xf32, #tpu.memory_space<vmem>>) target(%dma_start3A_252 : memref<2x64xf32, #tpu.memory_space<vmem_shared>>) target_semaphore(%run_scoped3A : memref<!tpu.dma_semaphore, #tpu.memory_space<semaphore_mem>>)
      %dma_wait3A = arith.constant 0 : i32
      %dma_wait3A_256 = arith.constant 0 : i32
      %dma_wait3A_257 = tpu.memref_slice %arg12[%dma_wait3A, %dma_wait3A_256] : memref<48x64xf32, #tpu.memory_space<vmem>> -> memref<2x64xf32, #tpu.memory_space<vmem>>
      %dma_wait3A_258 = arith.constant 0 : i32
      %dma_wait3A_259 = tpu.memref_slice %arg15[%add3A_232, %dma_wait3A_258] : memref<10016x64xf32, #tpu.memory_space<vmem_shared>> -> memref<2x64xf32, #tpu.memory_space<vmem_shared>>
      %dma_wait3A_260 = arith.constant 0 : i32
      %dma_wait3A_261 = tpu.memref_slice %arg15[%add3A_232, %dma_wait3A_260] : memref<10016x64xf32, #tpu.memory_space<vmem_shared>> -> memref<2x64xf32, #tpu.memory_space<vmem_shared>>
      %dma_wait3A_262 = arith.constant 0 : i32
      %dma_wait3A_263 = arith.constant 0 : i32
      %dma_wait3A_264 = tpu.memref_slice %arg12[%dma_wait3A_262, %dma_wait3A_263] : memref<48x64xf32, #tpu.memory_space<vmem>> -> memref<2x64xf32, #tpu.memory_space<vmem>>
      tpu.wait_dma2 semaphore(%run_scoped3A : memref<!tpu.dma_semaphore, #tpu.memory_space<semaphore_mem>>) src(%dma_wait3A_264 : memref<2x64xf32, #tpu.memory_space<vmem>>) dst(%dma_wait3A_261 : memref<2x64xf32, #tpu.memory_space<vmem_shared>>)
      tpu.yield
    }) : () -> ()
    %mul3A_233 = arith.constant 626 : i32
    %mul3A_234 = arith.muli %arg1, %mul3A_233 : i32
    %add3A_235 = arith.constant 624 : i32
    %add3A_236 = arith.addi %mul3A_234, %add3A_235 : i32
    "tpu.region"() ({
      %run_scoped3A = tpu.sem_alloc : memref<!tpu.dma_semaphore, #tpu.memory_space<semaphore_mem>>
      %dma_start3A = arith.constant 0 : i32
      %dma_start3A_247 = arith.constant 0 : i32
      %dma_start3A_248 = tpu.memref_slice %arg14[%dma_start3A, %dma_start3A_247] : memref<48x8xf32, #tpu.memory_space<vmem>> -> memref<2x8xf32, #tpu.memory_space<vmem>>
      %dma_start3A_249 = arith.constant 0 : i32
      %dma_start3A_250 = tpu.memref_slice %arg16[%add3A_236, %dma_start3A_249] : memref<10016x8xf32, #tpu.memory_space<vmem_shared>> -> memref<2x8xf32, #tpu.memory_space<vmem_shared>>
      %dma_start3A_251 = arith.constant 0 : i32
      %dma_start3A_252 = tpu.memref_slice %arg16[%add3A_236, %dma_start3A_251] : memref<10016x8xf32, #tpu.memory_space<vmem_shared>> -> memref<2x8xf32, #tpu.memory_space<vmem_shared>>
      %dma_start3A_253 = arith.constant 0 : i32
      %dma_start3A_254 = arith.constant 0 : i32
      %dma_start3A_255 = tpu.memref_slice %arg14[%dma_start3A_253, %dma_start3A_254] : memref<48x8xf32, #tpu.memory_space<vmem>> -> memref<2x8xf32, #tpu.memory_space<vmem>>
      tpu.enqueue_dma source(%dma_start3A_255 : memref<2x8xf32, #tpu.memory_space<vmem>>) target(%dma_start3A_252 : memref<2x8xf32, #tpu.memory_space<vmem_shared>>) target_semaphore(%run_scoped3A : memref<!tpu.dma_semaphore, #tpu.memory_space<semaphore_mem>>)
      %dma_wait3A = arith.constant 0 : i32
      %dma_wait3A_256 = arith.constant 0 : i32
      %dma_wait3A_257 = tpu.memref_slice %arg14[%dma_wait3A, %dma_wait3A_256] : memref<48x8xf32, #tpu.memory_space<vmem>> -> memref<2x8xf32, #tpu.memory_space<vmem>>
      %dma_wait3A_258 = arith.constant 0 : i32
      %dma_wait3A_259 = tpu.memref_slice %arg16[%add3A_236, %dma_wait3A_258] : memref<10016x8xf32, #tpu.memory_space<vmem_shared>> -> memref<2x8xf32, #tpu.memory_space<vmem_shared>>
      %dma_wait3A_260 = arith.constant 0 : i32
      %dma_wait3A_261 = tpu.memref_slice %arg16[%add3A_236, %dma_wait3A_260] : memref<10016x8xf32, #tpu.memory_space<vmem_shared>> -> memref<2x8xf32, #tpu.memory_space<vmem_shared>>
      %dma_wait3A_262 = arith.constant 0 : i32
      %dma_wait3A_263 = arith.constant 0 : i32
      %dma_wait3A_264 = tpu.memref_slice %arg14[%dma_wait3A_262, %dma_wait3A_263] : memref<48x8xf32, #tpu.memory_space<vmem>> -> memref<2x8xf32, #tpu.memory_space<vmem>>
      tpu.wait_dma2 semaphore(%run_scoped3A : memref<!tpu.dma_semaphore, #tpu.memory_space<semaphore_mem>>) src(%dma_wait3A_264 : memref<2x8xf32, #tpu.memory_space<vmem>>) dst(%dma_wait3A_261 : memref<2x8xf32, #tpu.memory_space<vmem_shared>>)
      tpu.yield
    }) : () -> ()
    %barrier3A = arith.constant 0 : index
    tpu.barrier barrier_id(%barrier3A)
    %scan3A_237 = arith.constant 0 : i32
    %scan3A_238 = arith.constant 0 : i32
    %scan3A_239 = arith.constant 432 : i32
    %scan3A_240 = arith.addi %scan3A_238, %scan3A_239 : i32
    %scan3A_241 = arith.constant 1 : i32
    %scan3A_242 = scf.for %scan3A_247 = %scan3A_238 to %scan3A_240 step %scan3A_241 iter_args(%scan3A_248 = %scan3A_237) -> (i32)  : i32 {
      %eq3A = arith.constant 0 : i32
      %eq3A_249 = arith.cmpi eq, %arg0, %eq3A : i32
      %convert_element_type3A = arith.extui %eq3A_249 : i1 to i32
      %cond3A = arith.constant 0 : i32
      %cond3A_250 = arith.cmpi ne, %convert_element_type3A, %cond3A : i32
      scf.if %cond3A_250 {
        %dma_start3A = arith.constant 0 : i32
        %dma_start3A_2739 = tpu.memref_slice %arg10[%scan3A_247, %dma_start3A] : memref<432x48xi32, #tpu.memory_space<vmem>> -> memref<1x48xi32, #tpu.memory_space<vmem>>
        %dma_start3A_2740 = tpu.memref_squeeze %dma_start3A_2739 : memref<1x48xi32, #tpu.memory_space<vmem>> -> memref<48xi32, #tpu.memory_space<vmem>>
        %dma_start3A_2741 = arith.constant 0 : i32
        %dma_start3A_2742 = arith.constant 0 : i32
        %dma_start3A_2743 = tpu.memref_slice %arg2[%dma_start3A_2741, %dma_start3A_2742] : memref<10016x64xf32, #tpu.memory_space<hbm>> -> memref<10016x64xf32, #tpu.memory_space<hbm>>
        tpu.enqueue_indirect_dma source(%dma_start3A_2743 : memref<10016x64xf32, #tpu.memory_space<hbm>>) target(%arg12 : memref<48x64xf32, #tpu.memory_space<vmem>>) offsets(%dma_start3A_2740 : memref<48xi32, #tpu.memory_space<vmem>>) semaphore(%arg17 : memref<!tpu.dma_semaphore, #tpu.memory_space<semaphore_mem>>)
      } else {
      }
      %eq3A_251 = arith.constant 1 : i32
      %eq3A_252 = arith.cmpi eq, %arg0, %eq3A_251 : i32
      %convert_element_type3A_253 = arith.extui %eq3A_252 : i1 to i32
      %cond3A_254 = arith.constant 0 : i32
      %cond3A_255 = arith.cmpi ne, %convert_element_type3A_253, %cond3A_254 : i32
      scf.if %cond3A_255 {
        %dma_start3A = arith.constant 0 : i32
        %dma_start3A_2739 = tpu.memref_slice %arg10[%scan3A_247, %dma_start3A] : memref<432x48xi32, #tpu.memory_space<vmem>> -> memref<1x48xi32, #tpu.memory_space<vmem>>
        %dma_start3A_2740 = tpu.memref_squeeze %dma_start3A_2739 : memref<1x48xi32, #tpu.memory_space<vmem>> -> memref<48xi32, #tpu.memory_space<vmem>>
        %dma_start3A_2741 = arith.constant 0 : i32
        %dma_start3A_2742 = arith.constant 0 : i32
        %dma_start3A_2743 = tpu.memref_slice %arg3[%dma_start3A_2741, %dma_start3A_2742] : memref<10016x64xf32, #tpu.memory_space<hbm>> -> memref<10016x64xf32, #tpu.memory_space<hbm>>
        tpu.enqueue_indirect_dma source(%dma_start3A_2743 : memref<10016x64xf32, #tpu.memory_space<hbm>>) target(%arg12 : memref<48x64xf32, #tpu.memory_space<vmem>>) offsets(%dma_start3A_2740 : memref<48xi32, #tpu.memory_space<vmem>>) semaphore(%arg17 : memref<!tpu.dma_semaphore, #tpu.memory_space<semaphore_mem>>)
      } else {
      }
      %get3A = arith.index_cast %scan3A_247 : i32 to index
      %get3A_256 = arith.constant 0 : index
      %get3A_257 = tpu.vector_load %arg10[%get3A, %get3A_256] {strides = array<i32>} : memref<432x48xi32, #tpu.memory_space<vmem>>, vector<16xi32>,
      %get3A_258 = arith.index_cast %scan3A_247 : i32 to index
      %get3A_259 = arith.constant 0 : index
      %get3A_260 = tpu.vector_load %arg11[%get3A_258, %get3A_259] {strides = array<i32>} : memref<432x48xi32, #tpu.memory_space<vmem>>, vector<16xi32>,
      %add3A_261 = arith.constant 0 : i32
      %add3A_262 = vector.broadcast %add3A_261 : i32 to vector<16xi32>
      %add3A_263 = arith.addi %get3A_257, %add3A_262 : vector<16xi32>
      %gather3A = tpu.vector_load_idx %arg9[%add3A_263] : memref<40064xf32, #tpu.memory_space<vmem>>[vector<16xi32>], vector<16xf32>,
      %add3A_264 = arith.constant 20032 : i32
      %add3A_265 = vector.broadcast %add3A_264 : i32 to vector<16xi32>
      %add3A_266 = arith.addi %get3A_260, %add3A_265 : vector<16xi32>
      %gather3A_267 = tpu.vector_load_idx %arg9[%add3A_266] : memref<40064xf32, #tpu.memory_space<vmem>>[vector<16xi32>], vector<16xf32>,
      %add3A_268 = arith.addf %gather3A, %gather3A_267 : vector<16xf32>
      %mul3A_269 = arith.constant 2.000000e-01 : f32
      %mul3A_270 = vector.broadcast %mul3A_269 : f32 to vector<16xf32>
      %mul3A_271 = arith.mulf %add3A_268, %mul3A_270 : vector<16xf32>
      %max3A = arith.maximumf %add3A_268, %mul3A_271 : vector<16xf32>
      %exp3A = math.exp %max3A : vector<16xf32>
      %swap3A = arith.constant 0 : i32
      %swap3A_272 = arith.index_cast %swap3A : i32 to index
      %swap3A_273 = arith.constant 0 : index
      %swap3A_274 = tpu.vector_load %arg13[%swap3A_272, %swap3A_273] {strides = array<i32>} : memref<2x48xf32, #tpu.memory_space<vmem>>, vector<16xf32>,
      tpu.vector_store %arg13[%swap3A_272, %swap3A_273], %exp3A {strides = array<i32>} : memref<2x48xf32, #tpu.memory_space<vmem>>, vector<16xf32>,
      %add3A_275 = arith.constant 0 : i32
      %add3A_276 = vector.broadcast %add3A_275 : i32 to vector<16xi32>
      %add3A_277 = arith.addi %add3A_276, %iota3A : vector<16xi32>
      %broadcast_in_dim3A_278 = arith.constant 0 : i32
      %broadcast_in_dim3A_279 = vector.broadcast %broadcast_in_dim3A_278 : i32 to vector<16xi32>
      tpu.vector_store_idx %arg14[%add3A_277, %broadcast_in_dim3A_279], %exp3A : memref<48x8xf32, #tpu.memory_space<vmem>>[vector<16xi32>, vector<16xi32>], vector<16xf32>,
      %add3A_280 = arith.constant 10016 : i32
      %add3A_281 = vector.broadcast %add3A_280 : i32 to vector<16xi32>
      %add3A_282 = arith.addi %get3A_257, %add3A_281 : vector<16xi32>
      %gather3A_283 = tpu.vector_load_idx %arg9[%add3A_282] : memref<40064xf32, #tpu.memory_space<vmem>>[vector<16xi32>], vector<16xf32>,
      %add3A_284 = arith.constant 30048 : i32
      %add3A_285 = vector.broadcast %add3A_284 : i32 to vector<16xi32>
      %add3A_286 = arith.addi %get3A_260, %add3A_285 : vector<16xi32>
      %gather3A_287 = tpu.vector_load_idx %arg9[%add3A_286] : memref<40064xf32, #tpu.memory_space<vmem>>[vector<16xi32>], vector<16xf32>,
      %add3A_288 = arith.addf %gather3A_283, %gather3A_287 : vector<16xf32>
      %mul3A_289 = arith.constant 2.000000e-01 : f32
      %mul3A_290 = vector.broadcast %mul3A_289 : f32 to vector<16xf32>
      %mul3A_291 = arith.mulf %add3A_288, %mul3A_290 : vector<16xf32>
      %max3A_292 = arith.maximumf %add3A_288, %mul3A_291 : vector<16xf32>
      %exp3A_293 = math.exp %max3A_292 : vector<16xf32>
      %swap3A_294 = arith.constant 1 : i32
      %swap3A_295 = arith.index_cast %swap3A_294 : i32 to index
      %swap3A_296 = arith.constant 0 : index
      %swap3A_297 = tpu.vector_load %arg13[%swap3A_295, %swap3A_296] {strides = array<i32>} : memref<2x48xf32, #tpu.memory_space<vmem>>, vector<16xf32>,
      tpu.vector_store %arg13[%swap3A_295, %swap3A_296], %exp3A_293 {strides = array<i32>} : memref<2x48xf32, #tpu.memory_space<vmem>>, vector<16xf32>,
      %add3A_298 = arith.constant 0 : i32
      %add3A_299 = vector.broadcast %add3A_298 : i32 to vector<16xi32>
      %add3A_300 = arith.addi %add3A_299, %iota3A : vector<16xi32>
      %broadcast_in_dim3A_301 = arith.constant 1 : i32
      %broadcast_in_dim3A_302 = vector.broadcast %broadcast_in_dim3A_301 : i32 to vector<16xi32>
      tpu.vector_store_idx %arg14[%add3A_300, %broadcast_in_dim3A_302], %exp3A_293 : memref<48x8xf32, #tpu.memory_space<vmem>>[vector<16xi32>, vector<16xi32>], vector<16xf32>,
      %get3A_303 = arith.index_cast %scan3A_247 : i32 to index
      %get3A_304 = arith.constant 16 : index
      %get3A_305 = tpu.vector_load %arg10[%get3A_303, %get3A_304] {strides = array<i32>} : memref<432x48xi32, #tpu.memory_space<vmem>>, vector<16xi32>,
      %get3A_306 = arith.index_cast %scan3A_247 : i32 to index
      %get3A_307 = arith.constant 16 : index
      %get3A_308 = tpu.vector_load %arg11[%get3A_306, %get3A_307] {strides = array<i32>} : memref<432x48xi32, #tpu.memory_space<vmem>>, vector<16xi32>,
      %add3A_309 = arith.constant 0 : i32
      %add3A_310 = vector.broadcast %add3A_309 : i32 to vector<16xi32>
      %add3A_311 = arith.addi %get3A_305, %add3A_310 : vector<16xi32>
      %gather3A_312 = tpu.vector_load_idx %arg9[%add3A_311] : memref<40064xf32, #tpu.memory_space<vmem>>[vector<16xi32>], vector<16xf32>,
      %add3A_313 = arith.constant 20032 : i32
      %add3A_314 = vector.broadcast %add3A_313 : i32 to vector<16xi32>
      %add3A_315 = arith.addi %get3A_308, %add3A_314 : vector<16xi32>
      %gather3A_316 = tpu.vector_load_idx %arg9[%add3A_315] : memref<40064xf32, #tpu.memory_space<vmem>>[vector<16xi32>], vector<16xf32>,
      %add3A_317 = arith.addf %gather3A_312, %gather3A_316 : vector<16xf32>
      %mul3A_318 = arith.constant 2.000000e-01 : f32
      %mul3A_319 = vector.broadcast %mul3A_318 : f32 to vector<16xf32>
      %mul3A_320 = arith.mulf %add3A_317, %mul3A_319 : vector<16xf32>
      %max3A_321 = arith.maximumf %add3A_317, %mul3A_320 : vector<16xf32>
      %exp3A_322 = math.exp %max3A_321 : vector<16xf32>
      %swap3A_323 = arith.constant 0 : i32
      %swap3A_324 = arith.index_cast %swap3A_323 : i32 to index
      %swap3A_325 = arith.constant 16 : index
      %swap3A_326 = tpu.vector_load %arg13[%swap3A_324, %swap3A_325] {strides = array<i32>} : memref<2x48xf32, #tpu.memory_space<vmem>>, vector<16xf32>,
      tpu.vector_store %arg13[%swap3A_324, %swap3A_325], %exp3A_322 {strides = array<i32>} : memref<2x48xf32, #tpu.memory_space<vmem>>, vector<16xf32>,
      %add3A_327 = arith.constant 16 : i32
      %add3A_328 = vector.broadcast %add3A_327 : i32 to vector<16xi32>
      %add3A_329 = arith.addi %add3A_328, %iota3A : vector<16xi32>
      %broadcast_in_dim3A_330 = arith.constant 0 : i32
      %broadcast_in_dim3A_331 = vector.broadcast %broadcast_in_dim3A_330 : i32 to vector<16xi32>
      tpu.vector_store_idx %arg14[%add3A_329, %broadcast_in_dim3A_331], %exp3A_322 : memref<48x8xf32, #tpu.memory_space<vmem>>[vector<16xi32>, vector<16xi32>], vector<16xf32>,
      %add3A_332 = arith.constant 10016 : i32
      %add3A_333 = vector.broadcast %add3A_332 : i32 to vector<16xi32>
      %add3A_334 = arith.addi %get3A_305, %add3A_333 : vector<16xi32>
      %gather3A_335 = tpu.vector_load_idx %arg9[%add3A_334] : memref<40064xf32, #tpu.memory_space<vmem>>[vector<16xi32>], vector<16xf32>,
      %add3A_336 = arith.constant 30048 : i32
      %add3A_337 = vector.broadcast %add3A_336 : i32 to vector<16xi32>
      %add3A_338 = arith.addi %get3A_308, %add3A_337 : vector<16xi32>
      %gather3A_339 = tpu.vector_load_idx %arg9[%add3A_338] : memref<40064xf32, #tpu.memory_space<vmem>>[vector<16xi32>], vector<16xf32>,
      %add3A_340 = arith.addf %gather3A_335, %gather3A_339 : vector<16xf32>
      %mul3A_341 = arith.constant 2.000000e-01 : f32
      %mul3A_342 = vector.broadcast %mul3A_341 : f32 to vector<16xf32>
      %mul3A_343 = arith.mulf %add3A_340, %mul3A_342 : vector<16xf32>
      %max3A_344 = arith.maximumf %add3A_340, %mul3A_343 : vector<16xf32>
      %exp3A_345 = math.exp %max3A_344 : vector<16xf32>
      %swap3A_346 = arith.constant 1 : i32
      %swap3A_347 = arith.index_cast %swap3A_346 : i32 to index
      %swap3A_348 = arith.constant 16 : index
      %swap3A_349 = tpu.vector_load %arg13[%swap3A_347, %swap3A_348] {strides = array<i32>} : memref<2x48xf32, #tpu.memory_space<vmem>>, vector<16xf32>,
      tpu.vector_store %arg13[%swap3A_347, %swap3A_348], %exp3A_345 {strides = array<i32>} : memref<2x48xf32, #tpu.memory_space<vmem>>, vector<16xf32>,
      %add3A_350 = arith.constant 16 : i32
      %add3A_351 = vector.broadcast %add3A_350 : i32 to vector<16xi32>
      %add3A_352 = arith.addi %add3A_351, %iota3A : vector<16xi32>
      %broadcast_in_dim3A_353 = arith.constant 1 : i32
      %broadcast_in_dim3A_354 = vector.broadcast %broadcast_in_dim3A_353 : i32 to vector<16xi32>
      tpu.vector_store_idx %arg14[%add3A_352, %broadcast_in_dim3A_354], %exp3A_345 : memref<48x8xf32, #tpu.memory_space<vmem>>[vector<16xi32>, vector<16xi32>], vector<16xf32>,
      %get3A_355 = arith.index_cast %scan3A_247 : i32 to index
      %get3A_356 = arith.constant 32 : index
      %get3A_357 = tpu.vector_load %arg10[%get3A_355, %get3A_356] {strides = array<i32>} : memref<432x48xi32, #tpu.memory_space<vmem>>, vector<16xi32>,
      %get3A_358 = arith.index_cast %scan3A_247 : i32 to index
      %get3A_359 = arith.constant 32 : index
      %get3A_360 = tpu.vector_load %arg11[%get3A_358, %get3A_359] {strides = array<i32>} : memref<432x48xi32, #tpu.memory_space<vmem>>, vector<16xi32>,
      %add3A_361 = arith.constant 0 : i32
      %add3A_362 = vector.broadcast %add3A_361 : i32 to vector<16xi32>
      %add3A_363 = arith.addi %get3A_357, %add3A_362 : vector<16xi32>
      %gather3A_364 = tpu.vector_load_idx %arg9[%add3A_363] : memref<40064xf32, #tpu.memory_space<vmem>>[vector<16xi32>], vector<16xf32>,
      %add3A_365 = arith.constant 20032 : i32
      %add3A_366 = vector.broadcast %add3A_365 : i32 to vector<16xi32>
      %add3A_367 = arith.addi %get3A_360, %add3A_366 : vector<16xi32>
      %gather3A_368 = tpu.vector_load_idx %arg9[%add3A_367] : memref<40064xf32, #tpu.memory_space<vmem>>[vector<16xi32>], vector<16xf32>,
      %add3A_369 = arith.addf %gather3A_364, %gather3A_368 : vector<16xf32>
      %mul3A_370 = arith.constant 2.000000e-01 : f32
      %mul3A_371 = vector.broadcast %mul3A_370 : f32 to vector<16xf32>
      %mul3A_372 = arith.mulf %add3A_369, %mul3A_371 : vector<16xf32>
      %max3A_373 = arith.maximumf %add3A_369, %mul3A_372 : vector<16xf32>
      %exp3A_374 = math.exp %max3A_373 : vector<16xf32>
      %swap3A_375 = arith.constant 0 : i32
      %swap3A_376 = arith.index_cast %swap3A_375 : i32 to index
      %swap3A_377 = arith.constant 32 : index
      %swap3A_378 = tpu.vector_load %arg13[%swap3A_376, %swap3A_377] {strides = array<i32>} : memref<2x48xf32, #tpu.memory_space<vmem>>, vector<16xf32>,
      tpu.vector_store %arg13[%swap3A_376, %swap3A_377], %exp3A_374 {strides = array<i32>} : memref<2x48xf32, #tpu.memory_space<vmem>>, vector<16xf32>,
      %add3A_379 = arith.constant 32 : i32
      %add3A_380 = vector.broadcast %add3A_379 : i32 to vector<16xi32>
      %add3A_381 = arith.addi %add3A_380, %iota3A : vector<16xi32>
      %broadcast_in_dim3A_382 = arith.constant 0 : i32
      %broadcast_in_dim3A_383 = vector.broadcast %broadcast_in_dim3A_382 : i32 to vector<16xi32>
      tpu.vector_store_idx %arg14[%add3A_381, %broadcast_in_dim3A_383], %exp3A_374 : memref<48x8xf32, #tpu.memory_space<vmem>>[vector<16xi32>, vector<16xi32>], vector<16xf32>,
      %add3A_384 = arith.constant 10016 : i32
      %add3A_385 = vector.broadcast %add3A_384 : i32 to vector<16xi32>
      %add3A_386 = arith.addi %get3A_357, %add3A_385 : vector<16xi32>
      %gather3A_387 = tpu.vector_load_idx %arg9[%add3A_386] : memref<40064xf32, #tpu.memory_space<vmem>>[vector<16xi32>], vector<16xf32>,
      %add3A_388 = arith.constant 30048 : i32
      %add3A_389 = vector.broadcast %add3A_388 : i32 to vector<16xi32>
      %add3A_390 = arith.addi %get3A_360, %add3A_389 : vector<16xi32>
      %gather3A_391 = tpu.vector_load_idx %arg9[%add3A_390] : memref<40064xf32, #tpu.memory_space<vmem>>[vector<16xi32>], vector<16xf32>,
      %add3A_392 = arith.addf %gather3A_387, %gather3A_391 : vector<16xf32>
      %mul3A_393 = arith.constant 2.000000e-01 : f32
      %mul3A_394 = vector.broadcast %mul3A_393 : f32 to vector<16xf32>
      %mul3A_395 = arith.mulf %add3A_392, %mul3A_394 : vector<16xf32>
      %max3A_396 = arith.maximumf %add3A_392, %mul3A_395 : vector<16xf32>
      %exp3A_397 = math.exp %max3A_396 : vector<16xf32>
      %swap3A_398 = arith.constant 1 : i32
      %swap3A_399 = arith.index_cast %swap3A_398 : i32 to index
      %swap3A_400 = arith.constant 32 : index
      %swap3A_401 = tpu.vector_load %arg13[%swap3A_399, %swap3A_400] {strides = array<i32>} : memref<2x48xf32, #tpu.memory_space<vmem>>, vector<16xf32>,
      tpu.vector_store %arg13[%swap3A_399, %swap3A_400], %exp3A_397 {strides = array<i32>} : memref<2x48xf32, #tpu.memory_space<vmem>>, vector<16xf32>,
      %add3A_402 = arith.constant 32 : i32
      %add3A_403 = vector.broadcast %add3A_402 : i32 to vector<16xi32>
      %add3A_404 = arith.addi %add3A_403, %iota3A : vector<16xi32>
      %broadcast_in_dim3A_405 = arith.constant 1 : i32
      %broadcast_in_dim3A_406 = vector.broadcast %broadcast_in_dim3A_405 : i32 to vector<16xi32>
      tpu.vector_store_idx %arg14[%add3A_404, %broadcast_in_dim3A_406], %exp3A_397 : memref<48x8xf32, #tpu.memory_space<vmem>>[vector<16xi32>, vector<16xi32>], vector<16xf32>,
      %dma_wait3A = arith.constant 0 : i32
      %dma_wait3A_407 = tpu.memref_slice %arg10[%scan3A_247, %dma_wait3A] : memref<432x48xi32, #tpu.memory_space<vmem>> -> memref<1x48xi32, #tpu.memory_space<vmem>>
      %dma_wait3A_408 = tpu.memref_squeeze %dma_wait3A_407 : memref<1x48xi32, #tpu.memory_space<vmem>> -> memref<48xi32, #tpu.memory_space<vmem>>
      %dma_wait3A_409 = arith.constant 0 : i32
      %dma_wait3A_410 = arith.constant 0 : i32
      %dma_wait3A_411 = tpu.memref_slice %arg2[%dma_wait3A_409, %dma_wait3A_410] : memref<10016x64xf32, #tpu.memory_space<hbm>> -> memref<10016x64xf32, #tpu.memory_space<hbm>>
      tpu.wait_indirect_dma semaphore(%arg17 : memref<!tpu.dma_semaphore, #tpu.memory_space<semaphore_mem>>) src(%dma_wait3A_411 : memref<10016x64xf32, #tpu.memory_space<hbm>>) dst(%arg12 : memref<48x64xf32, #tpu.memory_space<vmem>>)
      %get3A_412 = arith.constant 0 : i32
      %get3A_413 = arith.index_cast %get3A_412 : i32 to index
      %get3A_414 = arith.constant 0 : index
      %get3A_415 = tpu.vector_load %arg13[%get3A_413, %get3A_414] {strides = array<i32>} : memref<2x48xf32, #tpu.memory_space<vmem>>, vector<16xf32>,
      %get3A_416 = arith.constant 1 : i32
      %get3A_417 = arith.index_cast %get3A_416 : i32 to index
      %get3A_418 = arith.constant 0 : index
      %get3A_419 = tpu.vector_load %arg13[%get3A_417, %get3A_418] {strides = array<i32>} : memref<2x48xf32, #tpu.memory_space<vmem>>, vector<16xf32>,
      %slice3A = vector.extract_strided_slice %get3A_415 {offsets = [0], sizes = [1], strides = [1]} : vector<16xf32> to vector<1xf32>
      %squeeze3A = vector.extract %slice3A[0] : f32 from vector<1xf32>
      %get3A_420 = arith.constant 0 : i32
      %get3A_421 = arith.index_cast %get3A_420 : i32 to index
      %get3A_422 = arith.constant 0 : index
      %get3A_423 = tpu.vector_load %arg12[%get3A_421, %get3A_422] {strides = array<i32>} : memref<48x64xf32, #tpu.memory_space<vmem>>, vector<16xf32>,
      %mul3A_424 = vector.broadcast %squeeze3A : f32 to vector<16xf32>
      %mul3A_425 = arith.mulf %get3A_423, %mul3A_424 : vector<16xf32>
      %swap3A_426 = arith.constant 0 : i32
      %swap3A_427 = arith.index_cast %swap3A_426 : i32 to index
      %swap3A_428 = arith.constant 0 : index
      %swap3A_429 = tpu.vector_load %arg12[%swap3A_427, %swap3A_428] {strides = array<i32>} : memref<48x64xf32, #tpu.memory_space<vmem>>, vector<16xf32>,
      tpu.vector_store %arg12[%swap3A_427, %swap3A_428], %mul3A_425 {strides = array<i32>} : memref<48x64xf32, #tpu.memory_space<vmem>>, vector<16xf32>,
      %slice3A_430 = vector.extract_strided_slice %get3A_415 {offsets = [0], sizes = [1], strides = [1]} : vector<16xf32> to vector<1xf32>
      %squeeze3A_431 = vector.extract %slice3A_430[0] : f32 from vector<1xf32>
      %get3A_432 = arith.constant 0 : i32
      %get3A_433 = arith.index_cast %get3A_432 : i32 to index
      %get3A_434 = arith.constant 16 : index
      %get3A_435 = tpu.vector_load %arg12[%get3A_433, %get3A_434] {strides = array<i32>} : memref<48x64xf32, #tpu.memory_space<vmem>>, vector<16xf32>,
      %mul3A_436 = vector.broadcast %squeeze3A_431 : f32 to vector<16xf32>
      %mul3A_437 = arith.mulf %get3A_435, %mul3A_436 : vector<16xf32>
      %swap3A_438 = arith.constant 0 : i32
      %swap3A_439 = arith.index_cast %swap3A_438 : i32 to index
      %swap3A_440 = arith.constant 16 : index
      %swap3A_441 = tpu.vector_load %arg12[%swap3A_439, %swap3A_440] {strides = array<i32>} : memref<48x64xf32, #tpu.memory_space<vmem>>, vector<16xf32>,
      tpu.vector_store %arg12[%swap3A_439, %swap3A_440], %mul3A_437 {strides = array<i32>} : memref<48x64xf32, #tpu.memory_space<vmem>>, vector<16xf32>,
      %slice3A_442 = vector.extract_strided_slice %get3A_419 {offsets = [0], sizes = [1], strides = [1]} : vector<16xf32> to vector<1xf32>
      %squeeze3A_443 = vector.extract %slice3A_442[0] : f32 from vector<1xf32>
      %get3A_444 = arith.constant 0 : i32
      %get3A_445 = arith.index_cast %get3A_444 : i32 to index
      %get3A_446 = arith.constant 32 : index
      %get3A_447 = tpu.vector_load %arg12[%get3A_445, %get3A_446] {strides = array<i32>} : memref<48x64xf32, #tpu.memory_space<vmem>>, vector<16xf32>,
      %mul3A_448 = vector.broadcast %squeeze3A_443 : f32 to vector<16xf32>
      %mul3A_449 = arith.mulf %get3A_447, %mul3A_448 : vector<16xf32>
      %swap3A_450 = arith.constant 0 : i32
      %swap3A_451 = arith.index_cast %swap3A_450 : i32 to index
      %swap3A_452 = arith.constant 32 : index
      %swap3A_453 = tpu.vector_load %arg12[%swap3A_451, %swap3A_452] {strides = array<i32>} : memref<48x64xf32, #tpu.memory_space<vmem>>, vector<16xf32>,
      tpu.vector_store %arg12[%swap3A_451, %swap3A_452], %mul3A_449 {strides = array<i32>} : memref<48x64xf32, #tpu.memory_space<vmem>>, vector<16xf32>,
      %slice3A_454 = vector.extract_strided_slice %get3A_419 {offsets = [0], sizes = [1], strides = [1]} : vector<16xf32> to vector<1xf32>
      %squeeze3A_455 = vector.extract %slice3A_454[0] : f32 from vector<1xf32>
      %get3A_456 = arith.constant 0 : i32
      %get3A_457 = arith.index_cast %get3A_456 : i32 to index
      %get3A_458 = arith.constant 48 : index
      %get3A_459 = tpu.vector_load %arg12[%get3A_457, %get3A_458] {strides = array<i32>} : memref<48x64xf32, #tpu.memory_space<vmem>>, vector<16xf32>,
      %mul3A_460 = vector.broadcast %squeeze3A_455 : f32 to vector<16xf32>
      %mul3A_461 = arith.mulf %get3A_459, %mul3A_460 : vector<16xf32>
      %swap3A_462 = arith.constant 0 : i32
      %swap3A_463 = arith.index_cast %swap3A_462 : i32 to index
      %swap3A_464 = arith.constant 48 : index
      %swap3A_465 = tpu.vector_load %arg12[%swap3A_463, %swap3A_464] {strides = array<i32>} : memref<48x64xf32, #tpu.memory_space<vmem>>, vector<16xf32>,
      tpu.vector_store %arg12[%swap3A_463, %swap3A_464], %mul3A_461 {strides = array<i32>} : memref<48x64xf32, #tpu.memory_space<vmem>>, vector<16xf32>,
      %slice3A_466 = vector.extract_strided_slice %get3A_415 {offsets = [1], sizes = [1], strides = [1]} : vector<16xf32> to vector<1xf32>
      %squeeze3A_467 = vector.extract %slice3A_466[0] : f32 from vector<1xf32>
      %get3A_468 = arith.constant 1 : i32
      %get3A_469 = arith.index_cast %get3A_468 : i32 to index
      %get3A_470 = arith.constant 0 : index
      %get3A_471 = tpu.vector_load %arg12[%get3A_469, %get3A_470] {strides = array<i32>} : memref<48x64xf32, #tpu.memory_space<vmem>>, vector<16xf32>,
      %mul3A_472 = vector.broadcast %squeeze3A_467 : f32 to vector<16xf32>
      %mul3A_473 = arith.mulf %get3A_471, %mul3A_472 : vector<16xf32>
      %swap3A_474 = arith.constant 1 : i32
      %swap3A_475 = arith.index_cast %swap3A_474 : i32 to index
      %swap3A_476 = arith.constant 0 : index
      %swap3A_477 = tpu.vector_load %arg12[%swap3A_475, %swap3A_476] {strides = array<i32>} : memref<48x64xf32, #tpu.memory_space<vmem>>, vector<16xf32>,
      tpu.vector_store %arg12[%swap3A_475, %swap3A_476], %mul3A_473 {strides = array<i32>} : memref<48x64xf32, #tpu.memory_space<vmem>>, vector<16xf32>,
      %slice3A_478 = vector.extract_strided_slice %get3A_415 {offsets = [1], sizes = [1], strides = [1]} : vector<16xf32> to vector<1xf32>
      %squeeze3A_479 = vector.extract %slice3A_478[0] : f32 from vector<1xf32>
      %get3A_480 = arith.constant 1 : i32
      %get3A_481 = arith.index_cast %get3A_480 : i32 to index
      %get3A_482 = arith.constant 16 : index
      %get3A_483 = tpu.vector_load %arg12[%get3A_481, %get3A_482] {strides = array<i32>} : memref<48x64xf32, #tpu.memory_space<vmem>>, vector<16xf32>,
      %mul3A_484 = vector.broadcast %squeeze3A_479 : f32 to vector<16xf32>
      %mul3A_485 = arith.mulf %get3A_483, %mul3A_484 : vector<16xf32>
      %swap3A_486 = arith.constant 1 : i32
      %swap3A_487 = arith.index_cast %swap3A_486 : i32 to index
      %swap3A_488 = arith.constant 16 : index
      %swap3A_489 = tpu.vector_load %arg12[%swap3A_487, %swap3A_488] {strides = array<i32>} : memref<48x64xf32, #tpu.memory_space<vmem>>, vector<16xf32>,
      tpu.vector_store %arg12[%swap3A_487, %swap3A_488], %mul3A_485 {strides = array<i32>} : memref<48x64xf32, #tpu.memory_space<vmem>>, vector<16xf32>,
      %slice3A_490 = vector.extract_strided_slice %get3A_419 {offsets = [1], sizes = [1], strides = [1]} : vector<16xf32> to vector<1xf32>
      %squeeze3A_491 = vector.extract %slice3A_490[0] : f32 from vector<1xf32>
      %get3A_492 = arith.constant 1 : i32
      %get3A_493 = arith.index_cast %get3A_492 : i32 to index
      %get3A_494 = arith.constant 32 : index
      %get3A_495 = tpu.vector_load %arg12[%get3A_493, %get3A_494] {strides = array<i32>} : memref<48x64xf32, #tpu.memory_space<vmem>>, vector<16xf32>,
      %mul3A_496 = vector.broadcast %squeeze3A_491 : f32 to vector<16xf32>
      %mul3A_497 = arith.mulf %get3A_495, %mul3A_496 : vector<16xf32>
      %swap3A_498 = arith.constant 1 : i32
      %swap3A_499 = arith.index_cast %swap3A_498 : i32 to index
      %swap3A_500 = arith.constant 32 : index
      %swap3A_501 = tpu.vector_load %arg12[%swap3A_499, %swap3A_500] {strides = array<i32>} : memref<48x64xf32, #tpu.memory_space<vmem>>, vector<16xf32>,
      tpu.vector_store %arg12[%swap3A_499, %swap3A_500], %mul3A_497 {strides = array<i32>} : memref<48x64xf32, #tpu.memory_space<vmem>>, vector<16xf32>,
      %slice3A_502 = vector.extract_strided_slice %get3A_419 {offsets = [1], sizes = [1], strides = [1]} : vector<16xf32> to vector<1xf32>
      %squeeze3A_503 = vector.extract %slice3A_502[0] : f32 from vector<1xf32>
      %get3A_504 = arith.constant 1 : i32
      %get3A_505 = arith.index_cast %get3A_504 : i32 to index
      %get3A_506 = arith.constant 48 : index
      %get3A_507 = tpu.vector_load %arg12[%get3A_505, %get3A_506] {strides = array<i32>} : memref<48x64xf32, #tpu.memory_space<vmem>>, vector<16xf32>,
      %mul3A_508 = vector.broadcast %squeeze3A_503 : f32 to vector<16xf32>
      %mul3A_509 = arith.mulf %get3A_507, %mul3A_508 : vector<16xf32>
      %swap3A_510 = arith.constant 1 : i32
      %swap3A_511 = arith.index_cast %swap3A_510 : i32 to index
      %swap3A_512 = arith.constant 48 : index
      %swap3A_513 = tpu.vector_load %arg12[%swap3A_511, %swap3A_512] {strides = array<i32>} : memref<48x64xf32, #tpu.memory_space<vmem>>, vector<16xf32>,
      tpu.vector_store %arg12[%swap3A_511, %swap3A_512], %mul3A_509 {strides = array<i32>} : memref<48x64xf32, #tpu.memory_space<vmem>>, vector<16xf32>,
      %slice3A_514 = vector.extract_strided_slice %get3A_415 {offsets = [2], sizes = [1], strides = [1]} : vector<16xf32> to vector<1xf32>
      %squeeze3A_515 = vector.extract %slice3A_514[0] : f32 from vector<1xf32>
      %get3A_516 = arith.constant 2 : i32
      %get3A_517 = arith.index_cast %get3A_516 : i32 to index
      %get3A_518 = arith.constant 0 : index
      %get3A_519 = tpu.vector_load %arg12[%get3A_517, %get3A_518] {strides = array<i32>} : memref<48x64xf32, #tpu.memory_space<vmem>>, vector<16xf32>,
      %mul3A_520 = vector.broadcast %squeeze3A_515 : f32 to vector<16xf32>
      %mul3A_521 = arith.mulf %get3A_519, %mul3A_520 : vector<16xf32>
      %swap3A_522 = arith.constant 2 : i32
      %swap3A_523 = arith.index_cast %swap3A_522 : i32 to index
      %swap3A_524 = arith.constant 0 : index
      %swap3A_525 = tpu.vector_load %arg12[%swap3A_523, %swap3A_524] {strides = array<i32>} : memref<48x64xf32, #tpu.memory_space<vmem>>, vector<16xf32>,
      tpu.vector_store %arg12[%swap3A_523, %swap3A_524], %mul3A_521 {strides = array<i32>} : memref<48x64xf32, #tpu.memory_space<vmem>>, vector<16xf32>,
      %slice3A_526 = vector.extract_strided_slice %get3A_415 {offsets = [2], sizes = [1], strides = [1]} : vector<16xf32> to vector<1xf32>
      %squeeze3A_527 = vector.extract %slice3A_526[0] : f32 from vector<1xf32>
      %get3A_528 = arith.constant 2 : i32
      %get3A_529 = arith.index_cast %get3A_528 : i32 to index
      %get3A_530 = arith.constant 16 : index
      %get3A_531 = tpu.vector_load %arg12[%get3A_529, %get3A_530] {strides = array<i32>} : memref<48x64xf32, #tpu.memory_space<vmem>>, vector<16xf32>,
      %mul3A_532 = vector.broadcast %squeeze3A_527 : f32 to vector<16xf32>
      %mul3A_533 = arith.mulf %get3A_531, %mul3A_532 : vector<16xf32>
      %swap3A_534 = arith.constant 2 : i32
      %swap3A_535 = arith.index_cast %swap3A_534 : i32 to index
      %swap3A_536 = arith.constant 16 : index
      %swap3A_537 = tpu.vector_load %arg12[%swap3A_535, %swap3A_536] {strides = array<i32>} : memref<48x64xf32, #tpu.memory_space<vmem>>, vector<16xf32>,
      tpu.vector_store %arg12[%swap3A_535, %swap3A_536], %mul3A_533 {strides = array<i32>} : memref<48x64xf32, #tpu.memory_space<vmem>>, vector<16xf32>,
      %slice3A_538 = vector.extract_strided_slice %get3A_419 {offsets = [2], sizes = [1], strides = [1]} : vector<16xf32> to vector<1xf32>
      %squeeze3A_539 = vector.extract %slice3A_538[0] : f32 from vector<1xf32>
      %get3A_540 = arith.constant 2 : i32
      %get3A_541 = arith.index_cast %get3A_540 : i32 to index
      %get3A_542 = arith.constant 32 : index
      %get3A_543 = tpu.vector_load %arg12[%get3A_541, %get3A_542] {strides = array<i32>} : memref<48x64xf32, #tpu.memory_space<vmem>>, vector<16xf32>,
      %mul3A_544 = vector.broadcast %squeeze3A_539 : f32 to vector<16xf32>
      %mul3A_545 = arith.mulf %get3A_543, %mul3A_544 : vector<16xf32>
      %swap3A_546 = arith.constant 2 : i32
      %swap3A_547 = arith.index_cast %swap3A_546 : i32 to index
      %swap3A_548 = arith.constant 32 : index
      %swap3A_549 = tpu.vector_load %arg12[%swap3A_547, %swap3A_548] {strides = array<i32>} : memref<48x64xf32, #tpu.memory_space<vmem>>, vector<16xf32>,
      tpu.vector_store %arg12[%swap3A_547, %swap3A_548], %mul3A_545 {strides = array<i32>} : memref<48x64xf32, #tpu.memory_space<vmem>>, vector<16xf32>,
      %slice3A_550 = vector.extract_strided_slice %get3A_419 {offsets = [2], sizes = [1], strides = [1]} : vector<16xf32> to vector<1xf32>
      %squeeze3A_551 = vector.extract %slice3A_550[0] : f32 from vector<1xf32>
      %get3A_552 = arith.constant 2 : i32
      %get3A_553 = arith.index_cast %get3A_552 : i32 to index
      %get3A_554 = arith.constant 48 : index
      %get3A_555 = tpu.vector_load %arg12[%get3A_553, %get3A_554] {strides = array<i32>} : memref<48x64xf32, #tpu.memory_space<vmem>>, vector<16xf32>,
      %mul3A_556 = vector.broadcast %squeeze3A_551 : f32 to vector<16xf32>
      %mul3A_557 = arith.mulf %get3A_555, %mul3A_556 : vector<16xf32>
      %swap3A_558 = arith.constant 2 : i32
      %swap3A_559 = arith.index_cast %swap3A_558 : i32 to index
      %swap3A_560 = arith.constant 48 : index
      %swap3A_561 = tpu.vector_load %arg12[%swap3A_559, %swap3A_560] {strides = array<i32>} : memref<48x64xf32, #tpu.memory_space<vmem>>, vector<16xf32>,
      tpu.vector_store %arg12[%swap3A_559, %swap3A_560], %mul3A_557 {strides = array<i32>} : memref<48x64xf32, #tpu.memory_space<vmem>>, vector<16xf32>,
      %slice3A_562 = vector.extract_strided_slice %get3A_415 {offsets = [3], sizes = [1], strides = [1]} : vector<16xf32> to vector<1xf32>
      %squeeze3A_563 = vector.extract %slice3A_562[0] : f32 from vector<1xf32>
      %get3A_564 = arith.constant 3 : i32
      %get3A_565 = arith.index_cast %get3A_564 : i32 to index
      %get3A_566 = arith.constant 0 : index
      %get3A_567 = tpu.vector_load %arg12[%get3A_565, %get3A_566] {strides = array<i32>} : memref<48x64xf32, #tpu.memory_space<vmem>>, vector<16xf32>,
      %mul3A_568 = vector.broadcast %squeeze3A_563 : f32 to vector<16xf32>
      %mul3A_569 = arith.mulf %get3A_567, %mul3A_568 : vector<16xf32>
      %swap3A_570 = arith.constant 3 : i32
      %swap3A_571 = arith.index_cast %swap3A_570 : i32 to index
      %swap3A_572 = arith.constant 0 : index
      %swap3A_573 = tpu.vector_load %arg12[%swap3A_571, %swap3A_572] {strides = array<i32>} : memref<48x64xf32, #tpu.memory_space<vmem>>, vector<16xf32>,
      tpu.vector_store %arg12[%swap3A_571, %swap3A_572], %mul3A_569 {strides = array<i32>} : memref<48x64xf32, #tpu.memory_space<vmem>>, vector<16xf32>,
      %slice3A_574 = vector.extract_strided_slice %get3A_415 {offsets = [3], sizes = [1], strides = [1]} : vector<16xf32> to vector<1xf32>
      %squeeze3A_575 = vector.extract %slice3A_574[0] : f32 from vector<1xf32>
      %get3A_576 = arith.constant 3 : i32
      %get3A_577 = arith.index_cast %get3A_576 : i32 to index
      %get3A_578 = arith.constant 16 : index
      %get3A_579 = tpu.vector_load %arg12[%get3A_577, %get3A_578] {strides = array<i32>} : memref<48x64xf32, #tpu.memory_space<vmem>>, vector<16xf32>,
      %mul3A_580 = vector.broadcast %squeeze3A_575 : f32 to vector<16xf32>
      %mul3A_581 = arith.mulf %get3A_579, %mul3A_580 : vector<16xf32>
      %swap3A_582 = arith.constant 3 : i32
      %swap3A_583 = arith.index_cast %swap3A_582 : i32 to index
      %swap3A_584 = arith.constant 16 : index
      %swap3A_585 = tpu.vector_load %arg12[%swap3A_583, %swap3A_584] {strides = array<i32>} : memref<48x64xf32, #tpu.memory_space<vmem>>, vector<16xf32>,
      tpu.vector_store %arg12[%swap3A_583, %swap3A_584], %mul3A_581 {strides = array<i32>} : memref<48x64xf32, #tpu.memory_space<vmem>>, vector<16xf32>,
      %slice3A_586 = vector.extract_strided_slice %get3A_419 {offsets = [3], sizes = [1], strides = [1]} : vector<16xf32> to vector<1xf32>
      %squeeze3A_587 = vector.extract %slice3A_586[0] : f32 from vector<1xf32>
      %get3A_588 = arith.constant 3 : i32
      %get3A_589 = arith.index_cast %get3A_588 : i32 to index
      %get3A_590 = arith.constant 32 : index
      %get3A_591 = tpu.vector_load %arg12[%get3A_589, %get3A_590] {strides = array<i32>} : memref<48x64xf32, #tpu.memory_space<vmem>>, vector<16xf32>,
      %mul3A_592 = vector.broadcast %squeeze3A_587 : f32 to vector<16xf32>
      %mul3A_593 = arith.mulf %get3A_591, %mul3A_592 : vector<16xf32>
      %swap3A_594 = arith.constant 3 : i32
      %swap3A_595 = arith.index_cast %swap3A_594 : i32 to index
      %swap3A_596 = arith.constant 32 : index
      %swap3A_597 = tpu.vector_load %arg12[%swap3A_595, %swap3A_596] {strides = array<i32>} : memref<48x64xf32, #tpu.memory_space<vmem>>, vector<16xf32>,
      tpu.vector_store %arg12[%swap3A_595, %swap3A_596], %mul3A_593 {strides = array<i32>} : memref<48x64xf32, #tpu.memory_space<vmem>>, vector<16xf32>,
      %slice3A_598 = vector.extract_strided_slice %get3A_419 {offsets = [3], sizes = [1], strides = [1]} : vector<16xf32> to vector<1xf32>
      %squeeze3A_599 = vector.extract %slice3A_598[0] : f32 from vector<1xf32>
      %get3A_600 = arith.constant 3 : i32
      %get3A_601 = arith.index_cast %get3A_600 : i32 to index
      %get3A_602 = arith.constant 48 : index
      %get3A_603 = tpu.vector_load %arg12[%get3A_601, %get3A_602] {strides = array<i32>} : memref<48x64xf32, #tpu.memory_space<vmem>>, vector<16xf32>,
      %mul3A_604 = vector.broadcast %squeeze3A_599 : f32 to vector<16xf32>
      %mul3A_605 = arith.mulf %get3A_603, %mul3A_604 : vector<16xf32>
      %swap3A_606 = arith.constant 3 : i32
      %swap3A_607 = arith.index_cast %swap3A_606 : i32 to index
      %swap3A_608 = arith.constant 48 : index
      %swap3A_609 = tpu.vector_load %arg12[%swap3A_607, %swap3A_608] {strides = array<i32>} : memref<48x64xf32, #tpu.memory_space<vmem>>, vector<16xf32>,
      tpu.vector_store %arg12[%swap3A_607, %swap3A_608], %mul3A_605 {strides = array<i32>} : memref<48x64xf32, #tpu.memory_space<vmem>>, vector<16xf32>,
      %slice3A_610 = vector.extract_strided_slice %get3A_415 {offsets = [4], sizes = [1], strides = [1]} : vector<16xf32> to vector<1xf32>
      %squeeze3A_611 = vector.extract %slice3A_610[0] : f32 from vector<1xf32>
      %get3A_612 = arith.constant 4 : i32
      %get3A_613 = arith.index_cast %get3A_612 : i32 to index
      %get3A_614 = arith.constant 0 : index
      %get3A_615 = tpu.vector_load %arg12[%get3A_613, %get3A_614] {strides = array<i32>} : memref<48x64xf32, #tpu.memory_space<vmem>>, vector<16xf32>,
      %mul3A_616 = vector.broadcast %squeeze3A_611 : f32 to vector<16xf32>
      %mul3A_617 = arith.mulf %get3A_615, %mul3A_616 : vector<16xf32>
      %swap3A_618 = arith.constant 4 : i32
      %swap3A_619 = arith.index_cast %swap3A_618 : i32 to index
      %swap3A_620 = arith.constant 0 : index
      %swap3A_621 = tpu.vector_load %arg12[%swap3A_619, %swap3A_620] {strides = array<i32>} : memref<48x64xf32, #tpu.memory_space<vmem>>, vector<16xf32>,
      tpu.vector_store %arg12[%swap3A_619, %swap3A_620], %mul3A_617 {strides = array<i32>} : memref<48x64xf32, #tpu.memory_space<vmem>>, vector<16xf32>,
      %slice3A_622 = vector.extract_strided_slice %get3A_415 {offsets = [4], sizes = [1], strides = [1]} : vector<16xf32> to vector<1xf32>
      %squeeze3A_623 = vector.extract %slice3A_622[0] : f32 from vector<1xf32>
      %get3A_624 = arith.constant 4 : i32
      %get3A_625 = arith.index_cast %get3A_624 : i32 to index
      %get3A_626 = arith.constant 16 : index
      %get3A_627 = tpu.vector_load %arg12[%get3A_625, %get3A_626] {strides = array<i32>} : memref<48x64xf32, #tpu.memory_space<vmem>>, vector<16xf32>,
      %mul3A_628 = vector.broadcast %squeeze3A_623 : f32 to vector<16xf32>
      %mul3A_629 = arith.mulf %get3A_627, %mul3A_628 : vector<16xf32>
      %swap3A_630 = arith.constant 4 : i32
      %swap3A_631 = arith.index_cast %swap3A_630 : i32 to index
      %swap3A_632 = arith.constant 16 : index
      %swap3A_633 = tpu.vector_load %arg12[%swap3A_631, %swap3A_632] {strides = array<i32>} : memref<48x64xf32, #tpu.memory_space<vmem>>, vector<16xf32>,
      tpu.vector_store %arg12[%swap3A_631, %swap3A_632], %mul3A_629 {strides = array<i32>} : memref<48x64xf32, #tpu.memory_space<vmem>>, vector<16xf32>,
      %slice3A_634 = vector.extract_strided_slice %get3A_419 {offsets = [4], sizes = [1], strides = [1]} : vector<16xf32> to vector<1xf32>
      %squeeze3A_635 = vector.extract %slice3A_634[0] : f32 from vector<1xf32>
      %get3A_636 = arith.constant 4 : i32
      %get3A_637 = arith.index_cast %get3A_636 : i32 to index
      %get3A_638 = arith.constant 32 : index
      %get3A_639 = tpu.vector_load %arg12[%get3A_637, %get3A_638] {strides = array<i32>} : memref<48x64xf32, #tpu.memory_space<vmem>>, vector<16xf32>,
      %mul3A_640 = vector.broadcast %squeeze3A_635 : f32 to vector<16xf32>
      %mul3A_641 = arith.mulf %get3A_639, %mul3A_640 : vector<16xf32>
      %swap3A_642 = arith.constant 4 : i32
      %swap3A_643 = arith.index_cast %swap3A_642 : i32 to index
      %swap3A_644 = arith.constant 32 : index
      %swap3A_645 = tpu.vector_load %arg12[%swap3A_643, %swap3A_644] {strides = array<i32>} : memref<48x64xf32, #tpu.memory_space<vmem>>, vector<16xf32>,
      tpu.vector_store %arg12[%swap3A_643, %swap3A_644], %mul3A_641 {strides = array<i32>} : memref<48x64xf32, #tpu.memory_space<vmem>>, vector<16xf32>,
      %slice3A_646 = vector.extract_strided_slice %get3A_419 {offsets = [4], sizes = [1], strides = [1]} : vector<16xf32> to vector<1xf32>
      %squeeze3A_647 = vector.extract %slice3A_646[0] : f32 from vector<1xf32>
      %get3A_648 = arith.constant 4 : i32
      %get3A_649 = arith.index_cast %get3A_648 : i32 to index
      %get3A_650 = arith.constant 48 : index
      %get3A_651 = tpu.vector_load %arg12[%get3A_649, %get3A_650] {strides = array<i32>} : memref<48x64xf32, #tpu.memory_space<vmem>>, vector<16xf32>,
      %mul3A_652 = vector.broadcast %squeeze3A_647 : f32 to vector<16xf32>
      %mul3A_653 = arith.mulf %get3A_651, %mul3A_652 : vector<16xf32>
      %swap3A_654 = arith.constant 4 : i32
      %swap3A_655 = arith.index_cast %swap3A_654 : i32 to index
      %swap3A_656 = arith.constant 48 : index
      %swap3A_657 = tpu.vector_load %arg12[%swap3A_655, %swap3A_656] {strides = array<i32>} : memref<48x64xf32, #tpu.memory_space<vmem>>, vector<16xf32>,
      tpu.vector_store %arg12[%swap3A_655, %swap3A_656], %mul3A_653 {strides = array<i32>} : memref<48x64xf32, #tpu.memory_space<vmem>>, vector<16xf32>,
      %slice3A_658 = vector.extract_strided_slice %get3A_415 {offsets = [5], sizes = [1], strides = [1]} : vector<16xf32> to vector<1xf32>
      %squeeze3A_659 = vector.extract %slice3A_658[0] : f32 from vector<1xf32>
      %get3A_660 = arith.constant 5 : i32
      %get3A_661 = arith.index_cast %get3A_660 : i32 to index
      %get3A_662 = arith.constant 0 : index
      %get3A_663 = tpu.vector_load %arg12[%get3A_661, %get3A_662] {strides = array<i32>} : memref<48x64xf32, #tpu.memory_space<vmem>>, vector<16xf32>,
      %mul3A_664 = vector.broadcast %squeeze3A_659 : f32 to vector<16xf32>
      %mul3A_665 = arith.mulf %get3A_663, %mul3A_664 : vector<16xf32>
      %swap3A_666 = arith.constant 5 : i32
      %swap3A_667 = arith.index_cast %swap3A_666 : i32 to index
      %swap3A_668 = arith.constant 0 : index
      %swap3A_669 = tpu.vector_load %arg12[%swap3A_667, %swap3A_668] {strides = array<i32>} : memref<48x64xf32, #tpu.memory_space<vmem>>, vector<16xf32>,
      tpu.vector_store %arg12[%swap3A_667, %swap3A_668], %mul3A_665 {strides = array<i32>} : memref<48x64xf32, #tpu.memory_space<vmem>>, vector<16xf32>,
      %slice3A_670 = vector.extract_strided_slice %get3A_415 {offsets = [5], sizes = [1], strides = [1]} : vector<16xf32> to vector<1xf32>
      %squeeze3A_671 = vector.extract %slice3A_670[0] : f32 from vector<1xf32>
      %get3A_672 = arith.constant 5 : i32
      %get3A_673 = arith.index_cast %get3A_672 : i32 to index
      %get3A_674 = arith.constant 16 : index
      %get3A_675 = tpu.vector_load %arg12[%get3A_673, %get3A_674] {strides = array<i32>} : memref<48x64xf32, #tpu.memory_space<vmem>>, vector<16xf32>,
      %mul3A_676 = vector.broadcast %squeeze3A_671 : f32 to vector<16xf32>
      %mul3A_677 = arith.mulf %get3A_675, %mul3A_676 : vector<16xf32>
      %swap3A_678 = arith.constant 5 : i32
      %swap3A_679 = arith.index_cast %swap3A_678 : i32 to index
      %swap3A_680 = arith.constant 16 : index
      %swap3A_681 = tpu.vector_load %arg12[%swap3A_679, %swap3A_680] {strides = array<i32>} : memref<48x64xf32, #tpu.memory_space<vmem>>, vector<16xf32>,
      tpu.vector_store %arg12[%swap3A_679, %swap3A_680], %mul3A_677 {strides = array<i32>} : memref<48x64xf32, #tpu.memory_space<vmem>>, vector<16xf32>,
      %slice3A_682 = vector.extract_strided_slice %get3A_419 {offsets = [5], sizes = [1], strides = [1]} : vector<16xf32> to vector<1xf32>
      %squeeze3A_683 = vector.extract %slice3A_682[0] : f32 from vector<1xf32>
      %get3A_684 = arith.constant 5 : i32
      %get3A_685 = arith.index_cast %get3A_684 : i32 to index
      %get3A_686 = arith.constant 32 : index
      %get3A_687 = tpu.vector_load %arg12[%get3A_685, %get3A_686] {strides = array<i32>} : memref<48x64xf32, #tpu.memory_space<vmem>>, vector<16xf32>,
      %mul3A_688 = vector.broadcast %squeeze3A_683 : f32 to vector<16xf32>
      %mul3A_689 = arith.mulf %get3A_687, %mul3A_688 : vector<16xf32>
      %swap3A_690 = arith.constant 5 : i32
      %swap3A_691 = arith.index_cast %swap3A_690 : i32 to index
      %swap3A_692 = arith.constant 32 : index
      %swap3A_693 = tpu.vector_load %arg12[%swap3A_691, %swap3A_692] {strides = array<i32>} : memref<48x64xf32, #tpu.memory_space<vmem>>, vector<16xf32>,
      tpu.vector_store %arg12[%swap3A_691, %swap3A_692], %mul3A_689 {strides = array<i32>} : memref<48x64xf32, #tpu.memory_space<vmem>>, vector<16xf32>,
      %slice3A_694 = vector.extract_strided_slice %get3A_419 {offsets = [5], sizes = [1], strides = [1]} : vector<16xf32> to vector<1xf32>
      %squeeze3A_695 = vector.extract %slice3A_694[0] : f32 from vector<1xf32>
      %get3A_696 = arith.constant 5 : i32
      %get3A_697 = arith.index_cast %get3A_696 : i32 to index
      %get3A_698 = arith.constant 48 : index
      %get3A_699 = tpu.vector_load %arg12[%get3A_697, %get3A_698] {strides = array<i32>} : memref<48x64xf32, #tpu.memory_space<vmem>>, vector<16xf32>,
      %mul3A_700 = vector.broadcast %squeeze3A_695 : f32 to vector<16xf32>
      %mul3A_701 = arith.mulf %get3A_699, %mul3A_700 : vector<16xf32>
      %swap3A_702 = arith.constant 5 : i32
      %swap3A_703 = arith.index_cast %swap3A_702 : i32 to index
      %swap3A_704 = arith.constant 48 : index
      %swap3A_705 = tpu.vector_load %arg12[%swap3A_703, %swap3A_704] {strides = array<i32>} : memref<48x64xf32, #tpu.memory_space<vmem>>, vector<16xf32>,
      tpu.vector_store %arg12[%swap3A_703, %swap3A_704], %mul3A_701 {strides = array<i32>} : memref<48x64xf32, #tpu.memory_space<vmem>>, vector<16xf32>,
      %slice3A_706 = vector.extract_strided_slice %get3A_415 {offsets = [6], sizes = [1], strides = [1]} : vector<16xf32> to vector<1xf32>
      %squeeze3A_707 = vector.extract %slice3A_706[0] : f32 from vector<1xf32>
      %get3A_708 = arith.constant 6 : i32
      %get3A_709 = arith.index_cast %get3A_708 : i32 to index
      %get3A_710 = arith.constant 0 : index
      %get3A_711 = tpu.vector_load %arg12[%get3A_709, %get3A_710] {strides = array<i32>} : memref<48x64xf32, #tpu.memory_space<vmem>>, vector<16xf32>,
      %mul3A_712 = vector.broadcast %squeeze3A_707 : f32 to vector<16xf32>
      %mul3A_713 = arith.mulf %get3A_711, %mul3A_712 : vector<16xf32>
      %swap3A_714 = arith.constant 6 : i32
      %swap3A_715 = arith.index_cast %swap3A_714 : i32 to index
      %swap3A_716 = arith.constant 0 : index
      %swap3A_717 = tpu.vector_load %arg12[%swap3A_715, %swap3A_716] {strides = array<i32>} : memref<48x64xf32, #tpu.memory_space<vmem>>, vector<16xf32>,
      tpu.vector_store %arg12[%swap3A_715, %swap3A_716], %mul3A_713 {strides = array<i32>} : memref<48x64xf32, #tpu.memory_space<vmem>>, vector<16xf32>,
      %slice3A_718 = vector.extract_strided_slice %get3A_415 {offsets = [6], sizes = [1], strides = [1]} : vector<16xf32> to vector<1xf32>
      %squeeze3A_719 = vector.extract %slice3A_718[0] : f32 from vector<1xf32>
      %get3A_720 = arith.constant 6 : i32
      %get3A_721 = arith.index_cast %get3A_720 : i32 to index
      %get3A_722 = arith.constant 16 : index
      %get3A_723 = tpu.vector_load %arg12[%get3A_721, %get3A_722] {strides = array<i32>} : memref<48x64xf32, #tpu.memory_space<vmem>>, vector<16xf32>,
      %mul3A_724 = vector.broadcast %squeeze3A_719 : f32 to vector<16xf32>
      %mul3A_725 = arith.mulf %get3A_723, %mul3A_724 : vector<16xf32>
      %swap3A_726 = arith.constant 6 : i32
      %swap3A_727 = arith.index_cast %swap3A_726 : i32 to index
      %swap3A_728 = arith.constant 16 : index
      %swap3A_729 = tpu.vector_load %arg12[%swap3A_727, %swap3A_728] {strides = array<i32>} : memref<48x64xf32, #tpu.memory_space<vmem>>, vector<16xf32>,
      tpu.vector_store %arg12[%swap3A_727, %swap3A_728], %mul3A_725 {strides = array<i32>} : memref<48x64xf32, #tpu.memory_space<vmem>>, vector<16xf32>,
      %slice3A_730 = vector.extract_strided_slice %get3A_419 {offsets = [6], sizes = [1], strides = [1]} : vector<16xf32> to vector<1xf32>
      %squeeze3A_731 = vector.extract %slice3A_730[0] : f32 from vector<1xf32>
      %get3A_732 = arith.constant 6 : i32
      %get3A_733 = arith.index_cast %get3A_732 : i32 to index
      %get3A_734 = arith.constant 32 : index
      %get3A_735 = tpu.vector_load %arg12[%get3A_733, %get3A_734] {strides = array<i32>} : memref<48x64xf32, #tpu.memory_space<vmem>>, vector<16xf32>,
      %mul3A_736 = vector.broadcast %squeeze3A_731 : f32 to vector<16xf32>
      %mul3A_737 = arith.mulf %get3A_735, %mul3A_736 : vector<16xf32>
      %swap3A_738 = arith.constant 6 : i32
      %swap3A_739 = arith.index_cast %swap3A_738 : i32 to index
      %swap3A_740 = arith.constant 32 : index
      %swap3A_741 = tpu.vector_load %arg12[%swap3A_739, %swap3A_740] {strides = array<i32>} : memref<48x64xf32, #tpu.memory_space<vmem>>, vector<16xf32>,
      tpu.vector_store %arg12[%swap3A_739, %swap3A_740], %mul3A_737 {strides = array<i32>} : memref<48x64xf32, #tpu.memory_space<vmem>>, vector<16xf32>,
      %slice3A_742 = vector.extract_strided_slice %get3A_419 {offsets = [6], sizes = [1], strides = [1]} : vector<16xf32> to vector<1xf32>
      %squeeze3A_743 = vector.extract %slice3A_742[0] : f32 from vector<1xf32>
      %get3A_744 = arith.constant 6 : i32
      %get3A_745 = arith.index_cast %get3A_744 : i32 to index
      %get3A_746 = arith.constant 48 : index
      %get3A_747 = tpu.vector_load %arg12[%get3A_745, %get3A_746] {strides = array<i32>} : memref<48x64xf32, #tpu.memory_space<vmem>>, vector<16xf32>,
      %mul3A_748 = vector.broadcast %squeeze3A_743 : f32 to vector<16xf32>
      %mul3A_749 = arith.mulf %get3A_747, %mul3A_748 : vector<16xf32>
      %swap3A_750 = arith.constant 6 : i32
      %swap3A_751 = arith.index_cast %swap3A_750 : i32 to index
      %swap3A_752 = arith.constant 48 : index
      %swap3A_753 = tpu.vector_load %arg12[%swap3A_751, %swap3A_752] {strides = array<i32>} : memref<48x64xf32, #tpu.memory_space<vmem>>, vector<16xf32>,
      tpu.vector_store %arg12[%swap3A_751, %swap3A_752], %mul3A_749 {strides = array<i32>} : memref<48x64xf32, #tpu.memory_space<vmem>>, vector<16xf32>,
      %slice3A_754 = vector.extract_strided_slice %get3A_415 {offsets = [7], sizes = [1], strides = [1]} : vector<16xf32> to vector<1xf32>
      %squeeze3A_755 = vector.extract %slice3A_754[0] : f32 from vector<1xf32>
      %get3A_756 = arith.constant 7 : i32
      %get3A_757 = arith.index_cast %get3A_756 : i32 to index
      %get3A_758 = arith.constant 0 : index
      %get3A_759 = tpu.vector_load %arg12[%get3A_757, %get3A_758] {strides = array<i32>} : memref<48x64xf32, #tpu.memory_space<vmem>>, vector<16xf32>,
      %mul3A_760 = vector.broadcast %squeeze3A_755 : f32 to vector<16xf32>
      %mul3A_761 = arith.mulf %get3A_759, %mul3A_760 : vector<16xf32>
      %swap3A_762 = arith.constant 7 : i32
      %swap3A_763 = arith.index_cast %swap3A_762 : i32 to index
      %swap3A_764 = arith.constant 0 : index
      %swap3A_765 = tpu.vector_load %arg12[%swap3A_763, %swap3A_764] {strides = array<i32>} : memref<48x64xf32, #tpu.memory_space<vmem>>, vector<16xf32>,
      tpu.vector_store %arg12[%swap3A_763, %swap3A_764], %mul3A_761 {strides = array<i32>} : memref<48x64xf32, #tpu.memory_space<vmem>>, vector<16xf32>,
      %slice3A_766 = vector.extract_strided_slice %get3A_415 {offsets = [7], sizes = [1], strides = [1]} : vector<16xf32> to vector<1xf32>
      %squeeze3A_767 = vector.extract %slice3A_766[0] : f32 from vector<1xf32>
      %get3A_768 = arith.constant 7 : i32
      %get3A_769 = arith.index_cast %get3A_768 : i32 to index
      %get3A_770 = arith.constant 16 : index
      %get3A_771 = tpu.vector_load %arg12[%get3A_769, %get3A_770] {strides = array<i32>} : memref<48x64xf32, #tpu.memory_space<vmem>>, vector<16xf32>,
      %mul3A_772 = vector.broadcast %squeeze3A_767 : f32 to vector<16xf32>
      %mul3A_773 = arith.mulf %get3A_771, %mul3A_772 : vector<16xf32>
      %swap3A_774 = arith.constant 7 : i32
      %swap3A_775 = arith.index_cast %swap3A_774 : i32 to index
      %swap3A_776 = arith.constant 16 : index
      %swap3A_777 = tpu.vector_load %arg12[%swap3A_775, %swap3A_776] {strides = array<i32>} : memref<48x64xf32, #tpu.memory_space<vmem>>, vector<16xf32>,
      tpu.vector_store %arg12[%swap3A_775, %swap3A_776], %mul3A_773 {strides = array<i32>} : memref<48x64xf32, #tpu.memory_space<vmem>>, vector<16xf32>,
      %slice3A_778 = vector.extract_strided_slice %get3A_419 {offsets = [7], sizes = [1], strides = [1]} : vector<16xf32> to vector<1xf32>
      %squeeze3A_779 = vector.extract %slice3A_778[0] : f32 from vector<1xf32>
      %get3A_780 = arith.constant 7 : i32
      %get3A_781 = arith.index_cast %get3A_780 : i32 to index
      %get3A_782 = arith.constant 32 : index
      %get3A_783 = tpu.vector_load %arg12[%get3A_781, %get3A_782] {strides = array<i32>} : memref<48x64xf32, #tpu.memory_space<vmem>>, vector<16xf32>,
      %mul3A_784 = vector.broadcast %squeeze3A_779 : f32 to vector<16xf32>
      %mul3A_785 = arith.mulf %get3A_783, %mul3A_784 : vector<16xf32>
      %swap3A_786 = arith.constant 7 : i32
      %swap3A_787 = arith.index_cast %swap3A_786 : i32 to index
      %swap3A_788 = arith.constant 32 : index
      %swap3A_789 = tpu.vector_load %arg12[%swap3A_787, %swap3A_788] {strides = array<i32>} : memref<48x64xf32, #tpu.memory_space<vmem>>, vector<16xf32>,
      tpu.vector_store %arg12[%swap3A_787, %swap3A_788], %mul3A_785 {strides = array<i32>} : memref<48x64xf32, #tpu.memory_space<vmem>>, vector<16xf32>,
      %slice3A_790 = vector.extract_strided_slice %get3A_419 {offsets = [7], sizes = [1], strides = [1]} : vector<16xf32> to vector<1xf32>
      %squeeze3A_791 = vector.extract %slice3A_790[0] : f32 from vector<1xf32>
      %get3A_792 = arith.constant 7 : i32
      %get3A_793 = arith.index_cast %get3A_792 : i32 to index
      %get3A_794 = arith.constant 48 : index
      %get3A_795 = tpu.vector_load %arg12[%get3A_793, %get3A_794] {strides = array<i32>} : memref<48x64xf32, #tpu.memory_space<vmem>>, vector<16xf32>,
      %mul3A_796 = vector.broadcast %squeeze3A_791 : f32 to vector<16xf32>
      %mul3A_797 = arith.mulf %get3A_795, %mul3A_796 : vector<16xf32>
      %swap3A_798 = arith.constant 7 : i32
      %swap3A_799 = arith.index_cast %swap3A_798 : i32 to index
      %swap3A_800 = arith.constant 48 : index
      %swap3A_801 = tpu.vector_load %arg12[%swap3A_799, %swap3A_800] {strides = array<i32>} : memref<48x64xf32, #tpu.memory_space<vmem>>, vector<16xf32>,
      tpu.vector_store %arg12[%swap3A_799, %swap3A_800], %mul3A_797 {strides = array<i32>} : memref<48x64xf32, #tpu.memory_space<vmem>>, vector<16xf32>,
      %slice3A_802 = vector.extract_strided_slice %get3A_415 {offsets = [8], sizes = [1], strides = [1]} : vector<16xf32> to vector<1xf32>
      %squeeze3A_803 = vector.extract %slice3A_802[0] : f32 from vector<1xf32>
      %get3A_804 = arith.constant 8 : i32
      %get3A_805 = arith.index_cast %get3A_804 : i32 to index
      %get3A_806 = arith.constant 0 : index
      %get3A_807 = tpu.vector_load %arg12[%get3A_805, %get3A_806] {strides = array<i32>} : memref<48x64xf32, #tpu.memory_space<vmem>>, vector<16xf32>,
      %mul3A_808 = vector.broadcast %squeeze3A_803 : f32 to vector<16xf32>
      %mul3A_809 = arith.mulf %get3A_807, %mul3A_808 : vector<16xf32>
      %swap3A_810 = arith.constant 8 : i32
      %swap3A_811 = arith.index_cast %swap3A_810 : i32 to index
      %swap3A_812 = arith.constant 0 : index
      %swap3A_813 = tpu.vector_load %arg12[%swap3A_811, %swap3A_812] {strides = array<i32>} : memref<48x64xf32, #tpu.memory_space<vmem>>, vector<16xf32>,
      tpu.vector_store %arg12[%swap3A_811, %swap3A_812], %mul3A_809 {strides = array<i32>} : memref<48x64xf32, #tpu.memory_space<vmem>>, vector<16xf32>,
      %slice3A_814 = vector.extract_strided_slice %get3A_415 {offsets = [8], sizes = [1], strides = [1]} : vector<16xf32> to vector<1xf32>
      %squeeze3A_815 = vector.extract %slice3A_814[0] : f32 from vector<1xf32>
      %get3A_816 = arith.constant 8 : i32
      %get3A_817 = arith.index_cast %get3A_816 : i32 to index
      %get3A_818 = arith.constant 16 : index
      %get3A_819 = tpu.vector_load %arg12[%get3A_817, %get3A_818] {strides = array<i32>} : memref<48x64xf32, #tpu.memory_space<vmem>>, vector<16xf32>,
      %mul3A_820 = vector.broadcast %squeeze3A_815 : f32 to vector<16xf32>
      %mul3A_821 = arith.mulf %get3A_819, %mul3A_820 : vector<16xf32>
      %swap3A_822 = arith.constant 8 : i32
      %swap3A_823 = arith.index_cast %swap3A_822 : i32 to index
      %swap3A_824 = arith.constant 16 : index
      %swap3A_825 = tpu.vector_load %arg12[%swap3A_823, %swap3A_824] {strides = array<i32>} : memref<48x64xf32, #tpu.memory_space<vmem>>, vector<16xf32>,
      tpu.vector_store %arg12[%swap3A_823, %swap3A_824], %mul3A_821 {strides = array<i32>} : memref<48x64xf32, #tpu.memory_space<vmem>>, vector<16xf32>,
      %slice3A_826 = vector.extract_strided_slice %get3A_419 {offsets = [8], sizes = [1], strides = [1]} : vector<16xf32> to vector<1xf32>
      %squeeze3A_827 = vector.extract %slice3A_826[0] : f32 from vector<1xf32>
      %get3A_828 = arith.constant 8 : i32
      %get3A_829 = arith.index_cast %get3A_828 : i32 to index
      %get3A_830 = arith.constant 32 : index
      %get3A_831 = tpu.vector_load %arg12[%get3A_829, %get3A_830] {strides = array<i32>} : memref<48x64xf32, #tpu.memory_space<vmem>>, vector<16xf32>,
      %mul3A_832 = vector.broadcast %squeeze3A_827 : f32 to vector<16xf32>
      %mul3A_833 = arith.mulf %get3A_831, %mul3A_832 : vector<16xf32>
      %swap3A_834 = arith.constant 8 : i32
      %swap3A_835 = arith.index_cast %swap3A_834 : i32 to index
      %swap3A_836 = arith.constant 32 : index
      %swap3A_837 = tpu.vector_load %arg12[%swap3A_835, %swap3A_836] {strides = array<i32>} : memref<48x64xf32, #tpu.memory_space<vmem>>, vector<16xf32>,
      tpu.vector_store %arg12[%swap3A_835, %swap3A_836], %mul3A_833 {strides = array<i32>} : memref<48x64xf32, #tpu.memory_space<vmem>>, vector<16xf32>,
      %slice3A_838 = vector.extract_strided_slice %get3A_419 {offsets = [8], sizes = [1], strides = [1]} : vector<16xf32> to vector<1xf32>
      %squeeze3A_839 = vector.extract %slice3A_838[0] : f32 from vector<1xf32>
      %get3A_840 = arith.constant 8 : i32
      %get3A_841 = arith.index_cast %get3A_840 : i32 to index
      %get3A_842 = arith.constant 48 : index
      %get3A_843 = tpu.vector_load %arg12[%get3A_841, %get3A_842] {strides = array<i32>} : memref<48x64xf32, #tpu.memory_space<vmem>>, vector<16xf32>,
      %mul3A_844 = vector.broadcast %squeeze3A_839 : f32 to vector<16xf32>
      %mul3A_845 = arith.mulf %get3A_843, %mul3A_844 : vector<16xf32>
      %swap3A_846 = arith.constant 8 : i32
      %swap3A_847 = arith.index_cast %swap3A_846 : i32 to index
      %swap3A_848 = arith.constant 48 : index
      %swap3A_849 = tpu.vector_load %arg12[%swap3A_847, %swap3A_848] {strides = array<i32>} : memref<48x64xf32, #tpu.memory_space<vmem>>, vector<16xf32>,
      tpu.vector_store %arg12[%swap3A_847, %swap3A_848], %mul3A_845 {strides = array<i32>} : memref<48x64xf32, #tpu.memory_space<vmem>>, vector<16xf32>,
      %slice3A_850 = vector.extract_strided_slice %get3A_415 {offsets = [9], sizes = [1], strides = [1]} : vector<16xf32> to vector<1xf32>
      %squeeze3A_851 = vector.extract %slice3A_850[0] : f32 from vector<1xf32>
      %get3A_852 = arith.constant 9 : i32
      %get3A_853 = arith.index_cast %get3A_852 : i32 to index
      %get3A_854 = arith.constant 0 : index
      %get3A_855 = tpu.vector_load %arg12[%get3A_853, %get3A_854] {strides = array<i32>} : memref<48x64xf32, #tpu.memory_space<vmem>>, vector<16xf32>,
      %mul3A_856 = vector.broadcast %squeeze3A_851 : f32 to vector<16xf32>
      %mul3A_857 = arith.mulf %get3A_855, %mul3A_856 : vector<16xf32>
      %swap3A_858 = arith.constant 9 : i32
      %swap3A_859 = arith.index_cast %swap3A_858 : i32 to index
      %swap3A_860 = arith.constant 0 : index
      %swap3A_861 = tpu.vector_load %arg12[%swap3A_859, %swap3A_860] {strides = array<i32>} : memref<48x64xf32, #tpu.memory_space<vmem>>, vector<16xf32>,
      tpu.vector_store %arg12[%swap3A_859, %swap3A_860], %mul3A_857 {strides = array<i32>} : memref<48x64xf32, #tpu.memory_space<vmem>>, vector<16xf32>,
      %slice3A_862 = vector.extract_strided_slice %get3A_415 {offsets = [9], sizes = [1], strides = [1]} : vector<16xf32> to vector<1xf32>
      %squeeze3A_863 = vector.extract %slice3A_862[0] : f32 from vector<1xf32>
      %get3A_864 = arith.constant 9 : i32
      %get3A_865 = arith.index_cast %get3A_864 : i32 to index
      %get3A_866 = arith.constant 16 : index
      %get3A_867 = tpu.vector_load %arg12[%get3A_865, %get3A_866] {strides = array<i32>} : memref<48x64xf32, #tpu.memory_space<vmem>>, vector<16xf32>,
      %mul3A_868 = vector.broadcast %squeeze3A_863 : f32 to vector<16xf32>
      %mul3A_869 = arith.mulf %get3A_867, %mul3A_868 : vector<16xf32>
      %swap3A_870 = arith.constant 9 : i32
      %swap3A_871 = arith.index_cast %swap3A_870 : i32 to index
      %swap3A_872 = arith.constant 16 : index
      %swap3A_873 = tpu.vector_load %arg12[%swap3A_871, %swap3A_872] {strides = array<i32>} : memref<48x64xf32, #tpu.memory_space<vmem>>, vector<16xf32>,
      tpu.vector_store %arg12[%swap3A_871, %swap3A_872], %mul3A_869 {strides = array<i32>} : memref<48x64xf32, #tpu.memory_space<vmem>>, vector<16xf32>,
      %slice3A_874 = vector.extract_strided_slice %get3A_419 {offsets = [9], sizes = [1], strides = [1]} : vector<16xf32> to vector<1xf32>
      %squeeze3A_875 = vector.extract %slice3A_874[0] : f32 from vector<1xf32>
      %get3A_876 = arith.constant 9 : i32
      %get3A_877 = arith.index_cast %get3A_876 : i32 to index
      %get3A_878 = arith.constant 32 : index
      %get3A_879 = tpu.vector_load %arg12[%get3A_877, %get3A_878] {strides = array<i32>} : memref<48x64xf32, #tpu.memory_space<vmem>>, vector<16xf32>,
      %mul3A_880 = vector.broadcast %squeeze3A_875 : f32 to vector<16xf32>
      %mul3A_881 = arith.mulf %get3A_879, %mul3A_880 : vector<16xf32>
      %swap3A_882 = arith.constant 9 : i32
      %swap3A_883 = arith.index_cast %swap3A_882 : i32 to index
      %swap3A_884 = arith.constant 32 : index
      %swap3A_885 = tpu.vector_load %arg12[%swap3A_883, %swap3A_884] {strides = array<i32>} : memref<48x64xf32, #tpu.memory_space<vmem>>, vector<16xf32>,
      tpu.vector_store %arg12[%swap3A_883, %swap3A_884], %mul3A_881 {strides = array<i32>} : memref<48x64xf32, #tpu.memory_space<vmem>>, vector<16xf32>,
      %slice3A_886 = vector.extract_strided_slice %get3A_419 {offsets = [9], sizes = [1], strides = [1]} : vector<16xf32> to vector<1xf32>
      %squeeze3A_887 = vector.extract %slice3A_886[0] : f32 from vector<1xf32>
      %get3A_888 = arith.constant 9 : i32
      %get3A_889 = arith.index_cast %get3A_888 : i32 to index
      %get3A_890 = arith.constant 48 : index
      %get3A_891 = tpu.vector_load %arg12[%get3A_889, %get3A_890] {strides = array<i32>} : memref<48x64xf32, #tpu.memory_space<vmem>>, vector<16xf32>,
      %mul3A_892 = vector.broadcast %squeeze3A_887 : f32 to vector<16xf32>
      %mul3A_893 = arith.mulf %get3A_891, %mul3A_892 : vector<16xf32>
      %swap3A_894 = arith.constant 9 : i32
      %swap3A_895 = arith.index_cast %swap3A_894 : i32 to index
      %swap3A_896 = arith.constant 48 : index
      %swap3A_897 = tpu.vector_load %arg12[%swap3A_895, %swap3A_896] {strides = array<i32>} : memref<48x64xf32, #tpu.memory_space<vmem>>, vector<16xf32>,
      tpu.vector_store %arg12[%swap3A_895, %swap3A_896], %mul3A_893 {strides = array<i32>} : memref<48x64xf32, #tpu.memory_space<vmem>>, vector<16xf32>,
      %slice3A_898 = vector.extract_strided_slice %get3A_415 {offsets = [10], sizes = [1], strides = [1]} : vector<16xf32> to vector<1xf32>
      %squeeze3A_899 = vector.extract %slice3A_898[0] : f32 from vector<1xf32>
      %get3A_900 = arith.constant 10 : i32
      %get3A_901 = arith.index_cast %get3A_900 : i32 to index
      %get3A_902 = arith.constant 0 : index
      %get3A_903 = tpu.vector_load %arg12[%get3A_901, %get3A_902] {strides = array<i32>} : memref<48x64xf32, #tpu.memory_space<vmem>>, vector<16xf32>,
      %mul3A_904 = vector.broadcast %squeeze3A_899 : f32 to vector<16xf32>
      %mul3A_905 = arith.mulf %get3A_903, %mul3A_904 : vector<16xf32>
      %swap3A_906 = arith.constant 10 : i32
      %swap3A_907 = arith.index_cast %swap3A_906 : i32 to index
      %swap3A_908 = arith.constant 0 : index
      %swap3A_909 = tpu.vector_load %arg12[%swap3A_907, %swap3A_908] {strides = array<i32>} : memref<48x64xf32, #tpu.memory_space<vmem>>, vector<16xf32>,
      tpu.vector_store %arg12[%swap3A_907, %swap3A_908], %mul3A_905 {strides = array<i32>} : memref<48x64xf32, #tpu.memory_space<vmem>>, vector<16xf32>,
      %slice3A_910 = vector.extract_strided_slice %get3A_415 {offsets = [10], sizes = [1], strides = [1]} : vector<16xf32> to vector<1xf32>
      %squeeze3A_911 = vector.extract %slice3A_910[0] : f32 from vector<1xf32>
      %get3A_912 = arith.constant 10 : i32
      %get3A_913 = arith.index_cast %get3A_912 : i32 to index
      %get3A_914 = arith.constant 16 : index
      %get3A_915 = tpu.vector_load %arg12[%get3A_913, %get3A_914] {strides = array<i32>} : memref<48x64xf32, #tpu.memory_space<vmem>>, vector<16xf32>,
      %mul3A_916 = vector.broadcast %squeeze3A_911 : f32 to vector<16xf32>
      %mul3A_917 = arith.mulf %get3A_915, %mul3A_916 : vector<16xf32>
      %swap3A_918 = arith.constant 10 : i32
      %swap3A_919 = arith.index_cast %swap3A_918 : i32 to index
      %swap3A_920 = arith.constant 16 : index
      %swap3A_921 = tpu.vector_load %arg12[%swap3A_919, %swap3A_920] {strides = array<i32>} : memref<48x64xf32, #tpu.memory_space<vmem>>, vector<16xf32>,
      tpu.vector_store %arg12[%swap3A_919, %swap3A_920], %mul3A_917 {strides = array<i32>} : memref<48x64xf32, #tpu.memory_space<vmem>>, vector<16xf32>,
      %slice3A_922 = vector.extract_strided_slice %get3A_419 {offsets = [10], sizes = [1], strides = [1]} : vector<16xf32> to vector<1xf32>
      %squeeze3A_923 = vector.extract %slice3A_922[0] : f32 from vector<1xf32>
      %get3A_924 = arith.constant 10 : i32
      %get3A_925 = arith.index_cast %get3A_924 : i32 to index
      %get3A_926 = arith.constant 32 : index
      %get3A_927 = tpu.vector_load %arg12[%get3A_925, %get3A_926] {strides = array<i32>} : memref<48x64xf32, #tpu.memory_space<vmem>>, vector<16xf32>,
      %mul3A_928 = vector.broadcast %squeeze3A_923 : f32 to vector<16xf32>
      %mul3A_929 = arith.mulf %get3A_927, %mul3A_928 : vector<16xf32>
      %swap3A_930 = arith.constant 10 : i32
      %swap3A_931 = arith.index_cast %swap3A_930 : i32 to index
      %swap3A_932 = arith.constant 32 : index
      %swap3A_933 = tpu.vector_load %arg12[%swap3A_931, %swap3A_932] {strides = array<i32>} : memref<48x64xf32, #tpu.memory_space<vmem>>, vector<16xf32>,
      tpu.vector_store %arg12[%swap3A_931, %swap3A_932], %mul3A_929 {strides = array<i32>} : memref<48x64xf32, #tpu.memory_space<vmem>>, vector<16xf32>,
      %slice3A_934 = vector.extract_strided_slice %get3A_419 {offsets = [10], sizes = [1], strides = [1]} : vector<16xf32> to vector<1xf32>
      %squeeze3A_935 = vector.extract %slice3A_934[0] : f32 from vector<1xf32>
      %get3A_936 = arith.constant 10 : i32
      %get3A_937 = arith.index_cast %get3A_936 : i32 to index
      %get3A_938 = arith.constant 48 : index
      %get3A_939 = tpu.vector_load %arg12[%get3A_937, %get3A_938] {strides = array<i32>} : memref<48x64xf32, #tpu.memory_space<vmem>>, vector<16xf32>,
      %mul3A_940 = vector.broadcast %squeeze3A_935 : f32 to vector<16xf32>
      %mul3A_941 = arith.mulf %get3A_939, %mul3A_940 : vector<16xf32>
      %swap3A_942 = arith.constant 10 : i32
      %swap3A_943 = arith.index_cast %swap3A_942 : i32 to index
      %swap3A_944 = arith.constant 48 : index
      %swap3A_945 = tpu.vector_load %arg12[%swap3A_943, %swap3A_944] {strides = array<i32>} : memref<48x64xf32, #tpu.memory_space<vmem>>, vector<16xf32>,
      tpu.vector_store %arg12[%swap3A_943, %swap3A_944], %mul3A_941 {strides = array<i32>} : memref<48x64xf32, #tpu.memory_space<vmem>>, vector<16xf32>,
      %slice3A_946 = vector.extract_strided_slice %get3A_415 {offsets = [11], sizes = [1], strides = [1]} : vector<16xf32> to vector<1xf32>
      %squeeze3A_947 = vector.extract %slice3A_946[0] : f32 from vector<1xf32>
      %get3A_948 = arith.constant 11 : i32
      %get3A_949 = arith.index_cast %get3A_948 : i32 to index
      %get3A_950 = arith.constant 0 : index
      %get3A_951 = tpu.vector_load %arg12[%get3A_949, %get3A_950] {strides = array<i32>} : memref<48x64xf32, #tpu.memory_space<vmem>>, vector<16xf32>,
      %mul3A_952 = vector.broadcast %squeeze3A_947 : f32 to vector<16xf32>
      %mul3A_953 = arith.mulf %get3A_951, %mul3A_952 : vector<16xf32>
      %swap3A_954 = arith.constant 11 : i32
      %swap3A_955 = arith.index_cast %swap3A_954 : i32 to index
      %swap3A_956 = arith.constant 0 : index
      %swap3A_957 = tpu.vector_load %arg12[%swap3A_955, %swap3A_956] {strides = array<i32>} : memref<48x64xf32, #tpu.memory_space<vmem>>, vector<16xf32>,
      tpu.vector_store %arg12[%swap3A_955, %swap3A_956], %mul3A_953 {strides = array<i32>} : memref<48x64xf32, #tpu.memory_space<vmem>>, vector<16xf32>,
      %slice3A_958 = vector.extract_strided_slice %get3A_415 {offsets = [11], sizes = [1], strides = [1]} : vector<16xf32> to vector<1xf32>
      %squeeze3A_959 = vector.extract %slice3A_958[0] : f32 from vector<1xf32>
      %get3A_960 = arith.constant 11 : i32
      %get3A_961 = arith.index_cast %get3A_960 : i32 to index
      %get3A_962 = arith.constant 16 : index
      %get3A_963 = tpu.vector_load %arg12[%get3A_961, %get3A_962] {strides = array<i32>} : memref<48x64xf32, #tpu.memory_space<vmem>>, vector<16xf32>,
      %mul3A_964 = vector.broadcast %squeeze3A_959 : f32 to vector<16xf32>
      %mul3A_965 = arith.mulf %get3A_963, %mul3A_964 : vector<16xf32>
      %swap3A_966 = arith.constant 11 : i32
      %swap3A_967 = arith.index_cast %swap3A_966 : i32 to index
      %swap3A_968 = arith.constant 16 : index
      %swap3A_969 = tpu.vector_load %arg12[%swap3A_967, %swap3A_968] {strides = array<i32>} : memref<48x64xf32, #tpu.memory_space<vmem>>, vector<16xf32>,
      tpu.vector_store %arg12[%swap3A_967, %swap3A_968], %mul3A_965 {strides = array<i32>} : memref<48x64xf32, #tpu.memory_space<vmem>>, vector<16xf32>,
      %slice3A_970 = vector.extract_strided_slice %get3A_419 {offsets = [11], sizes = [1], strides = [1]} : vector<16xf32> to vector<1xf32>
      %squeeze3A_971 = vector.extract %slice3A_970[0] : f32 from vector<1xf32>
      %get3A_972 = arith.constant 11 : i32
      %get3A_973 = arith.index_cast %get3A_972 : i32 to index
      %get3A_974 = arith.constant 32 : index
      %get3A_975 = tpu.vector_load %arg12[%get3A_973, %get3A_974] {strides = array<i32>} : memref<48x64xf32, #tpu.memory_space<vmem>>, vector<16xf32>,
      %mul3A_976 = vector.broadcast %squeeze3A_971 : f32 to vector<16xf32>
      %mul3A_977 = arith.mulf %get3A_975, %mul3A_976 : vector<16xf32>
      %swap3A_978 = arith.constant 11 : i32
      %swap3A_979 = arith.index_cast %swap3A_978 : i32 to index
      %swap3A_980 = arith.constant 32 : index
      %swap3A_981 = tpu.vector_load %arg12[%swap3A_979, %swap3A_980] {strides = array<i32>} : memref<48x64xf32, #tpu.memory_space<vmem>>, vector<16xf32>,
      tpu.vector_store %arg12[%swap3A_979, %swap3A_980], %mul3A_977 {strides = array<i32>} : memref<48x64xf32, #tpu.memory_space<vmem>>, vector<16xf32>,
      %slice3A_982 = vector.extract_strided_slice %get3A_419 {offsets = [11], sizes = [1], strides = [1]} : vector<16xf32> to vector<1xf32>
      %squeeze3A_983 = vector.extract %slice3A_982[0] : f32 from vector<1xf32>
      %get3A_984 = arith.constant 11 : i32
      %get3A_985 = arith.index_cast %get3A_984 : i32 to index
      %get3A_986 = arith.constant 48 : index
      %get3A_987 = tpu.vector_load %arg12[%get3A_985, %get3A_986] {strides = array<i32>} : memref<48x64xf32, #tpu.memory_space<vmem>>, vector<16xf32>,
      %mul3A_988 = vector.broadcast %squeeze3A_983 : f32 to vector<16xf32>
      %mul3A_989 = arith.mulf %get3A_987, %mul3A_988 : vector<16xf32>
      %swap3A_990 = arith.constant 11 : i32
      %swap3A_991 = arith.index_cast %swap3A_990 : i32 to index
      %swap3A_992 = arith.constant 48 : index
      %swap3A_993 = tpu.vector_load %arg12[%swap3A_991, %swap3A_992] {strides = array<i32>} : memref<48x64xf32, #tpu.memory_space<vmem>>, vector<16xf32>,
      tpu.vector_store %arg12[%swap3A_991, %swap3A_992], %mul3A_989 {strides = array<i32>} : memref<48x64xf32, #tpu.memory_space<vmem>>, vector<16xf32>,
      %slice3A_994 = vector.extract_strided_slice %get3A_415 {offsets = [12], sizes = [1], strides = [1]} : vector<16xf32> to vector<1xf32>
      %squeeze3A_995 = vector.extract %slice3A_994[0] : f32 from vector<1xf32>
      %get3A_996 = arith.constant 12 : i32
      %get3A_997 = arith.index_cast %get3A_996 : i32 to index
      %get3A_998 = arith.constant 0 : index
      %get3A_999 = tpu.vector_load %arg12[%get3A_997, %get3A_998] {strides = array<i32>} : memref<48x64xf32, #tpu.memory_space<vmem>>, vector<16xf32>,
      %mul3A_1000 = vector.broadcast %squeeze3A_995 : f32 to vector<16xf32>
      %mul3A_1001 = arith.mulf %get3A_999, %mul3A_1000 : vector<16xf32>
      %swap3A_1002 = arith.constant 12 : i32
      %swap3A_1003 = arith.index_cast %swap3A_1002 : i32 to index
      %swap3A_1004 = arith.constant 0 : index
      %swap3A_1005 = tpu.vector_load %arg12[%swap3A_1003, %swap3A_1004] {strides = array<i32>} : memref<48x64xf32, #tpu.memory_space<vmem>>, vector<16xf32>,
      tpu.vector_store %arg12[%swap3A_1003, %swap3A_1004], %mul3A_1001 {strides = array<i32>} : memref<48x64xf32, #tpu.memory_space<vmem>>, vector<16xf32>,
      %slice3A_1006 = vector.extract_strided_slice %get3A_415 {offsets = [12], sizes = [1], strides = [1]} : vector<16xf32> to vector<1xf32>
      %squeeze3A_1007 = vector.extract %slice3A_1006[0] : f32 from vector<1xf32>
      %get3A_1008 = arith.constant 12 : i32
      %get3A_1009 = arith.index_cast %get3A_1008 : i32 to index
      %get3A_1010 = arith.constant 16 : index
      %get3A_1011 = tpu.vector_load %arg12[%get3A_1009, %get3A_1010] {strides = array<i32>} : memref<48x64xf32, #tpu.memory_space<vmem>>, vector<16xf32>,
      %mul3A_1012 = vector.broadcast %squeeze3A_1007 : f32 to vector<16xf32>
      %mul3A_1013 = arith.mulf %get3A_1011, %mul3A_1012 : vector<16xf32>
      %swap3A_1014 = arith.constant 12 : i32
      %swap3A_1015 = arith.index_cast %swap3A_1014 : i32 to index
      %swap3A_1016 = arith.constant 16 : index
      %swap3A_1017 = tpu.vector_load %arg12[%swap3A_1015, %swap3A_1016] {strides = array<i32>} : memref<48x64xf32, #tpu.memory_space<vmem>>, vector<16xf32>,
      tpu.vector_store %arg12[%swap3A_1015, %swap3A_1016], %mul3A_1013 {strides = array<i32>} : memref<48x64xf32, #tpu.memory_space<vmem>>, vector<16xf32>,
      %slice3A_1018 = vector.extract_strided_slice %get3A_419 {offsets = [12], sizes = [1], strides = [1]} : vector<16xf32> to vector<1xf32>
      %squeeze3A_1019 = vector.extract %slice3A_1018[0] : f32 from vector<1xf32>
      %get3A_1020 = arith.constant 12 : i32
      %get3A_1021 = arith.index_cast %get3A_1020 : i32 to index
      %get3A_1022 = arith.constant 32 : index
      %get3A_1023 = tpu.vector_load %arg12[%get3A_1021, %get3A_1022] {strides = array<i32>} : memref<48x64xf32, #tpu.memory_space<vmem>>, vector<16xf32>,
      %mul3A_1024 = vector.broadcast %squeeze3A_1019 : f32 to vector<16xf32>
      %mul3A_1025 = arith.mulf %get3A_1023, %mul3A_1024 : vector<16xf32>
      %swap3A_1026 = arith.constant 12 : i32
      %swap3A_1027 = arith.index_cast %swap3A_1026 : i32 to index
      %swap3A_1028 = arith.constant 32 : index
      %swap3A_1029 = tpu.vector_load %arg12[%swap3A_1027, %swap3A_1028] {strides = array<i32>} : memref<48x64xf32, #tpu.memory_space<vmem>>, vector<16xf32>,
      tpu.vector_store %arg12[%swap3A_1027, %swap3A_1028], %mul3A_1025 {strides = array<i32>} : memref<48x64xf32, #tpu.memory_space<vmem>>, vector<16xf32>,
      %slice3A_1030 = vector.extract_strided_slice %get3A_419 {offsets = [12], sizes = [1], strides = [1]} : vector<16xf32> to vector<1xf32>
      %squeeze3A_1031 = vector.extract %slice3A_1030[0] : f32 from vector<1xf32>
      %get3A_1032 = arith.constant 12 : i32
      %get3A_1033 = arith.index_cast %get3A_1032 : i32 to index
      %get3A_1034 = arith.constant 48 : index
      %get3A_1035 = tpu.vector_load %arg12[%get3A_1033, %get3A_1034] {strides = array<i32>} : memref<48x64xf32, #tpu.memory_space<vmem>>, vector<16xf32>,
      %mul3A_1036 = vector.broadcast %squeeze3A_1031 : f32 to vector<16xf32>
      %mul3A_1037 = arith.mulf %get3A_1035, %mul3A_1036 : vector<16xf32>
      %swap3A_1038 = arith.constant 12 : i32
      %swap3A_1039 = arith.index_cast %swap3A_1038 : i32 to index
      %swap3A_1040 = arith.constant 48 : index
      %swap3A_1041 = tpu.vector_load %arg12[%swap3A_1039, %swap3A_1040] {strides = array<i32>} : memref<48x64xf32, #tpu.memory_space<vmem>>, vector<16xf32>,
      tpu.vector_store %arg12[%swap3A_1039, %swap3A_1040], %mul3A_1037 {strides = array<i32>} : memref<48x64xf32, #tpu.memory_space<vmem>>, vector<16xf32>,
      %slice3A_1042 = vector.extract_strided_slice %get3A_415 {offsets = [13], sizes = [1], strides = [1]} : vector<16xf32> to vector<1xf32>
      %squeeze3A_1043 = vector.extract %slice3A_1042[0] : f32 from vector<1xf32>
      %get3A_1044 = arith.constant 13 : i32
      %get3A_1045 = arith.index_cast %get3A_1044 : i32 to index
      %get3A_1046 = arith.constant 0 : index
      %get3A_1047 = tpu.vector_load %arg12[%get3A_1045, %get3A_1046] {strides = array<i32>} : memref<48x64xf32, #tpu.memory_space<vmem>>, vector<16xf32>,
      %mul3A_1048 = vector.broadcast %squeeze3A_1043 : f32 to vector<16xf32>
      %mul3A_1049 = arith.mulf %get3A_1047, %mul3A_1048 : vector<16xf32>
      %swap3A_1050 = arith.constant 13 : i32
      %swap3A_1051 = arith.index_cast %swap3A_1050 : i32 to index
      %swap3A_1052 = arith.constant 0 : index
      %swap3A_1053 = tpu.vector_load %arg12[%swap3A_1051, %swap3A_1052] {strides = array<i32>} : memref<48x64xf32, #tpu.memory_space<vmem>>, vector<16xf32>,
      tpu.vector_store %arg12[%swap3A_1051, %swap3A_1052], %mul3A_1049 {strides = array<i32>} : memref<48x64xf32, #tpu.memory_space<vmem>>, vector<16xf32>,
      %slice3A_1054 = vector.extract_strided_slice %get3A_415 {offsets = [13], sizes = [1], strides = [1]} : vector<16xf32> to vector<1xf32>
      %squeeze3A_1055 = vector.extract %slice3A_1054[0] : f32 from vector<1xf32>
      %get3A_1056 = arith.constant 13 : i32
      %get3A_1057 = arith.index_cast %get3A_1056 : i32 to index
      %get3A_1058 = arith.constant 16 : index
      %get3A_1059 = tpu.vector_load %arg12[%get3A_1057, %get3A_1058] {strides = array<i32>} : memref<48x64xf32, #tpu.memory_space<vmem>>, vector<16xf32>,
      %mul3A_1060 = vector.broadcast %squeeze3A_1055 : f32 to vector<16xf32>
      %mul3A_1061 = arith.mulf %get3A_1059, %mul3A_1060 : vector<16xf32>
      %swap3A_1062 = arith.constant 13 : i32
      %swap3A_1063 = arith.index_cast %swap3A_1062 : i32 to index
      %swap3A_1064 = arith.constant 16 : index
      %swap3A_1065 = tpu.vector_load %arg12[%swap3A_1063, %swap3A_1064] {strides = array<i32>} : memref<48x64xf32, #tpu.memory_space<vmem>>, vector<16xf32>,
      tpu.vector_store %arg12[%swap3A_1063, %swap3A_1064], %mul3A_1061 {strides = array<i32>} : memref<48x64xf32, #tpu.memory_space<vmem>>, vector<16xf32>,
      %slice3A_1066 = vector.extract_strided_slice %get3A_419 {offsets = [13], sizes = [1], strides = [1]} : vector<16xf32> to vector<1xf32>
      %squeeze3A_1067 = vector.extract %slice3A_1066[0] : f32 from vector<1xf32>
      %get3A_1068 = arith.constant 13 : i32
      %get3A_1069 = arith.index_cast %get3A_1068 : i32 to index
      %get3A_1070 = arith.constant 32 : index
      %get3A_1071 = tpu.vector_load %arg12[%get3A_1069, %get3A_1070] {strides = array<i32>} : memref<48x64xf32, #tpu.memory_space<vmem>>, vector<16xf32>,
      %mul3A_1072 = vector.broadcast %squeeze3A_1067 : f32 to vector<16xf32>
      %mul3A_1073 = arith.mulf %get3A_1071, %mul3A_1072 : vector<16xf32>
      %swap3A_1074 = arith.constant 13 : i32
      %swap3A_1075 = arith.index_cast %swap3A_1074 : i32 to index
      %swap3A_1076 = arith.constant 32 : index
      %swap3A_1077 = tpu.vector_load %arg12[%swap3A_1075, %swap3A_1076] {strides = array<i32>} : memref<48x64xf32, #tpu.memory_space<vmem>>, vector<16xf32>,
      tpu.vector_store %arg12[%swap3A_1075, %swap3A_1076], %mul3A_1073 {strides = array<i32>} : memref<48x64xf32, #tpu.memory_space<vmem>>, vector<16xf32>,
      %slice3A_1078 = vector.extract_strided_slice %get3A_419 {offsets = [13], sizes = [1], strides = [1]} : vector<16xf32> to vector<1xf32>
      %squeeze3A_1079 = vector.extract %slice3A_1078[0] : f32 from vector<1xf32>
      %get3A_1080 = arith.constant 13 : i32
      %get3A_1081 = arith.index_cast %get3A_1080 : i32 to index
      %get3A_1082 = arith.constant 48 : index
      %get3A_1083 = tpu.vector_load %arg12[%get3A_1081, %get3A_1082] {strides = array<i32>} : memref<48x64xf32, #tpu.memory_space<vmem>>, vector<16xf32>,
      %mul3A_1084 = vector.broadcast %squeeze3A_1079 : f32 to vector<16xf32>
      %mul3A_1085 = arith.mulf %get3A_1083, %mul3A_1084 : vector<16xf32>
      %swap3A_1086 = arith.constant 13 : i32
      %swap3A_1087 = arith.index_cast %swap3A_1086 : i32 to index
      %swap3A_1088 = arith.constant 48 : index
      %swap3A_1089 = tpu.vector_load %arg12[%swap3A_1087, %swap3A_1088] {strides = array<i32>} : memref<48x64xf32, #tpu.memory_space<vmem>>, vector<16xf32>,
      tpu.vector_store %arg12[%swap3A_1087, %swap3A_1088], %mul3A_1085 {strides = array<i32>} : memref<48x64xf32, #tpu.memory_space<vmem>>, vector<16xf32>,
      %slice3A_1090 = vector.extract_strided_slice %get3A_415 {offsets = [14], sizes = [1], strides = [1]} : vector<16xf32> to vector<1xf32>
      %squeeze3A_1091 = vector.extract %slice3A_1090[0] : f32 from vector<1xf32>
      %get3A_1092 = arith.constant 14 : i32
      %get3A_1093 = arith.index_cast %get3A_1092 : i32 to index
      %get3A_1094 = arith.constant 0 : index
      %get3A_1095 = tpu.vector_load %arg12[%get3A_1093, %get3A_1094] {strides = array<i32>} : memref<48x64xf32, #tpu.memory_space<vmem>>, vector<16xf32>,
      %mul3A_1096 = vector.broadcast %squeeze3A_1091 : f32 to vector<16xf32>
      %mul3A_1097 = arith.mulf %get3A_1095, %mul3A_1096 : vector<16xf32>
      %swap3A_1098 = arith.constant 14 : i32
      %swap3A_1099 = arith.index_cast %swap3A_1098 : i32 to index
      %swap3A_1100 = arith.constant 0 : index
      %swap3A_1101 = tpu.vector_load %arg12[%swap3A_1099, %swap3A_1100] {strides = array<i32>} : memref<48x64xf32, #tpu.memory_space<vmem>>, vector<16xf32>,
      tpu.vector_store %arg12[%swap3A_1099, %swap3A_1100], %mul3A_1097 {strides = array<i32>} : memref<48x64xf32, #tpu.memory_space<vmem>>, vector<16xf32>,
      %slice3A_1102 = vector.extract_strided_slice %get3A_415 {offsets = [14], sizes = [1], strides = [1]} : vector<16xf32> to vector<1xf32>
      %squeeze3A_1103 = vector.extract %slice3A_1102[0] : f32 from vector<1xf32>
      %get3A_1104 = arith.constant 14 : i32
      %get3A_1105 = arith.index_cast %get3A_1104 : i32 to index
      %get3A_1106 = arith.constant 16 : index
      %get3A_1107 = tpu.vector_load %arg12[%get3A_1105, %get3A_1106] {strides = array<i32>} : memref<48x64xf32, #tpu.memory_space<vmem>>, vector<16xf32>,
      %mul3A_1108 = vector.broadcast %squeeze3A_1103 : f32 to vector<16xf32>
      %mul3A_1109 = arith.mulf %get3A_1107, %mul3A_1108 : vector<16xf32>
      %swap3A_1110 = arith.constant 14 : i32
      %swap3A_1111 = arith.index_cast %swap3A_1110 : i32 to index
      %swap3A_1112 = arith.constant 16 : index
      %swap3A_1113 = tpu.vector_load %arg12[%swap3A_1111, %swap3A_1112] {strides = array<i32>} : memref<48x64xf32, #tpu.memory_space<vmem>>, vector<16xf32>,
      tpu.vector_store %arg12[%swap3A_1111, %swap3A_1112], %mul3A_1109 {strides = array<i32>} : memref<48x64xf32, #tpu.memory_space<vmem>>, vector<16xf32>,
      %slice3A_1114 = vector.extract_strided_slice %get3A_419 {offsets = [14], sizes = [1], strides = [1]} : vector<16xf32> to vector<1xf32>
      %squeeze3A_1115 = vector.extract %slice3A_1114[0] : f32 from vector<1xf32>
      %get3A_1116 = arith.constant 14 : i32
      %get3A_1117 = arith.index_cast %get3A_1116 : i32 to index
      %get3A_1118 = arith.constant 32 : index
      %get3A_1119 = tpu.vector_load %arg12[%get3A_1117, %get3A_1118] {strides = array<i32>} : memref<48x64xf32, #tpu.memory_space<vmem>>, vector<16xf32>,
      %mul3A_1120 = vector.broadcast %squeeze3A_1115 : f32 to vector<16xf32>
      %mul3A_1121 = arith.mulf %get3A_1119, %mul3A_1120 : vector<16xf32>
      %swap3A_1122 = arith.constant 14 : i32
      %swap3A_1123 = arith.index_cast %swap3A_1122 : i32 to index
      %swap3A_1124 = arith.constant 32 : index
      %swap3A_1125 = tpu.vector_load %arg12[%swap3A_1123, %swap3A_1124] {strides = array<i32>} : memref<48x64xf32, #tpu.memory_space<vmem>>, vector<16xf32>,
      tpu.vector_store %arg12[%swap3A_1123, %swap3A_1124], %mul3A_1121 {strides = array<i32>} : memref<48x64xf32, #tpu.memory_space<vmem>>, vector<16xf32>,
      %slice3A_1126 = vector.extract_strided_slice %get3A_419 {offsets = [14], sizes = [1], strides = [1]} : vector<16xf32> to vector<1xf32>
      %squeeze3A_1127 = vector.extract %slice3A_1126[0] : f32 from vector<1xf32>
      %get3A_1128 = arith.constant 14 : i32
      %get3A_1129 = arith.index_cast %get3A_1128 : i32 to index
      %get3A_1130 = arith.constant 48 : index
      %get3A_1131 = tpu.vector_load %arg12[%get3A_1129, %get3A_1130] {strides = array<i32>} : memref<48x64xf32, #tpu.memory_space<vmem>>, vector<16xf32>,
      %mul3A_1132 = vector.broadcast %squeeze3A_1127 : f32 to vector<16xf32>
      %mul3A_1133 = arith.mulf %get3A_1131, %mul3A_1132 : vector<16xf32>
      %swap3A_1134 = arith.constant 14 : i32
      %swap3A_1135 = arith.index_cast %swap3A_1134 : i32 to index
      %swap3A_1136 = arith.constant 48 : index
      %swap3A_1137 = tpu.vector_load %arg12[%swap3A_1135, %swap3A_1136] {strides = array<i32>} : memref<48x64xf32, #tpu.memory_space<vmem>>, vector<16xf32>,
      tpu.vector_store %arg12[%swap3A_1135, %swap3A_1136], %mul3A_1133 {strides = array<i32>} : memref<48x64xf32, #tpu.memory_space<vmem>>, vector<16xf32>,
      %slice3A_1138 = vector.extract_strided_slice %get3A_415 {offsets = [15], sizes = [1], strides = [1]} : vector<16xf32> to vector<1xf32>
      %squeeze3A_1139 = vector.extract %slice3A_1138[0] : f32 from vector<1xf32>
      %get3A_1140 = arith.constant 15 : i32
      %get3A_1141 = arith.index_cast %get3A_1140 : i32 to index
      %get3A_1142 = arith.constant 0 : index
      %get3A_1143 = tpu.vector_load %arg12[%get3A_1141, %get3A_1142] {strides = array<i32>} : memref<48x64xf32, #tpu.memory_space<vmem>>, vector<16xf32>,
      %mul3A_1144 = vector.broadcast %squeeze3A_1139 : f32 to vector<16xf32>
      %mul3A_1145 = arith.mulf %get3A_1143, %mul3A_1144 : vector<16xf32>
      %swap3A_1146 = arith.constant 15 : i32
      %swap3A_1147 = arith.index_cast %swap3A_1146 : i32 to index
      %swap3A_1148 = arith.constant 0 : index
      %swap3A_1149 = tpu.vector_load %arg12[%swap3A_1147, %swap3A_1148] {strides = array<i32>} : memref<48x64xf32, #tpu.memory_space<vmem>>, vector<16xf32>,
      tpu.vector_store %arg12[%swap3A_1147, %swap3A_1148], %mul3A_1145 {strides = array<i32>} : memref<48x64xf32, #tpu.memory_space<vmem>>, vector<16xf32>,
      %slice3A_1150 = vector.extract_strided_slice %get3A_415 {offsets = [15], sizes = [1], strides = [1]} : vector<16xf32> to vector<1xf32>
      %squeeze3A_1151 = vector.extract %slice3A_1150[0] : f32 from vector<1xf32>
      %get3A_1152 = arith.constant 15 : i32
      %get3A_1153 = arith.index_cast %get3A_1152 : i32 to index
      %get3A_1154 = arith.constant 16 : index
      %get3A_1155 = tpu.vector_load %arg12[%get3A_1153, %get3A_1154] {strides = array<i32>} : memref<48x64xf32, #tpu.memory_space<vmem>>, vector<16xf32>,
      %mul3A_1156 = vector.broadcast %squeeze3A_1151 : f32 to vector<16xf32>
      %mul3A_1157 = arith.mulf %get3A_1155, %mul3A_1156 : vector<16xf32>
      %swap3A_1158 = arith.constant 15 : i32
      %swap3A_1159 = arith.index_cast %swap3A_1158 : i32 to index
      %swap3A_1160 = arith.constant 16 : index
      %swap3A_1161 = tpu.vector_load %arg12[%swap3A_1159, %swap3A_1160] {strides = array<i32>} : memref<48x64xf32, #tpu.memory_space<vmem>>, vector<16xf32>,
      tpu.vector_store %arg12[%swap3A_1159, %swap3A_1160], %mul3A_1157 {strides = array<i32>} : memref<48x64xf32, #tpu.memory_space<vmem>>, vector<16xf32>,
      %slice3A_1162 = vector.extract_strided_slice %get3A_419 {offsets = [15], sizes = [1], strides = [1]} : vector<16xf32> to vector<1xf32>
      %squeeze3A_1163 = vector.extract %slice3A_1162[0] : f32 from vector<1xf32>
      %get3A_1164 = arith.constant 15 : i32
      %get3A_1165 = arith.index_cast %get3A_1164 : i32 to index
      %get3A_1166 = arith.constant 32 : index
      %get3A_1167 = tpu.vector_load %arg12[%get3A_1165, %get3A_1166] {strides = array<i32>} : memref<48x64xf32, #tpu.memory_space<vmem>>, vector<16xf32>,
      %mul3A_1168 = vector.broadcast %squeeze3A_1163 : f32 to vector<16xf32>
      %mul3A_1169 = arith.mulf %get3A_1167, %mul3A_1168 : vector<16xf32>
      %swap3A_1170 = arith.constant 15 : i32
      %swap3A_1171 = arith.index_cast %swap3A_1170 : i32 to index
      %swap3A_1172 = arith.constant 32 : index
      %swap3A_1173 = tpu.vector_load %arg12[%swap3A_1171, %swap3A_1172] {strides = array<i32>} : memref<48x64xf32, #tpu.memory_space<vmem>>, vector<16xf32>,
      tpu.vector_store %arg12[%swap3A_1171, %swap3A_1172], %mul3A_1169 {strides = array<i32>} : memref<48x64xf32, #tpu.memory_space<vmem>>, vector<16xf32>,
      %slice3A_1174 = vector.extract_strided_slice %get3A_419 {offsets = [15], sizes = [1], strides = [1]} : vector<16xf32> to vector<1xf32>
      %squeeze3A_1175 = vector.extract %slice3A_1174[0] : f32 from vector<1xf32>
      %get3A_1176 = arith.constant 15 : i32
      %get3A_1177 = arith.index_cast %get3A_1176 : i32 to index
      %get3A_1178 = arith.constant 48 : index
      %get3A_1179 = tpu.vector_load %arg12[%get3A_1177, %get3A_1178] {strides = array<i32>} : memref<48x64xf32, #tpu.memory_space<vmem>>, vector<16xf32>,
      %mul3A_1180 = vector.broadcast %squeeze3A_1175 : f32 to vector<16xf32>
      %mul3A_1181 = arith.mulf %get3A_1179, %mul3A_1180 : vector<16xf32>
      %swap3A_1182 = arith.constant 15 : i32
      %swap3A_1183 = arith.index_cast %swap3A_1182 : i32 to index
      %swap3A_1184 = arith.constant 48 : index
      %swap3A_1185 = tpu.vector_load %arg12[%swap3A_1183, %swap3A_1184] {strides = array<i32>} : memref<48x64xf32, #tpu.memory_space<vmem>>, vector<16xf32>,
      tpu.vector_store %arg12[%swap3A_1183, %swap3A_1184], %mul3A_1181 {strides = array<i32>} : memref<48x64xf32, #tpu.memory_space<vmem>>, vector<16xf32>,
      %get3A_1186 = arith.constant 0 : i32
      %get3A_1187 = arith.index_cast %get3A_1186 : i32 to index
      %get3A_1188 = arith.constant 16 : index
      %get3A_1189 = tpu.vector_load %arg13[%get3A_1187, %get3A_1188] {strides = array<i32>} : memref<2x48xf32, #tpu.memory_space<vmem>>, vector<16xf32>,
      %get3A_1190 = arith.constant 1 : i32
      %get3A_1191 = arith.index_cast %get3A_1190 : i32 to index
      %get3A_1192 = arith.constant 16 : index
      %get3A_1193 = tpu.vector_load %arg13[%get3A_1191, %get3A_1192] {strides = array<i32>} : memref<2x48xf32, #tpu.memory_space<vmem>>, vector<16xf32>,
      %slice3A_1194 = vector.extract_strided_slice %get3A_1189 {offsets = [0], sizes = [1], strides = [1]} : vector<16xf32> to vector<1xf32>
      %squeeze3A_1195 = vector.extract %slice3A_1194[0] : f32 from vector<1xf32>
      %get3A_1196 = arith.constant 16 : i32
      %get3A_1197 = arith.index_cast %get3A_1196 : i32 to index
      %get3A_1198 = arith.constant 0 : index
      %get3A_1199 = tpu.vector_load %arg12[%get3A_1197, %get3A_1198] {strides = array<i32>} : memref<48x64xf32, #tpu.memory_space<vmem>>, vector<16xf32>,
      %mul3A_1200 = vector.broadcast %squeeze3A_1195 : f32 to vector<16xf32>
      %mul3A_1201 = arith.mulf %get3A_1199, %mul3A_1200 : vector<16xf32>
      %swap3A_1202 = arith.constant 16 : i32
      %swap3A_1203 = arith.index_cast %swap3A_1202 : i32 to index
      %swap3A_1204 = arith.constant 0 : index
      %swap3A_1205 = tpu.vector_load %arg12[%swap3A_1203, %swap3A_1204] {strides = array<i32>} : memref<48x64xf32, #tpu.memory_space<vmem>>, vector<16xf32>,
      tpu.vector_store %arg12[%swap3A_1203, %swap3A_1204], %mul3A_1201 {strides = array<i32>} : memref<48x64xf32, #tpu.memory_space<vmem>>, vector<16xf32>,
      %slice3A_1206 = vector.extract_strided_slice %get3A_1189 {offsets = [0], sizes = [1], strides = [1]} : vector<16xf32> to vector<1xf32>
      %squeeze3A_1207 = vector.extract %slice3A_1206[0] : f32 from vector<1xf32>
      %get3A_1208 = arith.constant 16 : i32
      %get3A_1209 = arith.index_cast %get3A_1208 : i32 to index
      %get3A_1210 = arith.constant 16 : index
      %get3A_1211 = tpu.vector_load %arg12[%get3A_1209, %get3A_1210] {strides = array<i32>} : memref<48x64xf32, #tpu.memory_space<vmem>>, vector<16xf32>,
      %mul3A_1212 = vector.broadcast %squeeze3A_1207 : f32 to vector<16xf32>
      %mul3A_1213 = arith.mulf %get3A_1211, %mul3A_1212 : vector<16xf32>
      %swap3A_1214 = arith.constant 16 : i32
      %swap3A_1215 = arith.index_cast %swap3A_1214 : i32 to index
      %swap3A_1216 = arith.constant 16 : index
      %swap3A_1217 = tpu.vector_load %arg12[%swap3A_1215, %swap3A_1216] {strides = array<i32>} : memref<48x64xf32, #tpu.memory_space<vmem>>, vector<16xf32>,
      tpu.vector_store %arg12[%swap3A_1215, %swap3A_1216], %mul3A_1213 {strides = array<i32>} : memref<48x64xf32, #tpu.memory_space<vmem>>, vector<16xf32>,
      %slice3A_1218 = vector.extract_strided_slice %get3A_1193 {offsets = [0], sizes = [1], strides = [1]} : vector<16xf32> to vector<1xf32>
      %squeeze3A_1219 = vector.extract %slice3A_1218[0] : f32 from vector<1xf32>
      %get3A_1220 = arith.constant 16 : i32
      %get3A_1221 = arith.index_cast %get3A_1220 : i32 to index
      %get3A_1222 = arith.constant 32 : index
      %get3A_1223 = tpu.vector_load %arg12[%get3A_1221, %get3A_1222] {strides = array<i32>} : memref<48x64xf32, #tpu.memory_space<vmem>>, vector<16xf32>,
      %mul3A_1224 = vector.broadcast %squeeze3A_1219 : f32 to vector<16xf32>
      %mul3A_1225 = arith.mulf %get3A_1223, %mul3A_1224 : vector<16xf32>
      %swap3A_1226 = arith.constant 16 : i32
      %swap3A_1227 = arith.index_cast %swap3A_1226 : i32 to index
      %swap3A_1228 = arith.constant 32 : index
      %swap3A_1229 = tpu.vector_load %arg12[%swap3A_1227, %swap3A_1228] {strides = array<i32>} : memref<48x64xf32, #tpu.memory_space<vmem>>, vector<16xf32>,
      tpu.vector_store %arg12[%swap3A_1227, %swap3A_1228], %mul3A_1225 {strides = array<i32>} : memref<48x64xf32, #tpu.memory_space<vmem>>, vector<16xf32>,
      %slice3A_1230 = vector.extract_strided_slice %get3A_1193 {offsets = [0], sizes = [1], strides = [1]} : vector<16xf32> to vector<1xf32>
      %squeeze3A_1231 = vector.extract %slice3A_1230[0] : f32 from vector<1xf32>
      %get3A_1232 = arith.constant 16 : i32
      %get3A_1233 = arith.index_cast %get3A_1232 : i32 to index
      %get3A_1234 = arith.constant 48 : index
      %get3A_1235 = tpu.vector_load %arg12[%get3A_1233, %get3A_1234] {strides = array<i32>} : memref<48x64xf32, #tpu.memory_space<vmem>>, vector<16xf32>,
      %mul3A_1236 = vector.broadcast %squeeze3A_1231 : f32 to vector<16xf32>
      %mul3A_1237 = arith.mulf %get3A_1235, %mul3A_1236 : vector<16xf32>
      %swap3A_1238 = arith.constant 16 : i32
      %swap3A_1239 = arith.index_cast %swap3A_1238 : i32 to index
      %swap3A_1240 = arith.constant 48 : index
      %swap3A_1241 = tpu.vector_load %arg12[%swap3A_1239, %swap3A_1240] {strides = array<i32>} : memref<48x64xf32, #tpu.memory_space<vmem>>, vector<16xf32>,
      tpu.vector_store %arg12[%swap3A_1239, %swap3A_1240], %mul3A_1237 {strides = array<i32>} : memref<48x64xf32, #tpu.memory_space<vmem>>, vector<16xf32>,
      %slice3A_1242 = vector.extract_strided_slice %get3A_1189 {offsets = [1], sizes = [1], strides = [1]} : vector<16xf32> to vector<1xf32>
      %squeeze3A_1243 = vector.extract %slice3A_1242[0] : f32 from vector<1xf32>
      %get3A_1244 = arith.constant 17 : i32
      %get3A_1245 = arith.index_cast %get3A_1244 : i32 to index
      %get3A_1246 = arith.constant 0 : index
      %get3A_1247 = tpu.vector_load %arg12[%get3A_1245, %get3A_1246] {strides = array<i32>} : memref<48x64xf32, #tpu.memory_space<vmem>>, vector<16xf32>,
      %mul3A_1248 = vector.broadcast %squeeze3A_1243 : f32 to vector<16xf32>
      %mul3A_1249 = arith.mulf %get3A_1247, %mul3A_1248 : vector<16xf32>
      %swap3A_1250 = arith.constant 17 : i32
      %swap3A_1251 = arith.index_cast %swap3A_1250 : i32 to index
      %swap3A_1252 = arith.constant 0 : index
      %swap3A_1253 = tpu.vector_load %arg12[%swap3A_1251, %swap3A_1252] {strides = array<i32>} : memref<48x64xf32, #tpu.memory_space<vmem>>, vector<16xf32>,
      tpu.vector_store %arg12[%swap3A_1251, %swap3A_1252], %mul3A_1249 {strides = array<i32>} : memref<48x64xf32, #tpu.memory_space<vmem>>, vector<16xf32>,
      %slice3A_1254 = vector.extract_strided_slice %get3A_1189 {offsets = [1], sizes = [1], strides = [1]} : vector<16xf32> to vector<1xf32>
      %squeeze3A_1255 = vector.extract %slice3A_1254[0] : f32 from vector<1xf32>
      %get3A_1256 = arith.constant 17 : i32
      %get3A_1257 = arith.index_cast %get3A_1256 : i32 to index
      %get3A_1258 = arith.constant 16 : index
      %get3A_1259 = tpu.vector_load %arg12[%get3A_1257, %get3A_1258] {strides = array<i32>} : memref<48x64xf32, #tpu.memory_space<vmem>>, vector<16xf32>,
      %mul3A_1260 = vector.broadcast %squeeze3A_1255 : f32 to vector<16xf32>
      %mul3A_1261 = arith.mulf %get3A_1259, %mul3A_1260 : vector<16xf32>
      %swap3A_1262 = arith.constant 17 : i32
      %swap3A_1263 = arith.index_cast %swap3A_1262 : i32 to index
      %swap3A_1264 = arith.constant 16 : index
      %swap3A_1265 = tpu.vector_load %arg12[%swap3A_1263, %swap3A_1264] {strides = array<i32>} : memref<48x64xf32, #tpu.memory_space<vmem>>, vector<16xf32>,
      tpu.vector_store %arg12[%swap3A_1263, %swap3A_1264], %mul3A_1261 {strides = array<i32>} : memref<48x64xf32, #tpu.memory_space<vmem>>, vector<16xf32>,
      %slice3A_1266 = vector.extract_strided_slice %get3A_1193 {offsets = [1], sizes = [1], strides = [1]} : vector<16xf32> to vector<1xf32>
      %squeeze3A_1267 = vector.extract %slice3A_1266[0] : f32 from vector<1xf32>
      %get3A_1268 = arith.constant 17 : i32
      %get3A_1269 = arith.index_cast %get3A_1268 : i32 to index
      %get3A_1270 = arith.constant 32 : index
      %get3A_1271 = tpu.vector_load %arg12[%get3A_1269, %get3A_1270] {strides = array<i32>} : memref<48x64xf32, #tpu.memory_space<vmem>>, vector<16xf32>,
      %mul3A_1272 = vector.broadcast %squeeze3A_1267 : f32 to vector<16xf32>
      %mul3A_1273 = arith.mulf %get3A_1271, %mul3A_1272 : vector<16xf32>
      %swap3A_1274 = arith.constant 17 : i32
      %swap3A_1275 = arith.index_cast %swap3A_1274 : i32 to index
      %swap3A_1276 = arith.constant 32 : index
      %swap3A_1277 = tpu.vector_load %arg12[%swap3A_1275, %swap3A_1276] {strides = array<i32>} : memref<48x64xf32, #tpu.memory_space<vmem>>, vector<16xf32>,
      tpu.vector_store %arg12[%swap3A_1275, %swap3A_1276], %mul3A_1273 {strides = array<i32>} : memref<48x64xf32, #tpu.memory_space<vmem>>, vector<16xf32>,
      %slice3A_1278 = vector.extract_strided_slice %get3A_1193 {offsets = [1], sizes = [1], strides = [1]} : vector<16xf32> to vector<1xf32>
      %squeeze3A_1279 = vector.extract %slice3A_1278[0] : f32 from vector<1xf32>
      %get3A_1280 = arith.constant 17 : i32
      %get3A_1281 = arith.index_cast %get3A_1280 : i32 to index
      %get3A_1282 = arith.constant 48 : index
      %get3A_1283 = tpu.vector_load %arg12[%get3A_1281, %get3A_1282] {strides = array<i32>} : memref<48x64xf32, #tpu.memory_space<vmem>>, vector<16xf32>,
      %mul3A_1284 = vector.broadcast %squeeze3A_1279 : f32 to vector<16xf32>
      %mul3A_1285 = arith.mulf %get3A_1283, %mul3A_1284 : vector<16xf32>
      %swap3A_1286 = arith.constant 17 : i32
      %swap3A_1287 = arith.index_cast %swap3A_1286 : i32 to index
      %swap3A_1288 = arith.constant 48 : index
      %swap3A_1289 = tpu.vector_load %arg12[%swap3A_1287, %swap3A_1288] {strides = array<i32>} : memref<48x64xf32, #tpu.memory_space<vmem>>, vector<16xf32>,
      tpu.vector_store %arg12[%swap3A_1287, %swap3A_1288], %mul3A_1285 {strides = array<i32>} : memref<48x64xf32, #tpu.memory_space<vmem>>, vector<16xf32>,
      %slice3A_1290 = vector.extract_strided_slice %get3A_1189 {offsets = [2], sizes = [1], strides = [1]} : vector<16xf32> to vector<1xf32>
      %squeeze3A_1291 = vector.extract %slice3A_1290[0] : f32 from vector<1xf32>
      %get3A_1292 = arith.constant 18 : i32
      %get3A_1293 = arith.index_cast %get3A_1292 : i32 to index
      %get3A_1294 = arith.constant 0 : index
      %get3A_1295 = tpu.vector_load %arg12[%get3A_1293, %get3A_1294] {strides = array<i32>} : memref<48x64xf32, #tpu.memory_space<vmem>>, vector<16xf32>,
      %mul3A_1296 = vector.broadcast %squeeze3A_1291 : f32 to vector<16xf32>
      %mul3A_1297 = arith.mulf %get3A_1295, %mul3A_1296 : vector<16xf32>
      %swap3A_1298 = arith.constant 18 : i32
      %swap3A_1299 = arith.index_cast %swap3A_1298 : i32 to index
      %swap3A_1300 = arith.constant 0 : index
      %swap3A_1301 = tpu.vector_load %arg12[%swap3A_1299, %swap3A_1300] {strides = array<i32>} : memref<48x64xf32, #tpu.memory_space<vmem>>, vector<16xf32>,
      tpu.vector_store %arg12[%swap3A_1299, %swap3A_1300], %mul3A_1297 {strides = array<i32>} : memref<48x64xf32, #tpu.memory_space<vmem>>, vector<16xf32>,
      %slice3A_1302 = vector.extract_strided_slice %get3A_1189 {offsets = [2], sizes = [1], strides = [1]} : vector<16xf32> to vector<1xf32>
      %squeeze3A_1303 = vector.extract %slice3A_1302[0] : f32 from vector<1xf32>
      %get3A_1304 = arith.constant 18 : i32
      %get3A_1305 = arith.index_cast %get3A_1304 : i32 to index
      %get3A_1306 = arith.constant 16 : index
      %get3A_1307 = tpu.vector_load %arg12[%get3A_1305, %get3A_1306] {strides = array<i32>} : memref<48x64xf32, #tpu.memory_space<vmem>>, vector<16xf32>,
      %mul3A_1308 = vector.broadcast %squeeze3A_1303 : f32 to vector<16xf32>
      %mul3A_1309 = arith.mulf %get3A_1307, %mul3A_1308 : vector<16xf32>
      %swap3A_1310 = arith.constant 18 : i32
      %swap3A_1311 = arith.index_cast %swap3A_1310 : i32 to index
      %swap3A_1312 = arith.constant 16 : index
      %swap3A_1313 = tpu.vector_load %arg12[%swap3A_1311, %swap3A_1312] {strides = array<i32>} : memref<48x64xf32, #tpu.memory_space<vmem>>, vector<16xf32>,
      tpu.vector_store %arg12[%swap3A_1311, %swap3A_1312], %mul3A_1309 {strides = array<i32>} : memref<48x64xf32, #tpu.memory_space<vmem>>, vector<16xf32>,
      %slice3A_1314 = vector.extract_strided_slice %get3A_1193 {offsets = [2], sizes = [1], strides = [1]} : vector<16xf32> to vector<1xf32>
      %squeeze3A_1315 = vector.extract %slice3A_1314[0] : f32 from vector<1xf32>
      %get3A_1316 = arith.constant 18 : i32
      %get3A_1317 = arith.index_cast %get3A_1316 : i32 to index
      %get3A_1318 = arith.constant 32 : index
      %get3A_1319 = tpu.vector_load %arg12[%get3A_1317, %get3A_1318] {strides = array<i32>} : memref<48x64xf32, #tpu.memory_space<vmem>>, vector<16xf32>,
      %mul3A_1320 = vector.broadcast %squeeze3A_1315 : f32 to vector<16xf32>
      %mul3A_1321 = arith.mulf %get3A_1319, %mul3A_1320 : vector<16xf32>
      %swap3A_1322 = arith.constant 18 : i32
      %swap3A_1323 = arith.index_cast %swap3A_1322 : i32 to index
      %swap3A_1324 = arith.constant 32 : index
      %swap3A_1325 = tpu.vector_load %arg12[%swap3A_1323, %swap3A_1324] {strides = array<i32>} : memref<48x64xf32, #tpu.memory_space<vmem>>, vector<16xf32>,
      tpu.vector_store %arg12[%swap3A_1323, %swap3A_1324], %mul3A_1321 {strides = array<i32>} : memref<48x64xf32, #tpu.memory_space<vmem>>, vector<16xf32>,
      %slice3A_1326 = vector.extract_strided_slice %get3A_1193 {offsets = [2], sizes = [1], strides = [1]} : vector<16xf32> to vector<1xf32>
      %squeeze3A_1327 = vector.extract %slice3A_1326[0] : f32 from vector<1xf32>
      %get3A_1328 = arith.constant 18 : i32
      %get3A_1329 = arith.index_cast %get3A_1328 : i32 to index
      %get3A_1330 = arith.constant 48 : index
      %get3A_1331 = tpu.vector_load %arg12[%get3A_1329, %get3A_1330] {strides = array<i32>} : memref<48x64xf32, #tpu.memory_space<vmem>>, vector<16xf32>,
      %mul3A_1332 = vector.broadcast %squeeze3A_1327 : f32 to vector<16xf32>
      %mul3A_1333 = arith.mulf %get3A_1331, %mul3A_1332 : vector<16xf32>
      %swap3A_1334 = arith.constant 18 : i32
      %swap3A_1335 = arith.index_cast %swap3A_1334 : i32 to index
      %swap3A_1336 = arith.constant 48 : index
      %swap3A_1337 = tpu.vector_load %arg12[%swap3A_1335, %swap3A_1336] {strides = array<i32>} : memref<48x64xf32, #tpu.memory_space<vmem>>, vector<16xf32>,
      tpu.vector_store %arg12[%swap3A_1335, %swap3A_1336], %mul3A_1333 {strides = array<i32>} : memref<48x64xf32, #tpu.memory_space<vmem>>, vector<16xf32>,
      %slice3A_1338 = vector.extract_strided_slice %get3A_1189 {offsets = [3], sizes = [1], strides = [1]} : vector<16xf32> to vector<1xf32>
      %squeeze3A_1339 = vector.extract %slice3A_1338[0] : f32 from vector<1xf32>
      %get3A_1340 = arith.constant 19 : i32
      %get3A_1341 = arith.index_cast %get3A_1340 : i32 to index
      %get3A_1342 = arith.constant 0 : index
      %get3A_1343 = tpu.vector_load %arg12[%get3A_1341, %get3A_1342] {strides = array<i32>} : memref<48x64xf32, #tpu.memory_space<vmem>>, vector<16xf32>,
      %mul3A_1344 = vector.broadcast %squeeze3A_1339 : f32 to vector<16xf32>
      %mul3A_1345 = arith.mulf %get3A_1343, %mul3A_1344 : vector<16xf32>
      %swap3A_1346 = arith.constant 19 : i32
      %swap3A_1347 = arith.index_cast %swap3A_1346 : i32 to index
      %swap3A_1348 = arith.constant 0 : index
      %swap3A_1349 = tpu.vector_load %arg12[%swap3A_1347, %swap3A_1348] {strides = array<i32>} : memref<48x64xf32, #tpu.memory_space<vmem>>, vector<16xf32>,
      tpu.vector_store %arg12[%swap3A_1347, %swap3A_1348], %mul3A_1345 {strides = array<i32>} : memref<48x64xf32, #tpu.memory_space<vmem>>, vector<16xf32>,
      %slice3A_1350 = vector.extract_strided_slice %get3A_1189 {offsets = [3], sizes = [1], strides = [1]} : vector<16xf32> to vector<1xf32>
      %squeeze3A_1351 = vector.extract %slice3A_1350[0] : f32 from vector<1xf32>
      %get3A_1352 = arith.constant 19 : i32
      %get3A_1353 = arith.index_cast %get3A_1352 : i32 to index
      %get3A_1354 = arith.constant 16 : index
      %get3A_1355 = tpu.vector_load %arg12[%get3A_1353, %get3A_1354] {strides = array<i32>} : memref<48x64xf32, #tpu.memory_space<vmem>>, vector<16xf32>,
      %mul3A_1356 = vector.broadcast %squeeze3A_1351 : f32 to vector<16xf32>
      %mul3A_1357 = arith.mulf %get3A_1355, %mul3A_1356 : vector<16xf32>
      %swap3A_1358 = arith.constant 19 : i32
      %swap3A_1359 = arith.index_cast %swap3A_1358 : i32 to index
      %swap3A_1360 = arith.constant 16 : index
      %swap3A_1361 = tpu.vector_load %arg12[%swap3A_1359, %swap3A_1360] {strides = array<i32>} : memref<48x64xf32, #tpu.memory_space<vmem>>, vector<16xf32>,
      tpu.vector_store %arg12[%swap3A_1359, %swap3A_1360], %mul3A_1357 {strides = array<i32>} : memref<48x64xf32, #tpu.memory_space<vmem>>, vector<16xf32>,
      %slice3A_1362 = vector.extract_strided_slice %get3A_1193 {offsets = [3], sizes = [1], strides = [1]} : vector<16xf32> to vector<1xf32>
      %squeeze3A_1363 = vector.extract %slice3A_1362[0] : f32 from vector<1xf32>
      %get3A_1364 = arith.constant 19 : i32
      %get3A_1365 = arith.index_cast %get3A_1364 : i32 to index
      %get3A_1366 = arith.constant 32 : index
      %get3A_1367 = tpu.vector_load %arg12[%get3A_1365, %get3A_1366] {strides = array<i32>} : memref<48x64xf32, #tpu.memory_space<vmem>>, vector<16xf32>,
      %mul3A_1368 = vector.broadcast %squeeze3A_1363 : f32 to vector<16xf32>
      %mul3A_1369 = arith.mulf %get3A_1367, %mul3A_1368 : vector<16xf32>
      %swap3A_1370 = arith.constant 19 : i32
      %swap3A_1371 = arith.index_cast %swap3A_1370 : i32 to index
      %swap3A_1372 = arith.constant 32 : index
      %swap3A_1373 = tpu.vector_load %arg12[%swap3A_1371, %swap3A_1372] {strides = array<i32>} : memref<48x64xf32, #tpu.memory_space<vmem>>, vector<16xf32>,
      tpu.vector_store %arg12[%swap3A_1371, %swap3A_1372], %mul3A_1369 {strides = array<i32>} : memref<48x64xf32, #tpu.memory_space<vmem>>, vector<16xf32>,
      %slice3A_1374 = vector.extract_strided_slice %get3A_1193 {offsets = [3], sizes = [1], strides = [1]} : vector<16xf32> to vector<1xf32>
      %squeeze3A_1375 = vector.extract %slice3A_1374[0] : f32 from vector<1xf32>
      %get3A_1376 = arith.constant 19 : i32
      %get3A_1377 = arith.index_cast %get3A_1376 : i32 to index
      %get3A_1378 = arith.constant 48 : index
      %get3A_1379 = tpu.vector_load %arg12[%get3A_1377, %get3A_1378] {strides = array<i32>} : memref<48x64xf32, #tpu.memory_space<vmem>>, vector<16xf32>,
      %mul3A_1380 = vector.broadcast %squeeze3A_1375 : f32 to vector<16xf32>
      %mul3A_1381 = arith.mulf %get3A_1379, %mul3A_1380 : vector<16xf32>
      %swap3A_1382 = arith.constant 19 : i32
      %swap3A_1383 = arith.index_cast %swap3A_1382 : i32 to index
      %swap3A_1384 = arith.constant 48 : index
      %swap3A_1385 = tpu.vector_load %arg12[%swap3A_1383, %swap3A_1384] {strides = array<i32>} : memref<48x64xf32, #tpu.memory_space<vmem>>, vector<16xf32>,
      tpu.vector_store %arg12[%swap3A_1383, %swap3A_1384], %mul3A_1381 {strides = array<i32>} : memref<48x64xf32, #tpu.memory_space<vmem>>, vector<16xf32>,
      %slice3A_1386 = vector.extract_strided_slice %get3A_1189 {offsets = [4], sizes = [1], strides = [1]} : vector<16xf32> to vector<1xf32>
      %squeeze3A_1387 = vector.extract %slice3A_1386[0] : f32 from vector<1xf32>
      %get3A_1388 = arith.constant 20 : i32
      %get3A_1389 = arith.index_cast %get3A_1388 : i32 to index
      %get3A_1390 = arith.constant 0 : index
      %get3A_1391 = tpu.vector_load %arg12[%get3A_1389, %get3A_1390] {strides = array<i32>} : memref<48x64xf32, #tpu.memory_space<vmem>>, vector<16xf32>,
      %mul3A_1392 = vector.broadcast %squeeze3A_1387 : f32 to vector<16xf32>
      %mul3A_1393 = arith.mulf %get3A_1391, %mul3A_1392 : vector<16xf32>
      %swap3A_1394 = arith.constant 20 : i32
      %swap3A_1395 = arith.index_cast %swap3A_1394 : i32 to index
      %swap3A_1396 = arith.constant 0 : index
      %swap3A_1397 = tpu.vector_load %arg12[%swap3A_1395, %swap3A_1396] {strides = array<i32>} : memref<48x64xf32, #tpu.memory_space<vmem>>, vector<16xf32>,
      tpu.vector_store %arg12[%swap3A_1395, %swap3A_1396], %mul3A_1393 {strides = array<i32>} : memref<48x64xf32, #tpu.memory_space<vmem>>, vector<16xf32>,
      %slice3A_1398 = vector.extract_strided_slice %get3A_1189 {offsets = [4], sizes = [1], strides = [1]} : vector<16xf32> to vector<1xf32>
      %squeeze3A_1399 = vector.extract %slice3A_1398[0] : f32 from vector<1xf32>
      %get3A_1400 = arith.constant 20 : i32
      %get3A_1401 = arith.index_cast %get3A_1400 : i32 to index
      %get3A_1402 = arith.constant 16 : index
      %get3A_1403 = tpu.vector_load %arg12[%get3A_1401, %get3A_1402] {strides = array<i32>} : memref<48x64xf32, #tpu.memory_space<vmem>>, vector<16xf32>,
      %mul3A_1404 = vector.broadcast %squeeze3A_1399 : f32 to vector<16xf32>
      %mul3A_1405 = arith.mulf %get3A_1403, %mul3A_1404 : vector<16xf32>
      %swap3A_1406 = arith.constant 20 : i32
      %swap3A_1407 = arith.index_cast %swap3A_1406 : i32 to index
      %swap3A_1408 = arith.constant 16 : index
      %swap3A_1409 = tpu.vector_load %arg12[%swap3A_1407, %swap3A_1408] {strides = array<i32>} : memref<48x64xf32, #tpu.memory_space<vmem>>, vector<16xf32>,
      tpu.vector_store %arg12[%swap3A_1407, %swap3A_1408], %mul3A_1405 {strides = array<i32>} : memref<48x64xf32, #tpu.memory_space<vmem>>, vector<16xf32>,
      %slice3A_1410 = vector.extract_strided_slice %get3A_1193 {offsets = [4], sizes = [1], strides = [1]} : vector<16xf32> to vector<1xf32>
      %squeeze3A_1411 = vector.extract %slice3A_1410[0] : f32 from vector<1xf32>
      %get3A_1412 = arith.constant 20 : i32
      %get3A_1413 = arith.index_cast %get3A_1412 : i32 to index
      %get3A_1414 = arith.constant 32 : index
      %get3A_1415 = tpu.vector_load %arg12[%get3A_1413, %get3A_1414] {strides = array<i32>} : memref<48x64xf32, #tpu.memory_space<vmem>>, vector<16xf32>,
      %mul3A_1416 = vector.broadcast %squeeze3A_1411 : f32 to vector<16xf32>
      %mul3A_1417 = arith.mulf %get3A_1415, %mul3A_1416 : vector<16xf32>
      %swap3A_1418 = arith.constant 20 : i32
      %swap3A_1419 = arith.index_cast %swap3A_1418 : i32 to index
      %swap3A_1420 = arith.constant 32 : index
      %swap3A_1421 = tpu.vector_load %arg12[%swap3A_1419, %swap3A_1420] {strides = array<i32>} : memref<48x64xf32, #tpu.memory_space<vmem>>, vector<16xf32>,
      tpu.vector_store %arg12[%swap3A_1419, %swap3A_1420], %mul3A_1417 {strides = array<i32>} : memref<48x64xf32, #tpu.memory_space<vmem>>, vector<16xf32>,
      %slice3A_1422 = vector.extract_strided_slice %get3A_1193 {offsets = [4], sizes = [1], strides = [1]} : vector<16xf32> to vector<1xf32>
      %squeeze3A_1423 = vector.extract %slice3A_1422[0] : f32 from vector<1xf32>
      %get3A_1424 = arith.constant 20 : i32
      %get3A_1425 = arith.index_cast %get3A_1424 : i32 to index
      %get3A_1426 = arith.constant 48 : index
      %get3A_1427 = tpu.vector_load %arg12[%get3A_1425, %get3A_1426] {strides = array<i32>} : memref<48x64xf32, #tpu.memory_space<vmem>>, vector<16xf32>,
      %mul3A_1428 = vector.broadcast %squeeze3A_1423 : f32 to vector<16xf32>
      %mul3A_1429 = arith.mulf %get3A_1427, %mul3A_1428 : vector<16xf32>
      %swap3A_1430 = arith.constant 20 : i32
      %swap3A_1431 = arith.index_cast %swap3A_1430 : i32 to index
      %swap3A_1432 = arith.constant 48 : index
      %swap3A_1433 = tpu.vector_load %arg12[%swap3A_1431, %swap3A_1432] {strides = array<i32>} : memref<48x64xf32, #tpu.memory_space<vmem>>, vector<16xf32>,
      tpu.vector_store %arg12[%swap3A_1431, %swap3A_1432], %mul3A_1429 {strides = array<i32>} : memref<48x64xf32, #tpu.memory_space<vmem>>, vector<16xf32>,
      %slice3A_1434 = vector.extract_strided_slice %get3A_1189 {offsets = [5], sizes = [1], strides = [1]} : vector<16xf32> to vector<1xf32>
      %squeeze3A_1435 = vector.extract %slice3A_1434[0] : f32 from vector<1xf32>
      %get3A_1436 = arith.constant 21 : i32
      %get3A_1437 = arith.index_cast %get3A_1436 : i32 to index
      %get3A_1438 = arith.constant 0 : index
      %get3A_1439 = tpu.vector_load %arg12[%get3A_1437, %get3A_1438] {strides = array<i32>} : memref<48x64xf32, #tpu.memory_space<vmem>>, vector<16xf32>,
      %mul3A_1440 = vector.broadcast %squeeze3A_1435 : f32 to vector<16xf32>
      %mul3A_1441 = arith.mulf %get3A_1439, %mul3A_1440 : vector<16xf32>
      %swap3A_1442 = arith.constant 21 : i32
      %swap3A_1443 = arith.index_cast %swap3A_1442 : i32 to index
      %swap3A_1444 = arith.constant 0 : index
      %swap3A_1445 = tpu.vector_load %arg12[%swap3A_1443, %swap3A_1444] {strides = array<i32>} : memref<48x64xf32, #tpu.memory_space<vmem>>, vector<16xf32>,
      tpu.vector_store %arg12[%swap3A_1443, %swap3A_1444], %mul3A_1441 {strides = array<i32>} : memref<48x64xf32, #tpu.memory_space<vmem>>, vector<16xf32>,
      %slice3A_1446 = vector.extract_strided_slice %get3A_1189 {offsets = [5], sizes = [1], strides = [1]} : vector<16xf32> to vector<1xf32>
      %squeeze3A_1447 = vector.extract %slice3A_1446[0] : f32 from vector<1xf32>
      %get3A_1448 = arith.constant 21 : i32
      %get3A_1449 = arith.index_cast %get3A_1448 : i32 to index
      %get3A_1450 = arith.constant 16 : index
      %get3A_1451 = tpu.vector_load %arg12[%get3A_1449, %get3A_1450] {strides = array<i32>} : memref<48x64xf32, #tpu.memory_space<vmem>>, vector<16xf32>,
      %mul3A_1452 = vector.broadcast %squeeze3A_1447 : f32 to vector<16xf32>
      %mul3A_1453 = arith.mulf %get3A_1451, %mul3A_1452 : vector<16xf32>
      %swap3A_1454 = arith.constant 21 : i32
      %swap3A_1455 = arith.index_cast %swap3A_1454 : i32 to index
      %swap3A_1456 = arith.constant 16 : index
      %swap3A_1457 = tpu.vector_load %arg12[%swap3A_1455, %swap3A_1456] {strides = array<i32>} : memref<48x64xf32, #tpu.memory_space<vmem>>, vector<16xf32>,
      tpu.vector_store %arg12[%swap3A_1455, %swap3A_1456], %mul3A_1453 {strides = array<i32>} : memref<48x64xf32, #tpu.memory_space<vmem>>, vector<16xf32>,
      %slice3A_1458 = vector.extract_strided_slice %get3A_1193 {offsets = [5], sizes = [1], strides = [1]} : vector<16xf32> to vector<1xf32>
      %squeeze3A_1459 = vector.extract %slice3A_1458[0] : f32 from vector<1xf32>
      %get3A_1460 = arith.constant 21 : i32
      %get3A_1461 = arith.index_cast %get3A_1460 : i32 to index
      %get3A_1462 = arith.constant 32 : index
      %get3A_1463 = tpu.vector_load %arg12[%get3A_1461, %get3A_1462] {strides = array<i32>} : memref<48x64xf32, #tpu.memory_space<vmem>>, vector<16xf32>,
      %mul3A_1464 = vector.broadcast %squeeze3A_1459 : f32 to vector<16xf32>
      %mul3A_1465 = arith.mulf %get3A_1463, %mul3A_1464 : vector<16xf32>
      %swap3A_1466 = arith.constant 21 : i32
      %swap3A_1467 = arith.index_cast %swap3A_1466 : i32 to index
      %swap3A_1468 = arith.constant 32 : index
      %swap3A_1469 = tpu.vector_load %arg12[%swap3A_1467, %swap3A_1468] {strides = array<i32>} : memref<48x64xf32, #tpu.memory_space<vmem>>, vector<16xf32>,
      tpu.vector_store %arg12[%swap3A_1467, %swap3A_1468], %mul3A_1465 {strides = array<i32>} : memref<48x64xf32, #tpu.memory_space<vmem>>, vector<16xf32>,
      %slice3A_1470 = vector.extract_strided_slice %get3A_1193 {offsets = [5], sizes = [1], strides = [1]} : vector<16xf32> to vector<1xf32>
      %squeeze3A_1471 = vector.extract %slice3A_1470[0] : f32 from vector<1xf32>
      %get3A_1472 = arith.constant 21 : i32
      %get3A_1473 = arith.index_cast %get3A_1472 : i32 to index
      %get3A_1474 = arith.constant 48 : index
      %get3A_1475 = tpu.vector_load %arg12[%get3A_1473, %get3A_1474] {strides = array<i32>} : memref<48x64xf32, #tpu.memory_space<vmem>>, vector<16xf32>,
      %mul3A_1476 = vector.broadcast %squeeze3A_1471 : f32 to vector<16xf32>
      %mul3A_1477 = arith.mulf %get3A_1475, %mul3A_1476 : vector<16xf32>
      %swap3A_1478 = arith.constant 21 : i32
      %swap3A_1479 = arith.index_cast %swap3A_1478 : i32 to index
      %swap3A_1480 = arith.constant 48 : index
      %swap3A_1481 = tpu.vector_load %arg12[%swap3A_1479, %swap3A_1480] {strides = array<i32>} : memref<48x64xf32, #tpu.memory_space<vmem>>, vector<16xf32>,
      tpu.vector_store %arg12[%swap3A_1479, %swap3A_1480], %mul3A_1477 {strides = array<i32>} : memref<48x64xf32, #tpu.memory_space<vmem>>, vector<16xf32>,
      %slice3A_1482 = vector.extract_strided_slice %get3A_1189 {offsets = [6], sizes = [1], strides = [1]} : vector<16xf32> to vector<1xf32>
      %squeeze3A_1483 = vector.extract %slice3A_1482[0] : f32 from vector<1xf32>
      %get3A_1484 = arith.constant 22 : i32
      %get3A_1485 = arith.index_cast %get3A_1484 : i32 to index
      %get3A_1486 = arith.constant 0 : index
      %get3A_1487 = tpu.vector_load %arg12[%get3A_1485, %get3A_1486] {strides = array<i32>} : memref<48x64xf32, #tpu.memory_space<vmem>>, vector<16xf32>,
      %mul3A_1488 = vector.broadcast %squeeze3A_1483 : f32 to vector<16xf32>
      %mul3A_1489 = arith.mulf %get3A_1487, %mul3A_1488 : vector<16xf32>
      %swap3A_1490 = arith.constant 22 : i32
      %swap3A_1491 = arith.index_cast %swap3A_1490 : i32 to index
      %swap3A_1492 = arith.constant 0 : index
      %swap3A_1493 = tpu.vector_load %arg12[%swap3A_1491, %swap3A_1492] {strides = array<i32>} : memref<48x64xf32, #tpu.memory_space<vmem>>, vector<16xf32>,
      tpu.vector_store %arg12[%swap3A_1491, %swap3A_1492], %mul3A_1489 {strides = array<i32>} : memref<48x64xf32, #tpu.memory_space<vmem>>, vector<16xf32>,
      %slice3A_1494 = vector.extract_strided_slice %get3A_1189 {offsets = [6], sizes = [1], strides = [1]} : vector<16xf32> to vector<1xf32>
      %squeeze3A_1495 = vector.extract %slice3A_1494[0] : f32 from vector<1xf32>
      %get3A_1496 = arith.constant 22 : i32
      %get3A_1497 = arith.index_cast %get3A_1496 : i32 to index
      %get3A_1498 = arith.constant 16 : index
      %get3A_1499 = tpu.vector_load %arg12[%get3A_1497, %get3A_1498] {strides = array<i32>} : memref<48x64xf32, #tpu.memory_space<vmem>>, vector<16xf32>,
      %mul3A_1500 = vector.broadcast %squeeze3A_1495 : f32 to vector<16xf32>
      %mul3A_1501 = arith.mulf %get3A_1499, %mul3A_1500 : vector<16xf32>
      %swap3A_1502 = arith.constant 22 : i32
      %swap3A_1503 = arith.index_cast %swap3A_1502 : i32 to index
      %swap3A_1504 = arith.constant 16 : index
      %swap3A_1505 = tpu.vector_load %arg12[%swap3A_1503, %swap3A_1504] {strides = array<i32>} : memref<48x64xf32, #tpu.memory_space<vmem>>, vector<16xf32>,
      tpu.vector_store %arg12[%swap3A_1503, %swap3A_1504], %mul3A_1501 {strides = array<i32>} : memref<48x64xf32, #tpu.memory_space<vmem>>, vector<16xf32>,
      %slice3A_1506 = vector.extract_strided_slice %get3A_1193 {offsets = [6], sizes = [1], strides = [1]} : vector<16xf32> to vector<1xf32>
      %squeeze3A_1507 = vector.extract %slice3A_1506[0] : f32 from vector<1xf32>
      %get3A_1508 = arith.constant 22 : i32
      %get3A_1509 = arith.index_cast %get3A_1508 : i32 to index
      %get3A_1510 = arith.constant 32 : index
      %get3A_1511 = tpu.vector_load %arg12[%get3A_1509, %get3A_1510] {strides = array<i32>} : memref<48x64xf32, #tpu.memory_space<vmem>>, vector<16xf32>,
      %mul3A_1512 = vector.broadcast %squeeze3A_1507 : f32 to vector<16xf32>
      %mul3A_1513 = arith.mulf %get3A_1511, %mul3A_1512 : vector<16xf32>
      %swap3A_1514 = arith.constant 22 : i32
      %swap3A_1515 = arith.index_cast %swap3A_1514 : i32 to index
      %swap3A_1516 = arith.constant 32 : index
      %swap3A_1517 = tpu.vector_load %arg12[%swap3A_1515, %swap3A_1516] {strides = array<i32>} : memref<48x64xf32, #tpu.memory_space<vmem>>, vector<16xf32>,
      tpu.vector_store %arg12[%swap3A_1515, %swap3A_1516], %mul3A_1513 {strides = array<i32>} : memref<48x64xf32, #tpu.memory_space<vmem>>, vector<16xf32>,
      %slice3A_1518 = vector.extract_strided_slice %get3A_1193 {offsets = [6], sizes = [1], strides = [1]} : vector<16xf32> to vector<1xf32>
      %squeeze3A_1519 = vector.extract %slice3A_1518[0] : f32 from vector<1xf32>
      %get3A_1520 = arith.constant 22 : i32
      %get3A_1521 = arith.index_cast %get3A_1520 : i32 to index
      %get3A_1522 = arith.constant 48 : index
      %get3A_1523 = tpu.vector_load %arg12[%get3A_1521, %get3A_1522] {strides = array<i32>} : memref<48x64xf32, #tpu.memory_space<vmem>>, vector<16xf32>,
      %mul3A_1524 = vector.broadcast %squeeze3A_1519 : f32 to vector<16xf32>
      %mul3A_1525 = arith.mulf %get3A_1523, %mul3A_1524 : vector<16xf32>
      %swap3A_1526 = arith.constant 22 : i32
      %swap3A_1527 = arith.index_cast %swap3A_1526 : i32 to index
      %swap3A_1528 = arith.constant 48 : index
      %swap3A_1529 = tpu.vector_load %arg12[%swap3A_1527, %swap3A_1528] {strides = array<i32>} : memref<48x64xf32, #tpu.memory_space<vmem>>, vector<16xf32>,
      tpu.vector_store %arg12[%swap3A_1527, %swap3A_1528], %mul3A_1525 {strides = array<i32>} : memref<48x64xf32, #tpu.memory_space<vmem>>, vector<16xf32>,
      %slice3A_1530 = vector.extract_strided_slice %get3A_1189 {offsets = [7], sizes = [1], strides = [1]} : vector<16xf32> to vector<1xf32>
      %squeeze3A_1531 = vector.extract %slice3A_1530[0] : f32 from vector<1xf32>
      %get3A_1532 = arith.constant 23 : i32
      %get3A_1533 = arith.index_cast %get3A_1532 : i32 to index
      %get3A_1534 = arith.constant 0 : index
      %get3A_1535 = tpu.vector_load %arg12[%get3A_1533, %get3A_1534] {strides = array<i32>} : memref<48x64xf32, #tpu.memory_space<vmem>>, vector<16xf32>,
      %mul3A_1536 = vector.broadcast %squeeze3A_1531 : f32 to vector<16xf32>
      %mul3A_1537 = arith.mulf %get3A_1535, %mul3A_1536 : vector<16xf32>
      %swap3A_1538 = arith.constant 23 : i32
      %swap3A_1539 = arith.index_cast %swap3A_1538 : i32 to index
      %swap3A_1540 = arith.constant 0 : index
      %swap3A_1541 = tpu.vector_load %arg12[%swap3A_1539, %swap3A_1540] {strides = array<i32>} : memref<48x64xf32, #tpu.memory_space<vmem>>, vector<16xf32>,
      tpu.vector_store %arg12[%swap3A_1539, %swap3A_1540], %mul3A_1537 {strides = array<i32>} : memref<48x64xf32, #tpu.memory_space<vmem>>, vector<16xf32>,
      %slice3A_1542 = vector.extract_strided_slice %get3A_1189 {offsets = [7], sizes = [1], strides = [1]} : vector<16xf32> to vector<1xf32>
      %squeeze3A_1543 = vector.extract %slice3A_1542[0] : f32 from vector<1xf32>
      %get3A_1544 = arith.constant 23 : i32
      %get3A_1545 = arith.index_cast %get3A_1544 : i32 to index
      %get3A_1546 = arith.constant 16 : index
      %get3A_1547 = tpu.vector_load %arg12[%get3A_1545, %get3A_1546] {strides = array<i32>} : memref<48x64xf32, #tpu.memory_space<vmem>>, vector<16xf32>,
      %mul3A_1548 = vector.broadcast %squeeze3A_1543 : f32 to vector<16xf32>
      %mul3A_1549 = arith.mulf %get3A_1547, %mul3A_1548 : vector<16xf32>
      %swap3A_1550 = arith.constant 23 : i32
      %swap3A_1551 = arith.index_cast %swap3A_1550 : i32 to index
      %swap3A_1552 = arith.constant 16 : index
      %swap3A_1553 = tpu.vector_load %arg12[%swap3A_1551, %swap3A_1552] {strides = array<i32>} : memref<48x64xf32, #tpu.memory_space<vmem>>, vector<16xf32>,
      tpu.vector_store %arg12[%swap3A_1551, %swap3A_1552], %mul3A_1549 {strides = array<i32>} : memref<48x64xf32, #tpu.memory_space<vmem>>, vector<16xf32>,
      %slice3A_1554 = vector.extract_strided_slice %get3A_1193 {offsets = [7], sizes = [1], strides = [1]} : vector<16xf32> to vector<1xf32>
      %squeeze3A_1555 = vector.extract %slice3A_1554[0] : f32 from vector<1xf32>
      %get3A_1556 = arith.constant 23 : i32
      %get3A_1557 = arith.index_cast %get3A_1556 : i32 to index
      %get3A_1558 = arith.constant 32 : index
      %get3A_1559 = tpu.vector_load %arg12[%get3A_1557, %get3A_1558] {strides = array<i32>} : memref<48x64xf32, #tpu.memory_space<vmem>>, vector<16xf32>,
      %mul3A_1560 = vector.broadcast %squeeze3A_1555 : f32 to vector<16xf32>
      %mul3A_1561 = arith.mulf %get3A_1559, %mul3A_1560 : vector<16xf32>
      %swap3A_1562 = arith.constant 23 : i32
      %swap3A_1563 = arith.index_cast %swap3A_1562 : i32 to index
      %swap3A_1564 = arith.constant 32 : index
      %swap3A_1565 = tpu.vector_load %arg12[%swap3A_1563, %swap3A_1564] {strides = array<i32>} : memref<48x64xf32, #tpu.memory_space<vmem>>, vector<16xf32>,
      tpu.vector_store %arg12[%swap3A_1563, %swap3A_1564], %mul3A_1561 {strides = array<i32>} : memref<48x64xf32, #tpu.memory_space<vmem>>, vector<16xf32>,
      %slice3A_1566 = vector.extract_strided_slice %get3A_1193 {offsets = [7], sizes = [1], strides = [1]} : vector<16xf32> to vector<1xf32>
      %squeeze3A_1567 = vector.extract %slice3A_1566[0] : f32 from vector<1xf32>
      %get3A_1568 = arith.constant 23 : i32
      %get3A_1569 = arith.index_cast %get3A_1568 : i32 to index
      %get3A_1570 = arith.constant 48 : index
      %get3A_1571 = tpu.vector_load %arg12[%get3A_1569, %get3A_1570] {strides = array<i32>} : memref<48x64xf32, #tpu.memory_space<vmem>>, vector<16xf32>,
      %mul3A_1572 = vector.broadcast %squeeze3A_1567 : f32 to vector<16xf32>
      %mul3A_1573 = arith.mulf %get3A_1571, %mul3A_1572 : vector<16xf32>
      %swap3A_1574 = arith.constant 23 : i32
      %swap3A_1575 = arith.index_cast %swap3A_1574 : i32 to index
      %swap3A_1576 = arith.constant 48 : index
      %swap3A_1577 = tpu.vector_load %arg12[%swap3A_1575, %swap3A_1576] {strides = array<i32>} : memref<48x64xf32, #tpu.memory_space<vmem>>, vector<16xf32>,
      tpu.vector_store %arg12[%swap3A_1575, %swap3A_1576], %mul3A_1573 {strides = array<i32>} : memref<48x64xf32, #tpu.memory_space<vmem>>, vector<16xf32>,
      %slice3A_1578 = vector.extract_strided_slice %get3A_1189 {offsets = [8], sizes = [1], strides = [1]} : vector<16xf32> to vector<1xf32>
      %squeeze3A_1579 = vector.extract %slice3A_1578[0] : f32 from vector<1xf32>
      %get3A_1580 = arith.constant 24 : i32
      %get3A_1581 = arith.index_cast %get3A_1580 : i32 to index
      %get3A_1582 = arith.constant 0 : index
      %get3A_1583 = tpu.vector_load %arg12[%get3A_1581, %get3A_1582] {strides = array<i32>} : memref<48x64xf32, #tpu.memory_space<vmem>>, vector<16xf32>,
      %mul3A_1584 = vector.broadcast %squeeze3A_1579 : f32 to vector<16xf32>
      %mul3A_1585 = arith.mulf %get3A_1583, %mul3A_1584 : vector<16xf32>
      %swap3A_1586 = arith.constant 24 : i32
      %swap3A_1587 = arith.index_cast %swap3A_1586 : i32 to index
      %swap3A_1588 = arith.constant 0 : index
      %swap3A_1589 = tpu.vector_load %arg12[%swap3A_1587, %swap3A_1588] {strides = array<i32>} : memref<48x64xf32, #tpu.memory_space<vmem>>, vector<16xf32>,
      tpu.vector_store %arg12[%swap3A_1587, %swap3A_1588], %mul3A_1585 {strides = array<i32>} : memref<48x64xf32, #tpu.memory_space<vmem>>, vector<16xf32>,
      %slice3A_1590 = vector.extract_strided_slice %get3A_1189 {offsets = [8], sizes = [1], strides = [1]} : vector<16xf32> to vector<1xf32>
      %squeeze3A_1591 = vector.extract %slice3A_1590[0] : f32 from vector<1xf32>
      %get3A_1592 = arith.constant 24 : i32
      %get3A_1593 = arith.index_cast %get3A_1592 : i32 to index
      %get3A_1594 = arith.constant 16 : index
      %get3A_1595 = tpu.vector_load %arg12[%get3A_1593, %get3A_1594] {strides = array<i32>} : memref<48x64xf32, #tpu.memory_space<vmem>>, vector<16xf32>,
      %mul3A_1596 = vector.broadcast %squeeze3A_1591 : f32 to vector<16xf32>
      %mul3A_1597 = arith.mulf %get3A_1595, %mul3A_1596 : vector<16xf32>
      %swap3A_1598 = arith.constant 24 : i32
      %swap3A_1599 = arith.index_cast %swap3A_1598 : i32 to index
      %swap3A_1600 = arith.constant 16 : index
      %swap3A_1601 = tpu.vector_load %arg12[%swap3A_1599, %swap3A_1600] {strides = array<i32>} : memref<48x64xf32, #tpu.memory_space<vmem>>, vector<16xf32>,
      tpu.vector_store %arg12[%swap3A_1599, %swap3A_1600], %mul3A_1597 {strides = array<i32>} : memref<48x64xf32, #tpu.memory_space<vmem>>, vector<16xf32>,
      %slice3A_1602 = vector.extract_strided_slice %get3A_1193 {offsets = [8], sizes = [1], strides = [1]} : vector<16xf32> to vector<1xf32>
      %squeeze3A_1603 = vector.extract %slice3A_1602[0] : f32 from vector<1xf32>
      %get3A_1604 = arith.constant 24 : i32
      %get3A_1605 = arith.index_cast %get3A_1604 : i32 to index
      %get3A_1606 = arith.constant 32 : index
      %get3A_1607 = tpu.vector_load %arg12[%get3A_1605, %get3A_1606] {strides = array<i32>} : memref<48x64xf32, #tpu.memory_space<vmem>>, vector<16xf32>,
      %mul3A_1608 = vector.broadcast %squeeze3A_1603 : f32 to vector<16xf32>
      %mul3A_1609 = arith.mulf %get3A_1607, %mul3A_1608 : vector<16xf32>
      %swap3A_1610 = arith.constant 24 : i32
      %swap3A_1611 = arith.index_cast %swap3A_1610 : i32 to index
      %swap3A_1612 = arith.constant 32 : index
      %swap3A_1613 = tpu.vector_load %arg12[%swap3A_1611, %swap3A_1612] {strides = array<i32>} : memref<48x64xf32, #tpu.memory_space<vmem>>, vector<16xf32>,
      tpu.vector_store %arg12[%swap3A_1611, %swap3A_1612], %mul3A_1609 {strides = array<i32>} : memref<48x64xf32, #tpu.memory_space<vmem>>, vector<16xf32>,
      %slice3A_1614 = vector.extract_strided_slice %get3A_1193 {offsets = [8], sizes = [1], strides = [1]} : vector<16xf32> to vector<1xf32>
      %squeeze3A_1615 = vector.extract %slice3A_1614[0] : f32 from vector<1xf32>
      %get3A_1616 = arith.constant 24 : i32
      %get3A_1617 = arith.index_cast %get3A_1616 : i32 to index
      %get3A_1618 = arith.constant 48 : index
      %get3A_1619 = tpu.vector_load %arg12[%get3A_1617, %get3A_1618] {strides = array<i32>} : memref<48x64xf32, #tpu.memory_space<vmem>>, vector<16xf32>,
      %mul3A_1620 = vector.broadcast %squeeze3A_1615 : f32 to vector<16xf32>
      %mul3A_1621 = arith.mulf %get3A_1619, %mul3A_1620 : vector<16xf32>
      %swap3A_1622 = arith.constant 24 : i32
      %swap3A_1623 = arith.index_cast %swap3A_1622 : i32 to index
      %swap3A_1624 = arith.constant 48 : index
      %swap3A_1625 = tpu.vector_load %arg12[%swap3A_1623, %swap3A_1624] {strides = array<i32>} : memref<48x64xf32, #tpu.memory_space<vmem>>, vector<16xf32>,
      tpu.vector_store %arg12[%swap3A_1623, %swap3A_1624], %mul3A_1621 {strides = array<i32>} : memref<48x64xf32, #tpu.memory_space<vmem>>, vector<16xf32>,
      %slice3A_1626 = vector.extract_strided_slice %get3A_1189 {offsets = [9], sizes = [1], strides = [1]} : vector<16xf32> to vector<1xf32>
      %squeeze3A_1627 = vector.extract %slice3A_1626[0] : f32 from vector<1xf32>
      %get3A_1628 = arith.constant 25 : i32
      %get3A_1629 = arith.index_cast %get3A_1628 : i32 to index
      %get3A_1630 = arith.constant 0 : index
      %get3A_1631 = tpu.vector_load %arg12[%get3A_1629, %get3A_1630] {strides = array<i32>} : memref<48x64xf32, #tpu.memory_space<vmem>>, vector<16xf32>,
      %mul3A_1632 = vector.broadcast %squeeze3A_1627 : f32 to vector<16xf32>
      %mul3A_1633 = arith.mulf %get3A_1631, %mul3A_1632 : vector<16xf32>
      %swap3A_1634 = arith.constant 25 : i32
      %swap3A_1635 = arith.index_cast %swap3A_1634 : i32 to index
      %swap3A_1636 = arith.constant 0 : index
      %swap3A_1637 = tpu.vector_load %arg12[%swap3A_1635, %swap3A_1636] {strides = array<i32>} : memref<48x64xf32, #tpu.memory_space<vmem>>, vector<16xf32>,
      tpu.vector_store %arg12[%swap3A_1635, %swap3A_1636], %mul3A_1633 {strides = array<i32>} : memref<48x64xf32, #tpu.memory_space<vmem>>, vector<16xf32>,
      %slice3A_1638 = vector.extract_strided_slice %get3A_1189 {offsets = [9], sizes = [1], strides = [1]} : vector<16xf32> to vector<1xf32>
      %squeeze3A_1639 = vector.extract %slice3A_1638[0] : f32 from vector<1xf32>
      %get3A_1640 = arith.constant 25 : i32
      %get3A_1641 = arith.index_cast %get3A_1640 : i32 to index
      %get3A_1642 = arith.constant 16 : index
      %get3A_1643 = tpu.vector_load %arg12[%get3A_1641, %get3A_1642] {strides = array<i32>} : memref<48x64xf32, #tpu.memory_space<vmem>>, vector<16xf32>,
      %mul3A_1644 = vector.broadcast %squeeze3A_1639 : f32 to vector<16xf32>
      %mul3A_1645 = arith.mulf %get3A_1643, %mul3A_1644 : vector<16xf32>
      %swap3A_1646 = arith.constant 25 : i32
      %swap3A_1647 = arith.index_cast %swap3A_1646 : i32 to index
      %swap3A_1648 = arith.constant 16 : index
      %swap3A_1649 = tpu.vector_load %arg12[%swap3A_1647, %swap3A_1648] {strides = array<i32>} : memref<48x64xf32, #tpu.memory_space<vmem>>, vector<16xf32>,
      tpu.vector_store %arg12[%swap3A_1647, %swap3A_1648], %mul3A_1645 {strides = array<i32>} : memref<48x64xf32, #tpu.memory_space<vmem>>, vector<16xf32>,
      %slice3A_1650 = vector.extract_strided_slice %get3A_1193 {offsets = [9], sizes = [1], strides = [1]} : vector<16xf32> to vector<1xf32>
      %squeeze3A_1651 = vector.extract %slice3A_1650[0] : f32 from vector<1xf32>
      %get3A_1652 = arith.constant 25 : i32
      %get3A_1653 = arith.index_cast %get3A_1652 : i32 to index
      %get3A_1654 = arith.constant 32 : index
      %get3A_1655 = tpu.vector_load %arg12[%get3A_1653, %get3A_1654] {strides = array<i32>} : memref<48x64xf32, #tpu.memory_space<vmem>>, vector<16xf32>,
      %mul3A_1656 = vector.broadcast %squeeze3A_1651 : f32 to vector<16xf32>
      %mul3A_1657 = arith.mulf %get3A_1655, %mul3A_1656 : vector<16xf32>
      %swap3A_1658 = arith.constant 25 : i32
      %swap3A_1659 = arith.index_cast %swap3A_1658 : i32 to index
      %swap3A_1660 = arith.constant 32 : index
      %swap3A_1661 = tpu.vector_load %arg12[%swap3A_1659, %swap3A_1660] {strides = array<i32>} : memref<48x64xf32, #tpu.memory_space<vmem>>, vector<16xf32>,
      tpu.vector_store %arg12[%swap3A_1659, %swap3A_1660], %mul3A_1657 {strides = array<i32>} : memref<48x64xf32, #tpu.memory_space<vmem>>, vector<16xf32>,
      %slice3A_1662 = vector.extract_strided_slice %get3A_1193 {offsets = [9], sizes = [1], strides = [1]} : vector<16xf32> to vector<1xf32>
      %squeeze3A_1663 = vector.extract %slice3A_1662[0] : f32 from vector<1xf32>
      %get3A_1664 = arith.constant 25 : i32
      %get3A_1665 = arith.index_cast %get3A_1664 : i32 to index
      %get3A_1666 = arith.constant 48 : index
      %get3A_1667 = tpu.vector_load %arg12[%get3A_1665, %get3A_1666] {strides = array<i32>} : memref<48x64xf32, #tpu.memory_space<vmem>>, vector<16xf32>,
      %mul3A_1668 = vector.broadcast %squeeze3A_1663 : f32 to vector<16xf32>
      %mul3A_1669 = arith.mulf %get3A_1667, %mul3A_1668 : vector<16xf32>
      %swap3A_1670 = arith.constant 25 : i32
      %swap3A_1671 = arith.index_cast %swap3A_1670 : i32 to index
      %swap3A_1672 = arith.constant 48 : index
      %swap3A_1673 = tpu.vector_load %arg12[%swap3A_1671, %swap3A_1672] {strides = array<i32>} : memref<48x64xf32, #tpu.memory_space<vmem>>, vector<16xf32>,
      tpu.vector_store %arg12[%swap3A_1671, %swap3A_1672], %mul3A_1669 {strides = array<i32>} : memref<48x64xf32, #tpu.memory_space<vmem>>, vector<16xf32>,
      %slice3A_1674 = vector.extract_strided_slice %get3A_1189 {offsets = [10], sizes = [1], strides = [1]} : vector<16xf32> to vector<1xf32>
      %squeeze3A_1675 = vector.extract %slice3A_1674[0] : f32 from vector<1xf32>
      %get3A_1676 = arith.constant 26 : i32
      %get3A_1677 = arith.index_cast %get3A_1676 : i32 to index
      %get3A_1678 = arith.constant 0 : index
      %get3A_1679 = tpu.vector_load %arg12[%get3A_1677, %get3A_1678] {strides = array<i32>} : memref<48x64xf32, #tpu.memory_space<vmem>>, vector<16xf32>,
      %mul3A_1680 = vector.broadcast %squeeze3A_1675 : f32 to vector<16xf32>
      %mul3A_1681 = arith.mulf %get3A_1679, %mul3A_1680 : vector<16xf32>
      %swap3A_1682 = arith.constant 26 : i32
      %swap3A_1683 = arith.index_cast %swap3A_1682 : i32 to index
      %swap3A_1684 = arith.constant 0 : index
      %swap3A_1685 = tpu.vector_load %arg12[%swap3A_1683, %swap3A_1684] {strides = array<i32>} : memref<48x64xf32, #tpu.memory_space<vmem>>, vector<16xf32>,
      tpu.vector_store %arg12[%swap3A_1683, %swap3A_1684], %mul3A_1681 {strides = array<i32>} : memref<48x64xf32, #tpu.memory_space<vmem>>, vector<16xf32>,
      %slice3A_1686 = vector.extract_strided_slice %get3A_1189 {offsets = [10], sizes = [1], strides = [1]} : vector<16xf32> to vector<1xf32>
      %squeeze3A_1687 = vector.extract %slice3A_1686[0] : f32 from vector<1xf32>
      %get3A_1688 = arith.constant 26 : i32
      %get3A_1689 = arith.index_cast %get3A_1688 : i32 to index
      %get3A_1690 = arith.constant 16 : index
      %get3A_1691 = tpu.vector_load %arg12[%get3A_1689, %get3A_1690] {strides = array<i32>} : memref<48x64xf32, #tpu.memory_space<vmem>>, vector<16xf32>,
      %mul3A_1692 = vector.broadcast %squeeze3A_1687 : f32 to vector<16xf32>
      %mul3A_1693 = arith.mulf %get3A_1691, %mul3A_1692 : vector<16xf32>
      %swap3A_1694 = arith.constant 26 : i32
      %swap3A_1695 = arith.index_cast %swap3A_1694 : i32 to index
      %swap3A_1696 = arith.constant 16 : index
      %swap3A_1697 = tpu.vector_load %arg12[%swap3A_1695, %swap3A_1696] {strides = array<i32>} : memref<48x64xf32, #tpu.memory_space<vmem>>, vector<16xf32>,
      tpu.vector_store %arg12[%swap3A_1695, %swap3A_1696], %mul3A_1693 {strides = array<i32>} : memref<48x64xf32, #tpu.memory_space<vmem>>, vector<16xf32>,
      %slice3A_1698 = vector.extract_strided_slice %get3A_1193 {offsets = [10], sizes = [1], strides = [1]} : vector<16xf32> to vector<1xf32>
      %squeeze3A_1699 = vector.extract %slice3A_1698[0] : f32 from vector<1xf32>
      %get3A_1700 = arith.constant 26 : i32
      %get3A_1701 = arith.index_cast %get3A_1700 : i32 to index
      %get3A_1702 = arith.constant 32 : index
      %get3A_1703 = tpu.vector_load %arg12[%get3A_1701, %get3A_1702] {strides = array<i32>} : memref<48x64xf32, #tpu.memory_space<vmem>>, vector<16xf32>,
      %mul3A_1704 = vector.broadcast %squeeze3A_1699 : f32 to vector<16xf32>
      %mul3A_1705 = arith.mulf %get3A_1703, %mul3A_1704 : vector<16xf32>
      %swap3A_1706 = arith.constant 26 : i32
      %swap3A_1707 = arith.index_cast %swap3A_1706 : i32 to index
      %swap3A_1708 = arith.constant 32 : index
      %swap3A_1709 = tpu.vector_load %arg12[%swap3A_1707, %swap3A_1708] {strides = array<i32>} : memref<48x64xf32, #tpu.memory_space<vmem>>, vector<16xf32>,
      tpu.vector_store %arg12[%swap3A_1707, %swap3A_1708], %mul3A_1705 {strides = array<i32>} : memref<48x64xf32, #tpu.memory_space<vmem>>, vector<16xf32>,
      %slice3A_1710 = vector.extract_strided_slice %get3A_1193 {offsets = [10], sizes = [1], strides = [1]} : vector<16xf32> to vector<1xf32>
      %squeeze3A_1711 = vector.extract %slice3A_1710[0] : f32 from vector<1xf32>
      %get3A_1712 = arith.constant 26 : i32
      %get3A_1713 = arith.index_cast %get3A_1712 : i32 to index
      %get3A_1714 = arith.constant 48 : index
      %get3A_1715 = tpu.vector_load %arg12[%get3A_1713, %get3A_1714] {strides = array<i32>} : memref<48x64xf32, #tpu.memory_space<vmem>>, vector<16xf32>,
      %mul3A_1716 = vector.broadcast %squeeze3A_1711 : f32 to vector<16xf32>
      %mul3A_1717 = arith.mulf %get3A_1715, %mul3A_1716 : vector<16xf32>
      %swap3A_1718 = arith.constant 26 : i32
      %swap3A_1719 = arith.index_cast %swap3A_1718 : i32 to index
      %swap3A_1720 = arith.constant 48 : index
      %swap3A_1721 = tpu.vector_load %arg12[%swap3A_1719, %swap3A_1720] {strides = array<i32>} : memref<48x64xf32, #tpu.memory_space<vmem>>, vector<16xf32>,
      tpu.vector_store %arg12[%swap3A_1719, %swap3A_1720], %mul3A_1717 {strides = array<i32>} : memref<48x64xf32, #tpu.memory_space<vmem>>, vector<16xf32>,
      %slice3A_1722 = vector.extract_strided_slice %get3A_1189 {offsets = [11], sizes = [1], strides = [1]} : vector<16xf32> to vector<1xf32>
      %squeeze3A_1723 = vector.extract %slice3A_1722[0] : f32 from vector<1xf32>
      %get3A_1724 = arith.constant 27 : i32
      %get3A_1725 = arith.index_cast %get3A_1724 : i32 to index
      %get3A_1726 = arith.constant 0 : index
      %get3A_1727 = tpu.vector_load %arg12[%get3A_1725, %get3A_1726] {strides = array<i32>} : memref<48x64xf32, #tpu.memory_space<vmem>>, vector<16xf32>,
      %mul3A_1728 = vector.broadcast %squeeze3A_1723 : f32 to vector<16xf32>
      %mul3A_1729 = arith.mulf %get3A_1727, %mul3A_1728 : vector<16xf32>
      %swap3A_1730 = arith.constant 27 : i32
      %swap3A_1731 = arith.index_cast %swap3A_1730 : i32 to index
      %swap3A_1732 = arith.constant 0 : index
      %swap3A_1733 = tpu.vector_load %arg12[%swap3A_1731, %swap3A_1732] {strides = array<i32>} : memref<48x64xf32, #tpu.memory_space<vmem>>, vector<16xf32>,
      tpu.vector_store %arg12[%swap3A_1731, %swap3A_1732], %mul3A_1729 {strides = array<i32>} : memref<48x64xf32, #tpu.memory_space<vmem>>, vector<16xf32>,
      %slice3A_1734 = vector.extract_strided_slice %get3A_1189 {offsets = [11], sizes = [1], strides = [1]} : vector<16xf32> to vector<1xf32>
      %squeeze3A_1735 = vector.extract %slice3A_1734[0] : f32 from vector<1xf32>
      %get3A_1736 = arith.constant 27 : i32
      %get3A_1737 = arith.index_cast %get3A_1736 : i32 to index
      %get3A_1738 = arith.constant 16 : index
      %get3A_1739 = tpu.vector_load %arg12[%get3A_1737, %get3A_1738] {strides = array<i32>} : memref<48x64xf32, #tpu.memory_space<vmem>>, vector<16xf32>,
      %mul3A_1740 = vector.broadcast %squeeze3A_1735 : f32 to vector<16xf32>
      %mul3A_1741 = arith.mulf %get3A_1739, %mul3A_1740 : vector<16xf32>
      %swap3A_1742 = arith.constant 27 : i32
      %swap3A_1743 = arith.index_cast %swap3A_1742 : i32 to index
      %swap3A_1744 = arith.constant 16 : index
      %swap3A_1745 = tpu.vector_load %arg12[%swap3A_1743, %swap3A_1744] {strides = array<i32>} : memref<48x64xf32, #tpu.memory_space<vmem>>, vector<16xf32>,
      tpu.vector_store %arg12[%swap3A_1743, %swap3A_1744], %mul3A_1741 {strides = array<i32>} : memref<48x64xf32, #tpu.memory_space<vmem>>, vector<16xf32>,
      %slice3A_1746 = vector.extract_strided_slice %get3A_1193 {offsets = [11], sizes = [1], strides = [1]} : vector<16xf32> to vector<1xf32>
      %squeeze3A_1747 = vector.extract %slice3A_1746[0] : f32 from vector<1xf32>
      %get3A_1748 = arith.constant 27 : i32
      %get3A_1749 = arith.index_cast %get3A_1748 : i32 to index
      %get3A_1750 = arith.constant 32 : index
      %get3A_1751 = tpu.vector_load %arg12[%get3A_1749, %get3A_1750] {strides = array<i32>} : memref<48x64xf32, #tpu.memory_space<vmem>>, vector<16xf32>,
      %mul3A_1752 = vector.broadcast %squeeze3A_1747 : f32 to vector<16xf32>
      %mul3A_1753 = arith.mulf %get3A_1751, %mul3A_1752 : vector<16xf32>
      %swap3A_1754 = arith.constant 27 : i32
      %swap3A_1755 = arith.index_cast %swap3A_1754 : i32 to index
      %swap3A_1756 = arith.constant 32 : index
      %swap3A_1757 = tpu.vector_load %arg12[%swap3A_1755, %swap3A_1756] {strides = array<i32>} : memref<48x64xf32, #tpu.memory_space<vmem>>, vector<16xf32>,
      tpu.vector_store %arg12[%swap3A_1755, %swap3A_1756], %mul3A_1753 {strides = array<i32>} : memref<48x64xf32, #tpu.memory_space<vmem>>, vector<16xf32>,
      %slice3A_1758 = vector.extract_strided_slice %get3A_1193 {offsets = [11], sizes = [1], strides = [1]} : vector<16xf32> to vector<1xf32>
      %squeeze3A_1759 = vector.extract %slice3A_1758[0] : f32 from vector<1xf32>
      %get3A_1760 = arith.constant 27 : i32
      %get3A_1761 = arith.index_cast %get3A_1760 : i32 to index
      %get3A_1762 = arith.constant 48 : index
      %get3A_1763 = tpu.vector_load %arg12[%get3A_1761, %get3A_1762] {strides = array<i32>} : memref<48x64xf32, #tpu.memory_space<vmem>>, vector<16xf32>,
      %mul3A_1764 = vector.broadcast %squeeze3A_1759 : f32 to vector<16xf32>
      %mul3A_1765 = arith.mulf %get3A_1763, %mul3A_1764 : vector<16xf32>
      %swap3A_1766 = arith.constant 27 : i32
      %swap3A_1767 = arith.index_cast %swap3A_1766 : i32 to index
      %swap3A_1768 = arith.constant 48 : index
      %swap3A_1769 = tpu.vector_load %arg12[%swap3A_1767, %swap3A_1768] {strides = array<i32>} : memref<48x64xf32, #tpu.memory_space<vmem>>, vector<16xf32>,
      tpu.vector_store %arg12[%swap3A_1767, %swap3A_1768], %mul3A_1765 {strides = array<i32>} : memref<48x64xf32, #tpu.memory_space<vmem>>, vector<16xf32>,
      %slice3A_1770 = vector.extract_strided_slice %get3A_1189 {offsets = [12], sizes = [1], strides = [1]} : vector<16xf32> to vector<1xf32>
      %squeeze3A_1771 = vector.extract %slice3A_1770[0] : f32 from vector<1xf32>
      %get3A_1772 = arith.constant 28 : i32
      %get3A_1773 = arith.index_cast %get3A_1772 : i32 to index
      %get3A_1774 = arith.constant 0 : index
      %get3A_1775 = tpu.vector_load %arg12[%get3A_1773, %get3A_1774] {strides = array<i32>} : memref<48x64xf32, #tpu.memory_space<vmem>>, vector<16xf32>,
      %mul3A_1776 = vector.broadcast %squeeze3A_1771 : f32 to vector<16xf32>
      %mul3A_1777 = arith.mulf %get3A_1775, %mul3A_1776 : vector<16xf32>
      %swap3A_1778 = arith.constant 28 : i32
      %swap3A_1779 = arith.index_cast %swap3A_1778 : i32 to index
      %swap3A_1780 = arith.constant 0 : index
      %swap3A_1781 = tpu.vector_load %arg12[%swap3A_1779, %swap3A_1780] {strides = array<i32>} : memref<48x64xf32, #tpu.memory_space<vmem>>, vector<16xf32>,
      tpu.vector_store %arg12[%swap3A_1779, %swap3A_1780], %mul3A_1777 {strides = array<i32>} : memref<48x64xf32, #tpu.memory_space<vmem>>, vector<16xf32>,
      %slice3A_1782 = vector.extract_strided_slice %get3A_1189 {offsets = [12], sizes = [1], strides = [1]} : vector<16xf32> to vector<1xf32>
      %squeeze3A_1783 = vector.extract %slice3A_1782[0] : f32 from vector<1xf32>
      %get3A_1784 = arith.constant 28 : i32
      %get3A_1785 = arith.index_cast %get3A_1784 : i32 to index
      %get3A_1786 = arith.constant 16 : index
      %get3A_1787 = tpu.vector_load %arg12[%get3A_1785, %get3A_1786] {strides = array<i32>} : memref<48x64xf32, #tpu.memory_space<vmem>>, vector<16xf32>,
      %mul3A_1788 = vector.broadcast %squeeze3A_1783 : f32 to vector<16xf32>
      %mul3A_1789 = arith.mulf %get3A_1787, %mul3A_1788 : vector<16xf32>
      %swap3A_1790 = arith.constant 28 : i32
      %swap3A_1791 = arith.index_cast %swap3A_1790 : i32 to index
      %swap3A_1792 = arith.constant 16 : index
      %swap3A_1793 = tpu.vector_load %arg12[%swap3A_1791, %swap3A_1792] {strides = array<i32>} : memref<48x64xf32, #tpu.memory_space<vmem>>, vector<16xf32>,
      tpu.vector_store %arg12[%swap3A_1791, %swap3A_1792], %mul3A_1789 {strides = array<i32>} : memref<48x64xf32, #tpu.memory_space<vmem>>, vector<16xf32>,
      %slice3A_1794 = vector.extract_strided_slice %get3A_1193 {offsets = [12], sizes = [1], strides = [1]} : vector<16xf32> to vector<1xf32>
      %squeeze3A_1795 = vector.extract %slice3A_1794[0] : f32 from vector<1xf32>
      %get3A_1796 = arith.constant 28 : i32
      %get3A_1797 = arith.index_cast %get3A_1796 : i32 to index
      %get3A_1798 = arith.constant 32 : index
      %get3A_1799 = tpu.vector_load %arg12[%get3A_1797, %get3A_1798] {strides = array<i32>} : memref<48x64xf32, #tpu.memory_space<vmem>>, vector<16xf32>,
      %mul3A_1800 = vector.broadcast %squeeze3A_1795 : f32 to vector<16xf32>
      %mul3A_1801 = arith.mulf %get3A_1799, %mul3A_1800 : vector<16xf32>
      %swap3A_1802 = arith.constant 28 : i32
      %swap3A_1803 = arith.index_cast %swap3A_1802 : i32 to index
      %swap3A_1804 = arith.constant 32 : index
      %swap3A_1805 = tpu.vector_load %arg12[%swap3A_1803, %swap3A_1804] {strides = array<i32>} : memref<48x64xf32, #tpu.memory_space<vmem>>, vector<16xf32>,
      tpu.vector_store %arg12[%swap3A_1803, %swap3A_1804], %mul3A_1801 {strides = array<i32>} : memref<48x64xf32, #tpu.memory_space<vmem>>, vector<16xf32>,
      %slice3A_1806 = vector.extract_strided_slice %get3A_1193 {offsets = [12], sizes = [1], strides = [1]} : vector<16xf32> to vector<1xf32>
      %squeeze3A_1807 = vector.extract %slice3A_1806[0] : f32 from vector<1xf32>
      %get3A_1808 = arith.constant 28 : i32
      %get3A_1809 = arith.index_cast %get3A_1808 : i32 to index
      %get3A_1810 = arith.constant 48 : index
      %get3A_1811 = tpu.vector_load %arg12[%get3A_1809, %get3A_1810] {strides = array<i32>} : memref<48x64xf32, #tpu.memory_space<vmem>>, vector<16xf32>,
      %mul3A_1812 = vector.broadcast %squeeze3A_1807 : f32 to vector<16xf32>
      %mul3A_1813 = arith.mulf %get3A_1811, %mul3A_1812 : vector<16xf32>
      %swap3A_1814 = arith.constant 28 : i32
      %swap3A_1815 = arith.index_cast %swap3A_1814 : i32 to index
      %swap3A_1816 = arith.constant 48 : index
      %swap3A_1817 = tpu.vector_load %arg12[%swap3A_1815, %swap3A_1816] {strides = array<i32>} : memref<48x64xf32, #tpu.memory_space<vmem>>, vector<16xf32>,
      tpu.vector_store %arg12[%swap3A_1815, %swap3A_1816], %mul3A_1813 {strides = array<i32>} : memref<48x64xf32, #tpu.memory_space<vmem>>, vector<16xf32>,
      %slice3A_1818 = vector.extract_strided_slice %get3A_1189 {offsets = [13], sizes = [1], strides = [1]} : vector<16xf32> to vector<1xf32>
      %squeeze3A_1819 = vector.extract %slice3A_1818[0] : f32 from vector<1xf32>
      %get3A_1820 = arith.constant 29 : i32
      %get3A_1821 = arith.index_cast %get3A_1820 : i32 to index
      %get3A_1822 = arith.constant 0 : index
      %get3A_1823 = tpu.vector_load %arg12[%get3A_1821, %get3A_1822] {strides = array<i32>} : memref<48x64xf32, #tpu.memory_space<vmem>>, vector<16xf32>,
      %mul3A_1824 = vector.broadcast %squeeze3A_1819 : f32 to vector<16xf32>
      %mul3A_1825 = arith.mulf %get3A_1823, %mul3A_1824 : vector<16xf32>
      %swap3A_1826 = arith.constant 29 : i32
      %swap3A_1827 = arith.index_cast %swap3A_1826 : i32 to index
      %swap3A_1828 = arith.constant 0 : index
      %swap3A_1829 = tpu.vector_load %arg12[%swap3A_1827, %swap3A_1828] {strides = array<i32>} : memref<48x64xf32, #tpu.memory_space<vmem>>, vector<16xf32>,
      tpu.vector_store %arg12[%swap3A_1827, %swap3A_1828], %mul3A_1825 {strides = array<i32>} : memref<48x64xf32, #tpu.memory_space<vmem>>, vector<16xf32>,
      %slice3A_1830 = vector.extract_strided_slice %get3A_1189 {offsets = [13], sizes = [1], strides = [1]} : vector<16xf32> to vector<1xf32>
      %squeeze3A_1831 = vector.extract %slice3A_1830[0] : f32 from vector<1xf32>
      %get3A_1832 = arith.constant 29 : i32
      %get3A_1833 = arith.index_cast %get3A_1832 : i32 to index
      %get3A_1834 = arith.constant 16 : index
      %get3A_1835 = tpu.vector_load %arg12[%get3A_1833, %get3A_1834] {strides = array<i32>} : memref<48x64xf32, #tpu.memory_space<vmem>>, vector<16xf32>,
      %mul3A_1836 = vector.broadcast %squeeze3A_1831 : f32 to vector<16xf32>
      %mul3A_1837 = arith.mulf %get3A_1835, %mul3A_1836 : vector<16xf32>
      %swap3A_1838 = arith.constant 29 : i32
      %swap3A_1839 = arith.index_cast %swap3A_1838 : i32 to index
      %swap3A_1840 = arith.constant 16 : index
      %swap3A_1841 = tpu.vector_load %arg12[%swap3A_1839, %swap3A_1840] {strides = array<i32>} : memref<48x64xf32, #tpu.memory_space<vmem>>, vector<16xf32>,
      tpu.vector_store %arg12[%swap3A_1839, %swap3A_1840], %mul3A_1837 {strides = array<i32>} : memref<48x64xf32, #tpu.memory_space<vmem>>, vector<16xf32>,
      %slice3A_1842 = vector.extract_strided_slice %get3A_1193 {offsets = [13], sizes = [1], strides = [1]} : vector<16xf32> to vector<1xf32>
      %squeeze3A_1843 = vector.extract %slice3A_1842[0] : f32 from vector<1xf32>
      %get3A_1844 = arith.constant 29 : i32
      %get3A_1845 = arith.index_cast %get3A_1844 : i32 to index
      %get3A_1846 = arith.constant 32 : index
      %get3A_1847 = tpu.vector_load %arg12[%get3A_1845, %get3A_1846] {strides = array<i32>} : memref<48x64xf32, #tpu.memory_space<vmem>>, vector<16xf32>,
      %mul3A_1848 = vector.broadcast %squeeze3A_1843 : f32 to vector<16xf32>
      %mul3A_1849 = arith.mulf %get3A_1847, %mul3A_1848 : vector<16xf32>
      %swap3A_1850 = arith.constant 29 : i32
      %swap3A_1851 = arith.index_cast %swap3A_1850 : i32 to index
      %swap3A_1852 = arith.constant 32 : index
      %swap3A_1853 = tpu.vector_load %arg12[%swap3A_1851, %swap3A_1852] {strides = array<i32>} : memref<48x64xf32, #tpu.memory_space<vmem>>, vector<16xf32>,
      tpu.vector_store %arg12[%swap3A_1851, %swap3A_1852], %mul3A_1849 {strides = array<i32>} : memref<48x64xf32, #tpu.memory_space<vmem>>, vector<16xf32>,
      %slice3A_1854 = vector.extract_strided_slice %get3A_1193 {offsets = [13], sizes = [1], strides = [1]} : vector<16xf32> to vector<1xf32>
      %squeeze3A_1855 = vector.extract %slice3A_1854[0] : f32 from vector<1xf32>
      %get3A_1856 = arith.constant 29 : i32
      %get3A_1857 = arith.index_cast %get3A_1856 : i32 to index
      %get3A_1858 = arith.constant 48 : index
      %get3A_1859 = tpu.vector_load %arg12[%get3A_1857, %get3A_1858] {strides = array<i32>} : memref<48x64xf32, #tpu.memory_space<vmem>>, vector<16xf32>,
      %mul3A_1860 = vector.broadcast %squeeze3A_1855 : f32 to vector<16xf32>
      %mul3A_1861 = arith.mulf %get3A_1859, %mul3A_1860 : vector<16xf32>
      %swap3A_1862 = arith.constant 29 : i32
      %swap3A_1863 = arith.index_cast %swap3A_1862 : i32 to index
      %swap3A_1864 = arith.constant 48 : index
      %swap3A_1865 = tpu.vector_load %arg12[%swap3A_1863, %swap3A_1864] {strides = array<i32>} : memref<48x64xf32, #tpu.memory_space<vmem>>, vector<16xf32>,
      tpu.vector_store %arg12[%swap3A_1863, %swap3A_1864], %mul3A_1861 {strides = array<i32>} : memref<48x64xf32, #tpu.memory_space<vmem>>, vector<16xf32>,
      %slice3A_1866 = vector.extract_strided_slice %get3A_1189 {offsets = [14], sizes = [1], strides = [1]} : vector<16xf32> to vector<1xf32>
      %squeeze3A_1867 = vector.extract %slice3A_1866[0] : f32 from vector<1xf32>
      %get3A_1868 = arith.constant 30 : i32
      %get3A_1869 = arith.index_cast %get3A_1868 : i32 to index
      %get3A_1870 = arith.constant 0 : index
      %get3A_1871 = tpu.vector_load %arg12[%get3A_1869, %get3A_1870] {strides = array<i32>} : memref<48x64xf32, #tpu.memory_space<vmem>>, vector<16xf32>,
      %mul3A_1872 = vector.broadcast %squeeze3A_1867 : f32 to vector<16xf32>
      %mul3A_1873 = arith.mulf %get3A_1871, %mul3A_1872 : vector<16xf32>
      %swap3A_1874 = arith.constant 30 : i32
      %swap3A_1875 = arith.index_cast %swap3A_1874 : i32 to index
      %swap3A_1876 = arith.constant 0 : index
      %swap3A_1877 = tpu.vector_load %arg12[%swap3A_1875, %swap3A_1876] {strides = array<i32>} : memref<48x64xf32, #tpu.memory_space<vmem>>, vector<16xf32>,
      tpu.vector_store %arg12[%swap3A_1875, %swap3A_1876], %mul3A_1873 {strides = array<i32>} : memref<48x64xf32, #tpu.memory_space<vmem>>, vector<16xf32>,
      %slice3A_1878 = vector.extract_strided_slice %get3A_1189 {offsets = [14], sizes = [1], strides = [1]} : vector<16xf32> to vector<1xf32>
      %squeeze3A_1879 = vector.extract %slice3A_1878[0] : f32 from vector<1xf32>
      %get3A_1880 = arith.constant 30 : i32
      %get3A_1881 = arith.index_cast %get3A_1880 : i32 to index
      %get3A_1882 = arith.constant 16 : index
      %get3A_1883 = tpu.vector_load %arg12[%get3A_1881, %get3A_1882] {strides = array<i32>} : memref<48x64xf32, #tpu.memory_space<vmem>>, vector<16xf32>,
      %mul3A_1884 = vector.broadcast %squeeze3A_1879 : f32 to vector<16xf32>
      %mul3A_1885 = arith.mulf %get3A_1883, %mul3A_1884 : vector<16xf32>
      %swap3A_1886 = arith.constant 30 : i32
      %swap3A_1887 = arith.index_cast %swap3A_1886 : i32 to index
      %swap3A_1888 = arith.constant 16 : index
      %swap3A_1889 = tpu.vector_load %arg12[%swap3A_1887, %swap3A_1888] {strides = array<i32>} : memref<48x64xf32, #tpu.memory_space<vmem>>, vector<16xf32>,
      tpu.vector_store %arg12[%swap3A_1887, %swap3A_1888], %mul3A_1885 {strides = array<i32>} : memref<48x64xf32, #tpu.memory_space<vmem>>, vector<16xf32>,
      %slice3A_1890 = vector.extract_strided_slice %get3A_1193 {offsets = [14], sizes = [1], strides = [1]} : vector<16xf32> to vector<1xf32>
      %squeeze3A_1891 = vector.extract %slice3A_1890[0] : f32 from vector<1xf32>
      %get3A_1892 = arith.constant 30 : i32
      %get3A_1893 = arith.index_cast %get3A_1892 : i32 to index
      %get3A_1894 = arith.constant 32 : index
      %get3A_1895 = tpu.vector_load %arg12[%get3A_1893, %get3A_1894] {strides = array<i32>} : memref<48x64xf32, #tpu.memory_space<vmem>>, vector<16xf32>,
      %mul3A_1896 = vector.broadcast %squeeze3A_1891 : f32 to vector<16xf32>
      %mul3A_1897 = arith.mulf %get3A_1895, %mul3A_1896 : vector<16xf32>
      %swap3A_1898 = arith.constant 30 : i32
      %swap3A_1899 = arith.index_cast %swap3A_1898 : i32 to index
      %swap3A_1900 = arith.constant 32 : index
      %swap3A_1901 = tpu.vector_load %arg12[%swap3A_1899, %swap3A_1900] {strides = array<i32>} : memref<48x64xf32, #tpu.memory_space<vmem>>, vector<16xf32>,
      tpu.vector_store %arg12[%swap3A_1899, %swap3A_1900], %mul3A_1897 {strides = array<i32>} : memref<48x64xf32, #tpu.memory_space<vmem>>, vector<16xf32>,
      %slice3A_1902 = vector.extract_strided_slice %get3A_1193 {offsets = [14], sizes = [1], strides = [1]} : vector<16xf32> to vector<1xf32>
      %squeeze3A_1903 = vector.extract %slice3A_1902[0] : f32 from vector<1xf32>
      %get3A_1904 = arith.constant 30 : i32
      %get3A_1905 = arith.index_cast %get3A_1904 : i32 to index
      %get3A_1906 = arith.constant 48 : index
      %get3A_1907 = tpu.vector_load %arg12[%get3A_1905, %get3A_1906] {strides = array<i32>} : memref<48x64xf32, #tpu.memory_space<vmem>>, vector<16xf32>,
      %mul3A_1908 = vector.broadcast %squeeze3A_1903 : f32 to vector<16xf32>
      %mul3A_1909 = arith.mulf %get3A_1907, %mul3A_1908 : vector<16xf32>
      %swap3A_1910 = arith.constant 30 : i32
      %swap3A_1911 = arith.index_cast %swap3A_1910 : i32 to index
      %swap3A_1912 = arith.constant 48 : index
      %swap3A_1913 = tpu.vector_load %arg12[%swap3A_1911, %swap3A_1912] {strides = array<i32>} : memref<48x64xf32, #tpu.memory_space<vmem>>, vector<16xf32>,
      tpu.vector_store %arg12[%swap3A_1911, %swap3A_1912], %mul3A_1909 {strides = array<i32>} : memref<48x64xf32, #tpu.memory_space<vmem>>, vector<16xf32>,
      %slice3A_1914 = vector.extract_strided_slice %get3A_1189 {offsets = [15], sizes = [1], strides = [1]} : vector<16xf32> to vector<1xf32>
      %squeeze3A_1915 = vector.extract %slice3A_1914[0] : f32 from vector<1xf32>
      %get3A_1916 = arith.constant 31 : i32
      %get3A_1917 = arith.index_cast %get3A_1916 : i32 to index
      %get3A_1918 = arith.constant 0 : index
      %get3A_1919 = tpu.vector_load %arg12[%get3A_1917, %get3A_1918] {strides = array<i32>} : memref<48x64xf32, #tpu.memory_space<vmem>>, vector<16xf32>,
      %mul3A_1920 = vector.broadcast %squeeze3A_1915 : f32 to vector<16xf32>
      %mul3A_1921 = arith.mulf %get3A_1919, %mul3A_1920 : vector<16xf32>
      %swap3A_1922 = arith.constant 31 : i32
      %swap3A_1923 = arith.index_cast %swap3A_1922 : i32 to index
      %swap3A_1924 = arith.constant 0 : index
      %swap3A_1925 = tpu.vector_load %arg12[%swap3A_1923, %swap3A_1924] {strides = array<i32>} : memref<48x64xf32, #tpu.memory_space<vmem>>, vector<16xf32>,
      tpu.vector_store %arg12[%swap3A_1923, %swap3A_1924], %mul3A_1921 {strides = array<i32>} : memref<48x64xf32, #tpu.memory_space<vmem>>, vector<16xf32>,
      %slice3A_1926 = vector.extract_strided_slice %get3A_1189 {offsets = [15], sizes = [1], strides = [1]} : vector<16xf32> to vector<1xf32>
      %squeeze3A_1927 = vector.extract %slice3A_1926[0] : f32 from vector<1xf32>
      %get3A_1928 = arith.constant 31 : i32
      %get3A_1929 = arith.index_cast %get3A_1928 : i32 to index
      %get3A_1930 = arith.constant 16 : index
      %get3A_1931 = tpu.vector_load %arg12[%get3A_1929, %get3A_1930] {strides = array<i32>} : memref<48x64xf32, #tpu.memory_space<vmem>>, vector<16xf32>,
      %mul3A_1932 = vector.broadcast %squeeze3A_1927 : f32 to vector<16xf32>
      %mul3A_1933 = arith.mulf %get3A_1931, %mul3A_1932 : vector<16xf32>
      %swap3A_1934 = arith.constant 31 : i32
      %swap3A_1935 = arith.index_cast %swap3A_1934 : i32 to index
      %swap3A_1936 = arith.constant 16 : index
      %swap3A_1937 = tpu.vector_load %arg12[%swap3A_1935, %swap3A_1936] {strides = array<i32>} : memref<48x64xf32, #tpu.memory_space<vmem>>, vector<16xf32>,
      tpu.vector_store %arg12[%swap3A_1935, %swap3A_1936], %mul3A_1933 {strides = array<i32>} : memref<48x64xf32, #tpu.memory_space<vmem>>, vector<16xf32>,
      %slice3A_1938 = vector.extract_strided_slice %get3A_1193 {offsets = [15], sizes = [1], strides = [1]} : vector<16xf32> to vector<1xf32>
      %squeeze3A_1939 = vector.extract %slice3A_1938[0] : f32 from vector<1xf32>
      %get3A_1940 = arith.constant 31 : i32
      %get3A_1941 = arith.index_cast %get3A_1940 : i32 to index
      %get3A_1942 = arith.constant 32 : index
      %get3A_1943 = tpu.vector_load %arg12[%get3A_1941, %get3A_1942] {strides = array<i32>} : memref<48x64xf32, #tpu.memory_space<vmem>>, vector<16xf32>,
      %mul3A_1944 = vector.broadcast %squeeze3A_1939 : f32 to vector<16xf32>
      %mul3A_1945 = arith.mulf %get3A_1943, %mul3A_1944 : vector<16xf32>
      %swap3A_1946 = arith.constant 31 : i32
      %swap3A_1947 = arith.index_cast %swap3A_1946 : i32 to index
      %swap3A_1948 = arith.constant 32 : index
      %swap3A_1949 = tpu.vector_load %arg12[%swap3A_1947, %swap3A_1948] {strides = array<i32>} : memref<48x64xf32, #tpu.memory_space<vmem>>, vector<16xf32>,
      tpu.vector_store %arg12[%swap3A_1947, %swap3A_1948], %mul3A_1945 {strides = array<i32>} : memref<48x64xf32, #tpu.memory_space<vmem>>, vector<16xf32>,
      %slice3A_1950 = vector.extract_strided_slice %get3A_1193 {offsets = [15], sizes = [1], strides = [1]} : vector<16xf32> to vector<1xf32>
      %squeeze3A_1951 = vector.extract %slice3A_1950[0] : f32 from vector<1xf32>
      %get3A_1952 = arith.constant 31 : i32
      %get3A_1953 = arith.index_cast %get3A_1952 : i32 to index
      %get3A_1954 = arith.constant 48 : index
      %get3A_1955 = tpu.vector_load %arg12[%get3A_1953, %get3A_1954] {strides = array<i32>} : memref<48x64xf32, #tpu.memory_space<vmem>>, vector<16xf32>,
      %mul3A_1956 = vector.broadcast %squeeze3A_1951 : f32 to vector<16xf32>
      %mul3A_1957 = arith.mulf %get3A_1955, %mul3A_1956 : vector<16xf32>
      %swap3A_1958 = arith.constant 31 : i32
      %swap3A_1959 = arith.index_cast %swap3A_1958 : i32 to index
      %swap3A_1960 = arith.constant 48 : index
      %swap3A_1961 = tpu.vector_load %arg12[%swap3A_1959, %swap3A_1960] {strides = array<i32>} : memref<48x64xf32, #tpu.memory_space<vmem>>, vector<16xf32>,
      tpu.vector_store %arg12[%swap3A_1959, %swap3A_1960], %mul3A_1957 {strides = array<i32>} : memref<48x64xf32, #tpu.memory_space<vmem>>, vector<16xf32>,
      %get3A_1962 = arith.constant 0 : i32
      %get3A_1963 = arith.index_cast %get3A_1962 : i32 to index
      %get3A_1964 = arith.constant 32 : index
      %get3A_1965 = tpu.vector_load %arg13[%get3A_1963, %get3A_1964] {strides = array<i32>} : memref<2x48xf32, #tpu.memory_space<vmem>>, vector<16xf32>,
      %get3A_1966 = arith.constant 1 : i32
      %get3A_1967 = arith.index_cast %get3A_1966 : i32 to index
      %get3A_1968 = arith.constant 32 : index
      %get3A_1969 = tpu.vector_load %arg13[%get3A_1967, %get3A_1968] {strides = array<i32>} : memref<2x48xf32, #tpu.memory_space<vmem>>, vector<16xf32>,
      %slice3A_1970 = vector.extract_strided_slice %get3A_1965 {offsets = [0], sizes = [1], strides = [1]} : vector<16xf32> to vector<1xf32>
      %squeeze3A_1971 = vector.extract %slice3A_1970[0] : f32 from vector<1xf32>
      %get3A_1972 = arith.constant 32 : i32
      %get3A_1973 = arith.index_cast %get3A_1972 : i32 to index
      %get3A_1974 = arith.constant 0 : index
      %get3A_1975 = tpu.vector_load %arg12[%get3A_1973, %get3A_1974] {strides = array<i32>} : memref<48x64xf32, #tpu.memory_space<vmem>>, vector<16xf32>,
      %mul3A_1976 = vector.broadcast %squeeze3A_1971 : f32 to vector<16xf32>
      %mul3A_1977 = arith.mulf %get3A_1975, %mul3A_1976 : vector<16xf32>
      %swap3A_1978 = arith.constant 32 : i32
      %swap3A_1979 = arith.index_cast %swap3A_1978 : i32 to index
      %swap3A_1980 = arith.constant 0 : index
      %swap3A_1981 = tpu.vector_load %arg12[%swap3A_1979, %swap3A_1980] {strides = array<i32>} : memref<48x64xf32, #tpu.memory_space<vmem>>, vector<16xf32>,
      tpu.vector_store %arg12[%swap3A_1979, %swap3A_1980], %mul3A_1977 {strides = array<i32>} : memref<48x64xf32, #tpu.memory_space<vmem>>, vector<16xf32>,
      %slice3A_1982 = vector.extract_strided_slice %get3A_1965 {offsets = [0], sizes = [1], strides = [1]} : vector<16xf32> to vector<1xf32>
      %squeeze3A_1983 = vector.extract %slice3A_1982[0] : f32 from vector<1xf32>
      %get3A_1984 = arith.constant 32 : i32
      %get3A_1985 = arith.index_cast %get3A_1984 : i32 to index
      %get3A_1986 = arith.constant 16 : index
      %get3A_1987 = tpu.vector_load %arg12[%get3A_1985, %get3A_1986] {strides = array<i32>} : memref<48x64xf32, #tpu.memory_space<vmem>>, vector<16xf32>,
      %mul3A_1988 = vector.broadcast %squeeze3A_1983 : f32 to vector<16xf32>
      %mul3A_1989 = arith.mulf %get3A_1987, %mul3A_1988 : vector<16xf32>
      %swap3A_1990 = arith.constant 32 : i32
      %swap3A_1991 = arith.index_cast %swap3A_1990 : i32 to index
      %swap3A_1992 = arith.constant 16 : index
      %swap3A_1993 = tpu.vector_load %arg12[%swap3A_1991, %swap3A_1992] {strides = array<i32>} : memref<48x64xf32, #tpu.memory_space<vmem>>, vector<16xf32>,
      tpu.vector_store %arg12[%swap3A_1991, %swap3A_1992], %mul3A_1989 {strides = array<i32>} : memref<48x64xf32, #tpu.memory_space<vmem>>, vector<16xf32>,
      %slice3A_1994 = vector.extract_strided_slice %get3A_1969 {offsets = [0], sizes = [1], strides = [1]} : vector<16xf32> to vector<1xf32>
      %squeeze3A_1995 = vector.extract %slice3A_1994[0] : f32 from vector<1xf32>
      %get3A_1996 = arith.constant 32 : i32
      %get3A_1997 = arith.index_cast %get3A_1996 : i32 to index
      %get3A_1998 = arith.constant 32 : index
      %get3A_1999 = tpu.vector_load %arg12[%get3A_1997, %get3A_1998] {strides = array<i32>} : memref<48x64xf32, #tpu.memory_space<vmem>>, vector<16xf32>,
      %mul3A_2000 = vector.broadcast %squeeze3A_1995 : f32 to vector<16xf32>
      %mul3A_2001 = arith.mulf %get3A_1999, %mul3A_2000 : vector<16xf32>
      %swap3A_2002 = arith.constant 32 : i32
      %swap3A_2003 = arith.index_cast %swap3A_2002 : i32 to index
      %swap3A_2004 = arith.constant 32 : index
      %swap3A_2005 = tpu.vector_load %arg12[%swap3A_2003, %swap3A_2004] {strides = array<i32>} : memref<48x64xf32, #tpu.memory_space<vmem>>, vector<16xf32>,
      tpu.vector_store %arg12[%swap3A_2003, %swap3A_2004], %mul3A_2001 {strides = array<i32>} : memref<48x64xf32, #tpu.memory_space<vmem>>, vector<16xf32>,
      %slice3A_2006 = vector.extract_strided_slice %get3A_1969 {offsets = [0], sizes = [1], strides = [1]} : vector<16xf32> to vector<1xf32>
      %squeeze3A_2007 = vector.extract %slice3A_2006[0] : f32 from vector<1xf32>
      %get3A_2008 = arith.constant 32 : i32
      %get3A_2009 = arith.index_cast %get3A_2008 : i32 to index
      %get3A_2010 = arith.constant 48 : index
      %get3A_2011 = tpu.vector_load %arg12[%get3A_2009, %get3A_2010] {strides = array<i32>} : memref<48x64xf32, #tpu.memory_space<vmem>>, vector<16xf32>,
      %mul3A_2012 = vector.broadcast %squeeze3A_2007 : f32 to vector<16xf32>
      %mul3A_2013 = arith.mulf %get3A_2011, %mul3A_2012 : vector<16xf32>
      %swap3A_2014 = arith.constant 32 : i32
      %swap3A_2015 = arith.index_cast %swap3A_2014 : i32 to index
      %swap3A_2016 = arith.constant 48 : index
      %swap3A_2017 = tpu.vector_load %arg12[%swap3A_2015, %swap3A_2016] {strides = array<i32>} : memref<48x64xf32, #tpu.memory_space<vmem>>, vector<16xf32>,
      tpu.vector_store %arg12[%swap3A_2015, %swap3A_2016], %mul3A_2013 {strides = array<i32>} : memref<48x64xf32, #tpu.memory_space<vmem>>, vector<16xf32>,
      %slice3A_2018 = vector.extract_strided_slice %get3A_1965 {offsets = [1], sizes = [1], strides = [1]} : vector<16xf32> to vector<1xf32>
      %squeeze3A_2019 = vector.extract %slice3A_2018[0] : f32 from vector<1xf32>
      %get3A_2020 = arith.constant 33 : i32
      %get3A_2021 = arith.index_cast %get3A_2020 : i32 to index
      %get3A_2022 = arith.constant 0 : index
      %get3A_2023 = tpu.vector_load %arg12[%get3A_2021, %get3A_2022] {strides = array<i32>} : memref<48x64xf32, #tpu.memory_space<vmem>>, vector<16xf32>,
      %mul3A_2024 = vector.broadcast %squeeze3A_2019 : f32 to vector<16xf32>
      %mul3A_2025 = arith.mulf %get3A_2023, %mul3A_2024 : vector<16xf32>
      %swap3A_2026 = arith.constant 33 : i32
      %swap3A_2027 = arith.index_cast %swap3A_2026 : i32 to index
      %swap3A_2028 = arith.constant 0 : index
      %swap3A_2029 = tpu.vector_load %arg12[%swap3A_2027, %swap3A_2028] {strides = array<i32>} : memref<48x64xf32, #tpu.memory_space<vmem>>, vector<16xf32>,
      tpu.vector_store %arg12[%swap3A_2027, %swap3A_2028], %mul3A_2025 {strides = array<i32>} : memref<48x64xf32, #tpu.memory_space<vmem>>, vector<16xf32>,
      %slice3A_2030 = vector.extract_strided_slice %get3A_1965 {offsets = [1], sizes = [1], strides = [1]} : vector<16xf32> to vector<1xf32>
      %squeeze3A_2031 = vector.extract %slice3A_2030[0] : f32 from vector<1xf32>
      %get3A_2032 = arith.constant 33 : i32
      %get3A_2033 = arith.index_cast %get3A_2032 : i32 to index
      %get3A_2034 = arith.constant 16 : index
      %get3A_2035 = tpu.vector_load %arg12[%get3A_2033, %get3A_2034] {strides = array<i32>} : memref<48x64xf32, #tpu.memory_space<vmem>>, vector<16xf32>,
      %mul3A_2036 = vector.broadcast %squeeze3A_2031 : f32 to vector<16xf32>
      %mul3A_2037 = arith.mulf %get3A_2035, %mul3A_2036 : vector<16xf32>
      %swap3A_2038 = arith.constant 33 : i32
      %swap3A_2039 = arith.index_cast %swap3A_2038 : i32 to index
      %swap3A_2040 = arith.constant 16 : index
      %swap3A_2041 = tpu.vector_load %arg12[%swap3A_2039, %swap3A_2040] {strides = array<i32>} : memref<48x64xf32, #tpu.memory_space<vmem>>, vector<16xf32>,
      tpu.vector_store %arg12[%swap3A_2039, %swap3A_2040], %mul3A_2037 {strides = array<i32>} : memref<48x64xf32, #tpu.memory_space<vmem>>, vector<16xf32>,
      %slice3A_2042 = vector.extract_strided_slice %get3A_1969 {offsets = [1], sizes = [1], strides = [1]} : vector<16xf32> to vector<1xf32>
      %squeeze3A_2043 = vector.extract %slice3A_2042[0] : f32 from vector<1xf32>
      %get3A_2044 = arith.constant 33 : i32
      %get3A_2045 = arith.index_cast %get3A_2044 : i32 to index
      %get3A_2046 = arith.constant 32 : index
      %get3A_2047 = tpu.vector_load %arg12[%get3A_2045, %get3A_2046] {strides = array<i32>} : memref<48x64xf32, #tpu.memory_space<vmem>>, vector<16xf32>,
      %mul3A_2048 = vector.broadcast %squeeze3A_2043 : f32 to vector<16xf32>
      %mul3A_2049 = arith.mulf %get3A_2047, %mul3A_2048 : vector<16xf32>
      %swap3A_2050 = arith.constant 33 : i32
      %swap3A_2051 = arith.index_cast %swap3A_2050 : i32 to index
      %swap3A_2052 = arith.constant 32 : index
      %swap3A_2053 = tpu.vector_load %arg12[%swap3A_2051, %swap3A_2052] {strides = array<i32>} : memref<48x64xf32, #tpu.memory_space<vmem>>, vector<16xf32>,
      tpu.vector_store %arg12[%swap3A_2051, %swap3A_2052], %mul3A_2049 {strides = array<i32>} : memref<48x64xf32, #tpu.memory_space<vmem>>, vector<16xf32>,
      %slice3A_2054 = vector.extract_strided_slice %get3A_1969 {offsets = [1], sizes = [1], strides = [1]} : vector<16xf32> to vector<1xf32>
      %squeeze3A_2055 = vector.extract %slice3A_2054[0] : f32 from vector<1xf32>
      %get3A_2056 = arith.constant 33 : i32
      %get3A_2057 = arith.index_cast %get3A_2056 : i32 to index
      %get3A_2058 = arith.constant 48 : index
      %get3A_2059 = tpu.vector_load %arg12[%get3A_2057, %get3A_2058] {strides = array<i32>} : memref<48x64xf32, #tpu.memory_space<vmem>>, vector<16xf32>,
      %mul3A_2060 = vector.broadcast %squeeze3A_2055 : f32 to vector<16xf32>
      %mul3A_2061 = arith.mulf %get3A_2059, %mul3A_2060 : vector<16xf32>
      %swap3A_2062 = arith.constant 33 : i32
      %swap3A_2063 = arith.index_cast %swap3A_2062 : i32 to index
      %swap3A_2064 = arith.constant 48 : index
      %swap3A_2065 = tpu.vector_load %arg12[%swap3A_2063, %swap3A_2064] {strides = array<i32>} : memref<48x64xf32, #tpu.memory_space<vmem>>, vector<16xf32>,
      tpu.vector_store %arg12[%swap3A_2063, %swap3A_2064], %mul3A_2061 {strides = array<i32>} : memref<48x64xf32, #tpu.memory_space<vmem>>, vector<16xf32>,
      %slice3A_2066 = vector.extract_strided_slice %get3A_1965 {offsets = [2], sizes = [1], strides = [1]} : vector<16xf32> to vector<1xf32>
      %squeeze3A_2067 = vector.extract %slice3A_2066[0] : f32 from vector<1xf32>
      %get3A_2068 = arith.constant 34 : i32
      %get3A_2069 = arith.index_cast %get3A_2068 : i32 to index
      %get3A_2070 = arith.constant 0 : index
      %get3A_2071 = tpu.vector_load %arg12[%get3A_2069, %get3A_2070] {strides = array<i32>} : memref<48x64xf32, #tpu.memory_space<vmem>>, vector<16xf32>,
      %mul3A_2072 = vector.broadcast %squeeze3A_2067 : f32 to vector<16xf32>
      %mul3A_2073 = arith.mulf %get3A_2071, %mul3A_2072 : vector<16xf32>
      %swap3A_2074 = arith.constant 34 : i32
      %swap3A_2075 = arith.index_cast %swap3A_2074 : i32 to index
      %swap3A_2076 = arith.constant 0 : index
      %swap3A_2077 = tpu.vector_load %arg12[%swap3A_2075, %swap3A_2076] {strides = array<i32>} : memref<48x64xf32, #tpu.memory_space<vmem>>, vector<16xf32>,
      tpu.vector_store %arg12[%swap3A_2075, %swap3A_2076], %mul3A_2073 {strides = array<i32>} : memref<48x64xf32, #tpu.memory_space<vmem>>, vector<16xf32>,
      %slice3A_2078 = vector.extract_strided_slice %get3A_1965 {offsets = [2], sizes = [1], strides = [1]} : vector<16xf32> to vector<1xf32>
      %squeeze3A_2079 = vector.extract %slice3A_2078[0] : f32 from vector<1xf32>
      %get3A_2080 = arith.constant 34 : i32
      %get3A_2081 = arith.index_cast %get3A_2080 : i32 to index
      %get3A_2082 = arith.constant 16 : index
      %get3A_2083 = tpu.vector_load %arg12[%get3A_2081, %get3A_2082] {strides = array<i32>} : memref<48x64xf32, #tpu.memory_space<vmem>>, vector<16xf32>,
      %mul3A_2084 = vector.broadcast %squeeze3A_2079 : f32 to vector<16xf32>
      %mul3A_2085 = arith.mulf %get3A_2083, %mul3A_2084 : vector<16xf32>
      %swap3A_2086 = arith.constant 34 : i32
      %swap3A_2087 = arith.index_cast %swap3A_2086 : i32 to index
      %swap3A_2088 = arith.constant 16 : index
      %swap3A_2089 = tpu.vector_load %arg12[%swap3A_2087, %swap3A_2088] {strides = array<i32>} : memref<48x64xf32, #tpu.memory_space<vmem>>, vector<16xf32>,
      tpu.vector_store %arg12[%swap3A_2087, %swap3A_2088], %mul3A_2085 {strides = array<i32>} : memref<48x64xf32, #tpu.memory_space<vmem>>, vector<16xf32>,
      %slice3A_2090 = vector.extract_strided_slice %get3A_1969 {offsets = [2], sizes = [1], strides = [1]} : vector<16xf32> to vector<1xf32>
      %squeeze3A_2091 = vector.extract %slice3A_2090[0] : f32 from vector<1xf32>
      %get3A_2092 = arith.constant 34 : i32
      %get3A_2093 = arith.index_cast %get3A_2092 : i32 to index
      %get3A_2094 = arith.constant 32 : index
      %get3A_2095 = tpu.vector_load %arg12[%get3A_2093, %get3A_2094] {strides = array<i32>} : memref<48x64xf32, #tpu.memory_space<vmem>>, vector<16xf32>,
      %mul3A_2096 = vector.broadcast %squeeze3A_2091 : f32 to vector<16xf32>
      %mul3A_2097 = arith.mulf %get3A_2095, %mul3A_2096 : vector<16xf32>
      %swap3A_2098 = arith.constant 34 : i32
      %swap3A_2099 = arith.index_cast %swap3A_2098 : i32 to index
      %swap3A_2100 = arith.constant 32 : index
      %swap3A_2101 = tpu.vector_load %arg12[%swap3A_2099, %swap3A_2100] {strides = array<i32>} : memref<48x64xf32, #tpu.memory_space<vmem>>, vector<16xf32>,
      tpu.vector_store %arg12[%swap3A_2099, %swap3A_2100], %mul3A_2097 {strides = array<i32>} : memref<48x64xf32, #tpu.memory_space<vmem>>, vector<16xf32>,
      %slice3A_2102 = vector.extract_strided_slice %get3A_1969 {offsets = [2], sizes = [1], strides = [1]} : vector<16xf32> to vector<1xf32>
      %squeeze3A_2103 = vector.extract %slice3A_2102[0] : f32 from vector<1xf32>
      %get3A_2104 = arith.constant 34 : i32
      %get3A_2105 = arith.index_cast %get3A_2104 : i32 to index
      %get3A_2106 = arith.constant 48 : index
      %get3A_2107 = tpu.vector_load %arg12[%get3A_2105, %get3A_2106] {strides = array<i32>} : memref<48x64xf32, #tpu.memory_space<vmem>>, vector<16xf32>,
      %mul3A_2108 = vector.broadcast %squeeze3A_2103 : f32 to vector<16xf32>
      %mul3A_2109 = arith.mulf %get3A_2107, %mul3A_2108 : vector<16xf32>
      %swap3A_2110 = arith.constant 34 : i32
      %swap3A_2111 = arith.index_cast %swap3A_2110 : i32 to index
      %swap3A_2112 = arith.constant 48 : index
      %swap3A_2113 = tpu.vector_load %arg12[%swap3A_2111, %swap3A_2112] {strides = array<i32>} : memref<48x64xf32, #tpu.memory_space<vmem>>, vector<16xf32>,
      tpu.vector_store %arg12[%swap3A_2111, %swap3A_2112], %mul3A_2109 {strides = array<i32>} : memref<48x64xf32, #tpu.memory_space<vmem>>, vector<16xf32>,
      %slice3A_2114 = vector.extract_strided_slice %get3A_1965 {offsets = [3], sizes = [1], strides = [1]} : vector<16xf32> to vector<1xf32>
      %squeeze3A_2115 = vector.extract %slice3A_2114[0] : f32 from vector<1xf32>
      %get3A_2116 = arith.constant 35 : i32
      %get3A_2117 = arith.index_cast %get3A_2116 : i32 to index
      %get3A_2118 = arith.constant 0 : index
      %get3A_2119 = tpu.vector_load %arg12[%get3A_2117, %get3A_2118] {strides = array<i32>} : memref<48x64xf32, #tpu.memory_space<vmem>>, vector<16xf32>,
      %mul3A_2120 = vector.broadcast %squeeze3A_2115 : f32 to vector<16xf32>
      %mul3A_2121 = arith.mulf %get3A_2119, %mul3A_2120 : vector<16xf32>
      %swap3A_2122 = arith.constant 35 : i32
      %swap3A_2123 = arith.index_cast %swap3A_2122 : i32 to index
      %swap3A_2124 = arith.constant 0 : index
      %swap3A_2125 = tpu.vector_load %arg12[%swap3A_2123, %swap3A_2124] {strides = array<i32>} : memref<48x64xf32, #tpu.memory_space<vmem>>, vector<16xf32>,
      tpu.vector_store %arg12[%swap3A_2123, %swap3A_2124], %mul3A_2121 {strides = array<i32>} : memref<48x64xf32, #tpu.memory_space<vmem>>, vector<16xf32>,
      %slice3A_2126 = vector.extract_strided_slice %get3A_1965 {offsets = [3], sizes = [1], strides = [1]} : vector<16xf32> to vector<1xf32>
      %squeeze3A_2127 = vector.extract %slice3A_2126[0] : f32 from vector<1xf32>
      %get3A_2128 = arith.constant 35 : i32
      %get3A_2129 = arith.index_cast %get3A_2128 : i32 to index
      %get3A_2130 = arith.constant 16 : index
      %get3A_2131 = tpu.vector_load %arg12[%get3A_2129, %get3A_2130] {strides = array<i32>} : memref<48x64xf32, #tpu.memory_space<vmem>>, vector<16xf32>,
      %mul3A_2132 = vector.broadcast %squeeze3A_2127 : f32 to vector<16xf32>
      %mul3A_2133 = arith.mulf %get3A_2131, %mul3A_2132 : vector<16xf32>
      %swap3A_2134 = arith.constant 35 : i32
      %swap3A_2135 = arith.index_cast %swap3A_2134 : i32 to index
      %swap3A_2136 = arith.constant 16 : index
      %swap3A_2137 = tpu.vector_load %arg12[%swap3A_2135, %swap3A_2136] {strides = array<i32>} : memref<48x64xf32, #tpu.memory_space<vmem>>, vector<16xf32>,
      tpu.vector_store %arg12[%swap3A_2135, %swap3A_2136], %mul3A_2133 {strides = array<i32>} : memref<48x64xf32, #tpu.memory_space<vmem>>, vector<16xf32>,
      %slice3A_2138 = vector.extract_strided_slice %get3A_1969 {offsets = [3], sizes = [1], strides = [1]} : vector<16xf32> to vector<1xf32>
      %squeeze3A_2139 = vector.extract %slice3A_2138[0] : f32 from vector<1xf32>
      %get3A_2140 = arith.constant 35 : i32
      %get3A_2141 = arith.index_cast %get3A_2140 : i32 to index
      %get3A_2142 = arith.constant 32 : index
      %get3A_2143 = tpu.vector_load %arg12[%get3A_2141, %get3A_2142] {strides = array<i32>} : memref<48x64xf32, #tpu.memory_space<vmem>>, vector<16xf32>,
      %mul3A_2144 = vector.broadcast %squeeze3A_2139 : f32 to vector<16xf32>
      %mul3A_2145 = arith.mulf %get3A_2143, %mul3A_2144 : vector<16xf32>
      %swap3A_2146 = arith.constant 35 : i32
      %swap3A_2147 = arith.index_cast %swap3A_2146 : i32 to index
      %swap3A_2148 = arith.constant 32 : index
      %swap3A_2149 = tpu.vector_load %arg12[%swap3A_2147, %swap3A_2148] {strides = array<i32>} : memref<48x64xf32, #tpu.memory_space<vmem>>, vector<16xf32>,
      tpu.vector_store %arg12[%swap3A_2147, %swap3A_2148], %mul3A_2145 {strides = array<i32>} : memref<48x64xf32, #tpu.memory_space<vmem>>, vector<16xf32>,
      %slice3A_2150 = vector.extract_strided_slice %get3A_1969 {offsets = [3], sizes = [1], strides = [1]} : vector<16xf32> to vector<1xf32>
      %squeeze3A_2151 = vector.extract %slice3A_2150[0] : f32 from vector<1xf32>
      %get3A_2152 = arith.constant 35 : i32
      %get3A_2153 = arith.index_cast %get3A_2152 : i32 to index
      %get3A_2154 = arith.constant 48 : index
      %get3A_2155 = tpu.vector_load %arg12[%get3A_2153, %get3A_2154] {strides = array<i32>} : memref<48x64xf32, #tpu.memory_space<vmem>>, vector<16xf32>,
      %mul3A_2156 = vector.broadcast %squeeze3A_2151 : f32 to vector<16xf32>
      %mul3A_2157 = arith.mulf %get3A_2155, %mul3A_2156 : vector<16xf32>
      %swap3A_2158 = arith.constant 35 : i32
      %swap3A_2159 = arith.index_cast %swap3A_2158 : i32 to index
      %swap3A_2160 = arith.constant 48 : index
      %swap3A_2161 = tpu.vector_load %arg12[%swap3A_2159, %swap3A_2160] {strides = array<i32>} : memref<48x64xf32, #tpu.memory_space<vmem>>, vector<16xf32>,
      tpu.vector_store %arg12[%swap3A_2159, %swap3A_2160], %mul3A_2157 {strides = array<i32>} : memref<48x64xf32, #tpu.memory_space<vmem>>, vector<16xf32>,
      %slice3A_2162 = vector.extract_strided_slice %get3A_1965 {offsets = [4], sizes = [1], strides = [1]} : vector<16xf32> to vector<1xf32>
      %squeeze3A_2163 = vector.extract %slice3A_2162[0] : f32 from vector<1xf32>
      %get3A_2164 = arith.constant 36 : i32
      %get3A_2165 = arith.index_cast %get3A_2164 : i32 to index
      %get3A_2166 = arith.constant 0 : index
      %get3A_2167 = tpu.vector_load %arg12[%get3A_2165, %get3A_2166] {strides = array<i32>} : memref<48x64xf32, #tpu.memory_space<vmem>>, vector<16xf32>,
      %mul3A_2168 = vector.broadcast %squeeze3A_2163 : f32 to vector<16xf32>
      %mul3A_2169 = arith.mulf %get3A_2167, %mul3A_2168 : vector<16xf32>
      %swap3A_2170 = arith.constant 36 : i32
      %swap3A_2171 = arith.index_cast %swap3A_2170 : i32 to index
      %swap3A_2172 = arith.constant 0 : index
      %swap3A_2173 = tpu.vector_load %arg12[%swap3A_2171, %swap3A_2172] {strides = array<i32>} : memref<48x64xf32, #tpu.memory_space<vmem>>, vector<16xf32>,
      tpu.vector_store %arg12[%swap3A_2171, %swap3A_2172], %mul3A_2169 {strides = array<i32>} : memref<48x64xf32, #tpu.memory_space<vmem>>, vector<16xf32>,
      %slice3A_2174 = vector.extract_strided_slice %get3A_1965 {offsets = [4], sizes = [1], strides = [1]} : vector<16xf32> to vector<1xf32>
      %squeeze3A_2175 = vector.extract %slice3A_2174[0] : f32 from vector<1xf32>
      %get3A_2176 = arith.constant 36 : i32
      %get3A_2177 = arith.index_cast %get3A_2176 : i32 to index
      %get3A_2178 = arith.constant 16 : index
      %get3A_2179 = tpu.vector_load %arg12[%get3A_2177, %get3A_2178] {strides = array<i32>} : memref<48x64xf32, #tpu.memory_space<vmem>>, vector<16xf32>,
      %mul3A_2180 = vector.broadcast %squeeze3A_2175 : f32 to vector<16xf32>
      %mul3A_2181 = arith.mulf %get3A_2179, %mul3A_2180 : vector<16xf32>
      %swap3A_2182 = arith.constant 36 : i32
      %swap3A_2183 = arith.index_cast %swap3A_2182 : i32 to index
      %swap3A_2184 = arith.constant 16 : index
      %swap3A_2185 = tpu.vector_load %arg12[%swap3A_2183, %swap3A_2184] {strides = array<i32>} : memref<48x64xf32, #tpu.memory_space<vmem>>, vector<16xf32>,
      tpu.vector_store %arg12[%swap3A_2183, %swap3A_2184], %mul3A_2181 {strides = array<i32>} : memref<48x64xf32, #tpu.memory_space<vmem>>, vector<16xf32>,
      %slice3A_2186 = vector.extract_strided_slice %get3A_1969 {offsets = [4], sizes = [1], strides = [1]} : vector<16xf32> to vector<1xf32>
      %squeeze3A_2187 = vector.extract %slice3A_2186[0] : f32 from vector<1xf32>
      %get3A_2188 = arith.constant 36 : i32
      %get3A_2189 = arith.index_cast %get3A_2188 : i32 to index
      %get3A_2190 = arith.constant 32 : index
      %get3A_2191 = tpu.vector_load %arg12[%get3A_2189, %get3A_2190] {strides = array<i32>} : memref<48x64xf32, #tpu.memory_space<vmem>>, vector<16xf32>,
      %mul3A_2192 = vector.broadcast %squeeze3A_2187 : f32 to vector<16xf32>
      %mul3A_2193 = arith.mulf %get3A_2191, %mul3A_2192 : vector<16xf32>
      %swap3A_2194 = arith.constant 36 : i32
      %swap3A_2195 = arith.index_cast %swap3A_2194 : i32 to index
      %swap3A_2196 = arith.constant 32 : index
      %swap3A_2197 = tpu.vector_load %arg12[%swap3A_2195, %swap3A_2196] {strides = array<i32>} : memref<48x64xf32, #tpu.memory_space<vmem>>, vector<16xf32>,
      tpu.vector_store %arg12[%swap3A_2195, %swap3A_2196], %mul3A_2193 {strides = array<i32>} : memref<48x64xf32, #tpu.memory_space<vmem>>, vector<16xf32>,
      %slice3A_2198 = vector.extract_strided_slice %get3A_1969 {offsets = [4], sizes = [1], strides = [1]} : vector<16xf32> to vector<1xf32>
      %squeeze3A_2199 = vector.extract %slice3A_2198[0] : f32 from vector<1xf32>
      %get3A_2200 = arith.constant 36 : i32
      %get3A_2201 = arith.index_cast %get3A_2200 : i32 to index
      %get3A_2202 = arith.constant 48 : index
      %get3A_2203 = tpu.vector_load %arg12[%get3A_2201, %get3A_2202] {strides = array<i32>} : memref<48x64xf32, #tpu.memory_space<vmem>>, vector<16xf32>,
      %mul3A_2204 = vector.broadcast %squeeze3A_2199 : f32 to vector<16xf32>
      %mul3A_2205 = arith.mulf %get3A_2203, %mul3A_2204 : vector<16xf32>
      %swap3A_2206 = arith.constant 36 : i32
      %swap3A_2207 = arith.index_cast %swap3A_2206 : i32 to index
      %swap3A_2208 = arith.constant 48 : index
      %swap3A_2209 = tpu.vector_load %arg12[%swap3A_2207, %swap3A_2208] {strides = array<i32>} : memref<48x64xf32, #tpu.memory_space<vmem>>, vector<16xf32>,
      tpu.vector_store %arg12[%swap3A_2207, %swap3A_2208], %mul3A_2205 {strides = array<i32>} : memref<48x64xf32, #tpu.memory_space<vmem>>, vector<16xf32>,
      %slice3A_2210 = vector.extract_strided_slice %get3A_1965 {offsets = [5], sizes = [1], strides = [1]} : vector<16xf32> to vector<1xf32>
      %squeeze3A_2211 = vector.extract %slice3A_2210[0] : f32 from vector<1xf32>
      %get3A_2212 = arith.constant 37 : i32
      %get3A_2213 = arith.index_cast %get3A_2212 : i32 to index
      %get3A_2214 = arith.constant 0 : index
      %get3A_2215 = tpu.vector_load %arg12[%get3A_2213, %get3A_2214] {strides = array<i32>} : memref<48x64xf32, #tpu.memory_space<vmem>>, vector<16xf32>,
      %mul3A_2216 = vector.broadcast %squeeze3A_2211 : f32 to vector<16xf32>
      %mul3A_2217 = arith.mulf %get3A_2215, %mul3A_2216 : vector<16xf32>
      %swap3A_2218 = arith.constant 37 : i32
      %swap3A_2219 = arith.index_cast %swap3A_2218 : i32 to index
      %swap3A_2220 = arith.constant 0 : index
      %swap3A_2221 = tpu.vector_load %arg12[%swap3A_2219, %swap3A_2220] {strides = array<i32>} : memref<48x64xf32, #tpu.memory_space<vmem>>, vector<16xf32>,
      tpu.vector_store %arg12[%swap3A_2219, %swap3A_2220], %mul3A_2217 {strides = array<i32>} : memref<48x64xf32, #tpu.memory_space<vmem>>, vector<16xf32>,
      %slice3A_2222 = vector.extract_strided_slice %get3A_1965 {offsets = [5], sizes = [1], strides = [1]} : vector<16xf32> to vector<1xf32>
      %squeeze3A_2223 = vector.extract %slice3A_2222[0] : f32 from vector<1xf32>
      %get3A_2224 = arith.constant 37 : i32
      %get3A_2225 = arith.index_cast %get3A_2224 : i32 to index
      %get3A_2226 = arith.constant 16 : index
      %get3A_2227 = tpu.vector_load %arg12[%get3A_2225, %get3A_2226] {strides = array<i32>} : memref<48x64xf32, #tpu.memory_space<vmem>>, vector<16xf32>,
      %mul3A_2228 = vector.broadcast %squeeze3A_2223 : f32 to vector<16xf32>
      %mul3A_2229 = arith.mulf %get3A_2227, %mul3A_2228 : vector<16xf32>
      %swap3A_2230 = arith.constant 37 : i32
      %swap3A_2231 = arith.index_cast %swap3A_2230 : i32 to index
      %swap3A_2232 = arith.constant 16 : index
      %swap3A_2233 = tpu.vector_load %arg12[%swap3A_2231, %swap3A_2232] {strides = array<i32>} : memref<48x64xf32, #tpu.memory_space<vmem>>, vector<16xf32>,
      tpu.vector_store %arg12[%swap3A_2231, %swap3A_2232], %mul3A_2229 {strides = array<i32>} : memref<48x64xf32, #tpu.memory_space<vmem>>, vector<16xf32>,
      %slice3A_2234 = vector.extract_strided_slice %get3A_1969 {offsets = [5], sizes = [1], strides = [1]} : vector<16xf32> to vector<1xf32>
      %squeeze3A_2235 = vector.extract %slice3A_2234[0] : f32 from vector<1xf32>
      %get3A_2236 = arith.constant 37 : i32
      %get3A_2237 = arith.index_cast %get3A_2236 : i32 to index
      %get3A_2238 = arith.constant 32 : index
      %get3A_2239 = tpu.vector_load %arg12[%get3A_2237, %get3A_2238] {strides = array<i32>} : memref<48x64xf32, #tpu.memory_space<vmem>>, vector<16xf32>,
      %mul3A_2240 = vector.broadcast %squeeze3A_2235 : f32 to vector<16xf32>
      %mul3A_2241 = arith.mulf %get3A_2239, %mul3A_2240 : vector<16xf32>
      %swap3A_2242 = arith.constant 37 : i32
      %swap3A_2243 = arith.index_cast %swap3A_2242 : i32 to index
      %swap3A_2244 = arith.constant 32 : index
      %swap3A_2245 = tpu.vector_load %arg12[%swap3A_2243, %swap3A_2244] {strides = array<i32>} : memref<48x64xf32, #tpu.memory_space<vmem>>, vector<16xf32>,
      tpu.vector_store %arg12[%swap3A_2243, %swap3A_2244], %mul3A_2241 {strides = array<i32>} : memref<48x64xf32, #tpu.memory_space<vmem>>, vector<16xf32>,
      %slice3A_2246 = vector.extract_strided_slice %get3A_1969 {offsets = [5], sizes = [1], strides = [1]} : vector<16xf32> to vector<1xf32>
      %squeeze3A_2247 = vector.extract %slice3A_2246[0] : f32 from vector<1xf32>
      %get3A_2248 = arith.constant 37 : i32
      %get3A_2249 = arith.index_cast %get3A_2248 : i32 to index
      %get3A_2250 = arith.constant 48 : index
      %get3A_2251 = tpu.vector_load %arg12[%get3A_2249, %get3A_2250] {strides = array<i32>} : memref<48x64xf32, #tpu.memory_space<vmem>>, vector<16xf32>,
      %mul3A_2252 = vector.broadcast %squeeze3A_2247 : f32 to vector<16xf32>
      %mul3A_2253 = arith.mulf %get3A_2251, %mul3A_2252 : vector<16xf32>
      %swap3A_2254 = arith.constant 37 : i32
      %swap3A_2255 = arith.index_cast %swap3A_2254 : i32 to index
      %swap3A_2256 = arith.constant 48 : index
      %swap3A_2257 = tpu.vector_load %arg12[%swap3A_2255, %swap3A_2256] {strides = array<i32>} : memref<48x64xf32, #tpu.memory_space<vmem>>, vector<16xf32>,
      tpu.vector_store %arg12[%swap3A_2255, %swap3A_2256], %mul3A_2253 {strides = array<i32>} : memref<48x64xf32, #tpu.memory_space<vmem>>, vector<16xf32>,
      %slice3A_2258 = vector.extract_strided_slice %get3A_1965 {offsets = [6], sizes = [1], strides = [1]} : vector<16xf32> to vector<1xf32>
      %squeeze3A_2259 = vector.extract %slice3A_2258[0] : f32 from vector<1xf32>
      %get3A_2260 = arith.constant 38 : i32
      %get3A_2261 = arith.index_cast %get3A_2260 : i32 to index
      %get3A_2262 = arith.constant 0 : index
      %get3A_2263 = tpu.vector_load %arg12[%get3A_2261, %get3A_2262] {strides = array<i32>} : memref<48x64xf32, #tpu.memory_space<vmem>>, vector<16xf32>,
      %mul3A_2264 = vector.broadcast %squeeze3A_2259 : f32 to vector<16xf32>
      %mul3A_2265 = arith.mulf %get3A_2263, %mul3A_2264 : vector<16xf32>
      %swap3A_2266 = arith.constant 38 : i32
      %swap3A_2267 = arith.index_cast %swap3A_2266 : i32 to index
      %swap3A_2268 = arith.constant 0 : index
      %swap3A_2269 = tpu.vector_load %arg12[%swap3A_2267, %swap3A_2268] {strides = array<i32>} : memref<48x64xf32, #tpu.memory_space<vmem>>, vector<16xf32>,
      tpu.vector_store %arg12[%swap3A_2267, %swap3A_2268], %mul3A_2265 {strides = array<i32>} : memref<48x64xf32, #tpu.memory_space<vmem>>, vector<16xf32>,
      %slice3A_2270 = vector.extract_strided_slice %get3A_1965 {offsets = [6], sizes = [1], strides = [1]} : vector<16xf32> to vector<1xf32>
      %squeeze3A_2271 = vector.extract %slice3A_2270[0] : f32 from vector<1xf32>
      %get3A_2272 = arith.constant 38 : i32
      %get3A_2273 = arith.index_cast %get3A_2272 : i32 to index
      %get3A_2274 = arith.constant 16 : index
      %get3A_2275 = tpu.vector_load %arg12[%get3A_2273, %get3A_2274] {strides = array<i32>} : memref<48x64xf32, #tpu.memory_space<vmem>>, vector<16xf32>,
      %mul3A_2276 = vector.broadcast %squeeze3A_2271 : f32 to vector<16xf32>
      %mul3A_2277 = arith.mulf %get3A_2275, %mul3A_2276 : vector<16xf32>
      %swap3A_2278 = arith.constant 38 : i32
      %swap3A_2279 = arith.index_cast %swap3A_2278 : i32 to index
      %swap3A_2280 = arith.constant 16 : index
      %swap3A_2281 = tpu.vector_load %arg12[%swap3A_2279, %swap3A_2280] {strides = array<i32>} : memref<48x64xf32, #tpu.memory_space<vmem>>, vector<16xf32>,
      tpu.vector_store %arg12[%swap3A_2279, %swap3A_2280], %mul3A_2277 {strides = array<i32>} : memref<48x64xf32, #tpu.memory_space<vmem>>, vector<16xf32>,
      %slice3A_2282 = vector.extract_strided_slice %get3A_1969 {offsets = [6], sizes = [1], strides = [1]} : vector<16xf32> to vector<1xf32>
      %squeeze3A_2283 = vector.extract %slice3A_2282[0] : f32 from vector<1xf32>
      %get3A_2284 = arith.constant 38 : i32
      %get3A_2285 = arith.index_cast %get3A_2284 : i32 to index
      %get3A_2286 = arith.constant 32 : index
      %get3A_2287 = tpu.vector_load %arg12[%get3A_2285, %get3A_2286] {strides = array<i32>} : memref<48x64xf32, #tpu.memory_space<vmem>>, vector<16xf32>,
      %mul3A_2288 = vector.broadcast %squeeze3A_2283 : f32 to vector<16xf32>
      %mul3A_2289 = arith.mulf %get3A_2287, %mul3A_2288 : vector<16xf32>
      %swap3A_2290 = arith.constant 38 : i32
      %swap3A_2291 = arith.index_cast %swap3A_2290 : i32 to index
      %swap3A_2292 = arith.constant 32 : index
      %swap3A_2293 = tpu.vector_load %arg12[%swap3A_2291, %swap3A_2292] {strides = array<i32>} : memref<48x64xf32, #tpu.memory_space<vmem>>, vector<16xf32>,
      tpu.vector_store %arg12[%swap3A_2291, %swap3A_2292], %mul3A_2289 {strides = array<i32>} : memref<48x64xf32, #tpu.memory_space<vmem>>, vector<16xf32>,
      %slice3A_2294 = vector.extract_strided_slice %get3A_1969 {offsets = [6], sizes = [1], strides = [1]} : vector<16xf32> to vector<1xf32>
      %squeeze3A_2295 = vector.extract %slice3A_2294[0] : f32 from vector<1xf32>
      %get3A_2296 = arith.constant 38 : i32
      %get3A_2297 = arith.index_cast %get3A_2296 : i32 to index
      %get3A_2298 = arith.constant 48 : index
      %get3A_2299 = tpu.vector_load %arg12[%get3A_2297, %get3A_2298] {strides = array<i32>} : memref<48x64xf32, #tpu.memory_space<vmem>>, vector<16xf32>,
      %mul3A_2300 = vector.broadcast %squeeze3A_2295 : f32 to vector<16xf32>
      %mul3A_2301 = arith.mulf %get3A_2299, %mul3A_2300 : vector<16xf32>
      %swap3A_2302 = arith.constant 38 : i32
      %swap3A_2303 = arith.index_cast %swap3A_2302 : i32 to index
      %swap3A_2304 = arith.constant 48 : index
      %swap3A_2305 = tpu.vector_load %arg12[%swap3A_2303, %swap3A_2304] {strides = array<i32>} : memref<48x64xf32, #tpu.memory_space<vmem>>, vector<16xf32>,
      tpu.vector_store %arg12[%swap3A_2303, %swap3A_2304], %mul3A_2301 {strides = array<i32>} : memref<48x64xf32, #tpu.memory_space<vmem>>, vector<16xf32>,
      %slice3A_2306 = vector.extract_strided_slice %get3A_1965 {offsets = [7], sizes = [1], strides = [1]} : vector<16xf32> to vector<1xf32>
      %squeeze3A_2307 = vector.extract %slice3A_2306[0] : f32 from vector<1xf32>
      %get3A_2308 = arith.constant 39 : i32
      %get3A_2309 = arith.index_cast %get3A_2308 : i32 to index
      %get3A_2310 = arith.constant 0 : index
      %get3A_2311 = tpu.vector_load %arg12[%get3A_2309, %get3A_2310] {strides = array<i32>} : memref<48x64xf32, #tpu.memory_space<vmem>>, vector<16xf32>,
      %mul3A_2312 = vector.broadcast %squeeze3A_2307 : f32 to vector<16xf32>
      %mul3A_2313 = arith.mulf %get3A_2311, %mul3A_2312 : vector<16xf32>
      %swap3A_2314 = arith.constant 39 : i32
      %swap3A_2315 = arith.index_cast %swap3A_2314 : i32 to index
      %swap3A_2316 = arith.constant 0 : index
      %swap3A_2317 = tpu.vector_load %arg12[%swap3A_2315, %swap3A_2316] {strides = array<i32>} : memref<48x64xf32, #tpu.memory_space<vmem>>, vector<16xf32>,
      tpu.vector_store %arg12[%swap3A_2315, %swap3A_2316], %mul3A_2313 {strides = array<i32>} : memref<48x64xf32, #tpu.memory_space<vmem>>, vector<16xf32>,
      %slice3A_2318 = vector.extract_strided_slice %get3A_1965 {offsets = [7], sizes = [1], strides = [1]} : vector<16xf32> to vector<1xf32>
      %squeeze3A_2319 = vector.extract %slice3A_2318[0] : f32 from vector<1xf32>
      %get3A_2320 = arith.constant 39 : i32
      %get3A_2321 = arith.index_cast %get3A_2320 : i32 to index
      %get3A_2322 = arith.constant 16 : index
      %get3A_2323 = tpu.vector_load %arg12[%get3A_2321, %get3A_2322] {strides = array<i32>} : memref<48x64xf32, #tpu.memory_space<vmem>>, vector<16xf32>,
      %mul3A_2324 = vector.broadcast %squeeze3A_2319 : f32 to vector<16xf32>
      %mul3A_2325 = arith.mulf %get3A_2323, %mul3A_2324 : vector<16xf32>
      %swap3A_2326 = arith.constant 39 : i32
      %swap3A_2327 = arith.index_cast %swap3A_2326 : i32 to index
      %swap3A_2328 = arith.constant 16 : index
      %swap3A_2329 = tpu.vector_load %arg12[%swap3A_2327, %swap3A_2328] {strides = array<i32>} : memref<48x64xf32, #tpu.memory_space<vmem>>, vector<16xf32>,
      tpu.vector_store %arg12[%swap3A_2327, %swap3A_2328], %mul3A_2325 {strides = array<i32>} : memref<48x64xf32, #tpu.memory_space<vmem>>, vector<16xf32>,
      %slice3A_2330 = vector.extract_strided_slice %get3A_1969 {offsets = [7], sizes = [1], strides = [1]} : vector<16xf32> to vector<1xf32>
      %squeeze3A_2331 = vector.extract %slice3A_2330[0] : f32 from vector<1xf32>
      %get3A_2332 = arith.constant 39 : i32
      %get3A_2333 = arith.index_cast %get3A_2332 : i32 to index
      %get3A_2334 = arith.constant 32 : index
      %get3A_2335 = tpu.vector_load %arg12[%get3A_2333, %get3A_2334] {strides = array<i32>} : memref<48x64xf32, #tpu.memory_space<vmem>>, vector<16xf32>,
      %mul3A_2336 = vector.broadcast %squeeze3A_2331 : f32 to vector<16xf32>
      %mul3A_2337 = arith.mulf %get3A_2335, %mul3A_2336 : vector<16xf32>
      %swap3A_2338 = arith.constant 39 : i32
      %swap3A_2339 = arith.index_cast %swap3A_2338 : i32 to index
      %swap3A_2340 = arith.constant 32 : index
      %swap3A_2341 = tpu.vector_load %arg12[%swap3A_2339, %swap3A_2340] {strides = array<i32>} : memref<48x64xf32, #tpu.memory_space<vmem>>, vector<16xf32>,
      tpu.vector_store %arg12[%swap3A_2339, %swap3A_2340], %mul3A_2337 {strides = array<i32>} : memref<48x64xf32, #tpu.memory_space<vmem>>, vector<16xf32>,
      %slice3A_2342 = vector.extract_strided_slice %get3A_1969 {offsets = [7], sizes = [1], strides = [1]} : vector<16xf32> to vector<1xf32>
      %squeeze3A_2343 = vector.extract %slice3A_2342[0] : f32 from vector<1xf32>
      %get3A_2344 = arith.constant 39 : i32
      %get3A_2345 = arith.index_cast %get3A_2344 : i32 to index
      %get3A_2346 = arith.constant 48 : index
      %get3A_2347 = tpu.vector_load %arg12[%get3A_2345, %get3A_2346] {strides = array<i32>} : memref<48x64xf32, #tpu.memory_space<vmem>>, vector<16xf32>,
      %mul3A_2348 = vector.broadcast %squeeze3A_2343 : f32 to vector<16xf32>
      %mul3A_2349 = arith.mulf %get3A_2347, %mul3A_2348 : vector<16xf32>
      %swap3A_2350 = arith.constant 39 : i32
      %swap3A_2351 = arith.index_cast %swap3A_2350 : i32 to index
      %swap3A_2352 = arith.constant 48 : index
      %swap3A_2353 = tpu.vector_load %arg12[%swap3A_2351, %swap3A_2352] {strides = array<i32>} : memref<48x64xf32, #tpu.memory_space<vmem>>, vector<16xf32>,
      tpu.vector_store %arg12[%swap3A_2351, %swap3A_2352], %mul3A_2349 {strides = array<i32>} : memref<48x64xf32, #tpu.memory_space<vmem>>, vector<16xf32>,
      %slice3A_2354 = vector.extract_strided_slice %get3A_1965 {offsets = [8], sizes = [1], strides = [1]} : vector<16xf32> to vector<1xf32>
      %squeeze3A_2355 = vector.extract %slice3A_2354[0] : f32 from vector<1xf32>
      %get3A_2356 = arith.constant 40 : i32
      %get3A_2357 = arith.index_cast %get3A_2356 : i32 to index
      %get3A_2358 = arith.constant 0 : index
      %get3A_2359 = tpu.vector_load %arg12[%get3A_2357, %get3A_2358] {strides = array<i32>} : memref<48x64xf32, #tpu.memory_space<vmem>>, vector<16xf32>,
      %mul3A_2360 = vector.broadcast %squeeze3A_2355 : f32 to vector<16xf32>
      %mul3A_2361 = arith.mulf %get3A_2359, %mul3A_2360 : vector<16xf32>
      %swap3A_2362 = arith.constant 40 : i32
      %swap3A_2363 = arith.index_cast %swap3A_2362 : i32 to index
      %swap3A_2364 = arith.constant 0 : index
      %swap3A_2365 = tpu.vector_load %arg12[%swap3A_2363, %swap3A_2364] {strides = array<i32>} : memref<48x64xf32, #tpu.memory_space<vmem>>, vector<16xf32>,
      tpu.vector_store %arg12[%swap3A_2363, %swap3A_2364], %mul3A_2361 {strides = array<i32>} : memref<48x64xf32, #tpu.memory_space<vmem>>, vector<16xf32>,
      %slice3A_2366 = vector.extract_strided_slice %get3A_1965 {offsets = [8], sizes = [1], strides = [1]} : vector<16xf32> to vector<1xf32>
      %squeeze3A_2367 = vector.extract %slice3A_2366[0] : f32 from vector<1xf32>
      %get3A_2368 = arith.constant 40 : i32
      %get3A_2369 = arith.index_cast %get3A_2368 : i32 to index
      %get3A_2370 = arith.constant 16 : index
      %get3A_2371 = tpu.vector_load %arg12[%get3A_2369, %get3A_2370] {strides = array<i32>} : memref<48x64xf32, #tpu.memory_space<vmem>>, vector<16xf32>,
      %mul3A_2372 = vector.broadcast %squeeze3A_2367 : f32 to vector<16xf32>
      %mul3A_2373 = arith.mulf %get3A_2371, %mul3A_2372 : vector<16xf32>
      %swap3A_2374 = arith.constant 40 : i32
      %swap3A_2375 = arith.index_cast %swap3A_2374 : i32 to index
      %swap3A_2376 = arith.constant 16 : index
      %swap3A_2377 = tpu.vector_load %arg12[%swap3A_2375, %swap3A_2376] {strides = array<i32>} : memref<48x64xf32, #tpu.memory_space<vmem>>, vector<16xf32>,
      tpu.vector_store %arg12[%swap3A_2375, %swap3A_2376], %mul3A_2373 {strides = array<i32>} : memref<48x64xf32, #tpu.memory_space<vmem>>, vector<16xf32>,
      %slice3A_2378 = vector.extract_strided_slice %get3A_1969 {offsets = [8], sizes = [1], strides = [1]} : vector<16xf32> to vector<1xf32>
      %squeeze3A_2379 = vector.extract %slice3A_2378[0] : f32 from vector<1xf32>
      %get3A_2380 = arith.constant 40 : i32
      %get3A_2381 = arith.index_cast %get3A_2380 : i32 to index
      %get3A_2382 = arith.constant 32 : index
      %get3A_2383 = tpu.vector_load %arg12[%get3A_2381, %get3A_2382] {strides = array<i32>} : memref<48x64xf32, #tpu.memory_space<vmem>>, vector<16xf32>,
      %mul3A_2384 = vector.broadcast %squeeze3A_2379 : f32 to vector<16xf32>
      %mul3A_2385 = arith.mulf %get3A_2383, %mul3A_2384 : vector<16xf32>
      %swap3A_2386 = arith.constant 40 : i32
      %swap3A_2387 = arith.index_cast %swap3A_2386 : i32 to index
      %swap3A_2388 = arith.constant 32 : index
      %swap3A_2389 = tpu.vector_load %arg12[%swap3A_2387, %swap3A_2388] {strides = array<i32>} : memref<48x64xf32, #tpu.memory_space<vmem>>, vector<16xf32>,
      tpu.vector_store %arg12[%swap3A_2387, %swap3A_2388], %mul3A_2385 {strides = array<i32>} : memref<48x64xf32, #tpu.memory_space<vmem>>, vector<16xf32>,
      %slice3A_2390 = vector.extract_strided_slice %get3A_1969 {offsets = [8], sizes = [1], strides = [1]} : vector<16xf32> to vector<1xf32>
      %squeeze3A_2391 = vector.extract %slice3A_2390[0] : f32 from vector<1xf32>
      %get3A_2392 = arith.constant 40 : i32
      %get3A_2393 = arith.index_cast %get3A_2392 : i32 to index
      %get3A_2394 = arith.constant 48 : index
      %get3A_2395 = tpu.vector_load %arg12[%get3A_2393, %get3A_2394] {strides = array<i32>} : memref<48x64xf32, #tpu.memory_space<vmem>>, vector<16xf32>,
      %mul3A_2396 = vector.broadcast %squeeze3A_2391 : f32 to vector<16xf32>
      %mul3A_2397 = arith.mulf %get3A_2395, %mul3A_2396 : vector<16xf32>
      %swap3A_2398 = arith.constant 40 : i32
      %swap3A_2399 = arith.index_cast %swap3A_2398 : i32 to index
      %swap3A_2400 = arith.constant 48 : index
      %swap3A_2401 = tpu.vector_load %arg12[%swap3A_2399, %swap3A_2400] {strides = array<i32>} : memref<48x64xf32, #tpu.memory_space<vmem>>, vector<16xf32>,
      tpu.vector_store %arg12[%swap3A_2399, %swap3A_2400], %mul3A_2397 {strides = array<i32>} : memref<48x64xf32, #tpu.memory_space<vmem>>, vector<16xf32>,
      %slice3A_2402 = vector.extract_strided_slice %get3A_1965 {offsets = [9], sizes = [1], strides = [1]} : vector<16xf32> to vector<1xf32>
      %squeeze3A_2403 = vector.extract %slice3A_2402[0] : f32 from vector<1xf32>
      %get3A_2404 = arith.constant 41 : i32
      %get3A_2405 = arith.index_cast %get3A_2404 : i32 to index
      %get3A_2406 = arith.constant 0 : index
      %get3A_2407 = tpu.vector_load %arg12[%get3A_2405, %get3A_2406] {strides = array<i32>} : memref<48x64xf32, #tpu.memory_space<vmem>>, vector<16xf32>,
      %mul3A_2408 = vector.broadcast %squeeze3A_2403 : f32 to vector<16xf32>
      %mul3A_2409 = arith.mulf %get3A_2407, %mul3A_2408 : vector<16xf32>
      %swap3A_2410 = arith.constant 41 : i32
      %swap3A_2411 = arith.index_cast %swap3A_2410 : i32 to index
      %swap3A_2412 = arith.constant 0 : index
      %swap3A_2413 = tpu.vector_load %arg12[%swap3A_2411, %swap3A_2412] {strides = array<i32>} : memref<48x64xf32, #tpu.memory_space<vmem>>, vector<16xf32>,
      tpu.vector_store %arg12[%swap3A_2411, %swap3A_2412], %mul3A_2409 {strides = array<i32>} : memref<48x64xf32, #tpu.memory_space<vmem>>, vector<16xf32>,
      %slice3A_2414 = vector.extract_strided_slice %get3A_1965 {offsets = [9], sizes = [1], strides = [1]} : vector<16xf32> to vector<1xf32>
      %squeeze3A_2415 = vector.extract %slice3A_2414[0] : f32 from vector<1xf32>
      %get3A_2416 = arith.constant 41 : i32
      %get3A_2417 = arith.index_cast %get3A_2416 : i32 to index
      %get3A_2418 = arith.constant 16 : index
      %get3A_2419 = tpu.vector_load %arg12[%get3A_2417, %get3A_2418] {strides = array<i32>} : memref<48x64xf32, #tpu.memory_space<vmem>>, vector<16xf32>,
      %mul3A_2420 = vector.broadcast %squeeze3A_2415 : f32 to vector<16xf32>
      %mul3A_2421 = arith.mulf %get3A_2419, %mul3A_2420 : vector<16xf32>
      %swap3A_2422 = arith.constant 41 : i32
      %swap3A_2423 = arith.index_cast %swap3A_2422 : i32 to index
      %swap3A_2424 = arith.constant 16 : index
      %swap3A_2425 = tpu.vector_load %arg12[%swap3A_2423, %swap3A_2424] {strides = array<i32>} : memref<48x64xf32, #tpu.memory_space<vmem>>, vector<16xf32>,
      tpu.vector_store %arg12[%swap3A_2423, %swap3A_2424], %mul3A_2421 {strides = array<i32>} : memref<48x64xf32, #tpu.memory_space<vmem>>, vector<16xf32>,
      %slice3A_2426 = vector.extract_strided_slice %get3A_1969 {offsets = [9], sizes = [1], strides = [1]} : vector<16xf32> to vector<1xf32>
      %squeeze3A_2427 = vector.extract %slice3A_2426[0] : f32 from vector<1xf32>
      %get3A_2428 = arith.constant 41 : i32
      %get3A_2429 = arith.index_cast %get3A_2428 : i32 to index
      %get3A_2430 = arith.constant 32 : index
      %get3A_2431 = tpu.vector_load %arg12[%get3A_2429, %get3A_2430] {strides = array<i32>} : memref<48x64xf32, #tpu.memory_space<vmem>>, vector<16xf32>,
      %mul3A_2432 = vector.broadcast %squeeze3A_2427 : f32 to vector<16xf32>
      %mul3A_2433 = arith.mulf %get3A_2431, %mul3A_2432 : vector<16xf32>
      %swap3A_2434 = arith.constant 41 : i32
      %swap3A_2435 = arith.index_cast %swap3A_2434 : i32 to index
      %swap3A_2436 = arith.constant 32 : index
      %swap3A_2437 = tpu.vector_load %arg12[%swap3A_2435, %swap3A_2436] {strides = array<i32>} : memref<48x64xf32, #tpu.memory_space<vmem>>, vector<16xf32>,
      tpu.vector_store %arg12[%swap3A_2435, %swap3A_2436], %mul3A_2433 {strides = array<i32>} : memref<48x64xf32, #tpu.memory_space<vmem>>, vector<16xf32>,
      %slice3A_2438 = vector.extract_strided_slice %get3A_1969 {offsets = [9], sizes = [1], strides = [1]} : vector<16xf32> to vector<1xf32>
      %squeeze3A_2439 = vector.extract %slice3A_2438[0] : f32 from vector<1xf32>
      %get3A_2440 = arith.constant 41 : i32
      %get3A_2441 = arith.index_cast %get3A_2440 : i32 to index
      %get3A_2442 = arith.constant 48 : index
      %get3A_2443 = tpu.vector_load %arg12[%get3A_2441, %get3A_2442] {strides = array<i32>} : memref<48x64xf32, #tpu.memory_space<vmem>>, vector<16xf32>,
      %mul3A_2444 = vector.broadcast %squeeze3A_2439 : f32 to vector<16xf32>
      %mul3A_2445 = arith.mulf %get3A_2443, %mul3A_2444 : vector<16xf32>
      %swap3A_2446 = arith.constant 41 : i32
      %swap3A_2447 = arith.index_cast %swap3A_2446 : i32 to index
      %swap3A_2448 = arith.constant 48 : index
      %swap3A_2449 = tpu.vector_load %arg12[%swap3A_2447, %swap3A_2448] {strides = array<i32>} : memref<48x64xf32, #tpu.memory_space<vmem>>, vector<16xf32>,
      tpu.vector_store %arg12[%swap3A_2447, %swap3A_2448], %mul3A_2445 {strides = array<i32>} : memref<48x64xf32, #tpu.memory_space<vmem>>, vector<16xf32>,
      %slice3A_2450 = vector.extract_strided_slice %get3A_1965 {offsets = [10], sizes = [1], strides = [1]} : vector<16xf32> to vector<1xf32>
      %squeeze3A_2451 = vector.extract %slice3A_2450[0] : f32 from vector<1xf32>
      %get3A_2452 = arith.constant 42 : i32
      %get3A_2453 = arith.index_cast %get3A_2452 : i32 to index
      %get3A_2454 = arith.constant 0 : index
      %get3A_2455 = tpu.vector_load %arg12[%get3A_2453, %get3A_2454] {strides = array<i32>} : memref<48x64xf32, #tpu.memory_space<vmem>>, vector<16xf32>,
      %mul3A_2456 = vector.broadcast %squeeze3A_2451 : f32 to vector<16xf32>
      %mul3A_2457 = arith.mulf %get3A_2455, %mul3A_2456 : vector<16xf32>
      %swap3A_2458 = arith.constant 42 : i32
      %swap3A_2459 = arith.index_cast %swap3A_2458 : i32 to index
      %swap3A_2460 = arith.constant 0 : index
      %swap3A_2461 = tpu.vector_load %arg12[%swap3A_2459, %swap3A_2460] {strides = array<i32>} : memref<48x64xf32, #tpu.memory_space<vmem>>, vector<16xf32>,
      tpu.vector_store %arg12[%swap3A_2459, %swap3A_2460], %mul3A_2457 {strides = array<i32>} : memref<48x64xf32, #tpu.memory_space<vmem>>, vector<16xf32>,
      %slice3A_2462 = vector.extract_strided_slice %get3A_1965 {offsets = [10], sizes = [1], strides = [1]} : vector<16xf32> to vector<1xf32>
      %squeeze3A_2463 = vector.extract %slice3A_2462[0] : f32 from vector<1xf32>
      %get3A_2464 = arith.constant 42 : i32
      %get3A_2465 = arith.index_cast %get3A_2464 : i32 to index
      %get3A_2466 = arith.constant 16 : index
      %get3A_2467 = tpu.vector_load %arg12[%get3A_2465, %get3A_2466] {strides = array<i32>} : memref<48x64xf32, #tpu.memory_space<vmem>>, vector<16xf32>,
      %mul3A_2468 = vector.broadcast %squeeze3A_2463 : f32 to vector<16xf32>
      %mul3A_2469 = arith.mulf %get3A_2467, %mul3A_2468 : vector<16xf32>
      %swap3A_2470 = arith.constant 42 : i32
      %swap3A_2471 = arith.index_cast %swap3A_2470 : i32 to index
      %swap3A_2472 = arith.constant 16 : index
      %swap3A_2473 = tpu.vector_load %arg12[%swap3A_2471, %swap3A_2472] {strides = array<i32>} : memref<48x64xf32, #tpu.memory_space<vmem>>, vector<16xf32>,
      tpu.vector_store %arg12[%swap3A_2471, %swap3A_2472], %mul3A_2469 {strides = array<i32>} : memref<48x64xf32, #tpu.memory_space<vmem>>, vector<16xf32>,
      %slice3A_2474 = vector.extract_strided_slice %get3A_1969 {offsets = [10], sizes = [1], strides = [1]} : vector<16xf32> to vector<1xf32>
      %squeeze3A_2475 = vector.extract %slice3A_2474[0] : f32 from vector<1xf32>
      %get3A_2476 = arith.constant 42 : i32
      %get3A_2477 = arith.index_cast %get3A_2476 : i32 to index
      %get3A_2478 = arith.constant 32 : index
      %get3A_2479 = tpu.vector_load %arg12[%get3A_2477, %get3A_2478] {strides = array<i32>} : memref<48x64xf32, #tpu.memory_space<vmem>>, vector<16xf32>,
      %mul3A_2480 = vector.broadcast %squeeze3A_2475 : f32 to vector<16xf32>
      %mul3A_2481 = arith.mulf %get3A_2479, %mul3A_2480 : vector<16xf32>
      %swap3A_2482 = arith.constant 42 : i32
      %swap3A_2483 = arith.index_cast %swap3A_2482 : i32 to index
      %swap3A_2484 = arith.constant 32 : index
      %swap3A_2485 = tpu.vector_load %arg12[%swap3A_2483, %swap3A_2484] {strides = array<i32>} : memref<48x64xf32, #tpu.memory_space<vmem>>, vector<16xf32>,
      tpu.vector_store %arg12[%swap3A_2483, %swap3A_2484], %mul3A_2481 {strides = array<i32>} : memref<48x64xf32, #tpu.memory_space<vmem>>, vector<16xf32>,
      %slice3A_2486 = vector.extract_strided_slice %get3A_1969 {offsets = [10], sizes = [1], strides = [1]} : vector<16xf32> to vector<1xf32>
      %squeeze3A_2487 = vector.extract %slice3A_2486[0] : f32 from vector<1xf32>
      %get3A_2488 = arith.constant 42 : i32
      %get3A_2489 = arith.index_cast %get3A_2488 : i32 to index
      %get3A_2490 = arith.constant 48 : index
      %get3A_2491 = tpu.vector_load %arg12[%get3A_2489, %get3A_2490] {strides = array<i32>} : memref<48x64xf32, #tpu.memory_space<vmem>>, vector<16xf32>,
      %mul3A_2492 = vector.broadcast %squeeze3A_2487 : f32 to vector<16xf32>
      %mul3A_2493 = arith.mulf %get3A_2491, %mul3A_2492 : vector<16xf32>
      %swap3A_2494 = arith.constant 42 : i32
      %swap3A_2495 = arith.index_cast %swap3A_2494 : i32 to index
      %swap3A_2496 = arith.constant 48 : index
      %swap3A_2497 = tpu.vector_load %arg12[%swap3A_2495, %swap3A_2496] {strides = array<i32>} : memref<48x64xf32, #tpu.memory_space<vmem>>, vector<16xf32>,
      tpu.vector_store %arg12[%swap3A_2495, %swap3A_2496], %mul3A_2493 {strides = array<i32>} : memref<48x64xf32, #tpu.memory_space<vmem>>, vector<16xf32>,
      %slice3A_2498 = vector.extract_strided_slice %get3A_1965 {offsets = [11], sizes = [1], strides = [1]} : vector<16xf32> to vector<1xf32>
      %squeeze3A_2499 = vector.extract %slice3A_2498[0] : f32 from vector<1xf32>
      %get3A_2500 = arith.constant 43 : i32
      %get3A_2501 = arith.index_cast %get3A_2500 : i32 to index
      %get3A_2502 = arith.constant 0 : index
      %get3A_2503 = tpu.vector_load %arg12[%get3A_2501, %get3A_2502] {strides = array<i32>} : memref<48x64xf32, #tpu.memory_space<vmem>>, vector<16xf32>,
      %mul3A_2504 = vector.broadcast %squeeze3A_2499 : f32 to vector<16xf32>
      %mul3A_2505 = arith.mulf %get3A_2503, %mul3A_2504 : vector<16xf32>
      %swap3A_2506 = arith.constant 43 : i32
      %swap3A_2507 = arith.index_cast %swap3A_2506 : i32 to index
      %swap3A_2508 = arith.constant 0 : index
      %swap3A_2509 = tpu.vector_load %arg12[%swap3A_2507, %swap3A_2508] {strides = array<i32>} : memref<48x64xf32, #tpu.memory_space<vmem>>, vector<16xf32>,
      tpu.vector_store %arg12[%swap3A_2507, %swap3A_2508], %mul3A_2505 {strides = array<i32>} : memref<48x64xf32, #tpu.memory_space<vmem>>, vector<16xf32>,
      %slice3A_2510 = vector.extract_strided_slice %get3A_1965 {offsets = [11], sizes = [1], strides = [1]} : vector<16xf32> to vector<1xf32>
      %squeeze3A_2511 = vector.extract %slice3A_2510[0] : f32 from vector<1xf32>
      %get3A_2512 = arith.constant 43 : i32
      %get3A_2513 = arith.index_cast %get3A_2512 : i32 to index
      %get3A_2514 = arith.constant 16 : index
      %get3A_2515 = tpu.vector_load %arg12[%get3A_2513, %get3A_2514] {strides = array<i32>} : memref<48x64xf32, #tpu.memory_space<vmem>>, vector<16xf32>,
      %mul3A_2516 = vector.broadcast %squeeze3A_2511 : f32 to vector<16xf32>
      %mul3A_2517 = arith.mulf %get3A_2515, %mul3A_2516 : vector<16xf32>
      %swap3A_2518 = arith.constant 43 : i32
      %swap3A_2519 = arith.index_cast %swap3A_2518 : i32 to index
      %swap3A_2520 = arith.constant 16 : index
      %swap3A_2521 = tpu.vector_load %arg12[%swap3A_2519, %swap3A_2520] {strides = array<i32>} : memref<48x64xf32, #tpu.memory_space<vmem>>, vector<16xf32>,
      tpu.vector_store %arg12[%swap3A_2519, %swap3A_2520], %mul3A_2517 {strides = array<i32>} : memref<48x64xf32, #tpu.memory_space<vmem>>, vector<16xf32>,
      %slice3A_2522 = vector.extract_strided_slice %get3A_1969 {offsets = [11], sizes = [1], strides = [1]} : vector<16xf32> to vector<1xf32>
      %squeeze3A_2523 = vector.extract %slice3A_2522[0] : f32 from vector<1xf32>
      %get3A_2524 = arith.constant 43 : i32
      %get3A_2525 = arith.index_cast %get3A_2524 : i32 to index
      %get3A_2526 = arith.constant 32 : index
      %get3A_2527 = tpu.vector_load %arg12[%get3A_2525, %get3A_2526] {strides = array<i32>} : memref<48x64xf32, #tpu.memory_space<vmem>>, vector<16xf32>,
      %mul3A_2528 = vector.broadcast %squeeze3A_2523 : f32 to vector<16xf32>
      %mul3A_2529 = arith.mulf %get3A_2527, %mul3A_2528 : vector<16xf32>
      %swap3A_2530 = arith.constant 43 : i32
      %swap3A_2531 = arith.index_cast %swap3A_2530 : i32 to index
      %swap3A_2532 = arith.constant 32 : index
      %swap3A_2533 = tpu.vector_load %arg12[%swap3A_2531, %swap3A_2532] {strides = array<i32>} : memref<48x64xf32, #tpu.memory_space<vmem>>, vector<16xf32>,
      tpu.vector_store %arg12[%swap3A_2531, %swap3A_2532], %mul3A_2529 {strides = array<i32>} : memref<48x64xf32, #tpu.memory_space<vmem>>, vector<16xf32>,
      %slice3A_2534 = vector.extract_strided_slice %get3A_1969 {offsets = [11], sizes = [1], strides = [1]} : vector<16xf32> to vector<1xf32>
      %squeeze3A_2535 = vector.extract %slice3A_2534[0] : f32 from vector<1xf32>
      %get3A_2536 = arith.constant 43 : i32
      %get3A_2537 = arith.index_cast %get3A_2536 : i32 to index
      %get3A_2538 = arith.constant 48 : index
      %get3A_2539 = tpu.vector_load %arg12[%get3A_2537, %get3A_2538] {strides = array<i32>} : memref<48x64xf32, #tpu.memory_space<vmem>>, vector<16xf32>,
      %mul3A_2540 = vector.broadcast %squeeze3A_2535 : f32 to vector<16xf32>
      %mul3A_2541 = arith.mulf %get3A_2539, %mul3A_2540 : vector<16xf32>
      %swap3A_2542 = arith.constant 43 : i32
      %swap3A_2543 = arith.index_cast %swap3A_2542 : i32 to index
      %swap3A_2544 = arith.constant 48 : index
      %swap3A_2545 = tpu.vector_load %arg12[%swap3A_2543, %swap3A_2544] {strides = array<i32>} : memref<48x64xf32, #tpu.memory_space<vmem>>, vector<16xf32>,
      tpu.vector_store %arg12[%swap3A_2543, %swap3A_2544], %mul3A_2541 {strides = array<i32>} : memref<48x64xf32, #tpu.memory_space<vmem>>, vector<16xf32>,
      %slice3A_2546 = vector.extract_strided_slice %get3A_1965 {offsets = [12], sizes = [1], strides = [1]} : vector<16xf32> to vector<1xf32>
      %squeeze3A_2547 = vector.extract %slice3A_2546[0] : f32 from vector<1xf32>
      %get3A_2548 = arith.constant 44 : i32
      %get3A_2549 = arith.index_cast %get3A_2548 : i32 to index
      %get3A_2550 = arith.constant 0 : index
      %get3A_2551 = tpu.vector_load %arg12[%get3A_2549, %get3A_2550] {strides = array<i32>} : memref<48x64xf32, #tpu.memory_space<vmem>>, vector<16xf32>,
      %mul3A_2552 = vector.broadcast %squeeze3A_2547 : f32 to vector<16xf32>
      %mul3A_2553 = arith.mulf %get3A_2551, %mul3A_2552 : vector<16xf32>
      %swap3A_2554 = arith.constant 44 : i32
      %swap3A_2555 = arith.index_cast %swap3A_2554 : i32 to index
      %swap3A_2556 = arith.constant 0 : index
      %swap3A_2557 = tpu.vector_load %arg12[%swap3A_2555, %swap3A_2556] {strides = array<i32>} : memref<48x64xf32, #tpu.memory_space<vmem>>, vector<16xf32>,
      tpu.vector_store %arg12[%swap3A_2555, %swap3A_2556], %mul3A_2553 {strides = array<i32>} : memref<48x64xf32, #tpu.memory_space<vmem>>, vector<16xf32>,
      %slice3A_2558 = vector.extract_strided_slice %get3A_1965 {offsets = [12], sizes = [1], strides = [1]} : vector<16xf32> to vector<1xf32>
      %squeeze3A_2559 = vector.extract %slice3A_2558[0] : f32 from vector<1xf32>
      %get3A_2560 = arith.constant 44 : i32
      %get3A_2561 = arith.index_cast %get3A_2560 : i32 to index
      %get3A_2562 = arith.constant 16 : index
      %get3A_2563 = tpu.vector_load %arg12[%get3A_2561, %get3A_2562] {strides = array<i32>} : memref<48x64xf32, #tpu.memory_space<vmem>>, vector<16xf32>,
      %mul3A_2564 = vector.broadcast %squeeze3A_2559 : f32 to vector<16xf32>
      %mul3A_2565 = arith.mulf %get3A_2563, %mul3A_2564 : vector<16xf32>
      %swap3A_2566 = arith.constant 44 : i32
      %swap3A_2567 = arith.index_cast %swap3A_2566 : i32 to index
      %swap3A_2568 = arith.constant 16 : index
      %swap3A_2569 = tpu.vector_load %arg12[%swap3A_2567, %swap3A_2568] {strides = array<i32>} : memref<48x64xf32, #tpu.memory_space<vmem>>, vector<16xf32>,
      tpu.vector_store %arg12[%swap3A_2567, %swap3A_2568], %mul3A_2565 {strides = array<i32>} : memref<48x64xf32, #tpu.memory_space<vmem>>, vector<16xf32>,
      %slice3A_2570 = vector.extract_strided_slice %get3A_1969 {offsets = [12], sizes = [1], strides = [1]} : vector<16xf32> to vector<1xf32>
      %squeeze3A_2571 = vector.extract %slice3A_2570[0] : f32 from vector<1xf32>
      %get3A_2572 = arith.constant 44 : i32
      %get3A_2573 = arith.index_cast %get3A_2572 : i32 to index
      %get3A_2574 = arith.constant 32 : index
      %get3A_2575 = tpu.vector_load %arg12[%get3A_2573, %get3A_2574] {strides = array<i32>} : memref<48x64xf32, #tpu.memory_space<vmem>>, vector<16xf32>,
      %mul3A_2576 = vector.broadcast %squeeze3A_2571 : f32 to vector<16xf32>
      %mul3A_2577 = arith.mulf %get3A_2575, %mul3A_2576 : vector<16xf32>
      %swap3A_2578 = arith.constant 44 : i32
      %swap3A_2579 = arith.index_cast %swap3A_2578 : i32 to index
      %swap3A_2580 = arith.constant 32 : index
      %swap3A_2581 = tpu.vector_load %arg12[%swap3A_2579, %swap3A_2580] {strides = array<i32>} : memref<48x64xf32, #tpu.memory_space<vmem>>, vector<16xf32>,
      tpu.vector_store %arg12[%swap3A_2579, %swap3A_2580], %mul3A_2577 {strides = array<i32>} : memref<48x64xf32, #tpu.memory_space<vmem>>, vector<16xf32>,
      %slice3A_2582 = vector.extract_strided_slice %get3A_1969 {offsets = [12], sizes = [1], strides = [1]} : vector<16xf32> to vector<1xf32>
      %squeeze3A_2583 = vector.extract %slice3A_2582[0] : f32 from vector<1xf32>
      %get3A_2584 = arith.constant 44 : i32
      %get3A_2585 = arith.index_cast %get3A_2584 : i32 to index
      %get3A_2586 = arith.constant 48 : index
      %get3A_2587 = tpu.vector_load %arg12[%get3A_2585, %get3A_2586] {strides = array<i32>} : memref<48x64xf32, #tpu.memory_space<vmem>>, vector<16xf32>,
      %mul3A_2588 = vector.broadcast %squeeze3A_2583 : f32 to vector<16xf32>
      %mul3A_2589 = arith.mulf %get3A_2587, %mul3A_2588 : vector<16xf32>
      %swap3A_2590 = arith.constant 44 : i32
      %swap3A_2591 = arith.index_cast %swap3A_2590 : i32 to index
      %swap3A_2592 = arith.constant 48 : index
      %swap3A_2593 = tpu.vector_load %arg12[%swap3A_2591, %swap3A_2592] {strides = array<i32>} : memref<48x64xf32, #tpu.memory_space<vmem>>, vector<16xf32>,
      tpu.vector_store %arg12[%swap3A_2591, %swap3A_2592], %mul3A_2589 {strides = array<i32>} : memref<48x64xf32, #tpu.memory_space<vmem>>, vector<16xf32>,
      %slice3A_2594 = vector.extract_strided_slice %get3A_1965 {offsets = [13], sizes = [1], strides = [1]} : vector<16xf32> to vector<1xf32>
      %squeeze3A_2595 = vector.extract %slice3A_2594[0] : f32 from vector<1xf32>
      %get3A_2596 = arith.constant 45 : i32
      %get3A_2597 = arith.index_cast %get3A_2596 : i32 to index
      %get3A_2598 = arith.constant 0 : index
      %get3A_2599 = tpu.vector_load %arg12[%get3A_2597, %get3A_2598] {strides = array<i32>} : memref<48x64xf32, #tpu.memory_space<vmem>>, vector<16xf32>,
      %mul3A_2600 = vector.broadcast %squeeze3A_2595 : f32 to vector<16xf32>
      %mul3A_2601 = arith.mulf %get3A_2599, %mul3A_2600 : vector<16xf32>
      %swap3A_2602 = arith.constant 45 : i32
      %swap3A_2603 = arith.index_cast %swap3A_2602 : i32 to index
      %swap3A_2604 = arith.constant 0 : index
      %swap3A_2605 = tpu.vector_load %arg12[%swap3A_2603, %swap3A_2604] {strides = array<i32>} : memref<48x64xf32, #tpu.memory_space<vmem>>, vector<16xf32>,
      tpu.vector_store %arg12[%swap3A_2603, %swap3A_2604], %mul3A_2601 {strides = array<i32>} : memref<48x64xf32, #tpu.memory_space<vmem>>, vector<16xf32>,
      %slice3A_2606 = vector.extract_strided_slice %get3A_1965 {offsets = [13], sizes = [1], strides = [1]} : vector<16xf32> to vector<1xf32>
      %squeeze3A_2607 = vector.extract %slice3A_2606[0] : f32 from vector<1xf32>
      %get3A_2608 = arith.constant 45 : i32
      %get3A_2609 = arith.index_cast %get3A_2608 : i32 to index
      %get3A_2610 = arith.constant 16 : index
      %get3A_2611 = tpu.vector_load %arg12[%get3A_2609, %get3A_2610] {strides = array<i32>} : memref<48x64xf32, #tpu.memory_space<vmem>>, vector<16xf32>,
      %mul3A_2612 = vector.broadcast %squeeze3A_2607 : f32 to vector<16xf32>
      %mul3A_2613 = arith.mulf %get3A_2611, %mul3A_2612 : vector<16xf32>
      %swap3A_2614 = arith.constant 45 : i32
      %swap3A_2615 = arith.index_cast %swap3A_2614 : i32 to index
      %swap3A_2616 = arith.constant 16 : index
      %swap3A_2617 = tpu.vector_load %arg12[%swap3A_2615, %swap3A_2616] {strides = array<i32>} : memref<48x64xf32, #tpu.memory_space<vmem>>, vector<16xf32>,
      tpu.vector_store %arg12[%swap3A_2615, %swap3A_2616], %mul3A_2613 {strides = array<i32>} : memref<48x64xf32, #tpu.memory_space<vmem>>, vector<16xf32>,
      %slice3A_2618 = vector.extract_strided_slice %get3A_1969 {offsets = [13], sizes = [1], strides = [1]} : vector<16xf32> to vector<1xf32>
      %squeeze3A_2619 = vector.extract %slice3A_2618[0] : f32 from vector<1xf32>
      %get3A_2620 = arith.constant 45 : i32
      %get3A_2621 = arith.index_cast %get3A_2620 : i32 to index
      %get3A_2622 = arith.constant 32 : index
      %get3A_2623 = tpu.vector_load %arg12[%get3A_2621, %get3A_2622] {strides = array<i32>} : memref<48x64xf32, #tpu.memory_space<vmem>>, vector<16xf32>,
      %mul3A_2624 = vector.broadcast %squeeze3A_2619 : f32 to vector<16xf32>
      %mul3A_2625 = arith.mulf %get3A_2623, %mul3A_2624 : vector<16xf32>
      %swap3A_2626 = arith.constant 45 : i32
      %swap3A_2627 = arith.index_cast %swap3A_2626 : i32 to index
      %swap3A_2628 = arith.constant 32 : index
      %swap3A_2629 = tpu.vector_load %arg12[%swap3A_2627, %swap3A_2628] {strides = array<i32>} : memref<48x64xf32, #tpu.memory_space<vmem>>, vector<16xf32>,
      tpu.vector_store %arg12[%swap3A_2627, %swap3A_2628], %mul3A_2625 {strides = array<i32>} : memref<48x64xf32, #tpu.memory_space<vmem>>, vector<16xf32>,
      %slice3A_2630 = vector.extract_strided_slice %get3A_1969 {offsets = [13], sizes = [1], strides = [1]} : vector<16xf32> to vector<1xf32>
      %squeeze3A_2631 = vector.extract %slice3A_2630[0] : f32 from vector<1xf32>
      %get3A_2632 = arith.constant 45 : i32
      %get3A_2633 = arith.index_cast %get3A_2632 : i32 to index
      %get3A_2634 = arith.constant 48 : index
      %get3A_2635 = tpu.vector_load %arg12[%get3A_2633, %get3A_2634] {strides = array<i32>} : memref<48x64xf32, #tpu.memory_space<vmem>>, vector<16xf32>,
      %mul3A_2636 = vector.broadcast %squeeze3A_2631 : f32 to vector<16xf32>
      %mul3A_2637 = arith.mulf %get3A_2635, %mul3A_2636 : vector<16xf32>
      %swap3A_2638 = arith.constant 45 : i32
      %swap3A_2639 = arith.index_cast %swap3A_2638 : i32 to index
      %swap3A_2640 = arith.constant 48 : index
      %swap3A_2641 = tpu.vector_load %arg12[%swap3A_2639, %swap3A_2640] {strides = array<i32>} : memref<48x64xf32, #tpu.memory_space<vmem>>, vector<16xf32>,
      tpu.vector_store %arg12[%swap3A_2639, %swap3A_2640], %mul3A_2637 {strides = array<i32>} : memref<48x64xf32, #tpu.memory_space<vmem>>, vector<16xf32>,
      %slice3A_2642 = vector.extract_strided_slice %get3A_1965 {offsets = [14], sizes = [1], strides = [1]} : vector<16xf32> to vector<1xf32>
      %squeeze3A_2643 = vector.extract %slice3A_2642[0] : f32 from vector<1xf32>
      %get3A_2644 = arith.constant 46 : i32
      %get3A_2645 = arith.index_cast %get3A_2644 : i32 to index
      %get3A_2646 = arith.constant 0 : index
      %get3A_2647 = tpu.vector_load %arg12[%get3A_2645, %get3A_2646] {strides = array<i32>} : memref<48x64xf32, #tpu.memory_space<vmem>>, vector<16xf32>,
      %mul3A_2648 = vector.broadcast %squeeze3A_2643 : f32 to vector<16xf32>
      %mul3A_2649 = arith.mulf %get3A_2647, %mul3A_2648 : vector<16xf32>
      %swap3A_2650 = arith.constant 46 : i32
      %swap3A_2651 = arith.index_cast %swap3A_2650 : i32 to index
      %swap3A_2652 = arith.constant 0 : index
      %swap3A_2653 = tpu.vector_load %arg12[%swap3A_2651, %swap3A_2652] {strides = array<i32>} : memref<48x64xf32, #tpu.memory_space<vmem>>, vector<16xf32>,
      tpu.vector_store %arg12[%swap3A_2651, %swap3A_2652], %mul3A_2649 {strides = array<i32>} : memref<48x64xf32, #tpu.memory_space<vmem>>, vector<16xf32>,
      %slice3A_2654 = vector.extract_strided_slice %get3A_1965 {offsets = [14], sizes = [1], strides = [1]} : vector<16xf32> to vector<1xf32>
      %squeeze3A_2655 = vector.extract %slice3A_2654[0] : f32 from vector<1xf32>
      %get3A_2656 = arith.constant 46 : i32
      %get3A_2657 = arith.index_cast %get3A_2656 : i32 to index
      %get3A_2658 = arith.constant 16 : index
      %get3A_2659 = tpu.vector_load %arg12[%get3A_2657, %get3A_2658] {strides = array<i32>} : memref<48x64xf32, #tpu.memory_space<vmem>>, vector<16xf32>,
      %mul3A_2660 = vector.broadcast %squeeze3A_2655 : f32 to vector<16xf32>
      %mul3A_2661 = arith.mulf %get3A_2659, %mul3A_2660 : vector<16xf32>
      %swap3A_2662 = arith.constant 46 : i32
      %swap3A_2663 = arith.index_cast %swap3A_2662 : i32 to index
      %swap3A_2664 = arith.constant 16 : index
      %swap3A_2665 = tpu.vector_load %arg12[%swap3A_2663, %swap3A_2664] {strides = array<i32>} : memref<48x64xf32, #tpu.memory_space<vmem>>, vector<16xf32>,
      tpu.vector_store %arg12[%swap3A_2663, %swap3A_2664], %mul3A_2661 {strides = array<i32>} : memref<48x64xf32, #tpu.memory_space<vmem>>, vector<16xf32>,
      %slice3A_2666 = vector.extract_strided_slice %get3A_1969 {offsets = [14], sizes = [1], strides = [1]} : vector<16xf32> to vector<1xf32>
      %squeeze3A_2667 = vector.extract %slice3A_2666[0] : f32 from vector<1xf32>
      %get3A_2668 = arith.constant 46 : i32
      %get3A_2669 = arith.index_cast %get3A_2668 : i32 to index
      %get3A_2670 = arith.constant 32 : index
      %get3A_2671 = tpu.vector_load %arg12[%get3A_2669, %get3A_2670] {strides = array<i32>} : memref<48x64xf32, #tpu.memory_space<vmem>>, vector<16xf32>,
      %mul3A_2672 = vector.broadcast %squeeze3A_2667 : f32 to vector<16xf32>
      %mul3A_2673 = arith.mulf %get3A_2671, %mul3A_2672 : vector<16xf32>
      %swap3A_2674 = arith.constant 46 : i32
      %swap3A_2675 = arith.index_cast %swap3A_2674 : i32 to index
      %swap3A_2676 = arith.constant 32 : index
      %swap3A_2677 = tpu.vector_load %arg12[%swap3A_2675, %swap3A_2676] {strides = array<i32>} : memref<48x64xf32, #tpu.memory_space<vmem>>, vector<16xf32>,
      tpu.vector_store %arg12[%swap3A_2675, %swap3A_2676], %mul3A_2673 {strides = array<i32>} : memref<48x64xf32, #tpu.memory_space<vmem>>, vector<16xf32>,
      %slice3A_2678 = vector.extract_strided_slice %get3A_1969 {offsets = [14], sizes = [1], strides = [1]} : vector<16xf32> to vector<1xf32>
      %squeeze3A_2679 = vector.extract %slice3A_2678[0] : f32 from vector<1xf32>
      %get3A_2680 = arith.constant 46 : i32
      %get3A_2681 = arith.index_cast %get3A_2680 : i32 to index
      %get3A_2682 = arith.constant 48 : index
      %get3A_2683 = tpu.vector_load %arg12[%get3A_2681, %get3A_2682] {strides = array<i32>} : memref<48x64xf32, #tpu.memory_space<vmem>>, vector<16xf32>,
      %mul3A_2684 = vector.broadcast %squeeze3A_2679 : f32 to vector<16xf32>
      %mul3A_2685 = arith.mulf %get3A_2683, %mul3A_2684 : vector<16xf32>
      %swap3A_2686 = arith.constant 46 : i32
      %swap3A_2687 = arith.index_cast %swap3A_2686 : i32 to index
      %swap3A_2688 = arith.constant 48 : index
      %swap3A_2689 = tpu.vector_load %arg12[%swap3A_2687, %swap3A_2688] {strides = array<i32>} : memref<48x64xf32, #tpu.memory_space<vmem>>, vector<16xf32>,
      tpu.vector_store %arg12[%swap3A_2687, %swap3A_2688], %mul3A_2685 {strides = array<i32>} : memref<48x64xf32, #tpu.memory_space<vmem>>, vector<16xf32>,
      %slice3A_2690 = vector.extract_strided_slice %get3A_1965 {offsets = [15], sizes = [1], strides = [1]} : vector<16xf32> to vector<1xf32>
      %squeeze3A_2691 = vector.extract %slice3A_2690[0] : f32 from vector<1xf32>
      %get3A_2692 = arith.constant 47 : i32
      %get3A_2693 = arith.index_cast %get3A_2692 : i32 to index
      %get3A_2694 = arith.constant 0 : index
      %get3A_2695 = tpu.vector_load %arg12[%get3A_2693, %get3A_2694] {strides = array<i32>} : memref<48x64xf32, #tpu.memory_space<vmem>>, vector<16xf32>,
      %mul3A_2696 = vector.broadcast %squeeze3A_2691 : f32 to vector<16xf32>
      %mul3A_2697 = arith.mulf %get3A_2695, %mul3A_2696 : vector<16xf32>
      %swap3A_2698 = arith.constant 47 : i32
      %swap3A_2699 = arith.index_cast %swap3A_2698 : i32 to index
      %swap3A_2700 = arith.constant 0 : index
      %swap3A_2701 = tpu.vector_load %arg12[%swap3A_2699, %swap3A_2700] {strides = array<i32>} : memref<48x64xf32, #tpu.memory_space<vmem>>, vector<16xf32>,
      tpu.vector_store %arg12[%swap3A_2699, %swap3A_2700], %mul3A_2697 {strides = array<i32>} : memref<48x64xf32, #tpu.memory_space<vmem>>, vector<16xf32>,
      %slice3A_2702 = vector.extract_strided_slice %get3A_1965 {offsets = [15], sizes = [1], strides = [1]} : vector<16xf32> to vector<1xf32>
      %squeeze3A_2703 = vector.extract %slice3A_2702[0] : f32 from vector<1xf32>
      %get3A_2704 = arith.constant 47 : i32
      %get3A_2705 = arith.index_cast %get3A_2704 : i32 to index
      %get3A_2706 = arith.constant 16 : index
      %get3A_2707 = tpu.vector_load %arg12[%get3A_2705, %get3A_2706] {strides = array<i32>} : memref<48x64xf32, #tpu.memory_space<vmem>>, vector<16xf32>,
      %mul3A_2708 = vector.broadcast %squeeze3A_2703 : f32 to vector<16xf32>
      %mul3A_2709 = arith.mulf %get3A_2707, %mul3A_2708 : vector<16xf32>
      %swap3A_2710 = arith.constant 47 : i32
      %swap3A_2711 = arith.index_cast %swap3A_2710 : i32 to index
      %swap3A_2712 = arith.constant 16 : index
      %swap3A_2713 = tpu.vector_load %arg12[%swap3A_2711, %swap3A_2712] {strides = array<i32>} : memref<48x64xf32, #tpu.memory_space<vmem>>, vector<16xf32>,
      tpu.vector_store %arg12[%swap3A_2711, %swap3A_2712], %mul3A_2709 {strides = array<i32>} : memref<48x64xf32, #tpu.memory_space<vmem>>, vector<16xf32>,
      %slice3A_2714 = vector.extract_strided_slice %get3A_1969 {offsets = [15], sizes = [1], strides = [1]} : vector<16xf32> to vector<1xf32>
      %squeeze3A_2715 = vector.extract %slice3A_2714[0] : f32 from vector<1xf32>
      %get3A_2716 = arith.constant 47 : i32
      %get3A_2717 = arith.index_cast %get3A_2716 : i32 to index
      %get3A_2718 = arith.constant 32 : index
      %get3A_2719 = tpu.vector_load %arg12[%get3A_2717, %get3A_2718] {strides = array<i32>} : memref<48x64xf32, #tpu.memory_space<vmem>>, vector<16xf32>,
      %mul3A_2720 = vector.broadcast %squeeze3A_2715 : f32 to vector<16xf32>
      %mul3A_2721 = arith.mulf %get3A_2719, %mul3A_2720 : vector<16xf32>
      %swap3A_2722 = arith.constant 47 : i32
      %swap3A_2723 = arith.index_cast %swap3A_2722 : i32 to index
      %swap3A_2724 = arith.constant 32 : index
      %swap3A_2725 = tpu.vector_load %arg12[%swap3A_2723, %swap3A_2724] {strides = array<i32>} : memref<48x64xf32, #tpu.memory_space<vmem>>, vector<16xf32>,
      tpu.vector_store %arg12[%swap3A_2723, %swap3A_2724], %mul3A_2721 {strides = array<i32>} : memref<48x64xf32, #tpu.memory_space<vmem>>, vector<16xf32>,
      %slice3A_2726 = vector.extract_strided_slice %get3A_1969 {offsets = [15], sizes = [1], strides = [1]} : vector<16xf32> to vector<1xf32>
      %squeeze3A_2727 = vector.extract %slice3A_2726[0] : f32 from vector<1xf32>
      %get3A_2728 = arith.constant 47 : i32
      %get3A_2729 = arith.index_cast %get3A_2728 : i32 to index
      %get3A_2730 = arith.constant 48 : index
      %get3A_2731 = tpu.vector_load %arg12[%get3A_2729, %get3A_2730] {strides = array<i32>} : memref<48x64xf32, #tpu.memory_space<vmem>>, vector<16xf32>,
      %mul3A_2732 = vector.broadcast %squeeze3A_2727 : f32 to vector<16xf32>
      %mul3A_2733 = arith.mulf %get3A_2731, %mul3A_2732 : vector<16xf32>
      %swap3A_2734 = arith.constant 47 : i32
      %swap3A_2735 = arith.index_cast %swap3A_2734 : i32 to index
      %swap3A_2736 = arith.constant 48 : index
      %swap3A_2737 = tpu.vector_load %arg12[%swap3A_2735, %swap3A_2736] {strides = array<i32>} : memref<48x64xf32, #tpu.memory_space<vmem>>, vector<16xf32>,
      tpu.vector_store %arg12[%swap3A_2735, %swap3A_2736], %mul3A_2733 {strides = array<i32>} : memref<48x64xf32, #tpu.memory_space<vmem>>, vector<16xf32>,
      "tpu.region"() ({
        %run_scoped3A = tpu.sem_alloc : memref<!tpu.dma_semaphore, #tpu.memory_space<semaphore_mem>>
        %dma_start3A = arith.constant 0 : i32
        %dma_start3A_2739 = tpu.memref_slice %arg11[%scan3A_247, %dma_start3A] : memref<432x48xi32, #tpu.memory_space<vmem>> -> memref<1x48xi32, #tpu.memory_space<vmem>>
        %dma_start3A_2740 = tpu.memref_squeeze %dma_start3A_2739 : memref<1x48xi32, #tpu.memory_space<vmem>> -> memref<48xi32, #tpu.memory_space<vmem>>
        %dma_start3A_2741 = arith.constant 0 : i32
        %dma_start3A_2742 = arith.constant 0 : i32
        %dma_start3A_2743 = tpu.memref_slice %arg15[%dma_start3A_2741, %dma_start3A_2742] : memref<10016x64xf32, #tpu.memory_space<vmem_shared>> -> memref<10016x64xf32, #tpu.memory_space<vmem_shared>>
        tpu.enqueue_indirect_dma source(%arg12 : memref<48x64xf32, #tpu.memory_space<vmem>>) target(%dma_start3A_2743 : memref<10016x64xf32, #tpu.memory_space<vmem_shared>>) offsets(%dma_start3A_2740 : memref<48xi32, #tpu.memory_space<vmem>>) semaphore(%run_scoped3A : memref<!tpu.dma_semaphore, #tpu.memory_space<semaphore_mem>>) {add = true}
        %dma_wait3A_2744 = arith.constant 0 : i32
        %dma_wait3A_2745 = tpu.memref_slice %arg11[%scan3A_247, %dma_wait3A_2744] : memref<432x48xi32, #tpu.memory_space<vmem>> -> memref<1x48xi32, #tpu.memory_space<vmem>>
        %dma_wait3A_2746 = tpu.memref_squeeze %dma_wait3A_2745 : memref<1x48xi32, #tpu.memory_space<vmem>> -> memref<48xi32, #tpu.memory_space<vmem>>
        %dma_wait3A_2747 = arith.constant 0 : i32
        %dma_wait3A_2748 = arith.constant 0 : i32
        %dma_wait3A_2749 = tpu.memref_slice %arg15[%dma_wait3A_2747, %dma_wait3A_2748] : memref<10016x64xf32, #tpu.memory_space<vmem_shared>> -> memref<10016x64xf32, #tpu.memory_space<vmem_shared>>
        tpu.wait_indirect_dma semaphore(%run_scoped3A : memref<!tpu.dma_semaphore, #tpu.memory_space<semaphore_mem>>) src(%arg12 : memref<48x64xf32, #tpu.memory_space<vmem>>) dst(%dma_wait3A_2749 : memref<10016x64xf32, #tpu.memory_space<vmem_shared>>)
        tpu.yield
      }) : () -> ()
      "tpu.region"() ({
        %run_scoped3A = tpu.sem_alloc : memref<!tpu.dma_semaphore, #tpu.memory_space<semaphore_mem>>
        %dma_start3A = arith.constant 0 : i32
        %dma_start3A_2739 = tpu.memref_slice %arg11[%scan3A_247, %dma_start3A] : memref<432x48xi32, #tpu.memory_space<vmem>> -> memref<1x48xi32, #tpu.memory_space<vmem>>
        %dma_start3A_2740 = tpu.memref_squeeze %dma_start3A_2739 : memref<1x48xi32, #tpu.memory_space<vmem>> -> memref<48xi32, #tpu.memory_space<vmem>>
        %dma_start3A_2741 = arith.constant 0 : i32
        %dma_start3A_2742 = arith.constant 0 : i32
        %dma_start3A_2743 = tpu.memref_slice %arg16[%dma_start3A_2741, %dma_start3A_2742] : memref<10016x8xf32, #tpu.memory_space<vmem_shared>> -> memref<10016x8xf32, #tpu.memory_space<vmem_shared>>
        tpu.enqueue_indirect_dma source(%arg14 : memref<48x8xf32, #tpu.memory_space<vmem>>) target(%dma_start3A_2743 : memref<10016x8xf32, #tpu.memory_space<vmem_shared>>) offsets(%dma_start3A_2740 : memref<48xi32, #tpu.memory_space<vmem>>) semaphore(%run_scoped3A : memref<!tpu.dma_semaphore, #tpu.memory_space<semaphore_mem>>) {add = true}
        %dma_wait3A_2744 = arith.constant 0 : i32
        %dma_wait3A_2745 = tpu.memref_slice %arg11[%scan3A_247, %dma_wait3A_2744] : memref<432x48xi32, #tpu.memory_space<vmem>> -> memref<1x48xi32, #tpu.memory_space<vmem>>
        %dma_wait3A_2746 = tpu.memref_squeeze %dma_wait3A_2745 : memref<1x48xi32, #tpu.memory_space<vmem>> -> memref<48xi32, #tpu.memory_space<vmem>>
        %dma_wait3A_2747 = arith.constant 0 : i32
        %dma_wait3A_2748 = arith.constant 0 : i32
        %dma_wait3A_2749 = tpu.memref_slice %arg16[%dma_wait3A_2747, %dma_wait3A_2748] : memref<10016x8xf32, #tpu.memory_space<vmem_shared>> -> memref<10016x8xf32, #tpu.memory_space<vmem_shared>>
        tpu.wait_indirect_dma semaphore(%run_scoped3A : memref<!tpu.dma_semaphore, #tpu.memory_space<semaphore_mem>>) src(%arg14 : memref<48x8xf32, #tpu.memory_space<vmem>>) dst(%dma_wait3A_2749 : memref<10016x8xf32, #tpu.memory_space<vmem_shared>>)
        tpu.yield
      }) : () -> ()
      %scan3A_2738 = arith.constant 0 : i32
      scf.yield %scan3A_2738 : i32
    }
    %scan3A_243 = arith.constant 432 : i32
    %barrier3A_244 = arith.constant 0 : index
    tpu.barrier barrier_id(%barrier3A_244)
    %mul3A_245 = arith.constant 626 : i32
    %mul3A_246 = arith.muli %arg1, %mul3A_245 : i32
    "tpu.region"() ({
      %run_scoped3A = tpu.sem_alloc : memref<!tpu.dma_semaphore, #tpu.memory_space<semaphore_mem>>
      %dma_start3A = arith.constant 0 : i32
      %dma_start3A_247 = tpu.memref_slice %arg7[%arg0, %mul3A_246, %dma_start3A] : memref<2x10016x64xf32, #tpu.memory_space<hbm>> -> memref<1x626x64xf32, #tpu.memory_space<hbm>>
      %dma_start3A_248 = tpu.memref_squeeze %dma_start3A_247 : memref<1x626x64xf32, #tpu.memory_space<hbm>> -> memref<626x64xf32, #tpu.memory_space<hbm>>
      %dma_start3A_249 = arith.constant 0 : i32
      %dma_start3A_250 = tpu.memref_slice %arg15[%mul3A_246, %dma_start3A_249] : memref<10016x64xf32, #tpu.memory_space<vmem_shared>> -> memref<626x64xf32, #tpu.memory_space<vmem_shared>>
      tpu.enqueue_dma source(%dma_start3A_250 : memref<626x64xf32, #tpu.memory_space<vmem_shared>>) target(%dma_start3A_248 : memref<626x64xf32, #tpu.memory_space<hbm>>) target_semaphore(%run_scoped3A : memref<!tpu.dma_semaphore, #tpu.memory_space<semaphore_mem>>)
      %dma_wait3A = arith.constant 0 : i32
      %dma_wait3A_251 = tpu.memref_slice %arg7[%arg0, %mul3A_246, %dma_wait3A] : memref<2x10016x64xf32, #tpu.memory_space<hbm>> -> memref<1x626x64xf32, #tpu.memory_space<hbm>>
      %dma_wait3A_252 = tpu.memref_squeeze %dma_wait3A_251 : memref<1x626x64xf32, #tpu.memory_space<hbm>> -> memref<626x64xf32, #tpu.memory_space<hbm>>
      %dma_wait3A_253 = arith.constant 0 : i32
      %dma_wait3A_254 = tpu.memref_slice %arg15[%mul3A_246, %dma_wait3A_253] : memref<10016x64xf32, #tpu.memory_space<vmem_shared>> -> memref<626x64xf32, #tpu.memory_space<vmem_shared>>
      tpu.wait_dma2 semaphore(%run_scoped3A : memref<!tpu.dma_semaphore, #tpu.memory_space<semaphore_mem>>) src(%dma_wait3A_254 : memref<626x64xf32, #tpu.memory_space<vmem_shared>>) dst(%dma_wait3A_252 : memref<626x64xf32, #tpu.memory_space<hbm>>)
      tpu.yield
    }) : () -> ()
    "tpu.region"() ({
      %run_scoped3A = tpu.sem_alloc : memref<!tpu.dma_semaphore, #tpu.memory_space<semaphore_mem>>
      %dma_start3A = arith.constant 0 : i32
      %dma_start3A_247 = tpu.memref_slice %arg8[%arg0, %mul3A_246, %dma_start3A] : memref<2x10016x8xf32, #tpu.memory_space<hbm>> -> memref<1x626x8xf32, #tpu.memory_space<hbm>>
      %dma_start3A_248 = tpu.memref_squeeze %dma_start3A_247 : memref<1x626x8xf32, #tpu.memory_space<hbm>> -> memref<626x8xf32, #tpu.memory_space<hbm>>
      %dma_start3A_249 = arith.constant 0 : i32
      %dma_start3A_250 = tpu.memref_slice %arg16[%mul3A_246, %dma_start3A_249] : memref<10016x8xf32, #tpu.memory_space<vmem_shared>> -> memref<626x8xf32, #tpu.memory_space<vmem_shared>>
      tpu.enqueue_dma source(%dma_start3A_250 : memref<626x8xf32, #tpu.memory_space<vmem_shared>>) target(%dma_start3A_248 : memref<626x8xf32, #tpu.memory_space<hbm>>) target_semaphore(%run_scoped3A : memref<!tpu.dma_semaphore, #tpu.memory_space<semaphore_mem>>)
      %dma_wait3A = arith.constant 0 : i32
      %dma_wait3A_251 = tpu.memref_slice %arg8[%arg0, %mul3A_246, %dma_wait3A] : memref<2x10016x8xf32, #tpu.memory_space<hbm>> -> memref<1x626x8xf32, #tpu.memory_space<hbm>>
      %dma_wait3A_252 = tpu.memref_squeeze %dma_wait3A_251 : memref<1x626x8xf32, #tpu.memory_space<hbm>> -> memref<626x8xf32, #tpu.memory_space<hbm>>
      %dma_wait3A_253 = arith.constant 0 : i32
      %dma_wait3A_254 = tpu.memref_slice %arg16[%mul3A_246, %dma_wait3A_253] : memref<10016x8xf32, #tpu.memory_space<vmem_shared>> -> memref<626x8xf32, #tpu.memory_space<vmem_shared>>
      tpu.wait_dma2 semaphore(%run_scoped3A : memref<!tpu.dma_semaphore, #tpu.memory_space<semaphore_mem>>) src(%dma_wait3A_254 : memref<626x8xf32, #tpu.memory_space<vmem_shared>>) dst(%dma_wait3A_252 : memref<626x8xf32, #tpu.memory_space<hbm>>)
      tpu.yield
    }) : () -> ()
    return
  }
}

module attributes {stable_mosaic.version = 14 : i64} {
  func.func @_proj_body(%arg0: i32, %arg1: memref<10000x128xf32, #tpu.memory_space<vmem>>, %arg2: memref<128x128xf32, #tpu.memory_space<vmem>>, %arg3: memref<128x8xf32, #tpu.memory_space<vmem>>, %arg4: memref<10016x64xf32, #tpu.memory_space<vmem>>, %arg5: memref<10016x64xf32, #tpu.memory_space<vmem>>, %arg6: memref<8x10016xf32, #tpu.memory_space<vmem>>) attributes {dimension_semantics = [#tpu.dimension_semantics<arbitrary>], iteration_bounds = array<i64: 1>, scalar_prefetch = 0 : i64, scratch_operands = 0 : i64, tpu.core_type = #tpu.core_type<tc>, window_params = [{pipeline_mode = #tpu.pipeline_mode<synchronous>, transform_indices = @transform_0, window_bounds = array<i64: 10000, 128>}, {pipeline_mode = #tpu.pipeline_mode<synchronous>, transform_indices = @transform_1, window_bounds = array<i64: 128, 128>}, {pipeline_mode = #tpu.pipeline_mode<synchronous>, transform_indices = @transform_2, window_bounds = array<i64: 128, 8>}, {transform_indices = @transform_3, window_bounds = array<i64: 10016, 64>}, {transform_indices = @transform_4, window_bounds = array<i64: 10016, 64>}, {transform_indices = @transform_5, window_bounds = array<i64: 8, 10016>}]} {
    %get3A = arith.constant 0 : index
    %get3A_0 = arith.constant 0 : index
    %get3A_1 = vector.load %arg1[%get3A, %get3A_0] : memref<10000x128xf32, #tpu.memory_space<vmem>>, vector<10000x128xf32>
    %gt3A = arith.constant 0.000000e+00 : f32
    %gt3A_2 = vector.broadcast %gt3A : f32 to vector<10000x128xf32>
    %gt3A_3 = arith.cmpf ogt, %get3A_1, %gt3A_2 : vector<10000x128xf32>
    %exp3A = math.exp %get3A_1 : vector<10000x128xf32>
    %sub3A = arith.constant 1.000000e+00 : f32
    %sub3A_4 = vector.broadcast %sub3A : f32 to vector<10000x128xf32>
    %sub3A_5 = arith.subf %exp3A, %sub3A_4 : vector<10000x128xf32>
    %select_n3A = arith.select %gt3A_3, %get3A_1, %sub3A_5 : vector<10000x128xi1>, vector<10000x128xf32>
    %broadcast_in_dim3A = arith.constant 0.000000e+00 : f32
    %broadcast_in_dim3A_6 = vector.broadcast %broadcast_in_dim3A : f32 to vector<16x128xf32>
    %concatenate3A = tpu.concatenate %select_n3A, %broadcast_in_dim3A_6 in 0 : vector<10000x128xf32>, vector<16x128xf32> -> vector<10016x128xf32>
    %get3A_7 = arith.constant 0 : index
    %get3A_8 = arith.constant 0 : index
    %get3A_9 = vector.load %arg2[%get3A_7, %get3A_8] : memref<128x128xf32, #tpu.memory_space<vmem>>, vector<128x128xf32>
    %slice3A = vector.extract_strided_slice %get3A_9 {offsets = [0, 0], sizes = [128, 64], strides = [1, 1]} : vector<128x128xf32> to vector<128x64xf32>
    %dot_general3A = arith.constant dense<0.000000e+00> : vector<10016x64xf32>
    %dot_general3A_10 = tpu.matmul %concatenate3A, %slice3A, %dot_general3A {dimension_numbers = #tpu.dot_dimension_numbers<[1], [0], [0], [1], [0, 0, 1, 1], [], []>, transpose_lhs_hint = false} : vector<10016x128xf32>, vector<128x64xf32>, vector<10016x64xf32> -> vector<10016x64xf32>
    %swap3A = arith.constant 0 : index
    %swap3A_11 = arith.constant 0 : index
    %swap3A_12 = vector.load %arg4[%swap3A, %swap3A_11] : memref<10016x64xf32, #tpu.memory_space<vmem>>, vector<10016x64xf32>
    tpu.vector_store %arg4[%swap3A, %swap3A_11], %dot_general3A_10 {strides = array<i32>} : memref<10016x64xf32, #tpu.memory_space<vmem>>, vector<10016x64xf32>,
    %slice3A_13 = vector.extract_strided_slice %get3A_9 {offsets = [0, 64], sizes = [128, 64], strides = [1, 1]} : vector<128x128xf32> to vector<128x64xf32>
    %dot_general3A_14 = arith.constant dense<0.000000e+00> : vector<10016x64xf32>
    %dot_general3A_15 = tpu.matmul %concatenate3A, %slice3A_13, %dot_general3A_14 {dimension_numbers = #tpu.dot_dimension_numbers<[1], [0], [0], [1], [0, 0, 1, 1], [], []>, transpose_lhs_hint = false} : vector<10016x128xf32>, vector<128x64xf32>, vector<10016x64xf32> -> vector<10016x64xf32>
    %swap3A_16 = arith.constant 0 : index
    %swap3A_17 = arith.constant 0 : index
    %swap3A_18 = vector.load %arg5[%swap3A_16, %swap3A_17] : memref<10016x64xf32, #tpu.memory_space<vmem>>, vector<10016x64xf32>
    tpu.vector_store %arg5[%swap3A_16, %swap3A_17], %dot_general3A_15 {strides = array<i32>} : memref<10016x64xf32, #tpu.memory_space<vmem>>, vector<10016x64xf32>,
    %get3A_19 = arith.constant 0 : index
    %get3A_20 = arith.constant 0 : index
    %get3A_21 = vector.load %arg3[%get3A_19, %get3A_20] : memref<128x8xf32, #tpu.memory_space<vmem>>, vector<128x8xf32>
    %dot_general3A_22 = arith.constant dense<0.000000e+00> : vector<8x10016xf32>
    %dot_general3A_23 = tpu.matmul %get3A_21, %concatenate3A, %dot_general3A_22 {dimension_numbers = #tpu.dot_dimension_numbers<[0], [1], [1], [0], [0, 1, 1, 0], [], []>, transpose_lhs_hint = false} : vector<128x8xf32>, vector<10016x128xf32>, vector<8x10016xf32> -> vector<8x10016xf32>
    %swap3A_24 = arith.constant 0 : index
    %swap3A_25 = arith.constant 0 : index
    %swap3A_26 = vector.load %arg6[%swap3A_24, %swap3A_25] : memref<8x10016xf32, #tpu.memory_space<vmem>>, vector<8x10016xf32>
    tpu.vector_store %arg6[%swap3A_24, %swap3A_25], %dot_general3A_23 {strides = array<i32>} : memref<8x10016xf32, #tpu.memory_space<vmem>>, vector<8x10016xf32>,
    return
  }
  func.func @transform_0(%arg0: i32) -> (i32, i32) {
    %c0_i32 = arith.constant 0 : i32
    %c0_i32_0 = arith.constant 0 : i32
    %c0_i32_1 = arith.constant 0 : i32
    return %c0_i32, %c0_i32_0 : i32, i32
  }
  func.func @transform_1(%arg0: i32) -> (i32, i32) {
    %c0_i32 = arith.constant 0 : i32
    %c0_i32_0 = arith.constant 0 : i32
    %c0_i32_1 = arith.constant 0 : i32
    return %c0_i32, %c0_i32_0 : i32, i32
  }
  func.func @transform_2(%arg0: i32) -> (i32, i32) {
    %c0_i32 = arith.constant 0 : i32
    %c0_i32_0 = arith.constant 0 : i32
    %c0_i32_1 = arith.constant 0 : i32
    return %c0_i32, %c0_i32_0 : i32, i32
  }
  func.func @transform_3(%arg0: i32) -> (i32, i32) {
    %c0_i32 = arith.constant 0 : i32
    %c0_i32_0 = arith.constant 0 : i32
    return %arg0, %c0_i32 : i32, i32
  }
  func.func @transform_4(%arg0: i32) -> (i32, i32) {
    %c0_i32 = arith.constant 0 : i32
    %c0_i32_0 = arith.constant 0 : i32
    return %arg0, %c0_i32 : i32, i32
  }
  func.func @transform_5(%arg0: i32) -> (i32, i32) {
    %c0_i32 = arith.constant 0 : i32
    %c0_i32_0 = arith.constant 0 : i32
    return %c0_i32, %arg0 : i32, i32
  }
}

module attributes {stable_mosaic.version = 14 : i64} {
  func.func @_fin_body(%arg0: i32, %arg1: memref<2x10016x64xf32, #tpu.memory_space<vmem>>, %arg2: memref<2x10016x8xf32, #tpu.memory_space<vmem>>, %arg3: memref<16x128xf32, #tpu.memory_space<vmem>>, %arg4: memref<1x128xf32, #tpu.memory_space<vmem>>, %arg5: memref<10000x128xf32, #tpu.memory_space<vmem>>) attributes {dimension_semantics = [#tpu.dimension_semantics<arbitrary>], iteration_bounds = array<i64: 1>, scalar_prefetch = 0 : i64, scratch_operands = 0 : i64, tpu.core_type = #tpu.core_type<tc>, window_params = [{pipeline_mode = #tpu.pipeline_mode<synchronous>, transform_indices = @transform_0, window_bounds = array<i64: 2, 10016, 64>}, {pipeline_mode = #tpu.pipeline_mode<synchronous>, transform_indices = @transform_1, window_bounds = array<i64: 2, 10016, 8>}, {pipeline_mode = #tpu.pipeline_mode<synchronous>, transform_indices = @transform_2, window_bounds = array<i64: 16, 128>}, {pipeline_mode = #tpu.pipeline_mode<synchronous>, transform_indices = @transform_3, window_bounds = array<i64: 1, 128>}, {pipeline_mode = #tpu.pipeline_mode<synchronous>, transform_indices = @transform_4, window_bounds = array<i64: 10000, 128>}]} {
    %get3A = arith.constant 0 : index
    %get3A_0 = arith.constant 0 : index
    %get3A_1 = arith.constant 0 : index
    %get3A_2 = vector.load %arg1[%get3A, %get3A_0, %get3A_1] : memref<2x10016x64xf32, #tpu.memory_space<vmem>>, vector<1x10000x64xf32>
    %get3A_3 = vector.shape_cast %get3A_2 : vector<1x10000x64xf32> to vector<10000x64xf32>
    %get3A_4 = arith.constant 1 : index
    %get3A_5 = arith.constant 0 : index
    %get3A_6 = arith.constant 0 : index
    %get3A_7 = vector.load %arg1[%get3A_4, %get3A_5, %get3A_6] : memref<2x10016x64xf32, #tpu.memory_space<vmem>>, vector<1x10000x64xf32>
    %get3A_8 = vector.shape_cast %get3A_7 : vector<1x10000x64xf32> to vector<10000x64xf32>
    %concatenate3A = tpu.concatenate %get3A_3, %get3A_8 in 1 : vector<10000x64xf32>, vector<10000x64xf32> -> vector<10000x128xf32>
    %get3A_9 = arith.constant 0 : index
    %get3A_10 = arith.constant 0 : index
    %get3A_11 = arith.constant 0 : index
    %get3A_12 = vector.load %arg2[%get3A_9, %get3A_10, %get3A_11] : memref<2x10016x8xf32, #tpu.memory_space<vmem>>, vector<1x10000x8xf32>
    %get3A_13 = vector.shape_cast %get3A_12 : vector<1x10000x8xf32> to vector<10000x8xf32>
    %get3A_14 = arith.constant 1 : index
    %get3A_15 = arith.constant 0 : index
    %get3A_16 = arith.constant 0 : index
    %get3A_17 = vector.load %arg2[%get3A_14, %get3A_15, %get3A_16] : memref<2x10016x8xf32, #tpu.memory_space<vmem>>, vector<1x10000x8xf32>
    %get3A_18 = vector.shape_cast %get3A_17 : vector<1x10000x8xf32> to vector<10000x8xf32>
    %concatenate3A_19 = tpu.concatenate %get3A_13, %get3A_18 in 1 : vector<10000x8xf32>, vector<10000x8xf32> -> vector<10000x16xf32>
    %get3A_20 = arith.constant 0 : index
    %get3A_21 = arith.constant 0 : index
    %get3A_22 = vector.load %arg3[%get3A_20, %get3A_21] : memref<16x128xf32, #tpu.memory_space<vmem>>, vector<16x128xf32>
    %dot_general3A = arith.constant dense<0.000000e+00> : vector<10000x128xf32>
    %dot_general3A_23 = tpu.matmul %concatenate3A_19, %get3A_22, %dot_general3A {dimension_numbers = #tpu.dot_dimension_numbers<[1], [0], [0], [1], [0, 0, 1, 1], [], []>, transpose_lhs_hint = false} : vector<10000x16xf32>, vector<16x128xf32>, vector<10000x128xf32> -> vector<10000x128xf32>
    %div3A = arith.divf %concatenate3A, %dot_general3A_23 : vector<10000x128xf32>
    %get3A_24 = arith.constant 0 : index
    %get3A_25 = arith.constant 0 : index
    %get3A_26 = vector.load %arg4[%get3A_24, %get3A_25] : memref<1x128xf32, #tpu.memory_space<vmem>>, vector<1x128xf32>
    %add3A = vector.broadcast %get3A_26 : vector<1x128xf32> to vector<10000x128xf32>
    %add3A_27 = arith.addf %div3A, %add3A : vector<10000x128xf32>
    %swap3A = arith.constant 0 : index
    %swap3A_28 = arith.constant 0 : index
    %swap3A_29 = vector.load %arg5[%swap3A, %swap3A_28] : memref<10000x128xf32, #tpu.memory_space<vmem>>, vector<10000x128xf32>
    tpu.vector_store %arg5[%swap3A, %swap3A_28], %add3A_27 {strides = array<i32>} : memref<10000x128xf32, #tpu.memory_space<vmem>>, vector<10000x128xf32>,
    return
  }
  func.func @transform_0(%arg0: i32) -> (i32, i32, i32) {
    %c0_i32 = arith.constant 0 : i32
    %c0_i32_0 = arith.constant 0 : i32
    %c0_i32_1 = arith.constant 0 : i32
    %c0_i32_2 = arith.constant 0 : i32
    return %c0_i32, %c0_i32_0, %c0_i32_1 : i32, i32, i32
  }
  func.func @transform_1(%arg0: i32) -> (i32, i32, i32) {
    %c0_i32 = arith.constant 0 : i32
    %c0_i32_0 = arith.constant 0 : i32
    %c0_i32_1 = arith.constant 0 : i32
    %c0_i32_2 = arith.constant 0 : i32
    return %c0_i32, %c0_i32_0, %c0_i32_1 : i32, i32, i32
  }
  func.func @transform_2(%arg0: i32) -> (i32, i32) {
    %c0_i32 = arith.constant 0 : i32
    %c0_i32_0 = arith.constant 0 : i32
    %c0_i32_1 = arith.constant 0 : i32
    return %c0_i32, %c0_i32_0 : i32, i32
  }
  func.func @transform_3(%arg0: i32) -> (i32, i32) {
    %c0_i32 = arith.constant 0 : i32
    %c0_i32_0 = arith.constant 0 : i32
    %c0_i32_1 = arith.constant 0 : i32
    return %c0_i32, %c0_i32_0 : i32, i32
  }
  func.func @transform_4(%arg0: i32) -> (i32, i32) {
    %c0_i32 = arith.constant 0 : i32
    %c0_i32_0 = arith.constant 0 : i32
    %c0_i32_1 = arith.constant 0 : i32
    return %c0_i32, %c0_i32_0 : i32, i32
  }
}

</mosaic_0001>

<sc_bundles>
// kernel: kernel.5.cloned.1.call-start
scs
__scs_entry_jumppad:
0x0: {  	(pc) =	sbr.rel $0x88, $3  }
0x1: {  	(tag) =	ssettag $0x0;
	lr =	simm.s32 $0x1  }
0x2: {  	[smem:$0x3F9B] =	sst lr;
	_ =	strace $0xD0000000  }
0x3: {  	_ = 	snop  }
0x4: {  	_ = 	snop  }
0x5: {  	_ = 	snop  }
0x6: {  	_ = 	snop  }
0x7: {  	_ = 	snop  }
__scs_overlays_trampoline_lowered:
0x8: {  	[smem:$0x3FAA] =	sst s0  }
0x9: {  	[smem:$0x3FAB] =	sst s1  }
0xa: {  	[smem:$0x3FAC] =	sst s2  }
0xb: {  	[smem:$0x3FAD] =	sst s3  }
0xc: {  	[smem:$0x3FAE] =	sst s4  }
0xd: {  	[smem:$0x3FAF] =	sst s5  }
0xe: {  	[smem:$0x3FB0] =	sst s6  }
0xf: {  	[smem:$0x3FB1] =	sst s7  }
0x10: {  	[smem:$0x3FB2] =	sst s8  }
0x11: {  	[smem:$0x3FB3] =	sst s9;
	s0 =	simm.s32 @!p0 $0x0  }
0x12: {  	s1 =	sld [smem:$0x3F99];
	s0 =	simm.s32 @p0 $0x1  }
0x13: {  	[smem:$0x3FB4] =	sst s0;
	s0 =	simm.s32 @!p1 $0x0  }
0x14: {  	s2 =	sld [smem:$0x3F98];
	s0 =	simm.s32 @p1 $0x1  }
0x15: {  	[smem:$0x3FB5] =	sst s0;
	s0 =	simm.s32 @!p2 $0x0  }
0x16: {  	s3 =	sld [smem:$0x3FDB];
	s0 =	simm.s32 @p2 $0x1  }
0x17: {  	s4 =	simm.s32 $0x1BF5;
	[smem:$0x3FB7] =	sst s0  }
0x18: {  	s0 =	sld [smem:$0x3F9A];
	_ =	swait.ge [sflag:s4], $0x0  }
0x19: {  	s7 =	sld [smem:$0x3F9B]  }
0x1a: {  	s8 =	sadd.s32 $0xFFFFE003, lr  }
0x1b: {  	s9 =	sadd.s32 $0xFFFFFEF7, lr;
	s5 =	simm.s32 $0xFFFFFFFF;
	p2 =	slt.u32 s8, $0xFFFFF086  }
0x1c: {  	p1 =	slt.u32 s9, $0xF7A;
	s5 =	simm.s32 @!p2 $0x0  }
0x1d: {  	s5 =	simm.s32 @p1 $0x1;
	p0 =	seq.s32 s7, s2  }
0x1e: {  	s7 =	smul.u32 @!p0 $0xF7A, s2;
	p2 =	seq.s32 @!p0 s5, $0x0  }
0x1f: {  	s9 =	smul.u32 $0xF7A, s1;
	s8 =	simm.s32 @!p0 $0x1BF5;
	p2 =	por !p2, p0  }
0x20: {  	[sflag:s8] =	ssyncset.s32 @!p0 $0xFFFFF086;
	s6 =	sadd.s32 @!p0 s3, s7;
	s7 =	simm.s32 @!p0 $0x108  }
0x21: {  	s3 =	sadd.s32 s3, s9;
	s6 =	sadd.s32 @!p0 $0x88, s6;
	s7 =	simm.s32 @p2 $0x1082  }
0x22: {  	[simem:s7], [sflag:s8] =	dma.local @!p0 [hbm:s6], $0xF7A  }
0x23: {  	s9 =	sor.u32 $0xD0000000, s2;
	s6 =	simm.s32 $0x108;
	_ =	swait.ge @!p0 [sflag:s8], $0x0  }
0x24: {  	s3 =	sadd.s32 $0x88, s3;
	s6 =	simm.s32 @!p1 $0x1082;
	[sflag:s4] =	ssyncset.s32 $0xFFFFF086  }
0x25: {  	[simem:s6], [sflag:s4] =	dma.local [hbm:s3], $0xF7A  }
0x26: {  	[smem:$0x3F9B] =	sst s1;
	(tag) =	ssettag s2;
	_ =	strace s9  }
0x27: {  	s1 =	sld [smem:$0x3FAB]  }
0x28: {  	s2 =	sld [smem:$0x3FAC]  }
0x29: {  	s4 =	sld [smem:$0x3FAE]  }
0x2a: {  	p0 =	seq.s32 s5, $0x0;
	s5 =	sld [smem:$0x3FAF]  }
0x2b: {  	s6 =	sld [smem:$0x3FB0]  }
0x2c: {  	s7 =	sld [smem:$0x3FB1]  }
0x2d: {  	s3 =	simm.s32 $0x108;
	s8 =	sld [smem:$0x3FB2]  }
0x2e: {  	s3 =	simm.s32 @!p0 $0x1082;
	s9 =	sld [smem:$0x3FB3]  }
0x2f: {  	lr =	sadd.s32 s0, s3;
	s0 =	sld [smem:$0x3FAA]  }
0x30: {  	s3 =	sld [smem:$0x3FAD]  }
0x31: {  	[smem:$0x3FB6] =	sst s10  }
0x32: {  	s10 =	sld [smem:$0x3FB4];
	_ =	sdelay $0x3  }
0x33: {  	p0 =	seq.s32 s10, $0x1;
	s10 =	sld [smem:$0x3FB6];
	_ =	sdelay $0x3  }
0x34: {  	[smem:$0x3FB6] =	sst s10  }
0x35: {  	s10 =	sld [smem:$0x3FB5];
	_ =	sdelay $0x3  }
0x36: {  	p1 =	seq.s32 s10, $0x1;
	s10 =	sld [smem:$0x3FB6];
	_ =	sdelay $0x3  }
0x37: {  	[smem:$0x3FB6] =	sst s10  }
0x38: {  	s10 =	sld [smem:$0x3FB7]  }
0x39: {  	_ = 	snop;
	(pc) =	sbr.ind lr, $3  }
0x3a: {  	_ = 	snop  }
0x3b: {  	_ = 	snop  }
0x3c: {  	p2 =	seq.s32 s10, $0x1;
	s10 =	sld [smem:$0x3FB6]  }
0x3d: {  	_ =	shalt  }
0x3e: {  	_ =	shalt  }
0x3f: {  	_ =	shalt  }
0x40: {  	_ =	shalt  }
0x41: {  	_ =	shalt  }
0x42: {  	_ =	shalt  }
0x43: {  	_ =	shalt  }
0x44: {  	_ =	shalt  }
0x45: {  	_ =	shalt  }
0x46: {  	_ =	shalt  }
0x47: {  	_ =	shalt  }
0x48: {  	_ =	shalt  }
0x49: {  	_ =	shalt  }
0x4a: {  	_ =	shalt  }
0x4b: {  	_ =	shalt  }
0x4c: {  	_ =	shalt  }
0x4d: {  	_ =	shalt  }
0x4e: {  	_ =	shalt  }
0x4f: {  	_ =	shalt  }
0x50: {  	_ =	shalt  }
0x51: {  	_ =	shalt  }
0x52: {  	_ =	shalt  }
0x53: {  	_ =	shalt  }
0x54: {  	_ =	shalt  }
0x55: {  	_ =	shalt  }
0x56: {  	_ =	shalt  }
0x57: {  	_ =	shalt  }
0x58: {  	_ =	shalt  }
0x59: {  	_ =	shalt  }
0x5a: {  	_ =	shalt  }
0x5b: {  	_ =	shalt  }
0x5c: {  	_ =	shalt  }
0x5d: {  	_ =	shalt  }
0x5e: {  	_ =	shalt  }
0x5f: {  	_ =	shalt  }
0x60: {  	_ =	shalt  }
0x61: {  	_ =	shalt  }
0x62: {  	_ =	shalt  }
0x63: {  	_ =	shalt  }
0x64: {  	_ =	shalt  }
0x65: {  	_ =	shalt  }
0x66: {  	_ =	shalt  }
0x67: {  	_ =	shalt  }
0x68: {  	_ =	shalt  }
0x69: {  	_ =	shalt  }
0x6a: {  	_ =	shalt  }
0x6b: {  	_ =	shalt  }
0x6c: {  	_ =	shalt  }
0x6d: {  	_ =	shalt  }
0x6e: {  	_ =	shalt  }
0x6f: {  	_ =	shalt  }
0x70: {  	_ =	shalt  }
0x71: {  	_ =	shalt  }
0x72: {  	_ =	shalt  }
0x73: {  	_ =	shalt  }
0x74: {  	_ =	shalt  }
0x75: {  	_ =	shalt  }
0x76: {  	_ =	shalt  }
0x77: {  	_ =	shalt  }
0x78: {  	_ =	shalt  }
0x79: {  	_ =	shalt  }
0x7a: {  	_ =	shalt  }
0x7b: {  	_ =	shalt  }
0x7c: {  	_ =	shalt  }
0x7d: {  	_ =	shalt  }
0x7e: {  	_ =	shalt  }
0x7f: {  	_ =	shalt  }
0x80: {  	_ =	shalt  }
0x81: {  	_ =	shalt  }
0x82: {  	_ =	shalt  }
0x83: {  	_ =	shalt  }
0x84: {  	_ =	shalt  }
0x85: {  	_ =	shalt  }
0x86: {  	_ =	shalt  }
0x87: {  	_ =	shalt  }
.Lfunc_end0:
.L_simem_size_0:
called_computation_lowered:
.L_overlay_start_0:
0x88: {  	s2 =	sld [smem:$0x3FD9]  }
0x89: {  	s3 =	sld [smem:$0x3FFE];
	_ =	sdelay $0x1  }
0x8a: {  	s1 =	srdreg.scid  }
0x8b: {  	s0 =	sand.u32 $0x1, s1  }
0x8c: {  	s17 =	sshll.u32 s0, $0xA;
	s2 =	sadd.s32 s3, s2  }
0x8d: {  	s2 =	sadd.s32 s2, s17  }
0x8e: {  	[smem:$0x3FC2] =	sst s2  }
0x8f: {  	_ = 	snop  }
0x90: {  	s2 =	sld [smem:$0x3FD0];
	(tm) =	ssettm $0x1  }
0x91: {  	s18 =	sld [smem:$0x3FFB];
	_ =	sdelay $0x3  }
0x92: {  	_ =	strace s18  }
0x93: {  	s3 =	sld [smem:$0x3FFC];
	_ =	sdelay $0x3  }
0x94: {  	_ =	strace s3  }
0x95: {  	s3 =	sld [smem:$0x3FFD];
	_ =	sdelay $0x3  }
0x96: {  	_ =	strace s3  }
0x97: {  	_ =	strace $0x8FFFFFFF  }
0x98: {  	s19 =	sld [smem:$0x3FDB];
	_ =	sdelay $0x1  }
0x99: {  	s4 =	simm.s32 $_scs_section_size  }
0x9a: {  	s5 =	simm.s32 $_size__tile_overlayer_lowered;
	s6 =	simm.s32 $_tile_overlayer_lowered  }
0x9b: {  	s22 =	simm.s32 $0x1BFF;
	s21 =	sshll.u32 s6, $0x1;
	s3 =	sadd.s32 s4, s19  }
0x9c: {  	s7 =	simm.s32 $0x0;
	s20 =	sshll.u32 s5, $0x1;
	s5 =	sadd.s32 s21, s3  }
0x9d: {  	[timem:s7], [sflag:s22] =	dma.local [hbm:s5], s20  }
0x9e: {  	_ =	swait.ge [sflag:s22], s20  }
0x9f: {  	s4 =	ssub.s32 $0x0, s20;
	[sflag:s22] =	ssyncset.done $0x0  }
0xa0: {  	[sflag:s22] =	ssyncadd.s32 s4;
	_ =	sdelay $0x1  }
0xa1: {  	s23 =	simm.s32 $0x1B8B  }
0xa2: {  	_ =	swait.ge [sflag:s23], $0x1  }
0xa3: {  	[sflag:s23] =	ssyncset.done $0x0  }
0xa4: {  	s25 =	simm.s32 $0x1B8E;
	s24 =	sld [smem:$0x3FFE];
	[sflag:s23] =	ssyncadd.s32 $0xFFFFFFFF  }
0xa5: {  	s26 =	simm.s32 $execute0_lowered;
	[smem:$0x3FD2] =	sst s25  }
0xa6: {  	s5 =	sshll.u32 s26, $0x1;
	_ =	strace $0x80000046;
	[dreg:$0x1] =	wrdreg $0xFFFFFFFF  }
0xa7: {  	s28 =	simm.s32 $_size_execute0_lowered;
	s3 =	sadd.s32 s3, s5;
	[dreg:$0x0] =	wrdreg $0x0  }
0xa8: {  	s5 =	sshll.u32 s28, $0x1;
	[dreg:$0x2] =	wrdreg s3  }
0xa9: {  	[dreg:$0x3] =	wrdreg s5  }
0xaa: {  	[dreg:$0x4] =	wrdreg $0xC0  }
0xab: {  	_ =	task [dreg:s7], $0x5FFFF  }
0xac: {  	[dreg:$0x1] =	wrdreg $0xFFFFFFFF  }
0xad: {  	[dreg:$0x0] =	wrdreg $0x60  }
0xae: {  	[dreg:$0x2] =	wrdreg s2  }
0xaf: {  	[dreg:$0x3] =	wrdreg s24  }
0xb0: {  	[dreg:$0x4] =	wrdreg $0x14C600  }
0xb1: {  	[dreg:$0x5] =	wrdreg $0x1E8E00  }
0xb2: {  	[dreg:$0x6] =	wrdreg $0x9  }
0xb3: {  	_ =	task.clear_ibuf [dreg:s7], $0x7FFFF;
	_ =	strace $0x90000046  }
0xb4: {  	s29 =	simm.s32 $0x9;
	_ =	strace $0x80000048  }
0xb5: {  	_ =	swait.ge [sflag:s29], $0x1  }
0xb6: {  	[sflag:s29] =	ssyncadd.s32 $0xFFFFFFFF  }
0xb7: {  	_ =	strace $0x90000048  }
0xb8: {  	_ =	sfence  }
0xb9: {  	s30 =	sld [smem:$0x0];
	_ =	sdelay $0x2  }
0xba: {  	s31 =	sshll.u32 s1, $0xD;
	s1 =	sshrl.u32 s1, $0x2  }
0xbb: {  	s3 =	sand.u32 $0x4000, s31;
	s1 =	sadd.s32 s1, s30  }
0xbc: {  	s0 =	sor.u32 s3, s0;
	s1 =	sshll.u32 s1, $0x11  }
0xbd: {  	s0 =	sor.u32 s1, s0  }
0xbe: {  	s0 =	sadd.s32 $0x8F2B, s0  }
0xbf: {  	[sflag:s0] =	ssyncadd.remote.s32 $0x1  }
0xc0: {  	_ =	sfence.sel $0xFFFF  }
0xc1: {  	[dreg:$0x0] =	wrdreg $0xFFFFFFFF;
	(pc) =	sbr.abs _section_cstart, $3  }
0xc2: {  	[dreg:$0x1] =	wrdreg $0xFFFFFFFF  }
0xc3: {  	_ =	task.clear_ibuf [dreg:s7], $0x2FFFF;
	_ =	strace $0x9FFFFFFF  }
0xc4: {  	(tm) =	ssettm $0x7FFFFFFF  }
0xc5: {  	_ =	shalt  }
tec
execute0_lowered:
.L_overlay_start_1:
0x0: {  	(tag) =	ssettag $0x1  }
0x1: {  	s0 =	rddreg [dreg:$0x0];
	s14 =	stileid.u32  }
0x2: {  	s1 =	srdreg.scid;
	s7 =	smul.u32 $0xA20, s14  }
0x3: {  	s2 =	rddreg [dreg:$0x1];
	s8 =	smul.u32 $0x9C80, s14  }
0x4: {  	s3 =	rddreg [dreg:$0x2];
	s1 =	sand.u32 $0x1, s1;
	s10 =	smul.u32 $0x1390, s14  }
0x5: {  	s4 =	rddreg [dreg:$0x3];
	s5 =	simm.s32 $0x0;
	s6 =	smul.u32 $0x1390, s1  }
0x6: {  	[smem:$0x7FF] =	sst s5;
	s15 =	sadd.s32 $0x18000, s2;
	s9 =	smul.u32 $0x9C800, s1  }
0x7: {  	_ =	strace $0x80000047;
	s11 =	smul.u32 $0x13900, s1;
	s17 =	ssub.s32 $0x2, s1  }
0x8: {  	p0 =	seq.s32 s1, $0x1;
	s7 =	sadd.s32 s7, s2;
	s18 =	sshrl.u32 s17, $0x1  }
0x9: {  	s0 =	smov.u32 @p0 s15;
	s16 =	sadd.s32 s6, s2;
	s9 =	sadd.s32 s8, s9  }
0xa: {  	s11 =	sadd.s32 s10, s11;
	s20 =	sadd.s32 $0xB600, s7;
	s21 =	sadd.s32 $0x1400, s7  }
0xb: {  	s10 =	sadd.s32 s10, s4;
	s6 =	sshrl.u32 s9, $0x3;
	[dreg:$0x6] =	wrdreg s20  }
0xc: {  	s13 =	sshrl.u32 s11, $0x3;
	s19 =	sadd.s32 $0x15800, s16;
	[dreg:$0x7] =	wrdreg s21  }
0xd: {  	s9 =	sadd.s32 s8, s3;
	s12 =	sadd.s32 s6, s2;
	s13 =	sadd.s32 s13, s2  }
0xe: {  	s6 =	smul.u32 $0x272, s14;
	s14 =	ssub.s32 s17, s18;
	[dreg:$0x5] =	wrdreg s19  }
0xf: {  	s12 =	sadd.s32 $0x2BA00, s12;
	s13 =	sadd.s32 $0x52C00, s13;
	s14 =	smax.u32 s14, $0x1  }
0x10: {  	s22 =	sadd.s32 $0x30, s6;
	s24 =	sadd.s32 $0x60, s6;
	s26 =	sadd.s32 $0x90, s6  }
0x11: {  	s11 =	sadd.s32 $0xC0, s6;
	s17 =	sadd.s32 $0xF0, s6;
	s21 =	sadd.s32 $0x120, s6  }
0x12: {  	s15 =	sadd.s32 $0x1E0, s6;
	s23 =	sshll.u32 s22, $0x6;
	s2 =	sshll.u32 s22, $0x3  }
0x13: {  	s25 =	sshll.u32 s24, $0x6;
	s8 =	sshll.u32 s26, $0x3;
	s16 =	sshll.u32 s11, $0x6  }
0x14: {  	s18 =	sshll.u32 s17, $0x6;
	s20 =	sshll.u32 s17, $0x3;
	s22 =	sshll.u32 s21, $0x6  }
0x15: {  	s17 =	sadd.s32 $0x210, s6;
	s7 =	sadd.s32 s23, s3;
	s2 =	sadd.s32 s2, s4  }
0x16: {  	s1 =	sadd.s32 s18, s3;
	s18 =	sshll.u32 s17, $0x6;
	[dreg:$0x8] =	wrdreg s7  }
0x17: {  	[dreg:$0x9] =	wrdreg s2;
	s2 =	sshll.u32 s24, $0x3;
	s7 =	sadd.s32 s25, s3  }
0x18: {  	[dreg:$0x10] =	wrdreg s1;
	s1 =	sadd.s32 s20, s4;
	s24 =	sadd.s32 $0x150, s6  }
0x19: {  	s20 =	sadd.s32 $0x240, s6;
	[dreg:$0xa] =	wrdreg s7;
	s2 =	sadd.s32 s2, s4  }
0x1a: {  	s7 =	sshll.u32 s26, $0x6;
	[dreg:$0x11] =	wrdreg s1;
	s1 =	sadd.s32 s22, s3  }
0x1b: {  	s25 =	sshll.u32 s24, $0x6;
	s26 =	sadd.s32 $0x180, s6;
	[dreg:$0xb] =	wrdreg s2  }
0x1c: {  	s22 =	sshll.u32 s20, $0x6;
	s2 =	sadd.s32 s7, s3;
	[dreg:$0x12] =	wrdreg s1  }
0x1d: {  	s7 =	sshll.u32 s11, $0x3;
	s1 =	sshll.u32 s24, $0x3;
	[dreg:$0xc] =	wrdreg s2  }
0x1e: {  	s2 =	sadd.s32 s8, s4;
	s19 =	sadd.s32 s7, s4;
	s24 =	sadd.s32 s1, s4  }
0x1f: {  	s7 =	sshll.u32 s26, $0x3;
	s8 =	sadd.s32 $0x1B0, s6;
	[dreg:$0xd] =	wrdreg s2  }
0x20: {  	s1 =	sshll.u32 s15, $0x3;
	s2 =	sadd.s32 s16, s3;
	[dreg:$0xf] =	wrdreg s19  }
0x21: {  	v0 =	vlaneseq.u32;
	s11 =	sshll.u32 s8, $0x6;
	s16 =	sshll.u32 s15, $0x6;
	s31 =	sadd.s32 s1, s4  }
0x22: {  	v0 =	vmul.u32 $0x8, v0;
	s19 =	sshll.u32 s17, $0x3;
	s15 =	simm.s32 $0x2;
	s17 =	simm.s32 $0x13E80  }
0x23: {  	[dreg:$0xe] =	wrdreg s2;
	s2 =	sshll.u32 s21, $0x3;
	s28 =	sadd.s32 s11, s3  }
0x24: {  	v1 =	vimm.f32 $0.0e+00;
	v2 =	vor.u32 $0x1, v0;
	v3 =	vor.u32 $0x2, v0;
	s30 =	sadd.s32 s16, s3;
	s1 =	sadd.s32 s19, s4;
	s21 =	sadd.s32 $0x270, s6  }
0x25: {  	v4 =	vor.u32 $0x3, v0;
	v5 =	vor.u32 $0x4, v0;
	v6 =	vor.u32 $0x5, v0;
	s6 =	sadd.s32 s22, s3;
	s16 =	simm.s32 $0x14AE0;
	s23 =	sadd.s32 s2, s4  }
0x26: {  	v7 =	vor.u32 $0x6, v0;
	v8 =	vor.u32 $0x7, v0;
	v9 =	vor.u32 $0x80, v0;
	s19 =	simm.s32 $0x1;
	s2 =	sadd.s32 s25, s3;
	[dreg:$0x13] =	wrdreg s23  }
0x27: {  	v10 =	vor.u32 $0x81, v0;
	v11 =	vor.u32 $0x82, v0;
	v12 =	vor.u32 $0x83, v0;
	s11 =	sshll.u32 s21, $0x3;
	[dreg:$0x14] =	wrdreg s2;
	s2 =	sshll.u32 s26, $0x6  }
0x28: {  	v13 =	vor.u32 $0x84, v0;
	v14 =	vor.u32 $0x85, v0;
	v15 =	vor.u32 $0x86, v0;
	s26 =	sadd.s32 s7, s4;
	s7 =	sshll.u32 s20, $0x3;
	s23 =	sshll.u32 s21, $0x6  }
0x29: {  	v16 =	vor.u32 $0x87, v0;
	v17 =	vor.u32 $0x100, v0;
	v18 =	vor.u32 $0x101, v0;
	s11 =	sadd.s32 s11, s4;
	s20 =	simm.s32 $0x0;
	s25 =	sadd.s32 s2, s3  }
0x2a: {  	v19 =	vor.u32 $0x102, v0;
	v20 =	vor.u32 $0x103, v0;
	v21 =	vor.u32 $0x104, v0;
	s2 =	sshll.u32 s8, $0x3;
	s7 =	sadd.s32 s7, s4;
	s8 =	sadd.s32 s23, s3  }
0x2b: {  	v22 =	vor.u32 $0x105, v0;
	v23 =	vor.u32 $0x106, v0;
	v24 =	vor.u32 $0x107, v0;
	s29 =	sadd.s32 s2, s4;
	s2 =	sadd.s32 s18, s3;
	s18 =	simm.s32 $0x30  }
.LBB2_1:
0x2c: {  	s21 =	rddreg [dreg:$0x5]  }
0x2d: {  	[tilespmem:s5], [sflag:$0x2] =	stream.linear.gather [hbm4b:s21+s5], $0x9C80, $0x38;
	[tilespmem:$0x1FC70] =	vst v63  }
0x2e: {  	_ =	swait.ge [sflag:s15], $0x9C80  }
0x2f: {  	[sflag:s15] =	ssyncset.done $0x0  }
0x30: {  	s22 =	simm.s32 $0x9C80;
	s23 =	rddreg [dreg:$0x6];
	[sflag:s15] =	ssyncadd.s32 $0xFFFF6380  }
0x31: {  	[tilespmem:s22], [sflag:$0x2] =	stream.linear.gather [hbm4b:s23+s5], $0x5100, $0x38;
	[tilespmem:$0x1FC70] =	vst v63  }
0x32: {  	_ =	swait.ge [sflag:s15], $0x5100  }
0x33: {  	[sflag:s15] =	ssyncset.done $0x0  }
0x34: {  	s23 =	simm.s32 $0xED80;
	s22 =	rddreg [dreg:$0x7];
	[sflag:s15] =	ssyncadd.s32 $0xFFFFAF00  }
0x35: {  	[tilespmem:s23], [sflag:$0x2] =	stream.linear.gather [hbm4b:s22+s5], $0x5100, $0x38;
	[tilespmem:$0x1FC70] =	vst v63  }
0x36: {  	_ =	swait.ge [sflag:s15], $0x5100  }
0x37: {  	[sflag:s15] =	ssyncset.done $0x0  }
0x38: {  	s21 =	simm.s32 $0x0;
	s22 =	simm.s32 $0x100;
	[sflag:s15] =	ssyncadd.s32 $0xFFFFAF00  }
.LBB2_2:
0x39: {  	p0 =	sne.s32 s22, $0x2F00;
	[tilespmem:s21+$0x13EB0] =	vst v1;
	s23 =	smov.u32 s22;
	s22 =	sadd.s32 $0x100, s22  }
.Ltmp0:
0x3a: {  	[tilespmem:s21+$0x13EA0] =	vst v1;
	(pc) =	sbr.rel @p0 .LBB2_2-.Ltmp0, $3  }
0x3b: {  	[tilespmem:s21+$0x13E80] =	vst v1  }
0x3c: {  	[tilespmem:s21+$0x13E90] =	vst v1;
	_ =	sdelay $0x1  }
0x3d: {  	s21 =	sshra.s32 s23, $0x2  }
0x3e: {  	[tilespmem:s21+$0x13EB0] =	vst v1  }
0x3f: {  	[tilespmem:s21+$0x13EA0] =	vst v1  }
0x40: {  	[tilespmem:s21+$0x13E80] =	vst v1  }
0x41: {  	[tilespmem:s21+$0x13E90] =	vst v1  }
0x42: {  	[tilespmem:v0+s16+$0x0] =	vst.idx.msk $0xffff, v1  }
0x43: {  	[tilespmem:v2+s16+$0x0] =	vst.idx.msk $0xffff, v1  }
0x44: {  	[tilespmem:v3+s16+$0x0] =	vst.idx.msk $0xffff, v1  }
0x45: {  	[tilespmem:v4+s16+$0x0] =	vst.idx.msk $0xffff, v1  }
0x46: {  	[tilespmem:v5+s16+$0x0] =	vst.idx.msk $0xffff, v1  }
0x47: {  	[tilespmem:v6+s16+$0x0] =	vst.idx.msk $0xffff, v1  }
0x48: {  	[tilespmem:v7+s16+$0x0] =	vst.idx.msk $0xffff, v1  }
0x49: {  	[tilespmem:v8+s16+$0x0] =	vst.idx.msk $0xffff, v1  }
0x4a: {  	[tilespmem:v9+s16+$0x0] =	vst.idx.msk $0xffff, v1  }
0x4b: {  	[tilespmem:v10+s16+$0x0] =	vst.idx.msk $0xffff, v1  }
0x4c: {  	[tilespmem:v11+s16+$0x0] =	vst.idx.msk $0xffff, v1  }
0x4d: {  	[tilespmem:v12+s16+$0x0] =	vst.idx.msk $0xffff, v1  }
0x4e: {  	[tilespmem:v13+s16+$0x0] =	vst.idx.msk $0xffff, v1  }
0x4f: {  	[tilespmem:v14+s16+$0x0] =	vst.idx.msk $0xffff, v1  }
0x50: {  	[tilespmem:v15+s16+$0x0] =	vst.idx.msk $0xffff, v1  }
0x51: {  	[tilespmem:v16+s16+$0x0] =	vst.idx.msk $0xffff, v1  }
0x52: {  	[tilespmem:v17+s16+$0x0] =	vst.idx.msk $0xffff, v1  }
0x53: {  	[tilespmem:v18+s16+$0x0] =	vst.idx.msk $0xffff, v1  }
0x54: {  	[tilespmem:v19+s16+$0x0] =	vst.idx.msk $0xffff, v1  }
0x55: {  	[tilespmem:v20+s16+$0x0] =	vst.idx.msk $0xffff, v1  }
0x56: {  	[tilespmem:v21+s16+$0x0] =	vst.idx.msk $0xffff, v1  }
0x57: {  	[tilespmem:v22+s16+$0x0] =	vst.idx.msk $0xffff, v1  }
0x58: {  	[tilespmem:v23+s16+$0x0] =	vst.idx.msk $0xffff, v1  }
0x59: {  	[tilespmem:v24+s16+$0x0] =	vst.idx.msk $0xffff, v1  }
0x5a: {  	[spmem:s9] =	stream.linear.scatter [tilespmem:s17], [sflag:$0x2], $0xC00, $0x38;
	[tilespmem:$0x1FC70] =	vst v63  }
0x5b: {  	_ =	swait.ge [sflag:s15], $0xC00  }
0x5c: {  	[sflag:s15] =	ssyncset.done $0x0  }
0x5d: {  	[sflag:s15] =	ssyncadd.s32 $0xFFFFF400  }
0x5e: {  	[spmem:s10] =	stream.linear.scatter [tilespmem:s16], [sflag:$0x2], $0x180, $0x38;
	[tilespmem:$0x1FC70] =	vst v63  }
0x5f: {  	_ =	swait.ge [sflag:s15], $0x180  }
0x60: {  	[sflag:s15] =	ssyncset.done $0x0  }
0x61: {  	s23 =	rddreg [dreg:$0x8];
	[sflag:s15] =	ssyncadd.s32 $0xFFFFFE80  }
0x62: {  	[spmem:s23] =	stream.linear.scatter [tilespmem:s17], [sflag:$0x2], $0xC00, $0x38;
	[tilespmem:$0x1FC70] =	vst v63  }
0x63: {  	_ =	swait.ge [sflag:s15], $0xC00  }
0x64: {  	[sflag:s15] =	ssyncset.done $0x0  }
0x65: {  	s22 =	rddreg [dreg:$0x9];
	[sflag:s15] =	ssyncadd.s32 $0xFFFFF400  }
0x66: {  	[spmem:s22] =	stream.linear.scatter [tilespmem:s16], [sflag:$0x2], $0x180, $0x38;
	[tilespmem:$0x1FC70] =	vst v63  }
0x67: {  	_ =	swait.ge [sflag:s15], $0x180  }
0x68: {  	[sflag:s15] =	ssyncset.done $0x0  }
0x69: {  	s23 =	rddreg [dreg:$0xa];
	[sflag:s15] =	ssyncadd.s32 $0xFFFFFE80  }
0x6a: {  	[spmem:s23] =	stream.linear.scatter [tilespmem:s17], [sflag:$0x2], $0xC00, $0x38;
	[tilespmem:$0x1FC70] =	vst v63  }
0x6b: {  	_ =	swait.ge [sflag:s15], $0xC00  }
0x6c: {  	[sflag:s15] =	ssyncset.done $0x0  }
0x6d: {  	s22 =	rddreg [dreg:$0xb];
	[sflag:s15] =	ssyncadd.s32 $0xFFFFF400  }
0x6e: {  	[spmem:s22] =	stream.linear.scatter [tilespmem:s16], [sflag:$0x2], $0x180, $0x38;
	[tilespmem:$0x1FC70] =	vst v63  }
0x6f: {  	_ =	swait.ge [sflag:s15], $0x180  }
0x70: {  	[sflag:s15] =	ssyncset.done $0x0  }
0x71: {  	s23 =	rddreg [dreg:$0xc];
	[sflag:s15] =	ssyncadd.s32 $0xFFFFFE80  }
0x72: {  	[spmem:s23] =	stream.linear.scatter [tilespmem:s17], [sflag:$0x2], $0xC00, $0x38;
	[tilespmem:$0x1FC70] =	vst v63  }
0x73: {  	_ =	swait.ge [sflag:s15], $0xC00  }
0x74: {  	[sflag:s15] =	ssyncset.done $0x0  }
0x75: {  	s22 =	rddreg [dreg:$0xd];
	[sflag:s15] =	ssyncadd.s32 $0xFFFFF400  }
0x76: {  	[spmem:s22] =	stream.linear.scatter [tilespmem:s16], [sflag:$0x2], $0x180, $0x38;
	[tilespmem:$0x1FC70] =	vst v63  }
0x77: {  	_ =	swait.ge [sflag:s15], $0x180  }
0x78: {  	[sflag:s15] =	ssyncset.done $0x0  }
0x79: {  	s23 =	rddreg [dreg:$0xe];
	[sflag:s15] =	ssyncadd.s32 $0xFFFFFE80  }
0x7a: {  	[spmem:s23] =	stream.linear.scatter [tilespmem:s17], [sflag:$0x2], $0xC00, $0x38;
	[tilespmem:$0x1FC70] =	vst v63  }
0x7b: {  	_ =	swait.ge [sflag:s15], $0xC00  }
0x7c: {  	[sflag:s15] =	ssyncset.done $0x0  }
0x7d: {  	s22 =	rddreg [dreg:$0xf];
	[sflag:s15] =	ssyncadd.s32 $0xFFFFF400  }
0x7e: {  	[spmem:s22] =	stream.linear.scatter [tilespmem:s16], [sflag:$0x2], $0x180, $0x38;
	[tilespmem:$0x1FC70] =	vst v63  }
0x7f: {  	_ =	swait.ge [sflag:s15], $0x180  }
0x80: {  	[sflag:s15] =	ssyncset.done $0x0  }
0x81: {  	s23 =	rddreg [dreg:$0x10];
	[sflag:s15] =	ssyncadd.s32 $0xFFFFFE80  }
0x82: {  	[spmem:s23] =	stream.linear.scatter [tilespmem:s17], [sflag:$0x2], $0xC00, $0x38;
	[tilespmem:$0x1FC70] =	vst v63  }
0x83: {  	_ =	swait.ge [sflag:s15], $0xC00  }
0x84: {  	[sflag:s15] =	ssyncset.done $0x0  }
0x85: {  	s22 =	rddreg [dreg:$0x11];
	[sflag:s15] =	ssyncadd.s32 $0xFFFFF400  }
0x86: {  	[spmem:s22] =	stream.linear.scatter [tilespmem:s16], [sflag:$0x2], $0x180, $0x38;
	[tilespmem:$0x1FC70] =	vst v63  }
0x87: {  	_ =	swait.ge [sflag:s15], $0x180  }
0x88: {  	[sflag:s15] =	ssyncset.done $0x0  }
0x89: {  	s23 =	rddreg [dreg:$0x12];
	[sflag:s15] =	ssyncadd.s32 $0xFFFFFE80  }
0x8a: {  	[spmem:s23] =	stream.linear.scatter [tilespmem:s17], [sflag:$0x2], $0xC00, $0x38;
	[tilespmem:$0x1FC70] =	vst v63  }
0x8b: {  	_ =	swait.ge [sflag:s15], $0xC00  }
0x8c: {  	[sflag:s15] =	ssyncset.done $0x0  }
0x8d: {  	s22 =	rddreg [dreg:$0x13];
	[sflag:s15] =	ssyncadd.s32 $0xFFFFF400  }
0x8e: {  	[spmem:s22] =	stream.linear.scatter [tilespmem:s16], [sflag:$0x2], $0x180, $0x38;
	[tilespmem:$0x1FC70] =	vst v63  }
0x8f: {  	_ =	swait.ge [sflag:s15], $0x180  }
0x90: {  	[sflag:s15] =	ssyncset.done $0x0  }
0x91: {  	s23 =	rddreg [dreg:$0x14];
	[sflag:s15] =	ssyncadd.s32 $0xFFFFFE80  }
0x92: {  	[spmem:s23] =	stream.linear.scatter [tilespmem:s17], [sflag:$0x2], $0xC00, $0x38;
	[tilespmem:$0x1FC70] =	vst v63  }
0x93: {  	_ =	swait.ge [sflag:s15], $0xC00  }
0x94: {  	[sflag:s15] =	ssyncset.done $0x0  }
0x95: {  	[sflag:s15] =	ssyncadd.s32 $0xFFFFF400  }
0x96: {  	[spmem:s24] =	stream.linear.scatter [tilespmem:s16], [sflag:$0x2], $0x180, $0x38;
	[tilespmem:$0x1FC70] =	vst v63  }
0x97: {  	_ =	swait.ge [sflag:s15], $0x180  }
0x98: {  	[sflag:s15] =	ssyncset.done $0x0  }
0x99: {  	[sflag:s15] =	ssyncadd.s32 $0xFFFFFE80  }
0x9a: {  	[spmem:s25] =	stream.linear.scatter [tilespmem:s17], [sflag:$0x2], $0xC00, $0x38;
	[tilespmem:$0x1FC70] =	vst v63  }
0x9b: {  	_ =	swait.ge [sflag:s15], $0xC00  }
0x9c: {  	[sflag:s15] =	ssyncset.done $0x0  }
0x9d: {  	[sflag:s15] =	ssyncadd.s32 $0xFFFFF400  }
0x9e: {  	[spmem:s26] =	stream.linear.scatter [tilespmem:s16], [sflag:$0x2], $0x180, $0x38;
	[tilespmem:$0x1FC70] =	vst v63  }
0x9f: {  	_ =	swait.ge [sflag:s15], $0x180  }
0xa0: {  	[sflag:s15] =	ssyncset.done $0x0  }
0xa1: {  	[sflag:s15] =	ssyncadd.s32 $0xFFFFFE80  }
0xa2: {  	[spmem:s28] =	stream.linear.scatter [tilespmem:s17], [sflag:$0x2], $0xC00, $0x38;
	[tilespmem:$0x1FC70] =	vst v63  }
0xa3: {  	_ =	swait.ge [sflag:s15], $0xC00  }
0xa4: {  	[sflag:s15] =	ssyncset.done $0x0  }
0xa5: {  	[sflag:s15] =	ssyncadd.s32 $0xFFFFF400  }
0xa6: {  	[spmem:s29] =	stream.linear.scatter [tilespmem:s16], [sflag:$0x2], $0x180, $0x38;
	[tilespmem:$0x1FC70] =	vst v63  }
0xa7: {  	_ =	swait.ge [sflag:s15], $0x180  }
0xa8: {  	[sflag:s15] =	ssyncset.done $0x0  }
0xa9: {  	[sflag:s15] =	ssyncadd.s32 $0xFFFFFE80  }
0xaa: {  	[spmem:s30] =	stream.linear.scatter [tilespmem:s17], [sflag:$0x2], $0xC00, $0x38;
	[tilespmem:$0x1FC70] =	vst v63  }
0xab: {  	_ =	swait.ge [sflag:s15], $0xC00  }
0xac: {  	[sflag:s15] =	ssyncset.done $0x0  }
0xad: {  	[sflag:s15] =	ssyncadd.s32 $0xFFFFF400  }
0xae: {  	[spmem:s31] =	stream.linear.scatter [tilespmem:s16], [sflag:$0x2], $0x180, $0x38;
	[tilespmem:$0x1FC70] =	vst v63  }
0xaf: {  	_ =	swait.ge [sflag:s15], $0x180  }
0xb0: {  	[sflag:s15] =	ssyncset.done $0x0  }
0xb1: {  	[sflag:s15] =	ssyncadd.s32 $0xFFFFFE80  }
0xb2: {  	[spmem:s2] =	stream.linear.scatter [tilespmem:s17], [sflag:$0x2], $0xC00, $0x38;
	[tilespmem:$0x1FC70] =	vst v63  }
0xb3: {  	_ =	swait.ge [sflag:s15], $0xC00  }
0xb4: {  	[sflag:s15] =	ssyncset.done $0x0  }
0xb5: {  	[sflag:s15] =	ssyncadd.s32 $0xFFFFF400  }
0xb6: {  	[spmem:s1] =	stream.linear.scatter [tilespmem:s16], [sflag:$0x2], $0x180, $0x38;
	[tilespmem:$0x1FC70] =	vst v63  }
0xb7: {  	_ =	swait.ge [sflag:s15], $0x180  }
0xb8: {  	[sflag:s15] =	ssyncset.done $0x0  }
0xb9: {  	[sflag:s15] =	ssyncadd.s32 $0xFFFFFE80  }
0xba: {  	[spmem:s6] =	stream.linear.scatter [tilespmem:s17], [sflag:$0x2], $0xC00, $0x38;
	[tilespmem:$0x1FC70] =	vst v63  }
0xbb: {  	_ =	swait.ge [sflag:s15], $0xC00  }
0xbc: {  	[sflag:s15] =	ssyncset.done $0x0  }
0xbd: {  	[sflag:s15] =	ssyncadd.s32 $0xFFFFF400  }
0xbe: {  	[spmem:s7] =	stream.linear.scatter [tilespmem:s16], [sflag:$0x2], $0x180, $0x38;
	[tilespmem:$0x1FC70] =	vst v63  }
0xbf: {  	_ =	swait.ge [sflag:s15], $0x180  }
0xc0: {  	[sflag:s15] =	ssyncset.done $0x0  }
0xc1: {  	[sflag:s15] =	ssyncadd.s32 $0xFFFFFE80  }
0xc2: {  	[spmem:s8] =	stream.linear.scatter [tilespmem:s17], [sflag:$0x2], $0x80, $0x38;
	[tilespmem:$0x1FC70] =	vst v63  }
0xc3: {  	_ =	swait.ge [sflag:s15], $0x80  }
0xc4: {  	[sflag:s15] =	ssyncset.done $0x0  }
0xc5: {  	[sflag:s15] =	ssyncadd.s32 $0xFFFFFF80  }
0xc6: {  	[spmem:s11] =	stream.linear.scatter [tilespmem:s16], [sflag:$0x2], $0x10, $0x38;
	[tilespmem:$0x1FC70] =	vst v63  }
0xc7: {  	_ =	swait.ge [sflag:s15], $0x10  }
0xc8: {  	[sflag:s15] =	ssyncset.done $0x0  }
0xc9: {  	[sflag:s15] =	ssyncadd.s32 $0xFFFFFFF0  }
0xca: {  	s21 =	simm.s32 $0x0;
	[bflag:$0x0] =	sbarrier.arrive $0xFFFF  }
.LBB2_4:
0xcb: {  	s22 =	sshra.s32 s21, $0x2  }
0xcc: {  	s23 =	sadd.s32 $0x9C80, s22  }
0xcd: {  	[tilespmem:s17], [sflag:$0x1] =	stream.indirect.gather [hbm4b:s0+s18], $0x40, s23, s18, $0xb8;
	[tilespmem:$0x1FC70] =	vst v63  }
0xce: {  	v25 =	vld [tilespmem:s22+$0xED80]  }
0xcf: {  	v26 =	vld [tilespmem:s22+$0x9C80];
	_ =	sdelay $0x3  }
0xd0: {  	v27 =	vadd.s32 $0x4E40, v25;
	_ =	sdelay $0x3  }
0xd1: {  	v28 =	vld.idx.msk [tilespmem:v26+s5+$0x0], $0xffff  }
0xd2: {  	v27 =	vld.idx.msk [tilespmem:v27+s5+$0x0], $0xffff;
	_ =	sdelay $0x4  }
0xd3: {  	v27 =	vadd.f32 v27, v28;
	_ =	sdelay $0x1  }
0xd4: {  	v28 =	vmul.f32 $2.000000030e-01, v27;
	_ =	sdelay $0x1  }
0xd5: {  	v27 =	vmax.f32 v27, v28  }
0xd6: {  	v27 =	vmul.f32 $1.442695020e+00, v27;
	_ =	sdelay $0x1  }
0xd7: {  	(erf) = vpow2.f32 v27;
	_ =	sdelay $0x6  }
0xd8: {  	v26 =	vadd.s32 $0x2720, v26  }
0xd9: {  	v25 =	vadd.s32 $0x7560, v25  }
0xda: {  	v27 =	vpop (erf)  }
0xdb: {  	[tilespmem:$0x14A80] =	vst v27  }
0xdc: {  	[tilespmem:v0+s16+$0x0] =	vst.idx.msk $0xffff, v27  }
0xdd: {  	v26 =	vld.idx.msk [tilespmem:v26+s5+$0x0], $0xffff  }
0xde: {  	v25 =	vld.idx.msk [tilespmem:v25+s5+$0x0], $0xffff;
	_ =	sdelay $0x4  }
0xdf: {  	v25 =	vadd.f32 v25, v26;
	_ =	sdelay $0x1  }
0xe0: {  	v26 =	vmul.f32 $2.000000030e-01, v25;
	_ =	sdelay $0x1  }
0xe1: {  	v25 =	vmax.f32 v25, v26  }
0xe2: {  	v25 =	vmul.f32 $1.442695020e+00, v25;
	_ =	sdelay $0x1  }
0xe3: {  	(erf) = vpow2.f32 v25;
	_ =	sdelay $0x8  }
0xe4: {  	v25 =	vpop (erf)  }
0xe5: {  	[tilespmem:$0x14AB0] =	vst v25  }
0xe6: {  	[tilespmem:v2+s16+$0x0] =	vst.idx.msk $0xffff, v25  }
0xe7: {  	v25 =	vld [tilespmem:s22+$0xED90]  }
0xe8: {  	v26 =	vld [tilespmem:s22+$0x9C90];
	_ =	sdelay $0x3  }
0xe9: {  	v27 =	vadd.s32 $0x4E40, v25;
	_ =	sdelay $0x3  }
0xea: {  	v53 =	vld.idx.msk [tilespmem:v26+s5+$0x0], $0xffff  }
0xeb: {  	v27 =	vld.idx.msk [tilespmem:v27+s5+$0x0], $0xffff;
	_ =	sdelay $0x4  }
0xec: {  	v27 =	vadd.f32 v27, v53;
	_ =	sdelay $0x1  }
0xed: {  	v28 =	vmul.f32 $2.000000030e-01, v27;
	_ =	sdelay $0x1  }
0xee: {  	v27 =	vmax.f32 v27, v28  }
0xef: {  	v27 =	vmul.f32 $1.442695020e+00, v27;
	_ =	sdelay $0x1  }
0xf0: {  	(erf) = vpow2.f32 v27;
	_ =	sdelay $0x6  }
0xf1: {  	v26 =	vadd.s32 $0x2720, v26  }
0xf2: {  	v25 =	vadd.s32 $0x7560, v25  }
0xf3: {  	v27 =	vpop (erf)  }
0xf4: {  	[tilespmem:$0x14A90] =	vst v27  }
0xf5: {  	[tilespmem:v9+s16+$0x0] =	vst.idx.msk $0xffff, v27  }
0xf6: {  	v26 =	vld.idx.msk [tilespmem:v26+s5+$0x0], $0xffff  }
0xf7: {  	v25 =	vld.idx.msk [tilespmem:v25+s5+$0x0], $0xffff;
	_ =	sdelay $0x4  }
0xf8: {  	v25 =	vadd.f32 v25, v26;
	_ =	sdelay $0x1  }
0xf9: {  	v26 =	vmul.f32 $2.000000030e-01, v25;
	_ =	sdelay $0x1  }
0xfa: {  	v25 =	vmax.f32 v25, v26  }
0xfb: {  	v25 =	vmul.f32 $1.442695020e+00, v25;
	_ =	sdelay $0x1  }
0xfc: {  	(erf) = vpow2.f32 v25;
	_ =	sdelay $0x8  }
0xfd: {  	v25 =	vpop (erf)  }
0xfe: {  	[tilespmem:$0x14AC0] =	vst v25  }
0xff: {  	[tilespmem:v10+s16+$0x0] =	vst.idx.msk $0xffff, v25  }
0x100: {  	v25 =	vld [tilespmem:s22+$0xEDA0]  }
0x101: {  	v26 =	vld [tilespmem:s22+$0x9CA0];
	_ =	sdelay $0x3  }
0x102: {  	v27 =	vadd.s32 $0x4E40, v25;
	_ =	sdelay $0x3  }
0x103: {  	v54 =	vld.idx.msk [tilespmem:v26+s5+$0x0], $0xffff  }
0x104: {  	v27 =	vld.idx.msk [tilespmem:v27+s5+$0x0], $0xffff;
	_ =	sdelay $0x4  }
0x105: {  	v27 =	vadd.f32 v27, v54;
	_ =	sdelay $0x1  }
0x106: {  	v28 =	vmul.f32 $2.000000030e-01, v27;
	_ =	sdelay $0x1  }
0x107: {  	v27 =	vmax.f32 v27, v28  }
0x108: {  	v27 =	vmul.f32 $1.442695020e+00, v27;
	_ =	sdelay $0x1  }
0x109: {  	(erf) = vpow2.f32 v27;
	_ =	sdelay $0x6  }
0x10a: {  	v26 =	vadd.s32 $0x2720, v26  }
0x10b: {  	v25 =	vadd.s32 $0x7560, v25  }
0x10c: {  	v27 =	vpop (erf)  }
0x10d: {  	[tilespmem:$0x14AA0] =	vst v27  }
0x10e: {  	[tilespmem:v17+s16+$0x0] =	vst.idx.msk $0xffff, v27  }
0x10f: {  	v26 =	vld.idx.msk [tilespmem:v26+s5+$0x0], $0xffff  }
0x110: {  	v25 =	vld.idx.msk [tilespmem:v25+s5+$0x0], $0xffff;
	_ =	sdelay $0x4  }
0x111: {  	v25 =	vadd.f32 v25, v26;
	_ =	sdelay $0x1  }
0x112: {  	v26 =	vmul.f32 $2.000000030e-01, v25;
	_ =	sdelay $0x1  }
0x113: {  	v25 =	vmax.f32 v25, v26  }
0x114: {  	v25 =	vmul.f32 $1.442695020e+00, v25;
	_ =	sdelay $0x1  }
0x115: {  	(erf) = vpow2.f32 v25;
	_ =	sdelay $0x8  }
0x116: {  	v25 =	vpop (erf)  }
0x117: {  	[tilespmem:$0x14AD0] =	vst v25  }
0x118: {  	[tilespmem:v18+s16+$0x0] =	vst.idx.msk $0xffff, v25  }
0x119: {  	_ =	swait.ge [sflag:s19], $0xC00  }
0x11a: {  	[sflag:s19] =	ssyncset.done $0x0  }
0x11b: {  	[sflag:s19] =	ssyncadd.s32 $0xFFFFF400  }
0x11c: {  	v28 =	vld [tilespmem:$0x14A80]  }
0x11d: {  	v27 =	vld [tilespmem:$0x14AB0]  }
0x11e: {  	v25 =	vld [tilespmem:$0x13E80]  }
0x11f: {  	v26 =	vld [tilespmem:$0x13E90]  }
0x120: {  	v29 =	vld [tilespmem:$0x13EA0]  }
0x121: {  	v30 =	vld [tilespmem:$0x13EB0]  }
0x122: {  	v31 =	vld [tilespmem:$0x13EC0]  }
0x123: {  	v32 =	vld [tilespmem:$0x13ED0]  }
0x124: {  	v33 =	vld [tilespmem:$0x13EE0]  }
0x125: {  	v35 =	vld [tilespmem:$0x13EF0];
	v34 =	vbroadcast v28, $0x0  }
0x126: {  	v36 =	vld [tilespmem:$0x13F00]  }
0x127: {  	v38 =	vld [tilespmem:$0x13F10];
	v37 =	vbroadcast v27, $0x0;
	v25 =	vmul.f32 v25, v34  }
0x128: {  	v55 =	vld [tilespmem:$0x13F20];
	v26 =	vmul.f32 v26, v34  }
0x129: {  	v39 =	vld [tilespmem:$0x13F30];
	v56 =	vbroadcast v28, $0x1;
	[tilespmem:$0x13E80] =	vst v25;
	v25 =	vmul.f32 v29, v37  }
0x12a: {  	v57 =	vld [tilespmem:$0x13F40];
	[tilespmem:$0x13E90] =	vst v26;
	v26 =	vmul.f32 v30, v37  }
0x12b: {  	v59 =	vld [tilespmem:$0x13F50];
	v58 =	vbroadcast v27, $0x1;
	[tilespmem:$0x13EA0] =	vst v25;
	v25 =	vmul.f32 v31, v56  }
0x12c: {  	v60 =	vld [tilespmem:$0x13F60];
	[tilespmem:$0x13EB0] =	vst v26;
	v26 =	vmul.f32 v32, v56  }
0x12d: {  	v62 =	vld [tilespmem:$0x13F70];
	v61 =	vbroadcast v28, $0x2;
	[tilespmem:$0x13EC0] =	vst v25;
	v25 =	vmul.f32 v33, v58  }
0x12e: {  	v63 =	vld [tilespmem:$0x13F80];
	[tilespmem:$0x13ED0] =	vst v26;
	v26 =	vmul.f32 v35, v58  }
0x12f: {  	v42 =	vld [tilespmem:$0x13F90];
	v41 =	vbroadcast v27, $0x2;
	[tilespmem:$0x13EE0] =	vst v25;
	v25 =	vmul.f32 v36, v61  }
0x130: {  	v43 =	vld [tilespmem:$0x13FA0];
	[tilespmem:$0x13EF0] =	vst v26;
	v26 =	vmul.f32 v38, v61  }
0x131: {  	v45 =	vld [tilespmem:$0x13FB0];
	v44 =	vbroadcast v28, $0x3;
	[tilespmem:$0x13F00] =	vst v25;
	v25 =	vmul.f32 v55, v41  }
0x132: {  	v46 =	vld [tilespmem:$0x13FC0];
	[tilespmem:$0x13F10] =	vst v26;
	v26 =	vmul.f32 v39, v41  }
0x133: {  	v48 =	vld [tilespmem:$0x13FD0];
	v47 =	vbroadcast v27, $0x3;
	[tilespmem:$0x13F20] =	vst v25;
	v25 =	vmul.f32 v57, v44  }
0x134: {  	v49 =	vld [tilespmem:$0x13FE0];
	[tilespmem:$0x13F30] =	vst v26;
	v26 =	vmul.f32 v59, v44  }
0x135: {  	v51 =	vld [tilespmem:$0x13FF0];
	v50 =	vbroadcast v28, $0x4;
	[tilespmem:$0x13F40] =	vst v25;
	v25 =	vmul.f32 v60, v47  }
0x136: {  	v52 =	vld [tilespmem:$0x14000];
	[tilespmem:$0x13F50] =	vst v26;
	v26 =	vmul.f32 v62, v47  }
0x137: {  	v54 =	vld [tilespmem:$0x14010];
	v53 =	vbroadcast v27, $0x4;
	[tilespmem:$0x13F60] =	vst v25;
	v25 =	vmul.f32 v63, v50  }
0x138: {  	v40 =	vld [tilespmem:$0x14080];
	[tilespmem:$0x13F70] =	vst v26;
	v26 =	vmul.f32 v42, v50  }
0x139: {  	v56 =	vbroadcast v28, $0x5;
	v58 =	vld [tilespmem:$0x14040];
	[tilespmem:$0x13F80] =	vst v25;
	v25 =	vmul.f32 v43, v53  }
0x13a: {  	v61 =	vld [tilespmem:$0x14060];
	[tilespmem:$0x13F90] =	vst v26;
	v26 =	vmul.f32 v45, v53  }
0x13b: {  	v55 =	vld [tilespmem:$0x14020];
	v59 =	vbroadcast v27, $0x5;
	[tilespmem:$0x13FA0] =	vst v25;
	v25 =	vmul.f32 v46, v56  }
0x13c: {  	v57 =	vld [tilespmem:$0x14030];
	[tilespmem:$0x13FB0] =	vst v26;
	v26 =	vmul.f32 v48, v56  }
0x13d: {  	v60 =	vld [tilespmem:$0x14050];
	v62 =	vbroadcast v28, $0x6;
	[tilespmem:$0x13FC0] =	vst v25;
	v25 =	vmul.f32 v49, v59  }
0x13e: {  	v63 =	vld [tilespmem:$0x14070];
	[tilespmem:$0x13FD0] =	vst v26;
	v26 =	vmul.f32 v51, v59  }
0x13f: {  	v41 =	vbroadcast v27, $0x6;
	v42 =	vld [tilespmem:$0x14090];
	[tilespmem:$0x13FE0] =	vst v25;
	v25 =	vmul.f32 v52, v62  }
0x140: {  	v43 =	vld [tilespmem:$0x140A0];
	[tilespmem:$0x13FF0] =	vst v26;
	v26 =	vmul.f32 v54, v62  }
0x141: {  	v44 =	vbroadcast v28, $0x7;
	v45 =	vld [tilespmem:$0x140B0];
	[tilespmem:$0x14000] =	vst v25;
	v25 =	vmul.f32 v55, v41  }
0x142: {  	v46 =	vld [tilespmem:$0x140C0];
	[tilespmem:$0x14010] =	vst v26;
	v26 =	vmul.f32 v57, v41  }
0x143: {  	v47 =	vbroadcast v27, $0x7;
	v48 =	vld [tilespmem:$0x140D0];
	[tilespmem:$0x14020] =	vst v25;
	v25 =	vmul.f32 v58, v44  }
0x144: {  	v49 =	vld [tilespmem:$0x140E0];
	[tilespmem:$0x14030] =	vst v26;
	v26 =	vmul.f32 v60, v44  }
0x145: {  	v50 =	vbroadcast v28, $0x8;
	v51 =	vld [tilespmem:$0x140F0];
	[tilespmem:$0x14040] =	vst v25;
	v25 =	vmul.f32 v61, v47  }
0x146: {  	v52 =	vld [tilespmem:$0x14100];
	[tilespmem:$0x14050] =	vst v26;
	v26 =	vmul.f32 v63, v47  }
0x147: {  	v53 =	vbroadcast v27, $0x8;
	v54 =	vld [tilespmem:$0x14110];
	[tilespmem:$0x14060] =	vst v25;
	v25 =	vmul.f32 v40, v50  }
0x148: {  	v55 =	vld [tilespmem:$0x14120];
	[tilespmem:$0x14070] =	vst v26;
	v26 =	vmul.f32 v42, v50  }
0x149: {  	v56 =	vbroadcast v28, $0x9;
	v57 =	vld [tilespmem:$0x14130];
	[tilespmem:$0x14080] =	vst v25;
	v25 =	vmul.f32 v43, v53  }
0x14a: {  	v41 =	vld [tilespmem:$0x14270];
	[tilespmem:$0x14090] =	vst v26;
	v26 =	vmul.f32 v45, v53  }
0x14b: {  	v59 =	vbroadcast v27, $0x9;
	v58 =	vld [tilespmem:$0x14140];
	[tilespmem:$0x140A0] =	vst v25;
	v25 =	vmul.f32 v46, v56  }
0x14c: {  	v60 =	vld [tilespmem:$0x14150];
	[tilespmem:$0x140B0] =	vst v26;
	v26 =	vmul.f32 v48, v56  }
0x14d: {  	v62 =	vbroadcast v28, $0xA;
	v44 =	vld [tilespmem:$0x14190];
	[tilespmem:$0x140C0] =	vst v25;
	v25 =	vmul.f32 v49, v59  }
0x14e: {  	v56 =	vld [tilespmem:$0x14210];
	[tilespmem:$0x140D0] =	vst v26;
	v26 =	vmul.f32 v51, v59  }
0x14f: {  	v61 =	vld [tilespmem:$0x14160];
	v43 =	vbroadcast v27, $0xA;
	[tilespmem:$0x140E0] =	vst v25;
	v25 =	vmul.f32 v52, v62  }
0x150: {  	v63 =	vld [tilespmem:$0x14170];
	[tilespmem:$0x140F0] =	vst v26;
	v26 =	vmul.f32 v54, v62  }
0x151: {  	v40 =	vbroadcast v28, $0xE;
	v54 =	vld [tilespmem:$0x14200];
	[tilespmem:$0x14100] =	vst v25;
	v25 =	vmul.f32 v55, v43  }
0x152: {  	v47 =	vld [tilespmem:$0x141B0];
	v46 =	vbroadcast v28, $0xB;
	[tilespmem:$0x14110] =	vst v26;
	v26 =	vmul.f32 v57, v43  }
0x153: {  	v42 =	vld [tilespmem:$0x14180];
	v43 =	vmul.f32 v56, v40;
	[tilespmem:$0x14120] =	vst v25  }
0x154: {  	v50 =	vld [tilespmem:$0x141D0];
	v25 =	vmul.f32 v58, v46;
	[tilespmem:$0x14130] =	vst v26  }
0x155: {  	v45 =	vld [tilespmem:$0x141A0];
	v49 =	vbroadcast v27, $0xB;
	v26 =	vmul.f32 v60, v46;
	[tilespmem:$0x14210] =	vst v43  }
0x156: {  	v53 =	vld [tilespmem:$0x141F0];
	v34 =	vmul.f32 v54, v40;
	[tilespmem:$0x14140] =	vst v25  }
0x157: {  	v48 =	vld [tilespmem:$0x141C0];
	v52 =	vbroadcast v28, $0xC;
	v25 =	vmul.f32 v61, v49;
	[tilespmem:$0x14150] =	vst v26  }
0x158: {  	v51 =	vld [tilespmem:$0x141E0];
	v26 =	vmul.f32 v63, v49;
	[tilespmem:$0x14200] =	vst v34  }
0x159: {  	v59 =	vld [tilespmem:$0x14230];
	v61 =	vbroadcast v27, $0xD;
	[tilespmem:$0x14160] =	vst v25;
	v25 =	vmul.f32 v42, v52  }
0x15a: {  	v55 =	vbroadcast v27, $0xC;
	v60 =	vld [tilespmem:$0x14240];
	[tilespmem:$0x14170] =	vst v26;
	v26 =	vmul.f32 v44, v52  }
0x15b: {  	v62 =	vld [tilespmem:$0x14250];
	v31 =	vmul.f32 v53, v61;
	[tilespmem:$0x14180] =	vst v25  }
0x15c: {  	v57 =	vld [tilespmem:$0x14220];
	v58 =	vbroadcast v28, $0xD;
	[tilespmem:$0x14190] =	vst v26;
	v26 =	vmul.f32 v47, v55  }
0x15d: {  	v56 =	vld [tilespmem:$0x14300];
	v28 =	vbroadcast v28, $0xF;
	v25 =	vmul.f32 v45, v55;
	[tilespmem:$0x141F0] =	vst v31  }
0x15e: {  	v43 =	vld [tilespmem:$0x14360];
	[tilespmem:$0x141B0] =	vst v26;
	v26 =	vmul.f32 v50, v58  }
0x15f: {  	v63 =	vld [tilespmem:$0x14260];
	v30 =	vmul.f32 v60, v28;
	[tilespmem:$0x141A0] =	vst v25  }
0x160: {  	v25 =	vmul.f32 v48, v58;
	[tilespmem:$0x141D0] =	vst v26;
	v26 =	vld [tilespmem:$0x14A90]  }
0x161: {  	v49 =	vld [tilespmem:$0x142C0];
	v42 =	vbroadcast v27, $0xE;
	v28 =	vmul.f32 v62, v28;
	[tilespmem:$0x14240] =	vst v30  }
0x162: {  	v44 =	vld [tilespmem:$0x14280];
	[tilespmem:$0x141C0] =	vst v25;
	v25 =	vmul.f32 v51, v61  }
0x163: {  	v27 =	vbroadcast v27, $0xF;
	v33 =	vmul.f32 v57, v42;
	v45 =	vld [tilespmem:$0x14290];
	[tilespmem:$0x14250] =	vst v28  }
0x164: {  	v46 =	vmul.f32 v59, v42;
	[tilespmem:$0x141E0] =	vst v25;
	v25 =	vld [tilespmem:$0x14AC0]  }
0x165: {  	v40 =	vld [tilespmem:$0x14340];
	v29 =	vmul.f32 v63, v27;
	[tilespmem:$0x14220] =	vst v33;
	v50 =	vbroadcast v26, $0x0  }
0x166: {  	v27 =	vmul.f32 v41, v27;
	v48 =	vld [tilespmem:$0x142B0];
	[tilespmem:$0x14230] =	vst v46  }
0x167: {  	v47 =	vld [tilespmem:$0x142A0];
	[tilespmem:$0x14260] =	vst v29;
	v58 =	vbroadcast v26, $0x1;
	v53 =	vmul.f32 v44, v50  }
0x168: {  	[tilespmem:$0x14270] =	vst v27;
	v51 =	vld [tilespmem:$0x142D0];
	v41 =	vbroadcast v26, $0x2;
	v27 =	vmul.f32 v45, v50  }
0x169: {  	v52 =	vld [tilespmem:$0x142E0];
	v54 =	vbroadcast v25, $0x0;
	v61 =	vmul.f32 v49, v58;
	[tilespmem:$0x14280] =	vst v53  }
0x16a: {  	v55 =	vld [tilespmem:$0x142F0];
	v44 =	vmul.f32 v56, v41;
	[tilespmem:$0x14290] =	vst v27  }
0x16b: {  	v60 =	vld [tilespmem:$0x14320];
	v27 =	vmul.f32 v48, v54;
	[tilespmem:$0x142C0] =	vst v61  }
0x16c: {  	v59 =	vld [tilespmem:$0x14310];
	v62 =	vbroadcast v25, $0x1;
	v57 =	vmul.f32 v47, v54;
	[tilespmem:$0x14300] =	vst v44  }
0x16d: {  	v42 =	vld [tilespmem:$0x14350];
	[tilespmem:$0x142B0] =	vst v27;
	v27 =	vmul.f32 v51, v58  }
0x16e: {  	v63 =	vld [tilespmem:$0x14330];
	v45 =	vbroadcast v25, $0x2;
	v28 =	vmul.f32 v52, v62;
	[tilespmem:$0x142A0] =	vst v57  }
0x16f: {  	v46 =	vld [tilespmem:$0x14370];
	[tilespmem:$0x142D0] =	vst v27;
	v27 =	vmul.f32 v55, v62  }
0x170: {  	v49 =	vbroadcast v26, $0x3;
	v50 =	vld [tilespmem:$0x14390];
	v48 =	vmul.f32 v60, v45;
	[tilespmem:$0x142E0] =	vst v28  }
0x171: {  	v47 =	vld [tilespmem:$0x14380];
	[tilespmem:$0x142F0] =	vst v27;
	v27 =	vmul.f32 v59, v41  }
0x172: {  	v52 =	vmul.f32 v40, v49;
	v53 =	vbroadcast v25, $0x3;
	v54 =	vld [tilespmem:$0x143B0];
	[tilespmem:$0x14320] =	vst v48  }
0x173: {  	v51 =	vld [tilespmem:$0x143A0];
	[tilespmem:$0x14310] =	vst v27;
	v27 =	vmul.f32 v63, v45  }
0x174: {  	[tilespmem:$0x14340] =	vst v52;
	v56 =	vmul.f32 v43, v53;
	v57 =	vbroadcast v26, $0x4;
	v58 =	vld [tilespmem:$0x143D0]  }
0x175: {  	v55 =	vld [tilespmem:$0x143C0];
	[tilespmem:$0x14330] =	vst v27;
	v27 =	vmul.f32 v42, v49  }
0x176: {  	v61 =	vbroadcast v25, $0x4;
	v43 =	vld [tilespmem:$0x14420];
	[tilespmem:$0x14360] =	vst v56;
	v60 =	vmul.f32 v47, v57  }
0x177: {  	v59 =	vld [tilespmem:$0x143E0];
	[tilespmem:$0x14350] =	vst v27;
	v27 =	vmul.f32 v46, v53  }
0x178: {  	v62 =	vld [tilespmem:$0x143F0];
	v41 =	vbroadcast v26, $0x5;
	[tilespmem:$0x14380] =	vst v60;
	v40 =	vmul.f32 v51, v61  }
0x179: {  	v63 =	vld [tilespmem:$0x14400];
	[tilespmem:$0x14370] =	vst v27;
	v27 =	vmul.f32 v50, v57  }
0x17a: {  	v47 =	vld [tilespmem:$0x14440];
	v45 =	vbroadcast v25, $0x5;
	[tilespmem:$0x143A0] =	vst v40;
	v44 =	vmul.f32 v55, v41  }
0x17b: {  	v51 =	vld [tilespmem:$0x14460];
	[tilespmem:$0x14390] =	vst v27;
	v27 =	vmul.f32 v54, v61  }
0x17c: {  	v42 =	vld [tilespmem:$0x14410];
	v49 =	vbroadcast v26, $0x6;
	[tilespmem:$0x143C0] =	vst v44;
	v48 =	vmul.f32 v59, v45  }
0x17d: {  	v55 =	vld [tilespmem:$0x14480];
	[tilespmem:$0x143B0] =	vst v27;
	v27 =	vmul.f32 v58, v41  }
0x17e: {  	v46 =	vld [tilespmem:$0x14430];
	v53 =	vbroadcast v25, $0x6;
	[tilespmem:$0x143E0] =	vst v48;
	v52 =	vmul.f32 v63, v49  }
0x17f: {  	v59 =	vld [tilespmem:$0x144A0];
	[tilespmem:$0x143D0] =	vst v27;
	v27 =	vmul.f32 v62, v45  }
0x180: {  	v50 =	vld [tilespmem:$0x14450];
	v56 =	vmul.f32 v43, v53;
	v57 =	vbroadcast v26, $0x7;
	[tilespmem:$0x14400] =	vst v52  }
0x181: {  	v63 =	vld [tilespmem:$0x144C0];
	[tilespmem:$0x143F0] =	vst v27;
	v27 =	vmul.f32 v42, v49  }
0x182: {  	v54 =	vld [tilespmem:$0x14470];
	[tilespmem:$0x14420] =	vst v56;
	v60 =	vmul.f32 v47, v57;
	v61 =	vbroadcast v25, $0x7  }
0x183: {  	v43 =	vld [tilespmem:$0x144E0];
	[tilespmem:$0x14410] =	vst v27;
	v27 =	vmul.f32 v46, v53  }
0x184: {  	v58 =	vld [tilespmem:$0x14490];
	[tilespmem:$0x14440] =	vst v60;
	v40 =	vmul.f32 v51, v61;
	v41 =	vbroadcast v26, $0x8  }
0x185: {  	v47 =	vld [tilespmem:$0x14500];
	[tilespmem:$0x14430] =	vst v27;
	v27 =	vmul.f32 v50, v57  }
0x186: {  	v62 =	vld [tilespmem:$0x144B0];
	[tilespmem:$0x14460] =	vst v40;
	v44 =	vmul.f32 v55, v41;
	v45 =	vbroadcast v25, $0x8  }
0x187: {  	v51 =	vld [tilespmem:$0x14520];
	[tilespmem:$0x14450] =	vst v27;
	v27 =	vmul.f32 v54, v61  }
0x188: {  	v42 =	vld [tilespmem:$0x144D0];
	[tilespmem:$0x14480] =	vst v44;
	v48 =	vmul.f32 v59, v45;
	v49 =	vbroadcast v26, $0x9  }
0x189: {  	v55 =	vld [tilespmem:$0x14540];
	[tilespmem:$0x14470] =	vst v27;
	v27 =	vmul.f32 v58, v41  }
0x18a: {  	v46 =	vld [tilespmem:$0x144F0];
	[tilespmem:$0x144A0] =	vst v48;
	v52 =	vmul.f32 v63, v49;
	v53 =	vbroadcast v25, $0x9  }
0x18b: {  	v59 =	vld [tilespmem:$0x14560];
	[tilespmem:$0x14490] =	vst v27;
	v27 =	vmul.f32 v62, v45  }
0x18c: {  	v40 =	vbroadcast v26, $0xB;
	v50 =	vld [tilespmem:$0x14510];
	[tilespmem:$0x144C0] =	vst v52;
	v56 =	vmul.f32 v43, v53  }
0x18d: {  	v63 =	vld [tilespmem:$0x14580];
	[tilespmem:$0x144B0] =	vst v27;
	v27 =	vmul.f32 v42, v49  }
0x18e: {  	v57 =	vbroadcast v26, $0xA;
	v43 =	vmul.f32 v55, v40;
	v54 =	vld [tilespmem:$0x14530];
	[tilespmem:$0x144E0] =	vst v56  }
0x18f: {  	v58 =	vld [tilespmem:$0x14550];
	[tilespmem:$0x144D0] =	vst v27;
	v27 =	vmul.f32 v46, v53  }
0x190: {  	v44 =	vbroadcast v25, $0xB;
	v60 =	vmul.f32 v47, v57;
	[tilespmem:$0x14540] =	vst v43;
	v41 =	vld [tilespmem:$0x14590]  }
0x191: {  	v61 =	vbroadcast v25, $0xA;
	v62 =	vld [tilespmem:$0x14570];
	[tilespmem:$0x144F0] =	vst v27;
	v27 =	vmul.f32 v50, v57  }
0x192: {  	v47 =	vmul.f32 v59, v44;
	[tilespmem:$0x14500] =	vst v60;
	v45 =	vld [tilespmem:$0x145B0]  }
0x193: {  	v42 =	vld [tilespmem:$0x145A0];
	[tilespmem:$0x14510] =	vst v27;
	v27 =	vmul.f32 v54, v61  }
0x194: {  	v48 =	vbroadcast v26, $0xC;
	v39 =	vmul.f32 v51, v61;
	[tilespmem:$0x14560] =	vst v47;
	v49 =	vld [tilespmem:$0x145D0]  }
0x195: {  	v46 =	vld [tilespmem:$0x145C0];
	[tilespmem:$0x14530] =	vst v27;
	v27 =	vmul.f32 v58, v40  }
0x196: {  	v52 =	vbroadcast v25, $0xC;
	v51 =	vmul.f32 v63, v48;
	[tilespmem:$0x14520] =	vst v39;
	v53 =	vld [tilespmem:$0x145F0]  }
0x197: {  	v50 =	vld [tilespmem:$0x145E0];
	[tilespmem:$0x14550] =	vst v27;
	v27 =	vmul.f32 v62, v44  }
0x198: {  	v56 =	vbroadcast v26, $0xD;
	[tilespmem:$0x14580] =	vst v51;
	v57 =	vld [tilespmem:$0x14610];
	v55 =	vmul.f32 v42, v52  }
0x199: {  	v42 =	vld [tilespmem:$0x14660];
	[tilespmem:$0x14570] =	vst v27;
	v27 =	vmul.f32 v41, v48  }
0x19a: {  	v60 =	vbroadcast v25, $0xD;
	v54 =	vld [tilespmem:$0x14600];
	[tilespmem:$0x145A0] =	vst v55;
	v59 =	vmul.f32 v46, v56  }
0x19b: {  	v61 =	vld [tilespmem:$0x14630];
	[tilespmem:$0x14590] =	vst v27;
	v27 =	vmul.f32 v45, v52  }
0x19c: {  	v58 =	vld [tilespmem:$0x14620];
	v40 =	vbroadcast v26, $0xE;
	[tilespmem:$0x145C0] =	vst v59;
	v63 =	vmul.f32 v50, v60  }
0x19d: {  	v47 =	vbroadcast v26, $0xF;
	v26 =	vld [tilespmem:$0x14AD0];
	[tilespmem:$0x145B0] =	vst v27;
	v27 =	vmul.f32 v49, v56  }
0x19e: {  	v62 =	vld [tilespmem:$0x14640];
	v31 =	vmul.f32 v57, v40;
	[tilespmem:$0x145E0] =	vst v63  }
0x19f: {  	v44 =	vbroadcast v25, $0xE;
	v41 =	vld [tilespmem:$0x14650];
	[tilespmem:$0x145D0] =	vst v27;
	v27 =	vmul.f32 v53, v60  }
0x1a0: {  	v43 =	vmul.f32 v54, v40;
	[tilespmem:$0x14610] =	vst v31;
	v45 =	vld [tilespmem:$0x14670]  }
0x1a1: {  	v29 =	vmul.f32 v61, v44;
	[tilespmem:$0x145F0] =	vst v27;
	v27 =	vld [tilespmem:$0x14AA0]  }
0x1a2: {  	v40 =	vld [tilespmem:$0x14720];
	[tilespmem:$0x14600] =	vst v43;
	v46 =	vmul.f32 v58, v44  }
0x1a3: {  	v50 =	vld [tilespmem:$0x14690];
	v25 =	vbroadcast v25, $0xF;
	[tilespmem:$0x14630] =	vst v29;
	v49 =	vmul.f32 v62, v47  }
0x1a4: {  	v52 =	vld [tilespmem:$0x146A0];
	[tilespmem:$0x14620] =	vst v46;
	v51 =	vmul.f32 v41, v47  }
0x1a5: {  	v55 =	vld [tilespmem:$0x146B0];
	v46 =	vbroadcast v26, $0x2;
	[tilespmem:$0x14640] =	vst v49;
	v53 =	vmul.f32 v42, v25  }
0x1a6: {  	v60 =	vld [tilespmem:$0x146E0];
	[tilespmem:$0x14650] =	vst v51;
	v25 =	vmul.f32 v45, v25;
	v54 =	vbroadcast v27, $0x0  }
0x1a7: {  	v59 =	vld [tilespmem:$0x146D0];
	v58 =	vbroadcast v26, $0x0;
	v49 =	vmul.f32 v40, v46;
	[tilespmem:$0x14660] =	vst v53  }
0x1a8: {  	v48 =	vld [tilespmem:$0x14680];
	[tilespmem:$0x14670] =	vst v25;
	v25 =	vmul.f32 v50, v54  }
0x1a9: {  	v63 =	vld [tilespmem:$0x146F0];
	v38 =	vbroadcast v26, $0x1;
	v61 =	vmul.f32 v52, v58;
	[tilespmem:$0x14720] =	vst v49  }
0x1aa: {  	v56 =	vld [tilespmem:$0x146C0];
	v62 =	vbroadcast v27, $0x1;
	[tilespmem:$0x14690] =	vst v25;
	v25 =	vmul.f32 v55, v58  }
0x1ab: {  	v39 =	vld [tilespmem:$0x14710];
	[tilespmem:$0x146A0] =	vst v61;
	v41 =	vmul.f32 v60, v38  }
0x1ac: {  	v36 =	vld [tilespmem:$0x14700];
	[tilespmem:$0x146B0] =	vst v25;
	v25 =	vmul.f32 v59, v62  }
0x1ad: {  	v43 =	vld [tilespmem:$0x14730];
	[tilespmem:$0x146E0] =	vst v41;
	v57 =	vmul.f32 v48, v54  }
0x1ae: {  	v44 =	vld [tilespmem:$0x14740];
	v42 =	vbroadcast v27, $0x2;
	[tilespmem:$0x146D0] =	vst v25;
	v25 =	vmul.f32 v63, v38  }
0x1af: {  	v47 =	vld [tilespmem:$0x14750];
	v37 =	vmul.f32 v56, v62;
	[tilespmem:$0x14680] =	vst v57  }
0x1b0: {  	v52 =	vld [tilespmem:$0x14780];
	[tilespmem:$0x146F0] =	vst v25;
	v25 =	vmul.f32 v39, v42  }
0x1b1: {  	v51 =	vld [tilespmem:$0x14770];
	v45 =	vmul.f32 v36, v42;
	v50 =	vbroadcast v27, $0x3;
	[tilespmem:$0x146C0] =	vst v37  }
0x1b2: {  	v48 =	vld [tilespmem:$0x14760];
	[tilespmem:$0x14710] =	vst v25;
	v25 =	vmul.f32 v43, v46  }
0x1b3: {  	[tilespmem:$0x14700] =	vst v45;
	v53 =	vmul.f32 v44, v50;
	v55 =	vld [tilespmem:$0x14790];
	v58 =	vbroadcast v27, $0x4  }
0x1b4: {  	v54 =	vbroadcast v26, $0x3;
	v56 =	vld [tilespmem:$0x147A0];
	[tilespmem:$0x14730] =	vst v25;
	v25 =	vmul.f32 v47, v50  }
0x1b5: {  	[tilespmem:$0x14740] =	vst v53;
	v59 =	vld [tilespmem:$0x147B0];
	v61 =	vmul.f32 v52, v58  }
0x1b6: {  	v60 =	vld [tilespmem:$0x147C0];
	[tilespmem:$0x14750] =	vst v25;
	v25 =	vmul.f32 v51, v54  }
0x1b7: {  	v62 =	vbroadcast v26, $0x4;
	v57 =	vmul.f32 v48, v54;
	v63 =	vld [tilespmem:$0x147D0];
	[tilespmem:$0x14780] =	vst v61  }
0x1b8: {  	v36 =	vld [tilespmem:$0x147E0];
	[tilespmem:$0x14770] =	vst v25;
	v25 =	vmul.f32 v55, v58  }
0x1b9: {  	v37 =	vmul.f32 v56, v62;
	v38 =	vbroadcast v27, $0x5;
	[tilespmem:$0x14760] =	vst v57;
	v39 =	vld [tilespmem:$0x147F0]  }
0x1ba: {  	v40 =	vld [tilespmem:$0x14800];
	[tilespmem:$0x14790] =	vst v25;
	v25 =	vmul.f32 v59, v62  }
0x1bb: {  	[tilespmem:$0x147A0] =	vst v37;
	v41 =	vmul.f32 v60, v38;
	v42 =	vbroadcast v26, $0x5;
	v43 =	vld [tilespmem:$0x14810]  }
0x1bc: {  	v44 =	vld [tilespmem:$0x14820];
	[tilespmem:$0x147B0] =	vst v25;
	v25 =	vmul.f32 v63, v38  }
0x1bd: {  	[tilespmem:$0x147C0] =	vst v41;
	v45 =	vmul.f32 v36, v42;
	v46 =	vbroadcast v27, $0x6;
	v47 =	vld [tilespmem:$0x14830]  }
0x1be: {  	v48 =	vld [tilespmem:$0x14840];
	[tilespmem:$0x147D0] =	vst v25;
	v25 =	vmul.f32 v39, v42  }
0x1bf: {  	[tilespmem:$0x147E0] =	vst v45;
	v49 =	vmul.f32 v40, v46;
	v50 =	vbroadcast v26, $0x6;
	v51 =	vld [tilespmem:$0x14850]  }
0x1c0: {  	v52 =	vld [tilespmem:$0x14860];
	[tilespmem:$0x147F0] =	vst v25;
	v25 =	vmul.f32 v43, v46  }
0x1c1: {  	[tilespmem:$0x14800] =	vst v49;
	v53 =	vmul.f32 v44, v50;
	v54 =	vbroadcast v27, $0x7;
	v55 =	vld [tilespmem:$0x14870]  }
0x1c2: {  	v56 =	vld [tilespmem:$0x14880];
	[tilespmem:$0x14810] =	vst v25;
	v25 =	vmul.f32 v47, v50  }
0x1c3: {  	[tilespmem:$0x14820] =	vst v53;
	v57 =	vmul.f32 v48, v54;
	v58 =	vbroadcast v26, $0x7;
	v59 =	vld [tilespmem:$0x14890]  }
0x1c4: {  	v60 =	vld [tilespmem:$0x148A0];
	[tilespmem:$0x14830] =	vst v25;
	v25 =	vmul.f32 v51, v54  }
0x1c5: {  	[tilespmem:$0x14840] =	vst v57;
	v61 =	vmul.f32 v52, v58;
	v62 =	vbroadcast v27, $0x8;
	v63 =	vld [tilespmem:$0x148B0]  }
0x1c6: {  	v36 =	vld [tilespmem:$0x148C0];
	[tilespmem:$0x14850] =	vst v25;
	v25 =	vmul.f32 v55, v58  }
0x1c7: {  	[tilespmem:$0x14860] =	vst v61;
	v37 =	vmul.f32 v56, v62;
	v38 =	vbroadcast v26, $0x8;
	v39 =	vld [tilespmem:$0x148D0]  }
0x1c8: {  	v40 =	vld [tilespmem:$0x148E0];
	[tilespmem:$0x14870] =	vst v25;
	v25 =	vmul.f32 v59, v62  }
0x1c9: {  	[tilespmem:$0x14880] =	vst v37;
	v41 =	vmul.f32 v60, v38;
	v42 =	vbroadcast v27, $0x9;
	v43 =	vld [tilespmem:$0x148F0]  }
0x1ca: {  	v44 =	vld [tilespmem:$0x14900];
	[tilespmem:$0x14890] =	vst v25;
	v25 =	vmul.f32 v63, v38  }
0x1cb: {  	[tilespmem:$0x148A0] =	vst v41;
	v45 =	vmul.f32 v36, v42;
	v46 =	vbroadcast v26, $0x9;
	v47 =	vld [tilespmem:$0x14910]  }
0x1cc: {  	v48 =	vld [tilespmem:$0x14920];
	[tilespmem:$0x148B0] =	vst v25;
	v25 =	vmul.f32 v39, v42  }
0x1cd: {  	[tilespmem:$0x148C0] =	vst v45;
	v49 =	vmul.f32 v40, v46;
	v50 =	vbroadcast v27, $0xA;
	v51 =	vld [tilespmem:$0x14930]  }
0x1ce: {  	v52 =	vld [tilespmem:$0x14940];
	[tilespmem:$0x148D0] =	vst v25;
	v25 =	vmul.f32 v43, v46  }
0x1cf: {  	[tilespmem:$0x148E0] =	vst v49;
	v53 =	vmul.f32 v44, v50;
	v54 =	vbroadcast v26, $0xA;
	v55 =	vld [tilespmem:$0x14950]  }
0x1d0: {  	v56 =	vld [tilespmem:$0x14960];
	[tilespmem:$0x148F0] =	vst v25;
	v25 =	vmul.f32 v47, v50  }
0x1d1: {  	[tilespmem:$0x14900] =	vst v53;
	v57 =	vmul.f32 v48, v54;
	v58 =	vbroadcast v27, $0xB;
	v59 =	vld [tilespmem:$0x14970]  }
0x1d2: {  	v60 =	vld [tilespmem:$0x14980];
	[tilespmem:$0x14910] =	vst v25;
	v25 =	vmul.f32 v51, v54  }
0x1d3: {  	[tilespmem:$0x14920] =	vst v57;
	v61 =	vmul.f32 v52, v58;
	v62 =	vbroadcast v26, $0xB;
	v63 =	vld [tilespmem:$0x14990]  }
0x1d4: {  	v36 =	vld [tilespmem:$0x149A0];
	[tilespmem:$0x14930] =	vst v25;
	v25 =	vmul.f32 v55, v58  }
0x1d5: {  	[tilespmem:$0x14940] =	vst v61;
	v37 =	vmul.f32 v56, v62;
	v38 =	vbroadcast v27, $0xC;
	v39 =	vld [tilespmem:$0x149B0]  }
0x1d6: {  	v40 =	vld [tilespmem:$0x149C0];
	[tilespmem:$0x14950] =	vst v25;
	v25 =	vmul.f32 v59, v62  }
0x1d7: {  	[tilespmem:$0x14960] =	vst v37;
	v41 =	vmul.f32 v60, v38;
	v42 =	vbroadcast v26, $0xC;
	v43 =	vld [tilespmem:$0x149D0]  }
0x1d8: {  	v44 =	vld [tilespmem:$0x149E0];
	[tilespmem:$0x14970] =	vst v25;
	v25 =	vmul.f32 v63, v38  }
0x1d9: {  	[tilespmem:$0x14980] =	vst v41;
	v45 =	vmul.f32 v36, v42;
	v46 =	vbroadcast v27, $0xD;
	v47 =	vld [tilespmem:$0x149F0]  }
0x1da: {  	v48 =	vld [tilespmem:$0x14A00];
	[tilespmem:$0x14990] =	vst v25;
	v25 =	vmul.f32 v39, v42  }
0x1db: {  	[tilespmem:$0x149A0] =	vst v45;
	v49 =	vmul.f32 v40, v46;
	v50 =	vbroadcast v26, $0xD;
	v51 =	vld [tilespmem:$0x14A10]  }
0x1dc: {  	v52 =	vld [tilespmem:$0x14A20];
	[tilespmem:$0x149B0] =	vst v25;
	v25 =	vmul.f32 v43, v46  }
0x1dd: {  	[tilespmem:$0x149C0] =	vst v49;
	v53 =	vmul.f32 v44, v50;
	v54 =	vbroadcast v27, $0xE;
	v55 =	vld [tilespmem:$0x14A30]  }
0x1de: {  	v56 =	vld [tilespmem:$0x14A40];
	[tilespmem:$0x149D0] =	vst v25;
	v25 =	vmul.f32 v47, v50  }
0x1df: {  	[tilespmem:$0x149E0] =	vst v53;
	v57 =	vmul.f32 v48, v54;
	v58 =	vbroadcast v26, $0xE;
	v59 =	vld [tilespmem:$0x14A50]  }
0x1e0: {  	v60 =	vld [tilespmem:$0x14A60];
	[tilespmem:$0x149F0] =	vst v25;
	v25 =	vmul.f32 v51, v54  }
0x1e1: {  	v27 =	vbroadcast v27, $0xF;
	[tilespmem:$0x14A00] =	vst v57;
	v61 =	vmul.f32 v52, v58;
	v62 =	vld [tilespmem:$0x14A70]  }
0x1e2: {  	[tilespmem:$0x14A10] =	vst v25;
	v25 =	vmul.f32 v55, v58  }
0x1e3: {  	v26 =	vbroadcast v26, $0xF;
	[tilespmem:$0x14A20] =	vst v61;
	v63 =	vmul.f32 v56, v27  }
0x1e4: {  	[tilespmem:$0x14A30] =	vst v25;
	v25 =	vmul.f32 v59, v27  }
0x1e5: {  	[tilespmem:$0x14A40] =	vst v63;
	v27 =	vmul.f32 v60, v26  }
0x1e6: {  	[tilespmem:$0x14A50] =	vst v25;
	v25 =	vmul.f32 v62, v26  }
0x1e7: {  	[tilespmem:$0x14A60] =	vst v27  }
0x1e8: {  	s22 =	sadd.s32 $0xED80, s22;
	[tilespmem:$0x14A70] =	vst v25  }
0x1e9: {  	[spmem:s3] =	stream.indirect.scatter.add.f32 [tilespmem:s17], [sflag:$0x2], $0x40, s22, s18, $0xb8;
	[tilespmem:$0x1FC70] =	vst v63  }
0x1ea: {  	_ =	swait.ge [sflag:s15], $0xC00  }
0x1eb: {  	p0 =	sne.s32 s21, $0x14340;
	[sflag:s15] =	ssyncset.done $0x0  }
.Ltmp1:
0x1ec: {  	[sflag:s15] =	ssyncadd.s32 $0xFFFFF400;
	(pc) =	sbr.rel @p0 .LBB2_4-.Ltmp1, $4  }
0x1ed: {  	[spmem:s4] =	stream.indirect.scatter.add.f32 [tilespmem:s16], [sflag:$0x2], $0x8, s22, s18, $0xb8;
	[tilespmem:$0x1FC70] =	vst v63  }
0x1ee: {  	_ =	swait.ge [sflag:s15], $0x180  }
0x1ef: {  	[sflag:s15] =	ssyncset.done $0x0  }
0x1f0: {  	s21 =	sadd.s32 $0xC0, s21;
	[sflag:s15] =	ssyncadd.s32 $0xFFFFFE80  }
0x1f1: {  	s21 =	stileid.u32  }
0x1f2: {  	s21 =	sshll.u32 s21, $0x6  }
0x1f3: {  	[bflag:$0x0] =	sbarrier.arrive $0xFFFF;
	s22 =	sshrl.u32 s9, $0x3;
	s21 =	sor.u32 $0x1C02, s21  }
0x1f4: {  	[hbm:s12], [sflag:s21] =	dma.local [spmem:s22], $0x1390  }
0x1f5: {  	s20 =	sadd.s32 $0x1, s20;
	_ =	swait.ge [sflag:s15], $0x1390  }
0x1f6: {  	p0 =	sne.s32 s20, s14;
	[sflag:s15] =	ssyncset.done $0x0  }
.Ltmp2:
0x1f7: {  	s23 =	sshrl.u32 s10, $0x3;
	[sflag:s15] =	ssyncadd.s32 $0xFFFFEC70;
	(pc) =	sbr.rel @p0 .LBB2_1-.Ltmp2, $4  }
0x1f8: {  	[hbm:s13], [sflag:s21] =	dma.local [spmem:s23], $0x272  }
0x1f9: {  	_ =	swait.ge [sflag:s15], $0x272  }
0x1fa: {  	[sflag:s15] =	ssyncset.done $0x0  }
0x1fb: {  	[sflag:s15] =	ssyncadd.s32 $0xFFFFFD8E  }
0x1fc: {  	_ =	sfence.sel $0x180000  }
0x1fd: {  	[bflag:$0x0] =	sbarrier.arrive $0xFFFF  }
0x1fe: {  	_ =	strace $0x90000047  }
0x1ff: {  	s0 =	stileid.u32;
	[bflag:$0x2] =	sbarrier.arrive $0xFFFF  }
0x200: {  	p0 =	sne.s32 s0, $0x0;
	s0 =	rddreg [dreg:$0x4]  }
0x201: {  	s0 =	sadd.s32 @!p0 $0x100000, s0  }
0x202: {  	[sflag:s0] =	ssyncadd.tile.s32 @!p0 $0x1;
	_ =	shalt  }
.Lfunc_end2:
_tile_overlayer_lowered:
.L_overlay_start_2:
0x203: {  	(tag) =	ssettag $0x2  }
0x204: {  	s0 =	rddreg [dreg:$0x0];
	s2 =	stileid.u32  }
0x205: {  	s1 =	rddreg [dreg:$0x1];
	p0 =	sne.s32 s2, $0x0  }
0x206: {  	s3 =	rddreg [dreg:$0x2];
	[bflag:$0x3] =	sbarrier.arrive $0xFFFF;
	s2 =	simm.s32 @!p0 $0x1C02  }
0x207: {  	[timem:s3], [sflag:s2] =	dma.local @!p0 [hbm:s0], s1  }
0x208: {  	s0 =	simm.s32 @!p0 $0x2  }
0x209: {  	_ =	swait.ge @!p0 [sflag:s0], s1  }
0x20a: {  	s1 =	ssub.s32 @!p0 $0x0, s1;
	[sflag:s0] =	ssyncset.done @!p0 $0x0  }
0x20b: {  	[sflag:s0] =	ssyncadd.s32 @!p0 s1  }
0x20c: {  	[bflag:$0x3] =	sbarrier.arrive $0xFFFF  }
0x20d: {  	_ =	shalt  }

</sc_bundles>
